<compile_context>
chip_gen: v7x
topology: tpu7x:2x2x1
jax: 0.10.2.dev20260603
libtpu: 0.0.44.dev20260713+nightly
codegen_flags: <defaults>
</compile_context>

<pallas_src>
import functools

import jax
import jax.numpy as jnp
from jax.experimental import pallas as pl
from jax.experimental.pallas import tpu as pltpu
from jax.experimental.pallas import tpu_sc as plsc

_CAPACITY_FACTOR = 1.25
_BT = 2048
_BD = 4096
_NSURV = 1024
_SPAD = 1040
_PAD_KEY = -2147483648
_PAD_IDX = 0x7FFFFFF


def _matmul_body(x_ref, w_ref, out_ref):
    out_ref[...] = jax.lax.dot_general(
        w_ref[...], x_ref[...],
        dimension_numbers=(((1,), (1,)), ((), ())),
        preferred_element_type=jnp.float32,
    )


def _logits_t(x, W, T, H, E):
    return pl.pallas_call(
        _matmul_body,
        grid=(T // _BT,),
        in_specs=[
            pl.BlockSpec((_BT, H), lambda i: (i, 0)),
            pl.BlockSpec((E, H), lambda i: (0, 0)),
        ],
        out_specs=pl.BlockSpec((E, _BT), lambda i: (0, i)),
        out_shape=jax.ShapeDtypeStruct((E, T), jnp.float32),
    )(x, W)


def _mono_key_tc(f):
    u = jax.lax.bitcast_convert_type(f, jnp.int32)
    return jnp.where(u >= 0, u, u ^ jnp.int32(0x7FFFFFFF))


def _cmp_before(ka, ia, kb, ib):
    return (ka > kb) | ((ka == kb) & (ia < ib))


def _sort_body(k, skeys_ref, sidx_ref, ei_ref, cutk_ref, cuti_ref):
    keys = skeys_ref[:, :_NSURV]
    idxs = sidx_ref[:, :_NSURV]
    E = keys.shape[0]
    pos = jax.lax.broadcasted_iota(jnp.int32, (E, _NSURV), 1)
    size = 2
    while size <= _NSURV:
        want_desc = (pos & size) == 0 if size < _NSURV else (pos >= 0)
        j = size // 2
        while j >= 1:
            self_first = (pos & j) == 0
            pk = jnp.where(self_first, jnp.roll(keys, -j, axis=1),
                           jnp.roll(keys, j, axis=1))
            pi = jnp.where(self_first, jnp.roll(idxs, -j, axis=1),
                           jnp.roll(idxs, j, axis=1))
            winner_is_self = _cmp_before(keys, idxs, pk, pi)
            take_self = (want_desc == self_first) == winner_is_self
            keys = jnp.where(take_self, keys, pk)
            idxs = jnp.where(take_self, idxs, pi)
            j //= 2
        size *= 2
    ei_ref[...] = idxs[:, :k]
    cutk_ref[...] = jnp.broadcast_to(keys[:, k - 1:k], (E, 128))
    cuti_ref[...] = jnp.broadcast_to(idxs[:, k - 1:k], (E, 128))


def _sort_survivors(skeys, sidx, E, k):
    return pl.pallas_call(
        functools.partial(_sort_body, k),
        in_specs=[
            pl.BlockSpec((E, _SPAD), lambda: (0, 0)),
            pl.BlockSpec((E, _SPAD), lambda: (0, 0)),
        ],
        out_specs=[
            pl.BlockSpec((E, k), lambda: (0, 0)),
            pl.BlockSpec((E, 128), lambda: (0, 0)),
            pl.BlockSpec((E, 128), lambda: (0, 0)),
        ],
        out_shape=[
            jax.ShapeDtypeStruct((E, k), jnp.int32),
            jax.ShapeDtypeStruct((E, 128), jnp.int32),
            jax.ShapeDtypeStruct((E, 128), jnp.int32),
        ],
    )(skeys, sidx)


def _mask_body(k, logits_ref, cutk_ref, cuti_ref, mask_ref, loss_ref,
               acc_ref):
    i = pl.program_id(0)
    E, BT = logits_ref.shape
    key = _mono_key_tc(logits_ref[...])
    tok = jax.lax.broadcasted_iota(jnp.int32, (E, BT), 1) + i * BT
    cutk = cutk_ref[:, :1]
    cuti = cuti_ref[:, :1]
    sel = (key > cutk) | ((key == cutk) & (tok <= cuti))
    m = jnp.where(sel, jnp.float32(1.0), jnp.float32(0.0))
    mask_ref[...] = m.T

    @pl.when(i == 0)
    def _():
        acc_ref[...] = jnp.zeros_like(acc_ref)

    acc_ref[0:1, :E] += jnp.sum(m, axis=1)[None, :]

    @pl.when(i == pl.num_programs(0) - 1)
    def _():
        load = acc_ref[0:1, :E]
        loss = jnp.mean(load * jnp.log(load / jnp.mean(load)))
        loss_ref[...] = jnp.full_like(loss_ref, loss)


def _dispatch_mask(logitsT, cutk, cuti, T, E, k):
    mask, loss = pl.pallas_call(
        functools.partial(_mask_body, k),
        grid=(T // _BD,),
        in_specs=[
            pl.BlockSpec((E, _BD), lambda i: (0, i)),
            pl.BlockSpec((E, 128), lambda i: (0, 0)),
            pl.BlockSpec((E, 128), lambda i: (0, 0)),
        ],
        out_specs=[
            pl.BlockSpec((_BD, E), lambda i: (i, 0)),
            pl.BlockSpec((8, 128), lambda i: (0, 0)),
        ],
        out_shape=[
            jax.ShapeDtypeStruct((T, E), jnp.float32),
            jax.ShapeDtypeStruct((8, 128), jnp.float32),
        ],
        scratch_shapes=[pltpu.VMEM((8, 128), jnp.float32)],
    )(logitsT, cutk, cuti)
    return mask, loss[0, 0]


def _mono_key_sc(f):
    u = jax.lax.bitcast_convert_type(f, jnp.int32)
    return jnp.where(u >= 0, u, u ^ jnp.int32(0x7FFFFFFF))


def _select_body(T, E, k, logits_hbm, skeys_hbm, sidx_hbm,
                 row_v, keys_v, hist_v, skeys_v, sidx_v):
    nvec = T // 16
    nhist = 2048
    lane = jax.lax.iota(jnp.int32, 16)
    ones = jnp.ones((16,), jnp.int32)
    zeros = jnp.zeros((16,), jnp.int32)
    wid = jax.lax.axis_index("s") * 2 + jax.lax.axis_index("c")

    def hist_pass(bin_mask_fn, build_keys=False):
        def z(i, c):
            for u in range(4):
                hist_v[pl.ds((i * 4 + u) * 16, 16)] = zeros
            return c
        jax.lax.fori_loop(0, nhist // 4, z, 0)

        def h(i, c):
            for u in range(4):
                base = (i * 4 + u) * 16
                if build_keys:
                    key = _mono_key_sc(row_v[pl.ds(base, 16)])
                    keys_v[pl.ds(base, 16)] = key
                else:
                    key = keys_v[pl.ds(base, 16)]
                b, m = bin_mask_fn(key)
                plsc.addupdate_scatter(hist_v, [lane * nhist + b], ones,
                                       mask=m)
            return c
        jax.lax.fori_loop(0, nvec // 4, h, 0)

    def find_bucket(rem):
        def body(jj, carry):
            above, bstar, cnt_at = carry
            j = 127 - jj
            tot = zeros
            for l in range(16):
                tot = tot + hist_v[pl.ds(l * nhist + j * 16, 16)]
            suf = jax.lax.rev(plsc.cumsum(jax.lax.rev(tot, (0,))), (0,))
            cum_gt = above + suf - tot
            hit = (cum_gt < rem) & (cum_gt + tot >= rem)
            hitn = jax.lax.reduce_max(jnp.where(hit, ones, zeros), axes=(0,))
            bsel = jax.lax.reduce_max(
                jnp.where(hit, j * 16 + lane, jnp.full((16,), -1, jnp.int32)),
                axes=(0,))
            csel = jax.lax.reduce_max(
                jnp.where(hit, cum_gt, jnp.full((16,), -1, jnp.int32)),
                axes=(0,))
            bstar = jnp.where(hitn > 0, bsel, bstar)
            cnt_at = jnp.where(hitn > 0, csel, cnt_at)
            above = above + jax.lax.reduce_sum(tot, axes=(0,))
            return above, bstar, cnt_at
        _, bstar, cnt_at = jax.lax.fori_loop(
            0, 128, body, (jnp.int32(0), jnp.int32(-1), jnp.int32(0)))
        return bstar, cnt_at

    for e in range(2):
        r = wid * 2 + e
        pltpu.sync_copy(logits_hbm.at[r], row_v)

        hist_pass(lambda key: ((key >> 21) + 1024, None), build_keys=True)
        b1, c1 = find_bucket(jnp.int32(k))
        hist_pass(lambda key: ((key >> 10) & jnp.int32(0x7FF),
                               ((key >> 21) + 1024) == b1))
        b2, c2 = find_bucket(jnp.int32(k) - c1)
        t22 = ((b1 - 1024) << 11) | b2

        def zpad(i, c):
            skeys_v[pl.ds(i * 16, 16)] = jnp.full((16,), _PAD_KEY, jnp.int32)
            sidx_v[pl.ds(i * 16, 16)] = jnp.full((16,), _PAD_IDX, jnp.int32)
            return c
        jax.lax.fori_loop(0, _SPAD // 16, zpad, 0)

        def comp(i, off):
            for u in range(4):
                base = (i * 4 + u) * 16
                key = keys_v[pl.ds(base, 16)]
                m = (key >> 10) >= t22
                cnt = jax.lax.reduce_sum(jnp.where(m, ones, zeros), axes=(0,))
                off_c = off

                @pl.when(off_c < _NSURV)
                def _():
                    plsc.store_compressed(skeys_v.at[pl.ds(off_c, 16)], key,
                                          mask=m)
                    plsc.store_compressed(sidx_v.at[pl.ds(off_c, 16)],
                                          base + lane, mask=m)
                off = off + cnt
            return off
        jax.lax.fori_loop(0, nvec // 4, comp, jnp.int32(0))

        pltpu.sync_copy(skeys_v, skeys_hbm.at[r])
        pltpu.sync_copy(sidx_v, sidx_hbm.at[r])


def _select_survivors_sc(logitsT, E, T, k):
    mesh = plsc.VectorSubcoreMesh(core_axis_name="c", subcore_axis_name="s")
    f = pl.kernel(
        functools.partial(_select_body, T, E, k),
        out_type=[
            jax.ShapeDtypeStruct((E, _SPAD), jnp.int32),
            jax.ShapeDtypeStruct((E, _SPAD), jnp.int32),
        ],
        mesh=mesh,
        scratch_types=[
            pltpu.VMEM((T,), jnp.float32),
            pltpu.VMEM((T,), jnp.int32),
            pltpu.VMEM((T,), jnp.int32),
            pltpu.VMEM((_SPAD,), jnp.int32),
            pltpu.VMEM((_SPAD,), jnp.int32),
        ],
        compiler_params=pltpu.CompilerParams(needs_layout_passes=False),
    )
    return f(logitsT)


def kernel(x, W):
    T, H = x.shape
    E = W.shape[0]
    k = int(T * _CAPACITY_FACTOR / E)
    logitsT = _logits_t(x, W, T, H, E)
    skeys, sidx = _select_survivors_sc(logitsT, E, T, k)
    expert_indices, cutk, cuti = _sort_survivors(skeys, sidx, E, k)
    dispatch_mask, loss = _dispatch_mask(logitsT, cutk, cuti, T, E, k)
    return expert_indices, dispatch_mask, loss

# --- scband reference (transcript-rebuilt; emitter-appended) ---
"""Pipeline reference for scband-expert-choice-router-35553739276863 (READ-ONLY COPY).

The authoritative reference and input builder live on the scoring server;
editing this copy changes nothing except your own understanding.
"""

import jax, jax.numpy as jnp
import numpy as np

TOKENS = 32768
HIDDEN = 768
NUM_EXPERTS = 64
CAPACITY_FACTOR = 1.25


def setup_inputs(seed: int = 0) -> dict:
    key = jax.random.key(seed)
    k1, k2 = jax.random.split(key)
    x = jax.random.normal(k1, (TOKENS, HIDDEN), dtype=jnp.float32)
    # gate: nn.Linear(hidden_size, num_experts, bias=False) -> weight [num_experts, hidden_size]
    W = jax.random.normal(k2, (NUM_EXPERTS, HIDDEN), dtype=jnp.float32) * (1.0 / np.sqrt(HIDDEN))
    return {"x": x, "W": W}


def reference(x, W):
    num_experts = W.shape[0]
    tokens_per_expert = int(x.shape[0] * CAPACITY_FACTOR / num_experts)
    # logits = self.gate(x)
    logits = x @ W.T  # [T, E]
    # expert_indices = torch.topk(logits.T, tokens_per_expert, dim=1).indices -> [E, tpe]
    _, expert_indices = jax.lax.top_k(logits.T, tokens_per_expert)
    # dispatch_mask[expert_indices.T.flatten(), arange(E).repeat(tpe)] = 1
    rows = expert_indices.T.reshape(-1)  # row-major flatten of [tpe, E]
    cols = jnp.tile(jnp.arange(num_experts), tokens_per_expert)
    dispatch_mask = jnp.zeros_like(logits).at[rows, cols].set(1.0)
    expert_load = dispatch_mask.sum(axis=0)
    load_balancing_loss = (expert_load * jnp.log(expert_load / expert_load.mean())).mean()
    return expert_indices, dispatch_mask, load_balancing_loss

if __name__ == "__main__":
    import jax
    _d = setup_inputs()
    print(jax.jit(kernel)(*tuple(_d.values())))

</pallas_src>

<mosaic_0001>
#map = affine_map<(d0, d1) -> (0, 0)>
module attributes {stable_mosaic.version = 14 : i64} {
  func.func @_select_body(%arg0: i32, %arg1: i32, %arg2: memref<64x32768xf32, #tpu.memory_space<hbm>>, %arg3: memref<64x1040xi32, #tpu.memory_space<hbm>>, %arg4: memref<64x1040xi32, #tpu.memory_space<hbm>>, %arg5: memref<32768xf32, #tpu.memory_space<vmem>>, %arg6: memref<32768xi32, #tpu.memory_space<vmem>>, %arg7: memref<32768xi32, #tpu.memory_space<vmem>>, %arg8: memref<1040xi32, #tpu.memory_space<vmem>>, %arg9: memref<1040xi32, #tpu.memory_space<vmem>>) attributes {dimension_semantics = [#tpu.dimension_semantics<core_parallel>, #tpu.dimension_semantics<subcore_parallel>], iteration_bounds = array<i64: 2, 16>, scalar_prefetch = 0 : i64, scratch_operands = 5 : i64, tpu.core_type = #tpu.core_type<sc_vector_subcore>, window_params = [{transform_indices = #map}, {transform_indices = #map}, {transform_indices = #map}]} {
    %iota3A = tpu.iota {dimensions = array<i32: 0>} : vector<16xi32>
    %broadcast_in_dim3A = arith.constant 1 : i32
    %broadcast_in_dim3A_0 = vector.broadcast %broadcast_in_dim3A : i32 to vector<16xi32>
    %broadcast_in_dim3A_1 = arith.constant 0 : i32
    %broadcast_in_dim3A_2 = vector.broadcast %broadcast_in_dim3A_1 : i32 to vector<16xi32>
    %mul3A = arith.constant 2 : i32
    %mul3A_3 = arith.muli %arg1, %mul3A : i32
    %add3A = arith.addi %mul3A_3, %arg0 : i32
    %mul3A_4 = arith.constant 2 : i32
    %mul3A_5 = arith.muli %add3A, %mul3A_4 : i32
    %add3A_6 = arith.constant 0 : i32
    %add3A_7 = arith.addi %mul3A_5, %add3A_6 : i32
    "tpu.region"() ({
      %run_scoped3A = tpu.sem_alloc : memref<!tpu.dma_semaphore, #tpu.memory_space<semaphore_mem>>
      %dma_start3A = arith.constant 0 : i32
      %dma_start3A_134 = tpu.memref_slice %arg2[%add3A_7, %dma_start3A] : memref<64x32768xf32, #tpu.memory_space<hbm>> -> memref<1x32768xf32, #tpu.memory_space<hbm>>
      %dma_start3A_135 = tpu.memref_squeeze %dma_start3A_134 : memref<1x32768xf32, #tpu.memory_space<hbm>> -> memref<32768xf32, #tpu.memory_space<hbm>>
      %dma_start3A_136 = arith.constant 0 : i32
      %dma_start3A_137 = tpu.memref_slice %arg2[%add3A_7, %dma_start3A_136] : memref<64x32768xf32, #tpu.memory_space<hbm>> -> memref<1x32768xf32, #tpu.memory_space<hbm>>
      %dma_start3A_138 = tpu.memref_squeeze %dma_start3A_137 : memref<1x32768xf32, #tpu.memory_space<hbm>> -> memref<32768xf32, #tpu.memory_space<hbm>>
      tpu.enqueue_dma source(%dma_start3A_138 : memref<32768xf32, #tpu.memory_space<hbm>>) target(%arg5 : memref<32768xf32, #tpu.memory_space<vmem>>) target_semaphore(%run_scoped3A : memref<!tpu.dma_semaphore, #tpu.memory_space<semaphore_mem>>)
      %dma_wait3A = arith.constant 0 : i32
      %dma_wait3A_139 = tpu.memref_slice %arg2[%add3A_7, %dma_wait3A] : memref<64x32768xf32, #tpu.memory_space<hbm>> -> memref<1x32768xf32, #tpu.memory_space<hbm>>
      %dma_wait3A_140 = tpu.memref_squeeze %dma_wait3A_139 : memref<1x32768xf32, #tpu.memory_space<hbm>> -> memref<32768xf32, #tpu.memory_space<hbm>>
      %dma_wait3A_141 = arith.constant 0 : i32
      %dma_wait3A_142 = tpu.memref_slice %arg2[%add3A_7, %dma_wait3A_141] : memref<64x32768xf32, #tpu.memory_space<hbm>> -> memref<1x32768xf32, #tpu.memory_space<hbm>>
      %dma_wait3A_143 = tpu.memref_squeeze %dma_wait3A_142 : memref<1x32768xf32, #tpu.memory_space<hbm>> -> memref<32768xf32, #tpu.memory_space<hbm>>
      tpu.wait_dma2 semaphore(%run_scoped3A : memref<!tpu.dma_semaphore, #tpu.memory_space<semaphore_mem>>) src(%dma_wait3A_143 : memref<32768xf32, #tpu.memory_space<hbm>>) dst(%arg5 : memref<32768xf32, #tpu.memory_space<vmem>>)
      tpu.yield
    }) : () -> ()
    %scan3A = arith.constant 0 : i32
    %scan3A_8 = arith.constant 0 : i32
    %scan3A_9 = arith.constant 512 : i32
    %scan3A_10 = arith.addi %scan3A_8, %scan3A_9 : i32
    %scan3A_11 = arith.constant 1 : i32
    scf.for %scan3A_134 = %scan3A_8 to %scan3A_10 step %scan3A_11  : i32 {
      %mul3A_135 = arith.constant 4 : i32
      %mul3A_136 = arith.muli %scan3A_134, %mul3A_135 : i32
      %add3A_137 = arith.constant 0 : i32
      %add3A_138 = arith.addi %mul3A_136, %add3A_137 : i32
      %mul3A_139 = arith.constant 16 : i32
      %mul3A_140 = arith.muli %add3A_138, %mul3A_139 : i32
      %swap3A = arith.index_cast %mul3A_140 : i32 to index
      %swap3A_141 = tpu.vector_load %arg7[%swap3A] {strides = array<i32>} : memref<32768xi32, #tpu.memory_space<vmem>>, vector<16xi32>,
      tpu.vector_store %arg7[%swap3A], %broadcast_in_dim3A_2 {strides = array<i32>} : memref<32768xi32, #tpu.memory_space<vmem>>, vector<16xi32>,
      %mul3A_142 = arith.constant 4 : i32
      %mul3A_143 = arith.muli %scan3A_134, %mul3A_142 : i32
      %add3A_144 = arith.constant 1 : i32
      %add3A_145 = arith.addi %mul3A_143, %add3A_144 : i32
      %mul3A_146 = arith.constant 16 : i32
      %mul3A_147 = arith.muli %add3A_145, %mul3A_146 : i32
      %swap3A_148 = arith.index_cast %mul3A_147 : i32 to index
      %swap3A_149 = tpu.vector_load %arg7[%swap3A_148] {strides = array<i32>} : memref<32768xi32, #tpu.memory_space<vmem>>, vector<16xi32>,
      tpu.vector_store %arg7[%swap3A_148], %broadcast_in_dim3A_2 {strides = array<i32>} : memref<32768xi32, #tpu.memory_space<vmem>>, vector<16xi32>,
      %mul3A_150 = arith.constant 4 : i32
      %mul3A_151 = arith.muli %scan3A_134, %mul3A_150 : i32
      %add3A_152 = arith.constant 2 : i32
      %add3A_153 = arith.addi %mul3A_151, %add3A_152 : i32
      %mul3A_154 = arith.constant 16 : i32
      %mul3A_155 = arith.muli %add3A_153, %mul3A_154 : i32
      %swap3A_156 = arith.index_cast %mul3A_155 : i32 to index
      %swap3A_157 = tpu.vector_load %arg7[%swap3A_156] {strides = array<i32>} : memref<32768xi32, #tpu.memory_space<vmem>>, vector<16xi32>,
      tpu.vector_store %arg7[%swap3A_156], %broadcast_in_dim3A_2 {strides = array<i32>} : memref<32768xi32, #tpu.memory_space<vmem>>, vector<16xi32>,
      %mul3A_158 = arith.constant 4 : i32
      %mul3A_159 = arith.muli %scan3A_134, %mul3A_158 : i32
      %add3A_160 = arith.constant 3 : i32
      %add3A_161 = arith.addi %mul3A_159, %add3A_160 : i32
      %mul3A_162 = arith.constant 16 : i32
      %mul3A_163 = arith.muli %add3A_161, %mul3A_162 : i32
      %swap3A_164 = arith.index_cast %mul3A_163 : i32 to index
      %swap3A_165 = tpu.vector_load %arg7[%swap3A_164] {strides = array<i32>} : memref<32768xi32, #tpu.memory_space<vmem>>, vector<16xi32>,
      tpu.vector_store %arg7[%swap3A_164], %broadcast_in_dim3A_2 {strides = array<i32>} : memref<32768xi32, #tpu.memory_space<vmem>>, vector<16xi32>,
    }
    %scan3A_12 = arith.constant 512 : i32
    %scan3A_13 = arith.constant 0 : i32
    %scan3A_14 = arith.constant 0 : i32
    %scan3A_15 = arith.constant 512 : i32
    %scan3A_16 = arith.addi %scan3A_14, %scan3A_15 : i32
    %scan3A_17 = arith.constant 1 : i32
    scf.for %scan3A_134 = %scan3A_14 to %scan3A_16 step %scan3A_17  : i32 {
      %mul3A_135 = arith.constant 4 : i32
      %mul3A_136 = arith.muli %scan3A_134, %mul3A_135 : i32
      %add3A_137 = arith.constant 0 : i32
      %add3A_138 = arith.addi %mul3A_136, %add3A_137 : i32
      %mul3A_139 = arith.constant 16 : i32
      %mul3A_140 = arith.muli %add3A_138, %mul3A_139 : i32
      %get3A = arith.index_cast %mul3A_140 : i32 to index
      %get3A_141 = tpu.vector_load %arg5[%get3A] {strides = array<i32>} : memref<32768xf32, #tpu.memory_space<vmem>>, vector<16xf32>,
      %bitcast_convert_type3A = tpu.bitcast %get3A_141 : vector<16xf32> -> vector<16xi32>
      %ge3A = arith.constant 0 : i32
      %ge3A_142 = vector.broadcast %ge3A : i32 to vector<16xi32>
      %ge3A_143 = arith.cmpi sge, %bitcast_convert_type3A, %ge3A_142 : vector<16xi32>
      %xor3A = arith.constant 2147483647 : i32
      %xor3A_144 = vector.broadcast %xor3A : i32 to vector<16xi32>
      %xor3A_145 = arith.xori %bitcast_convert_type3A, %xor3A_144 : vector<16xi32>
      %select_n3A = arith.select %ge3A_143, %bitcast_convert_type3A, %xor3A_145 : vector<16xi1>, vector<16xi32>
      %swap3A = arith.index_cast %mul3A_140 : i32 to index
      %swap3A_146 = tpu.vector_load %arg6[%swap3A] {strides = array<i32>} : memref<32768xi32, #tpu.memory_space<vmem>>, vector<16xi32>,
      tpu.vector_store %arg6[%swap3A], %select_n3A {strides = array<i32>} : memref<32768xi32, #tpu.memory_space<vmem>>, vector<16xi32>,
      %shift_right_arithmetic3A = arith.constant 21 : i32
      %shift_right_arithmetic3A_147 = vector.broadcast %shift_right_arithmetic3A : i32 to vector<16xi32>
      %shift_right_arithmetic3A_148 = arith.shrsi %select_n3A, %shift_right_arithmetic3A_147 : vector<16xi32>
      %add3A_149 = arith.constant 1024 : i32
      %add3A_150 = vector.broadcast %add3A_149 : i32 to vector<16xi32>
      %add3A_151 = arith.addi %shift_right_arithmetic3A_148, %add3A_150 : vector<16xi32>
      %mul3A_152 = arith.constant 2048 : i32
      %mul3A_153 = vector.broadcast %mul3A_152 : i32 to vector<16xi32>
      %mul3A_154 = arith.muli %iota3A, %mul3A_153 : vector<16xi32>
      %add3A_155 = arith.addi %mul3A_154, %add3A_151 : vector<16xi32>
      tpu.vector_store_idx %arg7[%add3A_155], %broadcast_in_dim3A_0 {add = true} : memref<32768xi32, #tpu.memory_space<vmem>>[vector<16xi32>], vector<16xi32>,
      %mul3A_156 = arith.constant 4 : i32
      %mul3A_157 = arith.muli %scan3A_134, %mul3A_156 : i32
      %add3A_158 = arith.constant 1 : i32
      %add3A_159 = arith.addi %mul3A_157, %add3A_158 : i32
      %mul3A_160 = arith.constant 16 : i32
      %mul3A_161 = arith.muli %add3A_159, %mul3A_160 : i32
      %get3A_162 = arith.index_cast %mul3A_161 : i32 to index
      %get3A_163 = tpu.vector_load %arg5[%get3A_162] {strides = array<i32>} : memref<32768xf32, #tpu.memory_space<vmem>>, vector<16xf32>,
      %bitcast_convert_type3A_164 = tpu.bitcast %get3A_163 : vector<16xf32> -> vector<16xi32>
      %ge3A_165 = arith.constant 0 : i32
      %ge3A_166 = vector.broadcast %ge3A_165 : i32 to vector<16xi32>
      %ge3A_167 = arith.cmpi sge, %bitcast_convert_type3A_164, %ge3A_166 : vector<16xi32>
      %xor3A_168 = arith.constant 2147483647 : i32
      %xor3A_169 = vector.broadcast %xor3A_168 : i32 to vector<16xi32>
      %xor3A_170 = arith.xori %bitcast_convert_type3A_164, %xor3A_169 : vector<16xi32>
      %select_n3A_171 = arith.select %ge3A_167, %bitcast_convert_type3A_164, %xor3A_170 : vector<16xi1>, vector<16xi32>
      %swap3A_172 = arith.index_cast %mul3A_161 : i32 to index
      %swap3A_173 = tpu.vector_load %arg6[%swap3A_172] {strides = array<i32>} : memref<32768xi32, #tpu.memory_space<vmem>>, vector<16xi32>,
      tpu.vector_store %arg6[%swap3A_172], %select_n3A_171 {strides = array<i32>} : memref<32768xi32, #tpu.memory_space<vmem>>, vector<16xi32>,
      %shift_right_arithmetic3A_174 = arith.constant 21 : i32
      %shift_right_arithmetic3A_175 = vector.broadcast %shift_right_arithmetic3A_174 : i32 to vector<16xi32>
      %shift_right_arithmetic3A_176 = arith.shrsi %select_n3A_171, %shift_right_arithmetic3A_175 : vector<16xi32>
      %add3A_177 = arith.constant 1024 : i32
      %add3A_178 = vector.broadcast %add3A_177 : i32 to vector<16xi32>
      %add3A_179 = arith.addi %shift_right_arithmetic3A_176, %add3A_178 : vector<16xi32>
      %mul3A_180 = arith.constant 2048 : i32
      %mul3A_181 = vector.broadcast %mul3A_180 : i32 to vector<16xi32>
      %mul3A_182 = arith.muli %iota3A, %mul3A_181 : vector<16xi32>
      %add3A_183 = arith.addi %mul3A_182, %add3A_179 : vector<16xi32>
      tpu.vector_store_idx %arg7[%add3A_183], %broadcast_in_dim3A_0 {add = true} : memref<32768xi32, #tpu.memory_space<vmem>>[vector<16xi32>], vector<16xi32>,
      %mul3A_184 = arith.constant 4 : i32
      %mul3A_185 = arith.muli %scan3A_134, %mul3A_184 : i32
      %add3A_186 = arith.constant 2 : i32
      %add3A_187 = arith.addi %mul3A_185, %add3A_186 : i32
      %mul3A_188 = arith.constant 16 : i32
      %mul3A_189 = arith.muli %add3A_187, %mul3A_188 : i32
      %get3A_190 = arith.index_cast %mul3A_189 : i32 to index
      %get3A_191 = tpu.vector_load %arg5[%get3A_190] {strides = array<i32>} : memref<32768xf32, #tpu.memory_space<vmem>>, vector<16xf32>,
      %bitcast_convert_type3A_192 = tpu.bitcast %get3A_191 : vector<16xf32> -> vector<16xi32>
      %ge3A_193 = arith.constant 0 : i32
      %ge3A_194 = vector.broadcast %ge3A_193 : i32 to vector<16xi32>
      %ge3A_195 = arith.cmpi sge, %bitcast_convert_type3A_192, %ge3A_194 : vector<16xi32>
      %xor3A_196 = arith.constant 2147483647 : i32
      %xor3A_197 = vector.broadcast %xor3A_196 : i32 to vector<16xi32>
      %xor3A_198 = arith.xori %bitcast_convert_type3A_192, %xor3A_197 : vector<16xi32>
      %select_n3A_199 = arith.select %ge3A_195, %bitcast_convert_type3A_192, %xor3A_198 : vector<16xi1>, vector<16xi32>
      %swap3A_200 = arith.index_cast %mul3A_189 : i32 to index
      %swap3A_201 = tpu.vector_load %arg6[%swap3A_200] {strides = array<i32>} : memref<32768xi32, #tpu.memory_space<vmem>>, vector<16xi32>,
      tpu.vector_store %arg6[%swap3A_200], %select_n3A_199 {strides = array<i32>} : memref<32768xi32, #tpu.memory_space<vmem>>, vector<16xi32>,
      %shift_right_arithmetic3A_202 = arith.constant 21 : i32
      %shift_right_arithmetic3A_203 = vector.broadcast %shift_right_arithmetic3A_202 : i32 to vector<16xi32>
      %shift_right_arithmetic3A_204 = arith.shrsi %select_n3A_199, %shift_right_arithmetic3A_203 : vector<16xi32>
      %add3A_205 = arith.constant 1024 : i32
      %add3A_206 = vector.broadcast %add3A_205 : i32 to vector<16xi32>
      %add3A_207 = arith.addi %shift_right_arithmetic3A_204, %add3A_206 : vector<16xi32>
      %mul3A_208 = arith.constant 2048 : i32
      %mul3A_209 = vector.broadcast %mul3A_208 : i32 to vector<16xi32>
      %mul3A_210 = arith.muli %iota3A, %mul3A_209 : vector<16xi32>
      %add3A_211 = arith.addi %mul3A_210, %add3A_207 : vector<16xi32>
      tpu.vector_store_idx %arg7[%add3A_211], %broadcast_in_dim3A_0 {add = true} : memref<32768xi32, #tpu.memory_space<vmem>>[vector<16xi32>], vector<16xi32>,
      %mul3A_212 = arith.constant 4 : i32
      %mul3A_213 = arith.muli %scan3A_134, %mul3A_212 : i32
      %add3A_214 = arith.constant 3 : i32
      %add3A_215 = arith.addi %mul3A_213, %add3A_214 : i32
      %mul3A_216 = arith.constant 16 : i32
      %mul3A_217 = arith.muli %add3A_215, %mul3A_216 : i32
      %get3A_218 = arith.index_cast %mul3A_217 : i32 to index
      %get3A_219 = tpu.vector_load %arg5[%get3A_218] {strides = array<i32>} : memref<32768xf32, #tpu.memory_space<vmem>>, vector<16xf32>,
      %bitcast_convert_type3A_220 = tpu.bitcast %get3A_219 : vector<16xf32> -> vector<16xi32>
      %ge3A_221 = arith.constant 0 : i32
      %ge3A_222 = vector.broadcast %ge3A_221 : i32 to vector<16xi32>
      %ge3A_223 = arith.cmpi sge, %bitcast_convert_type3A_220, %ge3A_222 : vector<16xi32>
      %xor3A_224 = arith.constant 2147483647 : i32
      %xor3A_225 = vector.broadcast %xor3A_224 : i32 to vector<16xi32>
      %xor3A_226 = arith.xori %bitcast_convert_type3A_220, %xor3A_225 : vector<16xi32>
      %select_n3A_227 = arith.select %ge3A_223, %bitcast_convert_type3A_220, %xor3A_226 : vector<16xi1>, vector<16xi32>
      %swap3A_228 = arith.index_cast %mul3A_217 : i32 to index
      %swap3A_229 = tpu.vector_load %arg6[%swap3A_228] {strides = array<i32>} : memref<32768xi32, #tpu.memory_space<vmem>>, vector<16xi32>,
      tpu.vector_store %arg6[%swap3A_228], %select_n3A_227 {strides = array<i32>} : memref<32768xi32, #tpu.memory_space<vmem>>, vector<16xi32>,
      %shift_right_arithmetic3A_230 = arith.constant 21 : i32
      %shift_right_arithmetic3A_231 = vector.broadcast %shift_right_arithmetic3A_230 : i32 to vector<16xi32>
      %shift_right_arithmetic3A_232 = arith.shrsi %select_n3A_227, %shift_right_arithmetic3A_231 : vector<16xi32>
      %add3A_233 = arith.constant 1024 : i32
      %add3A_234 = vector.broadcast %add3A_233 : i32 to vector<16xi32>
      %add3A_235 = arith.addi %shift_right_arithmetic3A_232, %add3A_234 : vector<16xi32>
      %mul3A_236 = arith.constant 2048 : i32
      %mul3A_237 = vector.broadcast %mul3A_236 : i32 to vector<16xi32>
      %mul3A_238 = arith.muli %iota3A, %mul3A_237 : vector<16xi32>
      %add3A_239 = arith.addi %mul3A_238, %add3A_235 : vector<16xi32>
      tpu.vector_store_idx %arg7[%add3A_239], %broadcast_in_dim3A_0 {add = true} : memref<32768xi32, #tpu.memory_space<vmem>>[vector<16xi32>], vector<16xi32>,
    }
    %scan3A_18 = arith.constant 512 : i32
    %scan3A_19 = arith.constant 640 : i32
    %scan3A_20 = arith.constant 0 : i32
    %scan3A_21 = arith.constant -1 : i32
    %scan3A_22 = arith.constant 0 : i32
    %scan3A_23 = arith.constant 0 : i32
    %scan3A_24 = arith.constant 128 : i32
    %scan3A_25 = arith.addi %scan3A_23, %scan3A_24 : i32
    %scan3A_26 = arith.constant 1 : i32
    %scan3A_27:3 = scf.for %scan3A_134 = %scan3A_23 to %scan3A_25 step %scan3A_26 iter_args(%scan3A_135 = %scan3A_20, %scan3A_136 = %scan3A_21, %scan3A_137 = %scan3A_22) -> (i32, i32, i32)  : i32 {
      %sub3A_138 = arith.constant 127 : i32
      %sub3A_139 = arith.subi %sub3A_138, %scan3A_134 : i32
      %mul3A_140 = arith.constant 16 : i32
      %mul3A_141 = arith.muli %sub3A_139, %mul3A_140 : i32
      %add3A_142 = arith.constant 0 : i32
      %add3A_143 = arith.addi %add3A_142, %mul3A_141 : i32
      %get3A = arith.index_cast %add3A_143 : i32 to index
      %get3A_144 = tpu.vector_load %arg7[%get3A] {strides = array<i32>} : memref<32768xi32, #tpu.memory_space<vmem>>, vector<16xi32>,
      %add3A_145 = arith.addi %broadcast_in_dim3A_2, %get3A_144 : vector<16xi32>
      %mul3A_146 = arith.constant 16 : i32
      %mul3A_147 = arith.muli %sub3A_139, %mul3A_146 : i32
      %add3A_148 = arith.constant 2048 : i32
      %add3A_149 = arith.addi %add3A_148, %mul3A_147 : i32
      %get3A_150 = arith.index_cast %add3A_149 : i32 to index
      %get3A_151 = tpu.vector_load %arg7[%get3A_150] {strides = array<i32>} : memref<32768xi32, #tpu.memory_space<vmem>>, vector<16xi32>,
      %add3A_152 = arith.addi %add3A_145, %get3A_151 : vector<16xi32>
      %mul3A_153 = arith.constant 16 : i32
      %mul3A_154 = arith.muli %sub3A_139, %mul3A_153 : i32
      %add3A_155 = arith.constant 4096 : i32
      %add3A_156 = arith.addi %add3A_155, %mul3A_154 : i32
      %get3A_157 = arith.index_cast %add3A_156 : i32 to index
      %get3A_158 = tpu.vector_load %arg7[%get3A_157] {strides = array<i32>} : memref<32768xi32, #tpu.memory_space<vmem>>, vector<16xi32>,
      %add3A_159 = arith.addi %add3A_152, %get3A_158 : vector<16xi32>
      %mul3A_160 = arith.constant 16 : i32
      %mul3A_161 = arith.muli %sub3A_139, %mul3A_160 : i32
      %add3A_162 = arith.constant 6144 : i32
      %add3A_163 = arith.addi %add3A_162, %mul3A_161 : i32
      %get3A_164 = arith.index_cast %add3A_163 : i32 to index
      %get3A_165 = tpu.vector_load %arg7[%get3A_164] {strides = array<i32>} : memref<32768xi32, #tpu.memory_space<vmem>>, vector<16xi32>,
      %add3A_166 = arith.addi %add3A_159, %get3A_165 : vector<16xi32>
      %mul3A_167 = arith.constant 16 : i32
      %mul3A_168 = arith.muli %sub3A_139, %mul3A_167 : i32
      %add3A_169 = arith.constant 8192 : i32
      %add3A_170 = arith.addi %add3A_169, %mul3A_168 : i32
      %get3A_171 = arith.index_cast %add3A_170 : i32 to index
      %get3A_172 = tpu.vector_load %arg7[%get3A_171] {strides = array<i32>} : memref<32768xi32, #tpu.memory_space<vmem>>, vector<16xi32>,
      %add3A_173 = arith.addi %add3A_166, %get3A_172 : vector<16xi32>
      %mul3A_174 = arith.constant 16 : i32
      %mul3A_175 = arith.muli %sub3A_139, %mul3A_174 : i32
      %add3A_176 = arith.constant 10240 : i32
      %add3A_177 = arith.addi %add3A_176, %mul3A_175 : i32
      %get3A_178 = arith.index_cast %add3A_177 : i32 to index
      %get3A_179 = tpu.vector_load %arg7[%get3A_178] {strides = array<i32>} : memref<32768xi32, #tpu.memory_space<vmem>>, vector<16xi32>,
      %add3A_180 = arith.addi %add3A_173, %get3A_179 : vector<16xi32>
      %mul3A_181 = arith.constant 16 : i32
      %mul3A_182 = arith.muli %sub3A_139, %mul3A_181 : i32
      %add3A_183 = arith.constant 12288 : i32
      %add3A_184 = arith.addi %add3A_183, %mul3A_182 : i32
      %get3A_185 = arith.index_cast %add3A_184 : i32 to index
      %get3A_186 = tpu.vector_load %arg7[%get3A_185] {strides = array<i32>} : memref<32768xi32, #tpu.memory_space<vmem>>, vector<16xi32>,
      %add3A_187 = arith.addi %add3A_180, %get3A_186 : vector<16xi32>
      %mul3A_188 = arith.constant 16 : i32
      %mul3A_189 = arith.muli %sub3A_139, %mul3A_188 : i32
      %add3A_190 = arith.constant 14336 : i32
      %add3A_191 = arith.addi %add3A_190, %mul3A_189 : i32
      %get3A_192 = arith.index_cast %add3A_191 : i32 to index
      %get3A_193 = tpu.vector_load %arg7[%get3A_192] {strides = array<i32>} : memref<32768xi32, #tpu.memory_space<vmem>>, vector<16xi32>,
      %add3A_194 = arith.addi %add3A_187, %get3A_193 : vector<16xi32>
      %mul3A_195 = arith.constant 16 : i32
      %mul3A_196 = arith.muli %sub3A_139, %mul3A_195 : i32
      %add3A_197 = arith.constant 16384 : i32
      %add3A_198 = arith.addi %add3A_197, %mul3A_196 : i32
      %get3A_199 = arith.index_cast %add3A_198 : i32 to index
      %get3A_200 = tpu.vector_load %arg7[%get3A_199] {strides = array<i32>} : memref<32768xi32, #tpu.memory_space<vmem>>, vector<16xi32>,
      %add3A_201 = arith.addi %add3A_194, %get3A_200 : vector<16xi32>
      %mul3A_202 = arith.constant 16 : i32
      %mul3A_203 = arith.muli %sub3A_139, %mul3A_202 : i32
      %add3A_204 = arith.constant 18432 : i32
      %add3A_205 = arith.addi %add3A_204, %mul3A_203 : i32
      %get3A_206 = arith.index_cast %add3A_205 : i32 to index
      %get3A_207 = tpu.vector_load %arg7[%get3A_206] {strides = array<i32>} : memref<32768xi32, #tpu.memory_space<vmem>>, vector<16xi32>,
      %add3A_208 = arith.addi %add3A_201, %get3A_207 : vector<16xi32>
      %mul3A_209 = arith.constant 16 : i32
      %mul3A_210 = arith.muli %sub3A_139, %mul3A_209 : i32
      %add3A_211 = arith.constant 20480 : i32
      %add3A_212 = arith.addi %add3A_211, %mul3A_210 : i32
      %get3A_213 = arith.index_cast %add3A_212 : i32 to index
      %get3A_214 = tpu.vector_load %arg7[%get3A_213] {strides = array<i32>} : memref<32768xi32, #tpu.memory_space<vmem>>, vector<16xi32>,
      %add3A_215 = arith.addi %add3A_208, %get3A_214 : vector<16xi32>
      %mul3A_216 = arith.constant 16 : i32
      %mul3A_217 = arith.muli %sub3A_139, %mul3A_216 : i32
      %add3A_218 = arith.constant 22528 : i32
      %add3A_219 = arith.addi %add3A_218, %mul3A_217 : i32
      %get3A_220 = arith.index_cast %add3A_219 : i32 to index
      %get3A_221 = tpu.vector_load %arg7[%get3A_220] {strides = array<i32>} : memref<32768xi32, #tpu.memory_space<vmem>>, vector<16xi32>,
      %add3A_222 = arith.addi %add3A_215, %get3A_221 : vector<16xi32>
      %mul3A_223 = arith.constant 16 : i32
      %mul3A_224 = arith.muli %sub3A_139, %mul3A_223 : i32
      %add3A_225 = arith.constant 24576 : i32
      %add3A_226 = arith.addi %add3A_225, %mul3A_224 : i32
      %get3A_227 = arith.index_cast %add3A_226 : i32 to index
      %get3A_228 = tpu.vector_load %arg7[%get3A_227] {strides = array<i32>} : memref<32768xi32, #tpu.memory_space<vmem>>, vector<16xi32>,
      %add3A_229 = arith.addi %add3A_222, %get3A_228 : vector<16xi32>
      %mul3A_230 = arith.constant 16 : i32
      %mul3A_231 = arith.muli %sub3A_139, %mul3A_230 : i32
      %add3A_232 = arith.constant 26624 : i32
      %add3A_233 = arith.addi %add3A_232, %mul3A_231 : i32
      %get3A_234 = arith.index_cast %add3A_233 : i32 to index
      %get3A_235 = tpu.vector_load %arg7[%get3A_234] {strides = array<i32>} : memref<32768xi32, #tpu.memory_space<vmem>>, vector<16xi32>,
      %add3A_236 = arith.addi %add3A_229, %get3A_235 : vector<16xi32>
      %mul3A_237 = arith.constant 16 : i32
      %mul3A_238 = arith.muli %sub3A_139, %mul3A_237 : i32
      %add3A_239 = arith.constant 28672 : i32
      %add3A_240 = arith.addi %add3A_239, %mul3A_238 : i32
      %get3A_241 = arith.index_cast %add3A_240 : i32 to index
      %get3A_242 = tpu.vector_load %arg7[%get3A_241] {strides = array<i32>} : memref<32768xi32, #tpu.memory_space<vmem>>, vector<16xi32>,
      %add3A_243 = arith.addi %add3A_236, %get3A_242 : vector<16xi32>
      %mul3A_244 = arith.constant 16 : i32
      %mul3A_245 = arith.muli %sub3A_139, %mul3A_244 : i32
      %add3A_246 = arith.constant 30720 : i32
      %add3A_247 = arith.addi %add3A_246, %mul3A_245 : i32
      %get3A_248 = arith.index_cast %add3A_247 : i32 to index
      %get3A_249 = tpu.vector_load %arg7[%get3A_248] {strides = array<i32>} : memref<32768xi32, #tpu.memory_space<vmem>>, vector<16xi32>,
      %add3A_250 = arith.addi %add3A_243, %get3A_249 : vector<16xi32>
      %rev3A = arith.constant 15 : i32
      %rev3A_251 = vector.broadcast %rev3A : i32 to vector<16xi32>
      %rev3A_252 = tpu.iota {dimensions = array<i32: 0>} : vector<16xi32>
      %rev3A_253 = arith.subi %rev3A_251, %rev3A_252 : vector<16xi32>
      %rev3A_254 = tpu.dynamic_gather %add3A_250[%rev3A_253] in [0] : vector<16xi32>, vector<16xi32> -> vector<16xi32>
      %broadcast_in_dim3A_255 = arith.constant true
      %broadcast_in_dim3A_256 = vector.broadcast %broadcast_in_dim3A_255 : i1 to vector<16xi1>
      %masked_cumsum3A = tpu.scan <sum>, %rev3A_254 masked %broadcast_in_dim3A_256 : vector<16xi32>, vector<16xi1> -> vector<16xi32>
      %rev3A_257 = arith.constant 15 : i32
      %rev3A_258 = vector.broadcast %rev3A_257 : i32 to vector<16xi32>
      %rev3A_259 = tpu.iota {dimensions = array<i32: 0>} : vector<16xi32>
      %rev3A_260 = arith.subi %rev3A_258, %rev3A_259 : vector<16xi32>
      %rev3A_261 = tpu.dynamic_gather %masked_cumsum3A[%rev3A_260] in [0] : vector<16xi32>, vector<16xi32> -> vector<16xi32>
      %add3A_262 = vector.broadcast %scan3A_135 : i32 to vector<16xi32>
      %add3A_263 = arith.addi %add3A_262, %rev3A_261 : vector<16xi32>
      %sub3A_264 = arith.subi %add3A_263, %add3A_250 : vector<16xi32>
      %lt3A = vector.broadcast %scan3A_19 : i32 to vector<16xi32>
      %lt3A_265 = arith.cmpi slt, %sub3A_264, %lt3A : vector<16xi32>
      %add3A_266 = arith.addi %sub3A_264, %add3A_250 : vector<16xi32>
      %ge3A = vector.broadcast %scan3A_19 : i32 to vector<16xi32>
      %ge3A_267 = arith.cmpi sge, %add3A_266, %ge3A : vector<16xi32>
      %and3A = arith.andi %lt3A_265, %ge3A_267 : vector<16xi1>
      %select_n3A = arith.select %and3A, %broadcast_in_dim3A_0, %broadcast_in_dim3A_2 : vector<16xi1>, vector<16xi32>
      %reduce_max3A = arith.constant true
      %reduce_max3A_268 = vector.broadcast %reduce_max3A : i1 to vector<16xi1>
      %reduce_max3A_269 = arith.constant -2147483648 : i32
      %reduce_max3A_270 = vector.broadcast %reduce_max3A_269 : i32 to vector<16xi32>
      %reduce_max3A_271 = arith.xori %select_n3A, %reduce_max3A_270 : vector<16xi32>
      %reduce_max3A_272 = tpu.scan <max>, %reduce_max3A_271 masked %reduce_max3A_268 : vector<16xi32>, vector<16xi1> -> vector<16xi32>
      %reduce_max3A_273 = arith.xori %reduce_max3A_272, %reduce_max3A_270 : vector<16xi32>
      %reduce_max3A_274 = vector.extract %reduce_max3A_273[15] : i32 from vector<16xi32>
      %mul3A_275 = arith.constant 16 : i32
      %mul3A_276 = arith.muli %sub3A_139, %mul3A_275 : i32
      %add3A_277 = vector.broadcast %mul3A_276 : i32 to vector<16xi32>
      %add3A_278 = arith.addi %add3A_277, %iota3A : vector<16xi32>
      %broadcast_in_dim3A_279 = arith.constant -1 : i32
      %broadcast_in_dim3A_280 = vector.broadcast %broadcast_in_dim3A_279 : i32 to vector<16xi32>
      %select_n3A_281 = arith.select %and3A, %add3A_278, %broadcast_in_dim3A_280 : vector<16xi1>, vector<16xi32>
      %reduce_max3A_282 = arith.constant true
      %reduce_max3A_283 = vector.broadcast %reduce_max3A_282 : i1 to vector<16xi1>
      %reduce_max3A_284 = arith.constant -2147483648 : i32
      %reduce_max3A_285 = vector.broadcast %reduce_max3A_284 : i32 to vector<16xi32>
      %reduce_max3A_286 = arith.xori %select_n3A_281, %reduce_max3A_285 : vector<16xi32>
      %reduce_max3A_287 = tpu.scan <max>, %reduce_max3A_286 masked %reduce_max3A_283 : vector<16xi32>, vector<16xi1> -> vector<16xi32>
      %reduce_max3A_288 = arith.xori %reduce_max3A_287, %reduce_max3A_285 : vector<16xi32>
      %reduce_max3A_289 = vector.extract %reduce_max3A_288[15] : i32 from vector<16xi32>
      %broadcast_in_dim3A_290 = arith.constant -1 : i32
      %broadcast_in_dim3A_291 = vector.broadcast %broadcast_in_dim3A_290 : i32 to vector<16xi32>
      %select_n3A_292 = arith.select %and3A, %sub3A_264, %broadcast_in_dim3A_291 : vector<16xi1>, vector<16xi32>
      %reduce_max3A_293 = arith.constant true
      %reduce_max3A_294 = vector.broadcast %reduce_max3A_293 : i1 to vector<16xi1>
      %reduce_max3A_295 = arith.constant -2147483648 : i32
      %reduce_max3A_296 = vector.broadcast %reduce_max3A_295 : i32 to vector<16xi32>
      %reduce_max3A_297 = arith.xori %select_n3A_292, %reduce_max3A_296 : vector<16xi32>
      %reduce_max3A_298 = tpu.scan <max>, %reduce_max3A_297 masked %reduce_max3A_294 : vector<16xi32>, vector<16xi1> -> vector<16xi32>
      %reduce_max3A_299 = arith.xori %reduce_max3A_298, %reduce_max3A_296 : vector<16xi32>
      %reduce_max3A_300 = vector.extract %reduce_max3A_299[15] : i32 from vector<16xi32>
      %gt3A = arith.constant 0 : i32
      %gt3A_301 = arith.cmpi sgt, %reduce_max3A_274, %gt3A : i32
      %select_n3A_302 = arith.select %gt3A_301, %reduce_max3A_289, %scan3A_136 : i32
      %gt3A_303 = arith.constant 0 : i32
      %gt3A_304 = arith.cmpi sgt, %reduce_max3A_274, %gt3A_303 : i32
      %select_n3A_305 = arith.select %gt3A_304, %reduce_max3A_300, %scan3A_137 : i32
      %reduce_sum3A = arith.constant true
      %reduce_sum3A_306 = vector.broadcast %reduce_sum3A : i1 to vector<16xi1>
      %reduce_sum3A_307 = tpu.scan <sum>, %add3A_250 masked %reduce_sum3A_306 : vector<16xi32>, vector<16xi1> -> vector<16xi32>
      %reduce_sum3A_308 = vector.extract %reduce_sum3A_307[15] : i32 from vector<16xi32>
      %add3A_309 = arith.addi %scan3A_135, %reduce_sum3A_308 : i32
      scf.yield %add3A_309, %select_n3A_302, %select_n3A_305 : i32, i32, i32
    }
    %scan3A_28 = arith.constant 128 : i32
    %scan3A_29 = arith.constant 0 : i32
    %scan3A_30 = arith.constant 0 : i32
    %scan3A_31 = arith.constant 512 : i32
    %scan3A_32 = arith.addi %scan3A_30, %scan3A_31 : i32
    %scan3A_33 = arith.constant 1 : i32
    scf.for %scan3A_134 = %scan3A_30 to %scan3A_32 step %scan3A_33  : i32 {
      %mul3A_135 = arith.constant 4 : i32
      %mul3A_136 = arith.muli %scan3A_134, %mul3A_135 : i32
      %add3A_137 = arith.constant 0 : i32
      %add3A_138 = arith.addi %mul3A_136, %add3A_137 : i32
      %mul3A_139 = arith.constant 16 : i32
      %mul3A_140 = arith.muli %add3A_138, %mul3A_139 : i32
      %swap3A = arith.index_cast %mul3A_140 : i32 to index
      %swap3A_141 = tpu.vector_load %arg7[%swap3A] {strides = array<i32>} : memref<32768xi32, #tpu.memory_space<vmem>>, vector<16xi32>,
      tpu.vector_store %arg7[%swap3A], %broadcast_in_dim3A_2 {strides = array<i32>} : memref<32768xi32, #tpu.memory_space<vmem>>, vector<16xi32>,
      %mul3A_142 = arith.constant 4 : i32
      %mul3A_143 = arith.muli %scan3A_134, %mul3A_142 : i32
      %add3A_144 = arith.constant 1 : i32
      %add3A_145 = arith.addi %mul3A_143, %add3A_144 : i32
      %mul3A_146 = arith.constant 16 : i32
      %mul3A_147 = arith.muli %add3A_145, %mul3A_146 : i32
      %swap3A_148 = arith.index_cast %mul3A_147 : i32 to index
      %swap3A_149 = tpu.vector_load %arg7[%swap3A_148] {strides = array<i32>} : memref<32768xi32, #tpu.memory_space<vmem>>, vector<16xi32>,
      tpu.vector_store %arg7[%swap3A_148], %broadcast_in_dim3A_2 {strides = array<i32>} : memref<32768xi32, #tpu.memory_space<vmem>>, vector<16xi32>,
      %mul3A_150 = arith.constant 4 : i32
      %mul3A_151 = arith.muli %scan3A_134, %mul3A_150 : i32
      %add3A_152 = arith.constant 2 : i32
      %add3A_153 = arith.addi %mul3A_151, %add3A_152 : i32
      %mul3A_154 = arith.constant 16 : i32
      %mul3A_155 = arith.muli %add3A_153, %mul3A_154 : i32
      %swap3A_156 = arith.index_cast %mul3A_155 : i32 to index
      %swap3A_157 = tpu.vector_load %arg7[%swap3A_156] {strides = array<i32>} : memref<32768xi32, #tpu.memory_space<vmem>>, vector<16xi32>,
      tpu.vector_store %arg7[%swap3A_156], %broadcast_in_dim3A_2 {strides = array<i32>} : memref<32768xi32, #tpu.memory_space<vmem>>, vector<16xi32>,
      %mul3A_158 = arith.constant 4 : i32
      %mul3A_159 = arith.muli %scan3A_134, %mul3A_158 : i32
      %add3A_160 = arith.constant 3 : i32
      %add3A_161 = arith.addi %mul3A_159, %add3A_160 : i32
      %mul3A_162 = arith.constant 16 : i32
      %mul3A_163 = arith.muli %add3A_161, %mul3A_162 : i32
      %swap3A_164 = arith.index_cast %mul3A_163 : i32 to index
      %swap3A_165 = tpu.vector_load %arg7[%swap3A_164] {strides = array<i32>} : memref<32768xi32, #tpu.memory_space<vmem>>, vector<16xi32>,
      tpu.vector_store %arg7[%swap3A_164], %broadcast_in_dim3A_2 {strides = array<i32>} : memref<32768xi32, #tpu.memory_space<vmem>>, vector<16xi32>,
    }
    %scan3A_34 = arith.constant 512 : i32
    %scan3A_35 = arith.constant 0 : i32
    %scan3A_36 = arith.constant 0 : i32
    %scan3A_37 = arith.constant 512 : i32
    %scan3A_38 = arith.addi %scan3A_36, %scan3A_37 : i32
    %scan3A_39 = arith.constant 1 : i32
    scf.for %scan3A_134 = %scan3A_36 to %scan3A_38 step %scan3A_39  : i32 {
      %mul3A_135 = arith.constant 4 : i32
      %mul3A_136 = arith.muli %scan3A_134, %mul3A_135 : i32
      %add3A_137 = arith.constant 0 : i32
      %add3A_138 = arith.addi %mul3A_136, %add3A_137 : i32
      %mul3A_139 = arith.constant 16 : i32
      %mul3A_140 = arith.muli %add3A_138, %mul3A_139 : i32
      %get3A = arith.index_cast %mul3A_140 : i32 to index
      %get3A_141 = tpu.vector_load %arg6[%get3A] {strides = array<i32>} : memref<32768xi32, #tpu.memory_space<vmem>>, vector<16xi32>,
      %shift_right_arithmetic3A = arith.constant 10 : i32
      %shift_right_arithmetic3A_142 = vector.broadcast %shift_right_arithmetic3A : i32 to vector<16xi32>
      %shift_right_arithmetic3A_143 = arith.shrsi %get3A_141, %shift_right_arithmetic3A_142 : vector<16xi32>
      %and3A = arith.constant 2047 : i32
      %and3A_144 = vector.broadcast %and3A : i32 to vector<16xi32>
      %and3A_145 = arith.andi %shift_right_arithmetic3A_143, %and3A_144 : vector<16xi32>
      %shift_right_arithmetic3A_146 = arith.constant 21 : i32
      %shift_right_arithmetic3A_147 = vector.broadcast %shift_right_arithmetic3A_146 : i32 to vector<16xi32>
      %shift_right_arithmetic3A_148 = arith.shrsi %get3A_141, %shift_right_arithmetic3A_147 : vector<16xi32>
      %add3A_149 = arith.constant 1024 : i32
      %add3A_150 = vector.broadcast %add3A_149 : i32 to vector<16xi32>
      %add3A_151 = arith.addi %shift_right_arithmetic3A_148, %add3A_150 : vector<16xi32>
      %eq3A = vector.broadcast %scan3A_27#1 : i32 to vector<16xi32>
      %eq3A_152 = arith.cmpi eq, %add3A_151, %eq3A : vector<16xi32>
      %mul3A_153 = arith.constant 2048 : i32
      %mul3A_154 = vector.broadcast %mul3A_153 : i32 to vector<16xi32>
      %mul3A_155 = arith.muli %iota3A, %mul3A_154 : vector<16xi32>
      %add3A_156 = arith.addi %mul3A_155, %and3A_145 : vector<16xi32>
      tpu.vector_store_idx %arg7[%add3A_156], %broadcast_in_dim3A_0 masked %eq3A_152 {add = true} : memref<32768xi32, #tpu.memory_space<vmem>>[vector<16xi32>], vector<16xi32>, vector<16xi1>
      %mul3A_157 = arith.constant 4 : i32
      %mul3A_158 = arith.muli %scan3A_134, %mul3A_157 : i32
      %add3A_159 = arith.constant 1 : i32
      %add3A_160 = arith.addi %mul3A_158, %add3A_159 : i32
      %mul3A_161 = arith.constant 16 : i32
      %mul3A_162 = arith.muli %add3A_160, %mul3A_161 : i32
      %get3A_163 = arith.index_cast %mul3A_162 : i32 to index
      %get3A_164 = tpu.vector_load %arg6[%get3A_163] {strides = array<i32>} : memref<32768xi32, #tpu.memory_space<vmem>>, vector<16xi32>,
      %shift_right_arithmetic3A_165 = arith.constant 10 : i32
      %shift_right_arithmetic3A_166 = vector.broadcast %shift_right_arithmetic3A_165 : i32 to vector<16xi32>
      %shift_right_arithmetic3A_167 = arith.shrsi %get3A_164, %shift_right_arithmetic3A_166 : vector<16xi32>
      %and3A_168 = arith.constant 2047 : i32
      %and3A_169 = vector.broadcast %and3A_168 : i32 to vector<16xi32>
      %and3A_170 = arith.andi %shift_right_arithmetic3A_167, %and3A_169 : vector<16xi32>
      %shift_right_arithmetic3A_171 = arith.constant 21 : i32
      %shift_right_arithmetic3A_172 = vector.broadcast %shift_right_arithmetic3A_171 : i32 to vector<16xi32>
      %shift_right_arithmetic3A_173 = arith.shrsi %get3A_164, %shift_right_arithmetic3A_172 : vector<16xi32>
      %add3A_174 = arith.constant 1024 : i32
      %add3A_175 = vector.broadcast %add3A_174 : i32 to vector<16xi32>
      %add3A_176 = arith.addi %shift_right_arithmetic3A_173, %add3A_175 : vector<16xi32>
      %eq3A_177 = vector.broadcast %scan3A_27#1 : i32 to vector<16xi32>
      %eq3A_178 = arith.cmpi eq, %add3A_176, %eq3A_177 : vector<16xi32>
      %mul3A_179 = arith.constant 2048 : i32
      %mul3A_180 = vector.broadcast %mul3A_179 : i32 to vector<16xi32>
      %mul3A_181 = arith.muli %iota3A, %mul3A_180 : vector<16xi32>
      %add3A_182 = arith.addi %mul3A_181, %and3A_170 : vector<16xi32>
      tpu.vector_store_idx %arg7[%add3A_182], %broadcast_in_dim3A_0 masked %eq3A_178 {add = true} : memref<32768xi32, #tpu.memory_space<vmem>>[vector<16xi32>], vector<16xi32>, vector<16xi1>
      %mul3A_183 = arith.constant 4 : i32
      %mul3A_184 = arith.muli %scan3A_134, %mul3A_183 : i32
      %add3A_185 = arith.constant 2 : i32
      %add3A_186 = arith.addi %mul3A_184, %add3A_185 : i32
      %mul3A_187 = arith.constant 16 : i32
      %mul3A_188 = arith.muli %add3A_186, %mul3A_187 : i32
      %get3A_189 = arith.index_cast %mul3A_188 : i32 to index
      %get3A_190 = tpu.vector_load %arg6[%get3A_189] {strides = array<i32>} : memref<32768xi32, #tpu.memory_space<vmem>>, vector<16xi32>,
      %shift_right_arithmetic3A_191 = arith.constant 10 : i32
      %shift_right_arithmetic3A_192 = vector.broadcast %shift_right_arithmetic3A_191 : i32 to vector<16xi32>
      %shift_right_arithmetic3A_193 = arith.shrsi %get3A_190, %shift_right_arithmetic3A_192 : vector<16xi32>
      %and3A_194 = arith.constant 2047 : i32
      %and3A_195 = vector.broadcast %and3A_194 : i32 to vector<16xi32>
      %and3A_196 = arith.andi %shift_right_arithmetic3A_193, %and3A_195 : vector<16xi32>
      %shift_right_arithmetic3A_197 = arith.constant 21 : i32
      %shift_right_arithmetic3A_198 = vector.broadcast %shift_right_arithmetic3A_197 : i32 to vector<16xi32>
      %shift_right_arithmetic3A_199 = arith.shrsi %get3A_190, %shift_right_arithmetic3A_198 : vector<16xi32>
      %add3A_200 = arith.constant 1024 : i32
      %add3A_201 = vector.broadcast %add3A_200 : i32 to vector<16xi32>
      %add3A_202 = arith.addi %shift_right_arithmetic3A_199, %add3A_201 : vector<16xi32>
      %eq3A_203 = vector.broadcast %scan3A_27#1 : i32 to vector<16xi32>
      %eq3A_204 = arith.cmpi eq, %add3A_202, %eq3A_203 : vector<16xi32>
      %mul3A_205 = arith.constant 2048 : i32
      %mul3A_206 = vector.broadcast %mul3A_205 : i32 to vector<16xi32>
      %mul3A_207 = arith.muli %iota3A, %mul3A_206 : vector<16xi32>
      %add3A_208 = arith.addi %mul3A_207, %and3A_196 : vector<16xi32>
      tpu.vector_store_idx %arg7[%add3A_208], %broadcast_in_dim3A_0 masked %eq3A_204 {add = true} : memref<32768xi32, #tpu.memory_space<vmem>>[vector<16xi32>], vector<16xi32>, vector<16xi1>
      %mul3A_209 = arith.constant 4 : i32
      %mul3A_210 = arith.muli %scan3A_134, %mul3A_209 : i32
      %add3A_211 = arith.constant 3 : i32
      %add3A_212 = arith.addi %mul3A_210, %add3A_211 : i32
      %mul3A_213 = arith.constant 16 : i32
      %mul3A_214 = arith.muli %add3A_212, %mul3A_213 : i32
      %get3A_215 = arith.index_cast %mul3A_214 : i32 to index
      %get3A_216 = tpu.vector_load %arg6[%get3A_215] {strides = array<i32>} : memref<32768xi32, #tpu.memory_space<vmem>>, vector<16xi32>,
      %shift_right_arithmetic3A_217 = arith.constant 10 : i32
      %shift_right_arithmetic3A_218 = vector.broadcast %shift_right_arithmetic3A_217 : i32 to vector<16xi32>
      %shift_right_arithmetic3A_219 = arith.shrsi %get3A_216, %shift_right_arithmetic3A_218 : vector<16xi32>
      %and3A_220 = arith.constant 2047 : i32
      %and3A_221 = vector.broadcast %and3A_220 : i32 to vector<16xi32>
      %and3A_222 = arith.andi %shift_right_arithmetic3A_219, %and3A_221 : vector<16xi32>
      %shift_right_arithmetic3A_223 = arith.constant 21 : i32
      %shift_right_arithmetic3A_224 = vector.broadcast %shift_right_arithmetic3A_223 : i32 to vector<16xi32>
      %shift_right_arithmetic3A_225 = arith.shrsi %get3A_216, %shift_right_arithmetic3A_224 : vector<16xi32>
      %add3A_226 = arith.constant 1024 : i32
      %add3A_227 = vector.broadcast %add3A_226 : i32 to vector<16xi32>
      %add3A_228 = arith.addi %shift_right_arithmetic3A_225, %add3A_227 : vector<16xi32>
      %eq3A_229 = vector.broadcast %scan3A_27#1 : i32 to vector<16xi32>
      %eq3A_230 = arith.cmpi eq, %add3A_228, %eq3A_229 : vector<16xi32>
      %mul3A_231 = arith.constant 2048 : i32
      %mul3A_232 = vector.broadcast %mul3A_231 : i32 to vector<16xi32>
      %mul3A_233 = arith.muli %iota3A, %mul3A_232 : vector<16xi32>
      %add3A_234 = arith.addi %mul3A_233, %and3A_222 : vector<16xi32>
      tpu.vector_store_idx %arg7[%add3A_234], %broadcast_in_dim3A_0 masked %eq3A_230 {add = true} : memref<32768xi32, #tpu.memory_space<vmem>>[vector<16xi32>], vector<16xi32>, vector<16xi1>
    }
    %scan3A_40 = arith.constant 512 : i32
    %sub3A = arith.constant 640 : i32
    %sub3A_41 = arith.subi %sub3A, %scan3A_27#2 : i32
    %scan3A_42 = arith.constant 0 : i32
    %scan3A_43 = arith.constant -1 : i32
    %scan3A_44 = arith.constant 0 : i32
    %scan3A_45 = arith.constant 0 : i32
    %scan3A_46 = arith.constant 128 : i32
    %scan3A_47 = arith.addi %scan3A_45, %scan3A_46 : i32
    %scan3A_48 = arith.constant 1 : i32
    %scan3A_49:3 = scf.for %scan3A_134 = %scan3A_45 to %scan3A_47 step %scan3A_48 iter_args(%scan3A_135 = %scan3A_42, %scan3A_136 = %scan3A_43, %scan3A_137 = %scan3A_44) -> (i32, i32, i32)  : i32 {
      %sub3A_138 = arith.constant 127 : i32
      %sub3A_139 = arith.subi %sub3A_138, %scan3A_134 : i32
      %mul3A_140 = arith.constant 16 : i32
      %mul3A_141 = arith.muli %sub3A_139, %mul3A_140 : i32
      %add3A_142 = arith.constant 0 : i32
      %add3A_143 = arith.addi %add3A_142, %mul3A_141 : i32
      %get3A = arith.index_cast %add3A_143 : i32 to index
      %get3A_144 = tpu.vector_load %arg7[%get3A] {strides = array<i32>} : memref<32768xi32, #tpu.memory_space<vmem>>, vector<16xi32>,
      %add3A_145 = arith.addi %broadcast_in_dim3A_2, %get3A_144 : vector<16xi32>
      %mul3A_146 = arith.constant 16 : i32
      %mul3A_147 = arith.muli %sub3A_139, %mul3A_146 : i32
      %add3A_148 = arith.constant 2048 : i32
      %add3A_149 = arith.addi %add3A_148, %mul3A_147 : i32
      %get3A_150 = arith.index_cast %add3A_149 : i32 to index
      %get3A_151 = tpu.vector_load %arg7[%get3A_150] {strides = array<i32>} : memref<32768xi32, #tpu.memory_space<vmem>>, vector<16xi32>,
      %add3A_152 = arith.addi %add3A_145, %get3A_151 : vector<16xi32>
      %mul3A_153 = arith.constant 16 : i32
      %mul3A_154 = arith.muli %sub3A_139, %mul3A_153 : i32
      %add3A_155 = arith.constant 4096 : i32
      %add3A_156 = arith.addi %add3A_155, %mul3A_154 : i32
      %get3A_157 = arith.index_cast %add3A_156 : i32 to index
      %get3A_158 = tpu.vector_load %arg7[%get3A_157] {strides = array<i32>} : memref<32768xi32, #tpu.memory_space<vmem>>, vector<16xi32>,
      %add3A_159 = arith.addi %add3A_152, %get3A_158 : vector<16xi32>
      %mul3A_160 = arith.constant 16 : i32
      %mul3A_161 = arith.muli %sub3A_139, %mul3A_160 : i32
      %add3A_162 = arith.constant 6144 : i32
      %add3A_163 = arith.addi %add3A_162, %mul3A_161 : i32
      %get3A_164 = arith.index_cast %add3A_163 : i32 to index
      %get3A_165 = tpu.vector_load %arg7[%get3A_164] {strides = array<i32>} : memref<32768xi32, #tpu.memory_space<vmem>>, vector<16xi32>,
      %add3A_166 = arith.addi %add3A_159, %get3A_165 : vector<16xi32>
      %mul3A_167 = arith.constant 16 : i32
      %mul3A_168 = arith.muli %sub3A_139, %mul3A_167 : i32
      %add3A_169 = arith.constant 8192 : i32
      %add3A_170 = arith.addi %add3A_169, %mul3A_168 : i32
      %get3A_171 = arith.index_cast %add3A_170 : i32 to index
      %get3A_172 = tpu.vector_load %arg7[%get3A_171] {strides = array<i32>} : memref<32768xi32, #tpu.memory_space<vmem>>, vector<16xi32>,
      %add3A_173 = arith.addi %add3A_166, %get3A_172 : vector<16xi32>
      %mul3A_174 = arith.constant 16 : i32
      %mul3A_175 = arith.muli %sub3A_139, %mul3A_174 : i32
      %add3A_176 = arith.constant 10240 : i32
      %add3A_177 = arith.addi %add3A_176, %mul3A_175 : i32
      %get3A_178 = arith.index_cast %add3A_177 : i32 to index
      %get3A_179 = tpu.vector_load %arg7[%get3A_178] {strides = array<i32>} : memref<32768xi32, #tpu.memory_space<vmem>>, vector<16xi32>,
      %add3A_180 = arith.addi %add3A_173, %get3A_179 : vector<16xi32>
      %mul3A_181 = arith.constant 16 : i32
      %mul3A_182 = arith.muli %sub3A_139, %mul3A_181 : i32
      %add3A_183 = arith.constant 12288 : i32
      %add3A_184 = arith.addi %add3A_183, %mul3A_182 : i32
      %get3A_185 = arith.index_cast %add3A_184 : i32 to index
      %get3A_186 = tpu.vector_load %arg7[%get3A_185] {strides = array<i32>} : memref<32768xi32, #tpu.memory_space<vmem>>, vector<16xi32>,
      %add3A_187 = arith.addi %add3A_180, %get3A_186 : vector<16xi32>
      %mul3A_188 = arith.constant 16 : i32
      %mul3A_189 = arith.muli %sub3A_139, %mul3A_188 : i32
      %add3A_190 = arith.constant 14336 : i32
      %add3A_191 = arith.addi %add3A_190, %mul3A_189 : i32
      %get3A_192 = arith.index_cast %add3A_191 : i32 to index
      %get3A_193 = tpu.vector_load %arg7[%get3A_192] {strides = array<i32>} : memref<32768xi32, #tpu.memory_space<vmem>>, vector<16xi32>,
      %add3A_194 = arith.addi %add3A_187, %get3A_193 : vector<16xi32>
      %mul3A_195 = arith.constant 16 : i32
      %mul3A_196 = arith.muli %sub3A_139, %mul3A_195 : i32
      %add3A_197 = arith.constant 16384 : i32
      %add3A_198 = arith.addi %add3A_197, %mul3A_196 : i32
      %get3A_199 = arith.index_cast %add3A_198 : i32 to index
      %get3A_200 = tpu.vector_load %arg7[%get3A_199] {strides = array<i32>} : memref<32768xi32, #tpu.memory_space<vmem>>, vector<16xi32>,
      %add3A_201 = arith.addi %add3A_194, %get3A_200 : vector<16xi32>
      %mul3A_202 = arith.constant 16 : i32
      %mul3A_203 = arith.muli %sub3A_139, %mul3A_202 : i32
      %add3A_204 = arith.constant 18432 : i32
      %add3A_205 = arith.addi %add3A_204, %mul3A_203 : i32
      %get3A_206 = arith.index_cast %add3A_205 : i32 to index
      %get3A_207 = tpu.vector_load %arg7[%get3A_206] {strides = array<i32>} : memref<32768xi32, #tpu.memory_space<vmem>>, vector<16xi32>,
      %add3A_208 = arith.addi %add3A_201, %get3A_207 : vector<16xi32>
      %mul3A_209 = arith.constant 16 : i32
      %mul3A_210 = arith.muli %sub3A_139, %mul3A_209 : i32
      %add3A_211 = arith.constant 20480 : i32
      %add3A_212 = arith.addi %add3A_211, %mul3A_210 : i32
      %get3A_213 = arith.index_cast %add3A_212 : i32 to index
      %get3A_214 = tpu.vector_load %arg7[%get3A_213] {strides = array<i32>} : memref<32768xi32, #tpu.memory_space<vmem>>, vector<16xi32>,
      %add3A_215 = arith.addi %add3A_208, %get3A_214 : vector<16xi32>
      %mul3A_216 = arith.constant 16 : i32
      %mul3A_217 = arith.muli %sub3A_139, %mul3A_216 : i32
      %add3A_218 = arith.constant 22528 : i32
      %add3A_219 = arith.addi %add3A_218, %mul3A_217 : i32
      %get3A_220 = arith.index_cast %add3A_219 : i32 to index
      %get3A_221 = tpu.vector_load %arg7[%get3A_220] {strides = array<i32>} : memref<32768xi32, #tpu.memory_space<vmem>>, vector<16xi32>,
      %add3A_222 = arith.addi %add3A_215, %get3A_221 : vector<16xi32>
      %mul3A_223 = arith.constant 16 : i32
      %mul3A_224 = arith.muli %sub3A_139, %mul3A_223 : i32
      %add3A_225 = arith.constant 24576 : i32
      %add3A_226 = arith.addi %add3A_225, %mul3A_224 : i32
      %get3A_227 = arith.index_cast %add3A_226 : i32 to index
      %get3A_228 = tpu.vector_load %arg7[%get3A_227] {strides = array<i32>} : memref<32768xi32, #tpu.memory_space<vmem>>, vector<16xi32>,
      %add3A_229 = arith.addi %add3A_222, %get3A_228 : vector<16xi32>
      %mul3A_230 = arith.constant 16 : i32
      %mul3A_231 = arith.muli %sub3A_139, %mul3A_230 : i32
      %add3A_232 = arith.constant 26624 : i32
      %add3A_233 = arith.addi %add3A_232, %mul3A_231 : i32
      %get3A_234 = arith.index_cast %add3A_233 : i32 to index
      %get3A_235 = tpu.vector_load %arg7[%get3A_234] {strides = array<i32>} : memref<32768xi32, #tpu.memory_space<vmem>>, vector<16xi32>,
      %add3A_236 = arith.addi %add3A_229, %get3A_235 : vector<16xi32>
      %mul3A_237 = arith.constant 16 : i32
      %mul3A_238 = arith.muli %sub3A_139, %mul3A_237 : i32
      %add3A_239 = arith.constant 28672 : i32
      %add3A_240 = arith.addi %add3A_239, %mul3A_238 : i32
      %get3A_241 = arith.index_cast %add3A_240 : i32 to index
      %get3A_242 = tpu.vector_load %arg7[%get3A_241] {strides = array<i32>} : memref<32768xi32, #tpu.memory_space<vmem>>, vector<16xi32>,
      %add3A_243 = arith.addi %add3A_236, %get3A_242 : vector<16xi32>
      %mul3A_244 = arith.constant 16 : i32
      %mul3A_245 = arith.muli %sub3A_139, %mul3A_244 : i32
      %add3A_246 = arith.constant 30720 : i32
      %add3A_247 = arith.addi %add3A_246, %mul3A_245 : i32
      %get3A_248 = arith.index_cast %add3A_247 : i32 to index
      %get3A_249 = tpu.vector_load %arg7[%get3A_248] {strides = array<i32>} : memref<32768xi32, #tpu.memory_space<vmem>>, vector<16xi32>,
      %add3A_250 = arith.addi %add3A_243, %get3A_249 : vector<16xi32>
      %rev3A = arith.constant 15 : i32
      %rev3A_251 = vector.broadcast %rev3A : i32 to vector<16xi32>
      %rev3A_252 = tpu.iota {dimensions = array<i32: 0>} : vector<16xi32>
      %rev3A_253 = arith.subi %rev3A_251, %rev3A_252 : vector<16xi32>
      %rev3A_254 = tpu.dynamic_gather %add3A_250[%rev3A_253] in [0] : vector<16xi32>, vector<16xi32> -> vector<16xi32>
      %broadcast_in_dim3A_255 = arith.constant true
      %broadcast_in_dim3A_256 = vector.broadcast %broadcast_in_dim3A_255 : i1 to vector<16xi1>
      %masked_cumsum3A = tpu.scan <sum>, %rev3A_254 masked %broadcast_in_dim3A_256 : vector<16xi32>, vector<16xi1> -> vector<16xi32>
      %rev3A_257 = arith.constant 15 : i32
      %rev3A_258 = vector.broadcast %rev3A_257 : i32 to vector<16xi32>
      %rev3A_259 = tpu.iota {dimensions = array<i32: 0>} : vector<16xi32>
      %rev3A_260 = arith.subi %rev3A_258, %rev3A_259 : vector<16xi32>
      %rev3A_261 = tpu.dynamic_gather %masked_cumsum3A[%rev3A_260] in [0] : vector<16xi32>, vector<16xi32> -> vector<16xi32>
      %add3A_262 = vector.broadcast %scan3A_135 : i32 to vector<16xi32>
      %add3A_263 = arith.addi %add3A_262, %rev3A_261 : vector<16xi32>
      %sub3A_264 = arith.subi %add3A_263, %add3A_250 : vector<16xi32>
      %lt3A = vector.broadcast %sub3A_41 : i32 to vector<16xi32>
      %lt3A_265 = arith.cmpi slt, %sub3A_264, %lt3A : vector<16xi32>
      %add3A_266 = arith.addi %sub3A_264, %add3A_250 : vector<16xi32>
      %ge3A = vector.broadcast %sub3A_41 : i32 to vector<16xi32>
      %ge3A_267 = arith.cmpi sge, %add3A_266, %ge3A : vector<16xi32>
      %and3A = arith.andi %lt3A_265, %ge3A_267 : vector<16xi1>
      %select_n3A = arith.select %and3A, %broadcast_in_dim3A_0, %broadcast_in_dim3A_2 : vector<16xi1>, vector<16xi32>
      %reduce_max3A = arith.constant true
      %reduce_max3A_268 = vector.broadcast %reduce_max3A : i1 to vector<16xi1>
      %reduce_max3A_269 = arith.constant -2147483648 : i32
      %reduce_max3A_270 = vector.broadcast %reduce_max3A_269 : i32 to vector<16xi32>
      %reduce_max3A_271 = arith.xori %select_n3A, %reduce_max3A_270 : vector<16xi32>
      %reduce_max3A_272 = tpu.scan <max>, %reduce_max3A_271 masked %reduce_max3A_268 : vector<16xi32>, vector<16xi1> -> vector<16xi32>
      %reduce_max3A_273 = arith.xori %reduce_max3A_272, %reduce_max3A_270 : vector<16xi32>
      %reduce_max3A_274 = vector.extract %reduce_max3A_273[15] : i32 from vector<16xi32>
      %mul3A_275 = arith.constant 16 : i32
      %mul3A_276 = arith.muli %sub3A_139, %mul3A_275 : i32
      %add3A_277 = vector.broadcast %mul3A_276 : i32 to vector<16xi32>
      %add3A_278 = arith.addi %add3A_277, %iota3A : vector<16xi32>
      %broadcast_in_dim3A_279 = arith.constant -1 : i32
      %broadcast_in_dim3A_280 = vector.broadcast %broadcast_in_dim3A_279 : i32 to vector<16xi32>
      %select_n3A_281 = arith.select %and3A, %add3A_278, %broadcast_in_dim3A_280 : vector<16xi1>, vector<16xi32>
      %reduce_max3A_282 = arith.constant true
      %reduce_max3A_283 = vector.broadcast %reduce_max3A_282 : i1 to vector<16xi1>
      %reduce_max3A_284 = arith.constant -2147483648 : i32
      %reduce_max3A_285 = vector.broadcast %reduce_max3A_284 : i32 to vector<16xi32>
      %reduce_max3A_286 = arith.xori %select_n3A_281, %reduce_max3A_285 : vector<16xi32>
      %reduce_max3A_287 = tpu.scan <max>, %reduce_max3A_286 masked %reduce_max3A_283 : vector<16xi32>, vector<16xi1> -> vector<16xi32>
      %reduce_max3A_288 = arith.xori %reduce_max3A_287, %reduce_max3A_285 : vector<16xi32>
      %reduce_max3A_289 = vector.extract %reduce_max3A_288[15] : i32 from vector<16xi32>
      %broadcast_in_dim3A_290 = arith.constant -1 : i32
      %broadcast_in_dim3A_291 = vector.broadcast %broadcast_in_dim3A_290 : i32 to vector<16xi32>
      %select_n3A_292 = arith.select %and3A, %sub3A_264, %broadcast_in_dim3A_291 : vector<16xi1>, vector<16xi32>
      %reduce_max3A_293 = arith.constant true
      %reduce_max3A_294 = vector.broadcast %reduce_max3A_293 : i1 to vector<16xi1>
      %reduce_max3A_295 = arith.constant -2147483648 : i32
      %reduce_max3A_296 = vector.broadcast %reduce_max3A_295 : i32 to vector<16xi32>
      %reduce_max3A_297 = arith.xori %select_n3A_292, %reduce_max3A_296 : vector<16xi32>
      %reduce_max3A_298 = tpu.scan <max>, %reduce_max3A_297 masked %reduce_max3A_294 : vector<16xi32>, vector<16xi1> -> vector<16xi32>
      %reduce_max3A_299 = arith.xori %reduce_max3A_298, %reduce_max3A_296 : vector<16xi32>
      %reduce_max3A_300 = vector.extract %reduce_max3A_299[15] : i32 from vector<16xi32>
      %gt3A = arith.constant 0 : i32
      %gt3A_301 = arith.cmpi sgt, %reduce_max3A_274, %gt3A : i32
      %select_n3A_302 = arith.select %gt3A_301, %reduce_max3A_289, %scan3A_136 : i32
      %gt3A_303 = arith.constant 0 : i32
      %gt3A_304 = arith.cmpi sgt, %reduce_max3A_274, %gt3A_303 : i32
      %select_n3A_305 = arith.select %gt3A_304, %reduce_max3A_300, %scan3A_137 : i32
      %reduce_sum3A = arith.constant true
      %reduce_sum3A_306 = vector.broadcast %reduce_sum3A : i1 to vector<16xi1>
      %reduce_sum3A_307 = tpu.scan <sum>, %add3A_250 masked %reduce_sum3A_306 : vector<16xi32>, vector<16xi1> -> vector<16xi32>
      %reduce_sum3A_308 = vector.extract %reduce_sum3A_307[15] : i32 from vector<16xi32>
      %add3A_309 = arith.addi %scan3A_135, %reduce_sum3A_308 : i32
      scf.yield %add3A_309, %select_n3A_302, %select_n3A_305 : i32, i32, i32
    }
    %scan3A_50 = arith.constant 128 : i32
    %sub3A_51 = arith.constant 1024 : i32
    %sub3A_52 = arith.subi %scan3A_27#1, %sub3A_51 : i32
    %shift_left3A = arith.constant 11 : i32
    %shift_left3A_53 = arith.shli %sub3A_52, %shift_left3A : i32
    %or3A = arith.ori %shift_left3A_53, %scan3A_49#1 : i32
    %scan3A_54 = arith.constant 0 : i32
    %scan3A_55 = arith.constant 0 : i32
    %scan3A_56 = arith.constant 65 : i32
    %scan3A_57 = arith.addi %scan3A_55, %scan3A_56 : i32
    %scan3A_58 = arith.constant 1 : i32
    scf.for %scan3A_134 = %scan3A_55 to %scan3A_57 step %scan3A_58  : i32 {
      %broadcast_in_dim3A_135 = arith.constant -2147483648 : i32
      %broadcast_in_dim3A_136 = vector.broadcast %broadcast_in_dim3A_135 : i32 to vector<16xi32>
      %mul3A_137 = arith.constant 16 : i32
      %mul3A_138 = arith.muli %scan3A_134, %mul3A_137 : i32
      %swap3A = arith.index_cast %mul3A_138 : i32 to index
      %swap3A_139 = tpu.vector_load %arg8[%swap3A] {strides = array<i32>} : memref<1040xi32, #tpu.memory_space<vmem>>, vector<16xi32>,
      tpu.vector_store %arg8[%swap3A], %broadcast_in_dim3A_136 {strides = array<i32>} : memref<1040xi32, #tpu.memory_space<vmem>>, vector<16xi32>,
      %broadcast_in_dim3A_140 = arith.constant 134217727 : i32
      %broadcast_in_dim3A_141 = vector.broadcast %broadcast_in_dim3A_140 : i32 to vector<16xi32>
      %mul3A_142 = arith.constant 16 : i32
      %mul3A_143 = arith.muli %scan3A_134, %mul3A_142 : i32
      %swap3A_144 = arith.index_cast %mul3A_143 : i32 to index
      %swap3A_145 = tpu.vector_load %arg9[%swap3A_144] {strides = array<i32>} : memref<1040xi32, #tpu.memory_space<vmem>>, vector<16xi32>,
      tpu.vector_store %arg9[%swap3A_144], %broadcast_in_dim3A_141 {strides = array<i32>} : memref<1040xi32, #tpu.memory_space<vmem>>, vector<16xi32>,
    }
    %scan3A_59 = arith.constant 65 : i32
    %scan3A_60 = arith.constant 0 : i32
    %scan3A_61 = arith.constant 0 : i32
    %scan3A_62 = arith.constant 512 : i32
    %scan3A_63 = arith.addi %scan3A_61, %scan3A_62 : i32
    %scan3A_64 = arith.constant 1 : i32
    %scan3A_65 = scf.for %scan3A_134 = %scan3A_61 to %scan3A_63 step %scan3A_64 iter_args(%scan3A_135 = %scan3A_60) -> (i32)  : i32 {
      %mul3A_136 = arith.constant 4 : i32
      %mul3A_137 = arith.muli %scan3A_134, %mul3A_136 : i32
      %add3A_138 = arith.constant 0 : i32
      %add3A_139 = arith.addi %mul3A_137, %add3A_138 : i32
      %mul3A_140 = arith.constant 16 : i32
      %mul3A_141 = arith.muli %add3A_139, %mul3A_140 : i32
      %get3A = arith.index_cast %mul3A_141 : i32 to index
      %get3A_142 = tpu.vector_load %arg6[%get3A] {strides = array<i32>} : memref<32768xi32, #tpu.memory_space<vmem>>, vector<16xi32>,
      %shift_right_arithmetic3A = arith.constant 10 : i32
      %shift_right_arithmetic3A_143 = vector.broadcast %shift_right_arithmetic3A : i32 to vector<16xi32>
      %shift_right_arithmetic3A_144 = arith.shrsi %get3A_142, %shift_right_arithmetic3A_143 : vector<16xi32>
      %ge3A = vector.broadcast %or3A : i32 to vector<16xi32>
      %ge3A_145 = arith.cmpi sge, %shift_right_arithmetic3A_144, %ge3A : vector<16xi32>
      %select_n3A = arith.select %ge3A_145, %broadcast_in_dim3A_0, %broadcast_in_dim3A_2 : vector<16xi1>, vector<16xi32>
      %reduce_sum3A = arith.constant true
      %reduce_sum3A_146 = vector.broadcast %reduce_sum3A : i1 to vector<16xi1>
      %reduce_sum3A_147 = tpu.scan <sum>, %select_n3A masked %reduce_sum3A_146 : vector<16xi32>, vector<16xi1> -> vector<16xi32>
      %reduce_sum3A_148 = vector.extract %reduce_sum3A_147[15] : i32 from vector<16xi32>
      %lt3A = arith.constant 1024 : i32
      %lt3A_149 = arith.cmpi slt, %scan3A_135, %lt3A : i32
      %convert_element_type3A = arith.extui %lt3A_149 : i1 to i32
      %cond3A = arith.constant 0 : i32
      %cond3A_150 = arith.cmpi ne, %convert_element_type3A, %cond3A : i32
      scf.if %cond3A_150 {
        %swap3A = arith.index_cast %scan3A_135 : i32 to index
        %swap3A_224 = tpu.vector_load %arg8[%swap3A] masked %ge3A_145 {strides = array<i32>} : memref<1040xi32, #tpu.memory_space<vmem>>, vector<16xi32>, vector<16xi1>
        tpu.vector_store %arg8[%swap3A], %get3A_142 masked %ge3A_145 {strides = array<i32>} : memref<1040xi32, #tpu.memory_space<vmem>>, vector<16xi32>, vector<16xi1>
        %add3A_225 = vector.broadcast %mul3A_141 : i32 to vector<16xi32>
        %add3A_226 = arith.addi %add3A_225, %iota3A : vector<16xi32>
        %swap3A_227 = arith.index_cast %scan3A_135 : i32 to index
        %swap3A_228 = tpu.vector_load %arg9[%swap3A_227] masked %ge3A_145 {strides = array<i32>} : memref<1040xi32, #tpu.memory_space<vmem>>, vector<16xi32>, vector<16xi1>
        tpu.vector_store %arg9[%swap3A_227], %add3A_226 masked %ge3A_145 {strides = array<i32>} : memref<1040xi32, #tpu.memory_space<vmem>>, vector<16xi32>, vector<16xi1>
      } else {
      }
      %add3A_151 = arith.addi %scan3A_135, %reduce_sum3A_148 : i32
      %mul3A_152 = arith.constant 4 : i32
      %mul3A_153 = arith.muli %scan3A_134, %mul3A_152 : i32
      %add3A_154 = arith.constant 1 : i32
      %add3A_155 = arith.addi %mul3A_153, %add3A_154 : i32
      %mul3A_156 = arith.constant 16 : i32
      %mul3A_157 = arith.muli %add3A_155, %mul3A_156 : i32
      %get3A_158 = arith.index_cast %mul3A_157 : i32 to index
      %get3A_159 = tpu.vector_load %arg6[%get3A_158] {strides = array<i32>} : memref<32768xi32, #tpu.memory_space<vmem>>, vector<16xi32>,
      %shift_right_arithmetic3A_160 = arith.constant 10 : i32
      %shift_right_arithmetic3A_161 = vector.broadcast %shift_right_arithmetic3A_160 : i32 to vector<16xi32>
      %shift_right_arithmetic3A_162 = arith.shrsi %get3A_159, %shift_right_arithmetic3A_161 : vector<16xi32>
      %ge3A_163 = vector.broadcast %or3A : i32 to vector<16xi32>
      %ge3A_164 = arith.cmpi sge, %shift_right_arithmetic3A_162, %ge3A_163 : vector<16xi32>
      %select_n3A_165 = arith.select %ge3A_164, %broadcast_in_dim3A_0, %broadcast_in_dim3A_2 : vector<16xi1>, vector<16xi32>
      %reduce_sum3A_166 = arith.constant true
      %reduce_sum3A_167 = vector.broadcast %reduce_sum3A_166 : i1 to vector<16xi1>
      %reduce_sum3A_168 = tpu.scan <sum>, %select_n3A_165 masked %reduce_sum3A_167 : vector<16xi32>, vector<16xi1> -> vector<16xi32>
      %reduce_sum3A_169 = vector.extract %reduce_sum3A_168[15] : i32 from vector<16xi32>
      %lt3A_170 = arith.constant 1024 : i32
      %lt3A_171 = arith.cmpi slt, %add3A_151, %lt3A_170 : i32
      %convert_element_type3A_172 = arith.extui %lt3A_171 : i1 to i32
      %cond3A_173 = arith.constant 0 : i32
      %cond3A_174 = arith.cmpi ne, %convert_element_type3A_172, %cond3A_173 : i32
      scf.if %cond3A_174 {
        %swap3A = arith.index_cast %add3A_151 : i32 to index
        %swap3A_224 = tpu.vector_load %arg8[%swap3A] masked %ge3A_164 {strides = array<i32>} : memref<1040xi32, #tpu.memory_space<vmem>>, vector<16xi32>, vector<16xi1>
        tpu.vector_store %arg8[%swap3A], %get3A_159 masked %ge3A_164 {strides = array<i32>} : memref<1040xi32, #tpu.memory_space<vmem>>, vector<16xi32>, vector<16xi1>
        %add3A_225 = vector.broadcast %mul3A_157 : i32 to vector<16xi32>
        %add3A_226 = arith.addi %add3A_225, %iota3A : vector<16xi32>
        %swap3A_227 = arith.index_cast %add3A_151 : i32 to index
        %swap3A_228 = tpu.vector_load %arg9[%swap3A_227] masked %ge3A_164 {strides = array<i32>} : memref<1040xi32, #tpu.memory_space<vmem>>, vector<16xi32>, vector<16xi1>
        tpu.vector_store %arg9[%swap3A_227], %add3A_226 masked %ge3A_164 {strides = array<i32>} : memref<1040xi32, #tpu.memory_space<vmem>>, vector<16xi32>, vector<16xi1>
      } else {
      }
      %add3A_175 = arith.addi %add3A_151, %reduce_sum3A_169 : i32
      %mul3A_176 = arith.constant 4 : i32
      %mul3A_177 = arith.muli %scan3A_134, %mul3A_176 : i32
      %add3A_178 = arith.constant 2 : i32
      %add3A_179 = arith.addi %mul3A_177, %add3A_178 : i32
      %mul3A_180 = arith.constant 16 : i32
      %mul3A_181 = arith.muli %add3A_179, %mul3A_180 : i32
      %get3A_182 = arith.index_cast %mul3A_181 : i32 to index
      %get3A_183 = tpu.vector_load %arg6[%get3A_182] {strides = array<i32>} : memref<32768xi32, #tpu.memory_space<vmem>>, vector<16xi32>,
      %shift_right_arithmetic3A_184 = arith.constant 10 : i32
      %shift_right_arithmetic3A_185 = vector.broadcast %shift_right_arithmetic3A_184 : i32 to vector<16xi32>
      %shift_right_arithmetic3A_186 = arith.shrsi %get3A_183, %shift_right_arithmetic3A_185 : vector<16xi32>
      %ge3A_187 = vector.broadcast %or3A : i32 to vector<16xi32>
      %ge3A_188 = arith.cmpi sge, %shift_right_arithmetic3A_186, %ge3A_187 : vector<16xi32>
      %select_n3A_189 = arith.select %ge3A_188, %broadcast_in_dim3A_0, %broadcast_in_dim3A_2 : vector<16xi1>, vector<16xi32>
      %reduce_sum3A_190 = arith.constant true
      %reduce_sum3A_191 = vector.broadcast %reduce_sum3A_190 : i1 to vector<16xi1>
      %reduce_sum3A_192 = tpu.scan <sum>, %select_n3A_189 masked %reduce_sum3A_191 : vector<16xi32>, vector<16xi1> -> vector<16xi32>
      %reduce_sum3A_193 = vector.extract %reduce_sum3A_192[15] : i32 from vector<16xi32>
      %lt3A_194 = arith.constant 1024 : i32
      %lt3A_195 = arith.cmpi slt, %add3A_175, %lt3A_194 : i32
      %convert_element_type3A_196 = arith.extui %lt3A_195 : i1 to i32
      %cond3A_197 = arith.constant 0 : i32
      %cond3A_198 = arith.cmpi ne, %convert_element_type3A_196, %cond3A_197 : i32
      scf.if %cond3A_198 {
        %swap3A = arith.index_cast %add3A_175 : i32 to index
        %swap3A_224 = tpu.vector_load %arg8[%swap3A] masked %ge3A_188 {strides = array<i32>} : memref<1040xi32, #tpu.memory_space<vmem>>, vector<16xi32>, vector<16xi1>
        tpu.vector_store %arg8[%swap3A], %get3A_183 masked %ge3A_188 {strides = array<i32>} : memref<1040xi32, #tpu.memory_space<vmem>>, vector<16xi32>, vector<16xi1>
        %add3A_225 = vector.broadcast %mul3A_181 : i32 to vector<16xi32>
        %add3A_226 = arith.addi %add3A_225, %iota3A : vector<16xi32>
        %swap3A_227 = arith.index_cast %add3A_175 : i32 to index
        %swap3A_228 = tpu.vector_load %arg9[%swap3A_227] masked %ge3A_188 {strides = array<i32>} : memref<1040xi32, #tpu.memory_space<vmem>>, vector<16xi32>, vector<16xi1>
        tpu.vector_store %arg9[%swap3A_227], %add3A_226 masked %ge3A_188 {strides = array<i32>} : memref<1040xi32, #tpu.memory_space<vmem>>, vector<16xi32>, vector<16xi1>
      } else {
      }
      %add3A_199 = arith.addi %add3A_175, %reduce_sum3A_193 : i32
      %mul3A_200 = arith.constant 4 : i32
      %mul3A_201 = arith.muli %scan3A_134, %mul3A_200 : i32
      %add3A_202 = arith.constant 3 : i32
      %add3A_203 = arith.addi %mul3A_201, %add3A_202 : i32
      %mul3A_204 = arith.constant 16 : i32
      %mul3A_205 = arith.muli %add3A_203, %mul3A_204 : i32
      %get3A_206 = arith.index_cast %mul3A_205 : i32 to index
      %get3A_207 = tpu.vector_load %arg6[%get3A_206] {strides = array<i32>} : memref<32768xi32, #tpu.memory_space<vmem>>, vector<16xi32>,
      %shift_right_arithmetic3A_208 = arith.constant 10 : i32
      %shift_right_arithmetic3A_209 = vector.broadcast %shift_right_arithmetic3A_208 : i32 to vector<16xi32>
      %shift_right_arithmetic3A_210 = arith.shrsi %get3A_207, %shift_right_arithmetic3A_209 : vector<16xi32>
      %ge3A_211 = vector.broadcast %or3A : i32 to vector<16xi32>
      %ge3A_212 = arith.cmpi sge, %shift_right_arithmetic3A_210, %ge3A_211 : vector<16xi32>
      %select_n3A_213 = arith.select %ge3A_212, %broadcast_in_dim3A_0, %broadcast_in_dim3A_2 : vector<16xi1>, vector<16xi32>
      %reduce_sum3A_214 = arith.constant true
      %reduce_sum3A_215 = vector.broadcast %reduce_sum3A_214 : i1 to vector<16xi1>
      %reduce_sum3A_216 = tpu.scan <sum>, %select_n3A_213 masked %reduce_sum3A_215 : vector<16xi32>, vector<16xi1> -> vector<16xi32>
      %reduce_sum3A_217 = vector.extract %reduce_sum3A_216[15] : i32 from vector<16xi32>
      %lt3A_218 = arith.constant 1024 : i32
      %lt3A_219 = arith.cmpi slt, %add3A_199, %lt3A_218 : i32
      %convert_element_type3A_220 = arith.extui %lt3A_219 : i1 to i32
      %cond3A_221 = arith.constant 0 : i32
      %cond3A_222 = arith.cmpi ne, %convert_element_type3A_220, %cond3A_221 : i32
      scf.if %cond3A_222 {
        %swap3A = arith.index_cast %add3A_199 : i32 to index
        %swap3A_224 = tpu.vector_load %arg8[%swap3A] masked %ge3A_212 {strides = array<i32>} : memref<1040xi32, #tpu.memory_space<vmem>>, vector<16xi32>, vector<16xi1>
        tpu.vector_store %arg8[%swap3A], %get3A_207 masked %ge3A_212 {strides = array<i32>} : memref<1040xi32, #tpu.memory_space<vmem>>, vector<16xi32>, vector<16xi1>
        %add3A_225 = vector.broadcast %mul3A_205 : i32 to vector<16xi32>
        %add3A_226 = arith.addi %add3A_225, %iota3A : vector<16xi32>
        %swap3A_227 = arith.index_cast %add3A_199 : i32 to index
        %swap3A_228 = tpu.vector_load %arg9[%swap3A_227] masked %ge3A_212 {strides = array<i32>} : memref<1040xi32, #tpu.memory_space<vmem>>, vector<16xi32>, vector<16xi1>
        tpu.vector_store %arg9[%swap3A_227], %add3A_226 masked %ge3A_212 {strides = array<i32>} : memref<1040xi32, #tpu.memory_space<vmem>>, vector<16xi32>, vector<16xi1>
      } else {
      }
      %add3A_223 = arith.addi %add3A_199, %reduce_sum3A_217 : i32
      scf.yield %add3A_223 : i32
    }
    %scan3A_66 = arith.constant 512 : i32
    "tpu.region"() ({
      %run_scoped3A = tpu.sem_alloc : memref<!tpu.dma_semaphore, #tpu.memory_space<semaphore_mem>>
      %dma_start3A = arith.constant 0 : i32
      %dma_start3A_134 = tpu.memref_slice %arg3[%add3A_7, %dma_start3A] : memref<64x1040xi32, #tpu.memory_space<hbm>> -> memref<1x1040xi32, #tpu.memory_space<hbm>>
      %dma_start3A_135 = tpu.memref_squeeze %dma_start3A_134 : memref<1x1040xi32, #tpu.memory_space<hbm>> -> memref<1040xi32, #tpu.memory_space<hbm>>
      %dma_start3A_136 = arith.constant 0 : i32
      %dma_start3A_137 = tpu.memref_slice %arg3[%add3A_7, %dma_start3A_136] : memref<64x1040xi32, #tpu.memory_space<hbm>> -> memref<1x1040xi32, #tpu.memory_space<hbm>>
      %dma_start3A_138 = tpu.memref_squeeze %dma_start3A_137 : memref<1x1040xi32, #tpu.memory_space<hbm>> -> memref<1040xi32, #tpu.memory_space<hbm>>
      tpu.enqueue_dma source(%arg8 : memref<1040xi32, #tpu.memory_space<vmem>>) target(%dma_start3A_138 : memref<1040xi32, #tpu.memory_space<hbm>>) target_semaphore(%run_scoped3A : memref<!tpu.dma_semaphore, #tpu.memory_space<semaphore_mem>>)
      %dma_wait3A = arith.constant 0 : i32
      %dma_wait3A_139 = tpu.memref_slice %arg3[%add3A_7, %dma_wait3A] : memref<64x1040xi32, #tpu.memory_space<hbm>> -> memref<1x1040xi32, #tpu.memory_space<hbm>>
      %dma_wait3A_140 = tpu.memref_squeeze %dma_wait3A_139 : memref<1x1040xi32, #tpu.memory_space<hbm>> -> memref<1040xi32, #tpu.memory_space<hbm>>
      %dma_wait3A_141 = arith.constant 0 : i32
      %dma_wait3A_142 = tpu.memref_slice %arg3[%add3A_7, %dma_wait3A_141] : memref<64x1040xi32, #tpu.memory_space<hbm>> -> memref<1x1040xi32, #tpu.memory_space<hbm>>
      %dma_wait3A_143 = tpu.memref_squeeze %dma_wait3A_142 : memref<1x1040xi32, #tpu.memory_space<hbm>> -> memref<1040xi32, #tpu.memory_space<hbm>>
      tpu.wait_dma2 semaphore(%run_scoped3A : memref<!tpu.dma_semaphore, #tpu.memory_space<semaphore_mem>>) src(%arg8 : memref<1040xi32, #tpu.memory_space<vmem>>) dst(%dma_wait3A_143 : memref<1040xi32, #tpu.memory_space<hbm>>)
      tpu.yield
    }) : () -> ()
    "tpu.region"() ({
      %run_scoped3A = tpu.sem_alloc : memref<!tpu.dma_semaphore, #tpu.memory_space<semaphore_mem>>
      %dma_start3A = arith.constant 0 : i32
      %dma_start3A_134 = tpu.memref_slice %arg4[%add3A_7, %dma_start3A] : memref<64x1040xi32, #tpu.memory_space<hbm>> -> memref<1x1040xi32, #tpu.memory_space<hbm>>
      %dma_start3A_135 = tpu.memref_squeeze %dma_start3A_134 : memref<1x1040xi32, #tpu.memory_space<hbm>> -> memref<1040xi32, #tpu.memory_space<hbm>>
      %dma_start3A_136 = arith.constant 0 : i32
      %dma_start3A_137 = tpu.memref_slice %arg4[%add3A_7, %dma_start3A_136] : memref<64x1040xi32, #tpu.memory_space<hbm>> -> memref<1x1040xi32, #tpu.memory_space<hbm>>
      %dma_start3A_138 = tpu.memref_squeeze %dma_start3A_137 : memref<1x1040xi32, #tpu.memory_space<hbm>> -> memref<1040xi32, #tpu.memory_space<hbm>>
      tpu.enqueue_dma source(%arg9 : memref<1040xi32, #tpu.memory_space<vmem>>) target(%dma_start3A_138 : memref<1040xi32, #tpu.memory_space<hbm>>) target_semaphore(%run_scoped3A : memref<!tpu.dma_semaphore, #tpu.memory_space<semaphore_mem>>)
      %dma_wait3A = arith.constant 0 : i32
      %dma_wait3A_139 = tpu.memref_slice %arg4[%add3A_7, %dma_wait3A] : memref<64x1040xi32, #tpu.memory_space<hbm>> -> memref<1x1040xi32, #tpu.memory_space<hbm>>
      %dma_wait3A_140 = tpu.memref_squeeze %dma_wait3A_139 : memref<1x1040xi32, #tpu.memory_space<hbm>> -> memref<1040xi32, #tpu.memory_space<hbm>>
      %dma_wait3A_141 = arith.constant 0 : i32
      %dma_wait3A_142 = tpu.memref_slice %arg4[%add3A_7, %dma_wait3A_141] : memref<64x1040xi32, #tpu.memory_space<hbm>> -> memref<1x1040xi32, #tpu.memory_space<hbm>>
      %dma_wait3A_143 = tpu.memref_squeeze %dma_wait3A_142 : memref<1x1040xi32, #tpu.memory_space<hbm>> -> memref<1040xi32, #tpu.memory_space<hbm>>
      tpu.wait_dma2 semaphore(%run_scoped3A : memref<!tpu.dma_semaphore, #tpu.memory_space<semaphore_mem>>) src(%arg9 : memref<1040xi32, #tpu.memory_space<vmem>>) dst(%dma_wait3A_143 : memref<1040xi32, #tpu.memory_space<hbm>>)
      tpu.yield
    }) : () -> ()
    %mul3A_67 = arith.constant 2 : i32
    %mul3A_68 = arith.muli %add3A, %mul3A_67 : i32
    %add3A_69 = arith.constant 1 : i32
    %add3A_70 = arith.addi %mul3A_68, %add3A_69 : i32
    "tpu.region"() ({
      %run_scoped3A = tpu.sem_alloc : memref<!tpu.dma_semaphore, #tpu.memory_space<semaphore_mem>>
      %dma_start3A = arith.constant 0 : i32
      %dma_start3A_134 = tpu.memref_slice %arg2[%add3A_70, %dma_start3A] : memref<64x32768xf32, #tpu.memory_space<hbm>> -> memref<1x32768xf32, #tpu.memory_space<hbm>>
      %dma_start3A_135 = tpu.memref_squeeze %dma_start3A_134 : memref<1x32768xf32, #tpu.memory_space<hbm>> -> memref<32768xf32, #tpu.memory_space<hbm>>
      %dma_start3A_136 = arith.constant 0 : i32
      %dma_start3A_137 = tpu.memref_slice %arg2[%add3A_70, %dma_start3A_136] : memref<64x32768xf32, #tpu.memory_space<hbm>> -> memref<1x32768xf32, #tpu.memory_space<hbm>>
      %dma_start3A_138 = tpu.memref_squeeze %dma_start3A_137 : memref<1x32768xf32, #tpu.memory_space<hbm>> -> memref<32768xf32, #tpu.memory_space<hbm>>
      tpu.enqueue_dma source(%dma_start3A_138 : memref<32768xf32, #tpu.memory_space<hbm>>) target(%arg5 : memref<32768xf32, #tpu.memory_space<vmem>>) target_semaphore(%run_scoped3A : memref<!tpu.dma_semaphore, #tpu.memory_space<semaphore_mem>>)
      %dma_wait3A = arith.constant 0 : i32
      %dma_wait3A_139 = tpu.memref_slice %arg2[%add3A_70, %dma_wait3A] : memref<64x32768xf32, #tpu.memory_space<hbm>> -> memref<1x32768xf32, #tpu.memory_space<hbm>>
      %dma_wait3A_140 = tpu.memref_squeeze %dma_wait3A_139 : memref<1x32768xf32, #tpu.memory_space<hbm>> -> memref<32768xf32, #tpu.memory_space<hbm>>
      %dma_wait3A_141 = arith.constant 0 : i32
      %dma_wait3A_142 = tpu.memref_slice %arg2[%add3A_70, %dma_wait3A_141] : memref<64x32768xf32, #tpu.memory_space<hbm>> -> memref<1x32768xf32, #tpu.memory_space<hbm>>
      %dma_wait3A_143 = tpu.memref_squeeze %dma_wait3A_142 : memref<1x32768xf32, #tpu.memory_space<hbm>> -> memref<32768xf32, #tpu.memory_space<hbm>>
      tpu.wait_dma2 semaphore(%run_scoped3A : memref<!tpu.dma_semaphore, #tpu.memory_space<semaphore_mem>>) src(%dma_wait3A_143 : memref<32768xf32, #tpu.memory_space<hbm>>) dst(%arg5 : memref<32768xf32, #tpu.memory_space<vmem>>)
      tpu.yield
    }) : () -> ()
    %scan3A_71 = arith.constant 0 : i32
    %scan3A_72 = arith.constant 0 : i32
    %scan3A_73 = arith.constant 512 : i32
    %scan3A_74 = arith.addi %scan3A_72, %scan3A_73 : i32
    %scan3A_75 = arith.constant 1 : i32
    scf.for %scan3A_134 = %scan3A_72 to %scan3A_74 step %scan3A_75  : i32 {
      %mul3A_135 = arith.constant 4 : i32
      %mul3A_136 = arith.muli %scan3A_134, %mul3A_135 : i32
      %add3A_137 = arith.constant 0 : i32
      %add3A_138 = arith.addi %mul3A_136, %add3A_137 : i32
      %mul3A_139 = arith.constant 16 : i32
      %mul3A_140 = arith.muli %add3A_138, %mul3A_139 : i32
      %swap3A = arith.index_cast %mul3A_140 : i32 to index
      %swap3A_141 = tpu.vector_load %arg7[%swap3A] {strides = array<i32>} : memref<32768xi32, #tpu.memory_space<vmem>>, vector<16xi32>,
      tpu.vector_store %arg7[%swap3A], %broadcast_in_dim3A_2 {strides = array<i32>} : memref<32768xi32, #tpu.memory_space<vmem>>, vector<16xi32>,
      %mul3A_142 = arith.constant 4 : i32
      %mul3A_143 = arith.muli %scan3A_134, %mul3A_142 : i32
      %add3A_144 = arith.constant 1 : i32
      %add3A_145 = arith.addi %mul3A_143, %add3A_144 : i32
      %mul3A_146 = arith.constant 16 : i32
      %mul3A_147 = arith.muli %add3A_145, %mul3A_146 : i32
      %swap3A_148 = arith.index_cast %mul3A_147 : i32 to index
      %swap3A_149 = tpu.vector_load %arg7[%swap3A_148] {strides = array<i32>} : memref<32768xi32, #tpu.memory_space<vmem>>, vector<16xi32>,
      tpu.vector_store %arg7[%swap3A_148], %broadcast_in_dim3A_2 {strides = array<i32>} : memref<32768xi32, #tpu.memory_space<vmem>>, vector<16xi32>,
      %mul3A_150 = arith.constant 4 : i32
      %mul3A_151 = arith.muli %scan3A_134, %mul3A_150 : i32
      %add3A_152 = arith.constant 2 : i32
      %add3A_153 = arith.addi %mul3A_151, %add3A_152 : i32
      %mul3A_154 = arith.constant 16 : i32
      %mul3A_155 = arith.muli %add3A_153, %mul3A_154 : i32
      %swap3A_156 = arith.index_cast %mul3A_155 : i32 to index
      %swap3A_157 = tpu.vector_load %arg7[%swap3A_156] {strides = array<i32>} : memref<32768xi32, #tpu.memory_space<vmem>>, vector<16xi32>,
      tpu.vector_store %arg7[%swap3A_156], %broadcast_in_dim3A_2 {strides = array<i32>} : memref<32768xi32, #tpu.memory_space<vmem>>, vector<16xi32>,
      %mul3A_158 = arith.constant 4 : i32
      %mul3A_159 = arith.muli %scan3A_134, %mul3A_158 : i32
      %add3A_160 = arith.constant 3 : i32
      %add3A_161 = arith.addi %mul3A_159, %add3A_160 : i32
      %mul3A_162 = arith.constant 16 : i32
      %mul3A_163 = arith.muli %add3A_161, %mul3A_162 : i32
      %swap3A_164 = arith.index_cast %mul3A_163 : i32 to index
      %swap3A_165 = tpu.vector_load %arg7[%swap3A_164] {strides = array<i32>} : memref<32768xi32, #tpu.memory_space<vmem>>, vector<16xi32>,
      tpu.vector_store %arg7[%swap3A_164], %broadcast_in_dim3A_2 {strides = array<i32>} : memref<32768xi32, #tpu.memory_space<vmem>>, vector<16xi32>,
    }
    %scan3A_76 = arith.constant 512 : i32
    %scan3A_77 = arith.constant 0 : i32
    %scan3A_78 = arith.constant 0 : i32
    %scan3A_79 = arith.constant 512 : i32
    %scan3A_80 = arith.addi %scan3A_78, %scan3A_79 : i32
    %scan3A_81 = arith.constant 1 : i32
    scf.for %scan3A_134 = %scan3A_78 to %scan3A_80 step %scan3A_81  : i32 {
      %mul3A_135 = arith.constant 4 : i32
      %mul3A_136 = arith.muli %scan3A_134, %mul3A_135 : i32
      %add3A_137 = arith.constant 0 : i32
      %add3A_138 = arith.addi %mul3A_136, %add3A_137 : i32
      %mul3A_139 = arith.constant 16 : i32
      %mul3A_140 = arith.muli %add3A_138, %mul3A_139 : i32
      %get3A = arith.index_cast %mul3A_140 : i32 to index
      %get3A_141 = tpu.vector_load %arg5[%get3A] {strides = array<i32>} : memref<32768xf32, #tpu.memory_space<vmem>>, vector<16xf32>,
      %bitcast_convert_type3A = tpu.bitcast %get3A_141 : vector<16xf32> -> vector<16xi32>
      %ge3A = arith.constant 0 : i32
      %ge3A_142 = vector.broadcast %ge3A : i32 to vector<16xi32>
      %ge3A_143 = arith.cmpi sge, %bitcast_convert_type3A, %ge3A_142 : vector<16xi32>
      %xor3A = arith.constant 2147483647 : i32
      %xor3A_144 = vector.broadcast %xor3A : i32 to vector<16xi32>
      %xor3A_145 = arith.xori %bitcast_convert_type3A, %xor3A_144 : vector<16xi32>
      %select_n3A = arith.select %ge3A_143, %bitcast_convert_type3A, %xor3A_145 : vector<16xi1>, vector<16xi32>
      %swap3A = arith.index_cast %mul3A_140 : i32 to index
      %swap3A_146 = tpu.vector_load %arg6[%swap3A] {strides = array<i32>} : memref<32768xi32, #tpu.memory_space<vmem>>, vector<16xi32>,
      tpu.vector_store %arg6[%swap3A], %select_n3A {strides = array<i32>} : memref<32768xi32, #tpu.memory_space<vmem>>, vector<16xi32>,
      %shift_right_arithmetic3A = arith.constant 21 : i32
      %shift_right_arithmetic3A_147 = vector.broadcast %shift_right_arithmetic3A : i32 to vector<16xi32>
      %shift_right_arithmetic3A_148 = arith.shrsi %select_n3A, %shift_right_arithmetic3A_147 : vector<16xi32>
      %add3A_149 = arith.constant 1024 : i32
      %add3A_150 = vector.broadcast %add3A_149 : i32 to vector<16xi32>
      %add3A_151 = arith.addi %shift_right_arithmetic3A_148, %add3A_150 : vector<16xi32>
      %mul3A_152 = arith.constant 2048 : i32
      %mul3A_153 = vector.broadcast %mul3A_152 : i32 to vector<16xi32>
      %mul3A_154 = arith.muli %iota3A, %mul3A_153 : vector<16xi32>
      %add3A_155 = arith.addi %mul3A_154, %add3A_151 : vector<16xi32>
      tpu.vector_store_idx %arg7[%add3A_155], %broadcast_in_dim3A_0 {add = true} : memref<32768xi32, #tpu.memory_space<vmem>>[vector<16xi32>], vector<16xi32>,
      %mul3A_156 = arith.constant 4 : i32
      %mul3A_157 = arith.muli %scan3A_134, %mul3A_156 : i32
      %add3A_158 = arith.constant 1 : i32
      %add3A_159 = arith.addi %mul3A_157, %add3A_158 : i32
      %mul3A_160 = arith.constant 16 : i32
      %mul3A_161 = arith.muli %add3A_159, %mul3A_160 : i32
      %get3A_162 = arith.index_cast %mul3A_161 : i32 to index
      %get3A_163 = tpu.vector_load %arg5[%get3A_162] {strides = array<i32>} : memref<32768xf32, #tpu.memory_space<vmem>>, vector<16xf32>,
      %bitcast_convert_type3A_164 = tpu.bitcast %get3A_163 : vector<16xf32> -> vector<16xi32>
      %ge3A_165 = arith.constant 0 : i32
      %ge3A_166 = vector.broadcast %ge3A_165 : i32 to vector<16xi32>
      %ge3A_167 = arith.cmpi sge, %bitcast_convert_type3A_164, %ge3A_166 : vector<16xi32>
      %xor3A_168 = arith.constant 2147483647 : i32
      %xor3A_169 = vector.broadcast %xor3A_168 : i32 to vector<16xi32>
      %xor3A_170 = arith.xori %bitcast_convert_type3A_164, %xor3A_169 : vector<16xi32>
      %select_n3A_171 = arith.select %ge3A_167, %bitcast_convert_type3A_164, %xor3A_170 : vector<16xi1>, vector<16xi32>
      %swap3A_172 = arith.index_cast %mul3A_161 : i32 to index
      %swap3A_173 = tpu.vector_load %arg6[%swap3A_172] {strides = array<i32>} : memref<32768xi32, #tpu.memory_space<vmem>>, vector<16xi32>,
      tpu.vector_store %arg6[%swap3A_172], %select_n3A_171 {strides = array<i32>} : memref<32768xi32, #tpu.memory_space<vmem>>, vector<16xi32>,
      %shift_right_arithmetic3A_174 = arith.constant 21 : i32
      %shift_right_arithmetic3A_175 = vector.broadcast %shift_right_arithmetic3A_174 : i32 to vector<16xi32>
      %shift_right_arithmetic3A_176 = arith.shrsi %select_n3A_171, %shift_right_arithmetic3A_175 : vector<16xi32>
      %add3A_177 = arith.constant 1024 : i32
      %add3A_178 = vector.broadcast %add3A_177 : i32 to vector<16xi32>
      %add3A_179 = arith.addi %shift_right_arithmetic3A_176, %add3A_178 : vector<16xi32>
      %mul3A_180 = arith.constant 2048 : i32
      %mul3A_181 = vector.broadcast %mul3A_180 : i32 to vector<16xi32>
      %mul3A_182 = arith.muli %iota3A, %mul3A_181 : vector<16xi32>
      %add3A_183 = arith.addi %mul3A_182, %add3A_179 : vector<16xi32>
      tpu.vector_store_idx %arg7[%add3A_183], %broadcast_in_dim3A_0 {add = true} : memref<32768xi32, #tpu.memory_space<vmem>>[vector<16xi32>], vector<16xi32>,
      %mul3A_184 = arith.constant 4 : i32
      %mul3A_185 = arith.muli %scan3A_134, %mul3A_184 : i32
      %add3A_186 = arith.constant 2 : i32
      %add3A_187 = arith.addi %mul3A_185, %add3A_186 : i32
      %mul3A_188 = arith.constant 16 : i32
      %mul3A_189 = arith.muli %add3A_187, %mul3A_188 : i32
      %get3A_190 = arith.index_cast %mul3A_189 : i32 to index
      %get3A_191 = tpu.vector_load %arg5[%get3A_190] {strides = array<i32>} : memref<32768xf32, #tpu.memory_space<vmem>>, vector<16xf32>,
      %bitcast_convert_type3A_192 = tpu.bitcast %get3A_191 : vector<16xf32> -> vector<16xi32>
      %ge3A_193 = arith.constant 0 : i32
      %ge3A_194 = vector.broadcast %ge3A_193 : i32 to vector<16xi32>
      %ge3A_195 = arith.cmpi sge, %bitcast_convert_type3A_192, %ge3A_194 : vector<16xi32>
      %xor3A_196 = arith.constant 2147483647 : i32
      %xor3A_197 = vector.broadcast %xor3A_196 : i32 to vector<16xi32>
      %xor3A_198 = arith.xori %bitcast_convert_type3A_192, %xor3A_197 : vector<16xi32>
      %select_n3A_199 = arith.select %ge3A_195, %bitcast_convert_type3A_192, %xor3A_198 : vector<16xi1>, vector<16xi32>
      %swap3A_200 = arith.index_cast %mul3A_189 : i32 to index
      %swap3A_201 = tpu.vector_load %arg6[%swap3A_200] {strides = array<i32>} : memref<32768xi32, #tpu.memory_space<vmem>>, vector<16xi32>,
      tpu.vector_store %arg6[%swap3A_200], %select_n3A_199 {strides = array<i32>} : memref<32768xi32, #tpu.memory_space<vmem>>, vector<16xi32>,
      %shift_right_arithmetic3A_202 = arith.constant 21 : i32
      %shift_right_arithmetic3A_203 = vector.broadcast %shift_right_arithmetic3A_202 : i32 to vector<16xi32>
      %shift_right_arithmetic3A_204 = arith.shrsi %select_n3A_199, %shift_right_arithmetic3A_203 : vector<16xi32>
      %add3A_205 = arith.constant 1024 : i32
      %add3A_206 = vector.broadcast %add3A_205 : i32 to vector<16xi32>
      %add3A_207 = arith.addi %shift_right_arithmetic3A_204, %add3A_206 : vector<16xi32>
      %mul3A_208 = arith.constant 2048 : i32
      %mul3A_209 = vector.broadcast %mul3A_208 : i32 to vector<16xi32>
      %mul3A_210 = arith.muli %iota3A, %mul3A_209 : vector<16xi32>
      %add3A_211 = arith.addi %mul3A_210, %add3A_207 : vector<16xi32>
      tpu.vector_store_idx %arg7[%add3A_211], %broadcast_in_dim3A_0 {add = true} : memref<32768xi32, #tpu.memory_space<vmem>>[vector<16xi32>], vector<16xi32>,
      %mul3A_212 = arith.constant 4 : i32
      %mul3A_213 = arith.muli %scan3A_134, %mul3A_212 : i32
      %add3A_214 = arith.constant 3 : i32
      %add3A_215 = arith.addi %mul3A_213, %add3A_214 : i32
      %mul3A_216 = arith.constant 16 : i32
      %mul3A_217 = arith.muli %add3A_215, %mul3A_216 : i32
      %get3A_218 = arith.index_cast %mul3A_217 : i32 to index
      %get3A_219 = tpu.vector_load %arg5[%get3A_218] {strides = array<i32>} : memref<32768xf32, #tpu.memory_space<vmem>>, vector<16xf32>,
      %bitcast_convert_type3A_220 = tpu.bitcast %get3A_219 : vector<16xf32> -> vector<16xi32>
      %ge3A_221 = arith.constant 0 : i32
      %ge3A_222 = vector.broadcast %ge3A_221 : i32 to vector<16xi32>
      %ge3A_223 = arith.cmpi sge, %bitcast_convert_type3A_220, %ge3A_222 : vector<16xi32>
      %xor3A_224 = arith.constant 2147483647 : i32
      %xor3A_225 = vector.broadcast %xor3A_224 : i32 to vector<16xi32>
      %xor3A_226 = arith.xori %bitcast_convert_type3A_220, %xor3A_225 : vector<16xi32>
      %select_n3A_227 = arith.select %ge3A_223, %bitcast_convert_type3A_220, %xor3A_226 : vector<16xi1>, vector<16xi32>
      %swap3A_228 = arith.index_cast %mul3A_217 : i32 to index
      %swap3A_229 = tpu.vector_load %arg6[%swap3A_228] {strides = array<i32>} : memref<32768xi32, #tpu.memory_space<vmem>>, vector<16xi32>,
      tpu.vector_store %arg6[%swap3A_228], %select_n3A_227 {strides = array<i32>} : memref<32768xi32, #tpu.memory_space<vmem>>, vector<16xi32>,
      %shift_right_arithmetic3A_230 = arith.constant 21 : i32
      %shift_right_arithmetic3A_231 = vector.broadcast %shift_right_arithmetic3A_230 : i32 to vector<16xi32>
      %shift_right_arithmetic3A_232 = arith.shrsi %select_n3A_227, %shift_right_arithmetic3A_231 : vector<16xi32>
      %add3A_233 = arith.constant 1024 : i32
      %add3A_234 = vector.broadcast %add3A_233 : i32 to vector<16xi32>
      %add3A_235 = arith.addi %shift_right_arithmetic3A_232, %add3A_234 : vector<16xi32>
      %mul3A_236 = arith.constant 2048 : i32
      %mul3A_237 = vector.broadcast %mul3A_236 : i32 to vector<16xi32>
      %mul3A_238 = arith.muli %iota3A, %mul3A_237 : vector<16xi32>
      %add3A_239 = arith.addi %mul3A_238, %add3A_235 : vector<16xi32>
      tpu.vector_store_idx %arg7[%add3A_239], %broadcast_in_dim3A_0 {add = true} : memref<32768xi32, #tpu.memory_space<vmem>>[vector<16xi32>], vector<16xi32>,
    }
    %scan3A_82 = arith.constant 512 : i32
    %scan3A_83 = arith.constant 640 : i32
    %scan3A_84 = arith.constant 0 : i32
    %scan3A_85 = arith.constant -1 : i32
    %scan3A_86 = arith.constant 0 : i32
    %scan3A_87 = arith.constant 0 : i32
    %scan3A_88 = arith.constant 128 : i32
    %scan3A_89 = arith.addi %scan3A_87, %scan3A_88 : i32
    %scan3A_90 = arith.constant 1 : i32
    %scan3A_91:3 = scf.for %scan3A_134 = %scan3A_87 to %scan3A_89 step %scan3A_90 iter_args(%scan3A_135 = %scan3A_84, %scan3A_136 = %scan3A_85, %scan3A_137 = %scan3A_86) -> (i32, i32, i32)  : i32 {
      %sub3A_138 = arith.constant 127 : i32
      %sub3A_139 = arith.subi %sub3A_138, %scan3A_134 : i32
      %mul3A_140 = arith.constant 16 : i32
      %mul3A_141 = arith.muli %sub3A_139, %mul3A_140 : i32
      %add3A_142 = arith.constant 0 : i32
      %add3A_143 = arith.addi %add3A_142, %mul3A_141 : i32
      %get3A = arith.index_cast %add3A_143 : i32 to index
      %get3A_144 = tpu.vector_load %arg7[%get3A] {strides = array<i32>} : memref<32768xi32, #tpu.memory_space<vmem>>, vector<16xi32>,
      %add3A_145 = arith.addi %broadcast_in_dim3A_2, %get3A_144 : vector<16xi32>
      %mul3A_146 = arith.constant 16 : i32
      %mul3A_147 = arith.muli %sub3A_139, %mul3A_146 : i32
      %add3A_148 = arith.constant 2048 : i32
      %add3A_149 = arith.addi %add3A_148, %mul3A_147 : i32
      %get3A_150 = arith.index_cast %add3A_149 : i32 to index
      %get3A_151 = tpu.vector_load %arg7[%get3A_150] {strides = array<i32>} : memref<32768xi32, #tpu.memory_space<vmem>>, vector<16xi32>,
      %add3A_152 = arith.addi %add3A_145, %get3A_151 : vector<16xi32>
      %mul3A_153 = arith.constant 16 : i32
      %mul3A_154 = arith.muli %sub3A_139, %mul3A_153 : i32
      %add3A_155 = arith.constant 4096 : i32
      %add3A_156 = arith.addi %add3A_155, %mul3A_154 : i32
      %get3A_157 = arith.index_cast %add3A_156 : i32 to index
      %get3A_158 = tpu.vector_load %arg7[%get3A_157] {strides = array<i32>} : memref<32768xi32, #tpu.memory_space<vmem>>, vector<16xi32>,
      %add3A_159 = arith.addi %add3A_152, %get3A_158 : vector<16xi32>
      %mul3A_160 = arith.constant 16 : i32
      %mul3A_161 = arith.muli %sub3A_139, %mul3A_160 : i32
      %add3A_162 = arith.constant 6144 : i32
      %add3A_163 = arith.addi %add3A_162, %mul3A_161 : i32
      %get3A_164 = arith.index_cast %add3A_163 : i32 to index
      %get3A_165 = tpu.vector_load %arg7[%get3A_164] {strides = array<i32>} : memref<32768xi32, #tpu.memory_space<vmem>>, vector<16xi32>,
      %add3A_166 = arith.addi %add3A_159, %get3A_165 : vector<16xi32>
      %mul3A_167 = arith.constant 16 : i32
      %mul3A_168 = arith.muli %sub3A_139, %mul3A_167 : i32
      %add3A_169 = arith.constant 8192 : i32
      %add3A_170 = arith.addi %add3A_169, %mul3A_168 : i32
      %get3A_171 = arith.index_cast %add3A_170 : i32 to index
      %get3A_172 = tpu.vector_load %arg7[%get3A_171] {strides = array<i32>} : memref<32768xi32, #tpu.memory_space<vmem>>, vector<16xi32>,
      %add3A_173 = arith.addi %add3A_166, %get3A_172 : vector<16xi32>
      %mul3A_174 = arith.constant 16 : i32
      %mul3A_175 = arith.muli %sub3A_139, %mul3A_174 : i32
      %add3A_176 = arith.constant 10240 : i32
      %add3A_177 = arith.addi %add3A_176, %mul3A_175 : i32
      %get3A_178 = arith.index_cast %add3A_177 : i32 to index
      %get3A_179 = tpu.vector_load %arg7[%get3A_178] {strides = array<i32>} : memref<32768xi32, #tpu.memory_space<vmem>>, vector<16xi32>,
      %add3A_180 = arith.addi %add3A_173, %get3A_179 : vector<16xi32>
      %mul3A_181 = arith.constant 16 : i32
      %mul3A_182 = arith.muli %sub3A_139, %mul3A_181 : i32
      %add3A_183 = arith.constant 12288 : i32
      %add3A_184 = arith.addi %add3A_183, %mul3A_182 : i32
      %get3A_185 = arith.index_cast %add3A_184 : i32 to index
      %get3A_186 = tpu.vector_load %arg7[%get3A_185] {strides = array<i32>} : memref<32768xi32, #tpu.memory_space<vmem>>, vector<16xi32>,
      %add3A_187 = arith.addi %add3A_180, %get3A_186 : vector<16xi32>
      %mul3A_188 = arith.constant 16 : i32
      %mul3A_189 = arith.muli %sub3A_139, %mul3A_188 : i32
      %add3A_190 = arith.constant 14336 : i32
      %add3A_191 = arith.addi %add3A_190, %mul3A_189 : i32
      %get3A_192 = arith.index_cast %add3A_191 : i32 to index
      %get3A_193 = tpu.vector_load %arg7[%get3A_192] {strides = array<i32>} : memref<32768xi32, #tpu.memory_space<vmem>>, vector<16xi32>,
      %add3A_194 = arith.addi %add3A_187, %get3A_193 : vector<16xi32>
      %mul3A_195 = arith.constant 16 : i32
      %mul3A_196 = arith.muli %sub3A_139, %mul3A_195 : i32
      %add3A_197 = arith.constant 16384 : i32
      %add3A_198 = arith.addi %add3A_197, %mul3A_196 : i32
      %get3A_199 = arith.index_cast %add3A_198 : i32 to index
      %get3A_200 = tpu.vector_load %arg7[%get3A_199] {strides = array<i32>} : memref<32768xi32, #tpu.memory_space<vmem>>, vector<16xi32>,
      %add3A_201 = arith.addi %add3A_194, %get3A_200 : vector<16xi32>
      %mul3A_202 = arith.constant 16 : i32
      %mul3A_203 = arith.muli %sub3A_139, %mul3A_202 : i32
      %add3A_204 = arith.constant 18432 : i32
      %add3A_205 = arith.addi %add3A_204, %mul3A_203 : i32
      %get3A_206 = arith.index_cast %add3A_205 : i32 to index
      %get3A_207 = tpu.vector_load %arg7[%get3A_206] {strides = array<i32>} : memref<32768xi32, #tpu.memory_space<vmem>>, vector<16xi32>,
      %add3A_208 = arith.addi %add3A_201, %get3A_207 : vector<16xi32>
      %mul3A_209 = arith.constant 16 : i32
      %mul3A_210 = arith.muli %sub3A_139, %mul3A_209 : i32
      %add3A_211 = arith.constant 20480 : i32
      %add3A_212 = arith.addi %add3A_211, %mul3A_210 : i32
      %get3A_213 = arith.index_cast %add3A_212 : i32 to index
      %get3A_214 = tpu.vector_load %arg7[%get3A_213] {strides = array<i32>} : memref<32768xi32, #tpu.memory_space<vmem>>, vector<16xi32>,
      %add3A_215 = arith.addi %add3A_208, %get3A_214 : vector<16xi32>
      %mul3A_216 = arith.constant 16 : i32
      %mul3A_217 = arith.muli %sub3A_139, %mul3A_216 : i32
      %add3A_218 = arith.constant 22528 : i32
      %add3A_219 = arith.addi %add3A_218, %mul3A_217 : i32
      %get3A_220 = arith.index_cast %add3A_219 : i32 to index
      %get3A_221 = tpu.vector_load %arg7[%get3A_220] {strides = array<i32>} : memref<32768xi32, #tpu.memory_space<vmem>>, vector<16xi32>,
      %add3A_222 = arith.addi %add3A_215, %get3A_221 : vector<16xi32>
      %mul3A_223 = arith.constant 16 : i32
      %mul3A_224 = arith.muli %sub3A_139, %mul3A_223 : i32
      %add3A_225 = arith.constant 24576 : i32
      %add3A_226 = arith.addi %add3A_225, %mul3A_224 : i32
      %get3A_227 = arith.index_cast %add3A_226 : i32 to index
      %get3A_228 = tpu.vector_load %arg7[%get3A_227] {strides = array<i32>} : memref<32768xi32, #tpu.memory_space<vmem>>, vector<16xi32>,
      %add3A_229 = arith.addi %add3A_222, %get3A_228 : vector<16xi32>
      %mul3A_230 = arith.constant 16 : i32
      %mul3A_231 = arith.muli %sub3A_139, %mul3A_230 : i32
      %add3A_232 = arith.constant 26624 : i32
      %add3A_233 = arith.addi %add3A_232, %mul3A_231 : i32
      %get3A_234 = arith.index_cast %add3A_233 : i32 to index
      %get3A_235 = tpu.vector_load %arg7[%get3A_234] {strides = array<i32>} : memref<32768xi32, #tpu.memory_space<vmem>>, vector<16xi32>,
      %add3A_236 = arith.addi %add3A_229, %get3A_235 : vector<16xi32>
      %mul3A_237 = arith.constant 16 : i32
      %mul3A_238 = arith.muli %sub3A_139, %mul3A_237 : i32
      %add3A_239 = arith.constant 28672 : i32
      %add3A_240 = arith.addi %add3A_239, %mul3A_238 : i32
      %get3A_241 = arith.index_cast %add3A_240 : i32 to index
      %get3A_242 = tpu.vector_load %arg7[%get3A_241] {strides = array<i32>} : memref<32768xi32, #tpu.memory_space<vmem>>, vector<16xi32>,
      %add3A_243 = arith.addi %add3A_236, %get3A_242 : vector<16xi32>
      %mul3A_244 = arith.constant 16 : i32
      %mul3A_245 = arith.muli %sub3A_139, %mul3A_244 : i32
      %add3A_246 = arith.constant 30720 : i32
      %add3A_247 = arith.addi %add3A_246, %mul3A_245 : i32
      %get3A_248 = arith.index_cast %add3A_247 : i32 to index
      %get3A_249 = tpu.vector_load %arg7[%get3A_248] {strides = array<i32>} : memref<32768xi32, #tpu.memory_space<vmem>>, vector<16xi32>,
      %add3A_250 = arith.addi %add3A_243, %get3A_249 : vector<16xi32>
      %rev3A = arith.constant 15 : i32
      %rev3A_251 = vector.broadcast %rev3A : i32 to vector<16xi32>
      %rev3A_252 = tpu.iota {dimensions = array<i32: 0>} : vector<16xi32>
      %rev3A_253 = arith.subi %rev3A_251, %rev3A_252 : vector<16xi32>
      %rev3A_254 = tpu.dynamic_gather %add3A_250[%rev3A_253] in [0] : vector<16xi32>, vector<16xi32> -> vector<16xi32>
      %broadcast_in_dim3A_255 = arith.constant true
      %broadcast_in_dim3A_256 = vector.broadcast %broadcast_in_dim3A_255 : i1 to vector<16xi1>
      %masked_cumsum3A = tpu.scan <sum>, %rev3A_254 masked %broadcast_in_dim3A_256 : vector<16xi32>, vector<16xi1> -> vector<16xi32>
      %rev3A_257 = arith.constant 15 : i32
      %rev3A_258 = vector.broadcast %rev3A_257 : i32 to vector<16xi32>
      %rev3A_259 = tpu.iota {dimensions = array<i32: 0>} : vector<16xi32>
      %rev3A_260 = arith.subi %rev3A_258, %rev3A_259 : vector<16xi32>
      %rev3A_261 = tpu.dynamic_gather %masked_cumsum3A[%rev3A_260] in [0] : vector<16xi32>, vector<16xi32> -> vector<16xi32>
      %add3A_262 = vector.broadcast %scan3A_135 : i32 to vector<16xi32>
      %add3A_263 = arith.addi %add3A_262, %rev3A_261 : vector<16xi32>
      %sub3A_264 = arith.subi %add3A_263, %add3A_250 : vector<16xi32>
      %lt3A = vector.broadcast %scan3A_83 : i32 to vector<16xi32>
      %lt3A_265 = arith.cmpi slt, %sub3A_264, %lt3A : vector<16xi32>
      %add3A_266 = arith.addi %sub3A_264, %add3A_250 : vector<16xi32>
      %ge3A = vector.broadcast %scan3A_83 : i32 to vector<16xi32>
      %ge3A_267 = arith.cmpi sge, %add3A_266, %ge3A : vector<16xi32>
      %and3A = arith.andi %lt3A_265, %ge3A_267 : vector<16xi1>
      %select_n3A = arith.select %and3A, %broadcast_in_dim3A_0, %broadcast_in_dim3A_2 : vector<16xi1>, vector<16xi32>
      %reduce_max3A = arith.constant true
      %reduce_max3A_268 = vector.broadcast %reduce_max3A : i1 to vector<16xi1>
      %reduce_max3A_269 = arith.constant -2147483648 : i32
      %reduce_max3A_270 = vector.broadcast %reduce_max3A_269 : i32 to vector<16xi32>
      %reduce_max3A_271 = arith.xori %select_n3A, %reduce_max3A_270 : vector<16xi32>
      %reduce_max3A_272 = tpu.scan <max>, %reduce_max3A_271 masked %reduce_max3A_268 : vector<16xi32>, vector<16xi1> -> vector<16xi32>
      %reduce_max3A_273 = arith.xori %reduce_max3A_272, %reduce_max3A_270 : vector<16xi32>
      %reduce_max3A_274 = vector.extract %reduce_max3A_273[15] : i32 from vector<16xi32>
      %mul3A_275 = arith.constant 16 : i32
      %mul3A_276 = arith.muli %sub3A_139, %mul3A_275 : i32
      %add3A_277 = vector.broadcast %mul3A_276 : i32 to vector<16xi32>
      %add3A_278 = arith.addi %add3A_277, %iota3A : vector<16xi32>
      %broadcast_in_dim3A_279 = arith.constant -1 : i32
      %broadcast_in_dim3A_280 = vector.broadcast %broadcast_in_dim3A_279 : i32 to vector<16xi32>
      %select_n3A_281 = arith.select %and3A, %add3A_278, %broadcast_in_dim3A_280 : vector<16xi1>, vector<16xi32>
      %reduce_max3A_282 = arith.constant true
      %reduce_max3A_283 = vector.broadcast %reduce_max3A_282 : i1 to vector<16xi1>
      %reduce_max3A_284 = arith.constant -2147483648 : i32
      %reduce_max3A_285 = vector.broadcast %reduce_max3A_284 : i32 to vector<16xi32>
      %reduce_max3A_286 = arith.xori %select_n3A_281, %reduce_max3A_285 : vector<16xi32>
      %reduce_max3A_287 = tpu.scan <max>, %reduce_max3A_286 masked %reduce_max3A_283 : vector<16xi32>, vector<16xi1> -> vector<16xi32>
      %reduce_max3A_288 = arith.xori %reduce_max3A_287, %reduce_max3A_285 : vector<16xi32>
      %reduce_max3A_289 = vector.extract %reduce_max3A_288[15] : i32 from vector<16xi32>
      %broadcast_in_dim3A_290 = arith.constant -1 : i32
      %broadcast_in_dim3A_291 = vector.broadcast %broadcast_in_dim3A_290 : i32 to vector<16xi32>
      %select_n3A_292 = arith.select %and3A, %sub3A_264, %broadcast_in_dim3A_291 : vector<16xi1>, vector<16xi32>
      %reduce_max3A_293 = arith.constant true
      %reduce_max3A_294 = vector.broadcast %reduce_max3A_293 : i1 to vector<16xi1>
      %reduce_max3A_295 = arith.constant -2147483648 : i32
      %reduce_max3A_296 = vector.broadcast %reduce_max3A_295 : i32 to vector<16xi32>
      %reduce_max3A_297 = arith.xori %select_n3A_292, %reduce_max3A_296 : vector<16xi32>
      %reduce_max3A_298 = tpu.scan <max>, %reduce_max3A_297 masked %reduce_max3A_294 : vector<16xi32>, vector<16xi1> -> vector<16xi32>
      %reduce_max3A_299 = arith.xori %reduce_max3A_298, %reduce_max3A_296 : vector<16xi32>
      %reduce_max3A_300 = vector.extract %reduce_max3A_299[15] : i32 from vector<16xi32>
      %gt3A = arith.constant 0 : i32
      %gt3A_301 = arith.cmpi sgt, %reduce_max3A_274, %gt3A : i32
      %select_n3A_302 = arith.select %gt3A_301, %reduce_max3A_289, %scan3A_136 : i32
      %gt3A_303 = arith.constant 0 : i32
      %gt3A_304 = arith.cmpi sgt, %reduce_max3A_274, %gt3A_303 : i32
      %select_n3A_305 = arith.select %gt3A_304, %reduce_max3A_300, %scan3A_137 : i32
      %reduce_sum3A = arith.constant true
      %reduce_sum3A_306 = vector.broadcast %reduce_sum3A : i1 to vector<16xi1>
      %reduce_sum3A_307 = tpu.scan <sum>, %add3A_250 masked %reduce_sum3A_306 : vector<16xi32>, vector<16xi1> -> vector<16xi32>
      %reduce_sum3A_308 = vector.extract %reduce_sum3A_307[15] : i32 from vector<16xi32>
      %add3A_309 = arith.addi %scan3A_135, %reduce_sum3A_308 : i32
      scf.yield %add3A_309, %select_n3A_302, %select_n3A_305 : i32, i32, i32
    }
    %scan3A_92 = arith.constant 128 : i32
    %scan3A_93 = arith.constant 0 : i32
    %scan3A_94 = arith.constant 0 : i32
    %scan3A_95 = arith.constant 512 : i32
    %scan3A_96 = arith.addi %scan3A_94, %scan3A_95 : i32
    %scan3A_97 = arith.constant 1 : i32
    scf.for %scan3A_134 = %scan3A_94 to %scan3A_96 step %scan3A_97  : i32 {
      %mul3A_135 = arith.constant 4 : i32
      %mul3A_136 = arith.muli %scan3A_134, %mul3A_135 : i32
      %add3A_137 = arith.constant 0 : i32
      %add3A_138 = arith.addi %mul3A_136, %add3A_137 : i32
      %mul3A_139 = arith.constant 16 : i32
      %mul3A_140 = arith.muli %add3A_138, %mul3A_139 : i32
      %swap3A = arith.index_cast %mul3A_140 : i32 to index
      %swap3A_141 = tpu.vector_load %arg7[%swap3A] {strides = array<i32>} : memref<32768xi32, #tpu.memory_space<vmem>>, vector<16xi32>,
      tpu.vector_store %arg7[%swap3A], %broadcast_in_dim3A_2 {strides = array<i32>} : memref<32768xi32, #tpu.memory_space<vmem>>, vector<16xi32>,
      %mul3A_142 = arith.constant 4 : i32
      %mul3A_143 = arith.muli %scan3A_134, %mul3A_142 : i32
      %add3A_144 = arith.constant 1 : i32
      %add3A_145 = arith.addi %mul3A_143, %add3A_144 : i32
      %mul3A_146 = arith.constant 16 : i32
      %mul3A_147 = arith.muli %add3A_145, %mul3A_146 : i32
      %swap3A_148 = arith.index_cast %mul3A_147 : i32 to index
      %swap3A_149 = tpu.vector_load %arg7[%swap3A_148] {strides = array<i32>} : memref<32768xi32, #tpu.memory_space<vmem>>, vector<16xi32>,
      tpu.vector_store %arg7[%swap3A_148], %broadcast_in_dim3A_2 {strides = array<i32>} : memref<32768xi32, #tpu.memory_space<vmem>>, vector<16xi32>,
      %mul3A_150 = arith.constant 4 : i32
      %mul3A_151 = arith.muli %scan3A_134, %mul3A_150 : i32
      %add3A_152 = arith.constant 2 : i32
      %add3A_153 = arith.addi %mul3A_151, %add3A_152 : i32
      %mul3A_154 = arith.constant 16 : i32
      %mul3A_155 = arith.muli %add3A_153, %mul3A_154 : i32
      %swap3A_156 = arith.index_cast %mul3A_155 : i32 to index
      %swap3A_157 = tpu.vector_load %arg7[%swap3A_156] {strides = array<i32>} : memref<32768xi32, #tpu.memory_space<vmem>>, vector<16xi32>,
      tpu.vector_store %arg7[%swap3A_156], %broadcast_in_dim3A_2 {strides = array<i32>} : memref<32768xi32, #tpu.memory_space<vmem>>, vector<16xi32>,
      %mul3A_158 = arith.constant 4 : i32
      %mul3A_159 = arith.muli %scan3A_134, %mul3A_158 : i32
      %add3A_160 = arith.constant 3 : i32
      %add3A_161 = arith.addi %mul3A_159, %add3A_160 : i32
      %mul3A_162 = arith.constant 16 : i32
      %mul3A_163 = arith.muli %add3A_161, %mul3A_162 : i32
      %swap3A_164 = arith.index_cast %mul3A_163 : i32 to index
      %swap3A_165 = tpu.vector_load %arg7[%swap3A_164] {strides = array<i32>} : memref<32768xi32, #tpu.memory_space<vmem>>, vector<16xi32>,
      tpu.vector_store %arg7[%swap3A_164], %broadcast_in_dim3A_2 {strides = array<i32>} : memref<32768xi32, #tpu.memory_space<vmem>>, vector<16xi32>,
    }
    %scan3A_98 = arith.constant 512 : i32
    %scan3A_99 = arith.constant 0 : i32
    %scan3A_100 = arith.constant 0 : i32
    %scan3A_101 = arith.constant 512 : i32
    %scan3A_102 = arith.addi %scan3A_100, %scan3A_101 : i32
    %scan3A_103 = arith.constant 1 : i32
    scf.for %scan3A_134 = %scan3A_100 to %scan3A_102 step %scan3A_103  : i32 {
      %mul3A_135 = arith.constant 4 : i32
      %mul3A_136 = arith.muli %scan3A_134, %mul3A_135 : i32
      %add3A_137 = arith.constant 0 : i32
      %add3A_138 = arith.addi %mul3A_136, %add3A_137 : i32
      %mul3A_139 = arith.constant 16 : i32
      %mul3A_140 = arith.muli %add3A_138, %mul3A_139 : i32
      %get3A = arith.index_cast %mul3A_140 : i32 to index
      %get3A_141 = tpu.vector_load %arg6[%get3A] {strides = array<i32>} : memref<32768xi32, #tpu.memory_space<vmem>>, vector<16xi32>,
      %shift_right_arithmetic3A = arith.constant 10 : i32
      %shift_right_arithmetic3A_142 = vector.broadcast %shift_right_arithmetic3A : i32 to vector<16xi32>
      %shift_right_arithmetic3A_143 = arith.shrsi %get3A_141, %shift_right_arithmetic3A_142 : vector<16xi32>
      %and3A = arith.constant 2047 : i32
      %and3A_144 = vector.broadcast %and3A : i32 to vector<16xi32>
      %and3A_145 = arith.andi %shift_right_arithmetic3A_143, %and3A_144 : vector<16xi32>
      %shift_right_arithmetic3A_146 = arith.constant 21 : i32
      %shift_right_arithmetic3A_147 = vector.broadcast %shift_right_arithmetic3A_146 : i32 to vector<16xi32>
      %shift_right_arithmetic3A_148 = arith.shrsi %get3A_141, %shift_right_arithmetic3A_147 : vector<16xi32>
      %add3A_149 = arith.constant 1024 : i32
      %add3A_150 = vector.broadcast %add3A_149 : i32 to vector<16xi32>
      %add3A_151 = arith.addi %shift_right_arithmetic3A_148, %add3A_150 : vector<16xi32>
      %eq3A = vector.broadcast %scan3A_91#1 : i32 to vector<16xi32>
      %eq3A_152 = arith.cmpi eq, %add3A_151, %eq3A : vector<16xi32>
      %mul3A_153 = arith.constant 2048 : i32
      %mul3A_154 = vector.broadcast %mul3A_153 : i32 to vector<16xi32>
      %mul3A_155 = arith.muli %iota3A, %mul3A_154 : vector<16xi32>
      %add3A_156 = arith.addi %mul3A_155, %and3A_145 : vector<16xi32>
      tpu.vector_store_idx %arg7[%add3A_156], %broadcast_in_dim3A_0 masked %eq3A_152 {add = true} : memref<32768xi32, #tpu.memory_space<vmem>>[vector<16xi32>], vector<16xi32>, vector<16xi1>
      %mul3A_157 = arith.constant 4 : i32
      %mul3A_158 = arith.muli %scan3A_134, %mul3A_157 : i32
      %add3A_159 = arith.constant 1 : i32
      %add3A_160 = arith.addi %mul3A_158, %add3A_159 : i32
      %mul3A_161 = arith.constant 16 : i32
      %mul3A_162 = arith.muli %add3A_160, %mul3A_161 : i32
      %get3A_163 = arith.index_cast %mul3A_162 : i32 to index
      %get3A_164 = tpu.vector_load %arg6[%get3A_163] {strides = array<i32>} : memref<32768xi32, #tpu.memory_space<vmem>>, vector<16xi32>,
      %shift_right_arithmetic3A_165 = arith.constant 10 : i32
      %shift_right_arithmetic3A_166 = vector.broadcast %shift_right_arithmetic3A_165 : i32 to vector<16xi32>
      %shift_right_arithmetic3A_167 = arith.shrsi %get3A_164, %shift_right_arithmetic3A_166 : vector<16xi32>
      %and3A_168 = arith.constant 2047 : i32
      %and3A_169 = vector.broadcast %and3A_168 : i32 to vector<16xi32>
      %and3A_170 = arith.andi %shift_right_arithmetic3A_167, %and3A_169 : vector<16xi32>
      %shift_right_arithmetic3A_171 = arith.constant 21 : i32
      %shift_right_arithmetic3A_172 = vector.broadcast %shift_right_arithmetic3A_171 : i32 to vector<16xi32>
      %shift_right_arithmetic3A_173 = arith.shrsi %get3A_164, %shift_right_arithmetic3A_172 : vector<16xi32>
      %add3A_174 = arith.constant 1024 : i32
      %add3A_175 = vector.broadcast %add3A_174 : i32 to vector<16xi32>
      %add3A_176 = arith.addi %shift_right_arithmetic3A_173, %add3A_175 : vector<16xi32>
      %eq3A_177 = vector.broadcast %scan3A_91#1 : i32 to vector<16xi32>
      %eq3A_178 = arith.cmpi eq, %add3A_176, %eq3A_177 : vector<16xi32>
      %mul3A_179 = arith.constant 2048 : i32
      %mul3A_180 = vector.broadcast %mul3A_179 : i32 to vector<16xi32>
      %mul3A_181 = arith.muli %iota3A, %mul3A_180 : vector<16xi32>
      %add3A_182 = arith.addi %mul3A_181, %and3A_170 : vector<16xi32>
      tpu.vector_store_idx %arg7[%add3A_182], %broadcast_in_dim3A_0 masked %eq3A_178 {add = true} : memref<32768xi32, #tpu.memory_space<vmem>>[vector<16xi32>], vector<16xi32>, vector<16xi1>
      %mul3A_183 = arith.constant 4 : i32
      %mul3A_184 = arith.muli %scan3A_134, %mul3A_183 : i32
      %add3A_185 = arith.constant 2 : i32
      %add3A_186 = arith.addi %mul3A_184, %add3A_185 : i32
      %mul3A_187 = arith.constant 16 : i32
      %mul3A_188 = arith.muli %add3A_186, %mul3A_187 : i32
      %get3A_189 = arith.index_cast %mul3A_188 : i32 to index
      %get3A_190 = tpu.vector_load %arg6[%get3A_189] {strides = array<i32>} : memref<32768xi32, #tpu.memory_space<vmem>>, vector<16xi32>,
      %shift_right_arithmetic3A_191 = arith.constant 10 : i32
      %shift_right_arithmetic3A_192 = vector.broadcast %shift_right_arithmetic3A_191 : i32 to vector<16xi32>
      %shift_right_arithmetic3A_193 = arith.shrsi %get3A_190, %shift_right_arithmetic3A_192 : vector<16xi32>
      %and3A_194 = arith.constant 2047 : i32
      %and3A_195 = vector.broadcast %and3A_194 : i32 to vector<16xi32>
      %and3A_196 = arith.andi %shift_right_arithmetic3A_193, %and3A_195 : vector<16xi32>
      %shift_right_arithmetic3A_197 = arith.constant 21 : i32
      %shift_right_arithmetic3A_198 = vector.broadcast %shift_right_arithmetic3A_197 : i32 to vector<16xi32>
      %shift_right_arithmetic3A_199 = arith.shrsi %get3A_190, %shift_right_arithmetic3A_198 : vector<16xi32>
      %add3A_200 = arith.constant 1024 : i32
      %add3A_201 = vector.broadcast %add3A_200 : i32 to vector<16xi32>
      %add3A_202 = arith.addi %shift_right_arithmetic3A_199, %add3A_201 : vector<16xi32>
      %eq3A_203 = vector.broadcast %scan3A_91#1 : i32 to vector<16xi32>
      %eq3A_204 = arith.cmpi eq, %add3A_202, %eq3A_203 : vector<16xi32>
      %mul3A_205 = arith.constant 2048 : i32
      %mul3A_206 = vector.broadcast %mul3A_205 : i32 to vector<16xi32>
      %mul3A_207 = arith.muli %iota3A, %mul3A_206 : vector<16xi32>
      %add3A_208 = arith.addi %mul3A_207, %and3A_196 : vector<16xi32>
      tpu.vector_store_idx %arg7[%add3A_208], %broadcast_in_dim3A_0 masked %eq3A_204 {add = true} : memref<32768xi32, #tpu.memory_space<vmem>>[vector<16xi32>], vector<16xi32>, vector<16xi1>
      %mul3A_209 = arith.constant 4 : i32
      %mul3A_210 = arith.muli %scan3A_134, %mul3A_209 : i32
      %add3A_211 = arith.constant 3 : i32
      %add3A_212 = arith.addi %mul3A_210, %add3A_211 : i32
      %mul3A_213 = arith.constant 16 : i32
      %mul3A_214 = arith.muli %add3A_212, %mul3A_213 : i32
      %get3A_215 = arith.index_cast %mul3A_214 : i32 to index
      %get3A_216 = tpu.vector_load %arg6[%get3A_215] {strides = array<i32>} : memref<32768xi32, #tpu.memory_space<vmem>>, vector<16xi32>,
      %shift_right_arithmetic3A_217 = arith.constant 10 : i32
      %shift_right_arithmetic3A_218 = vector.broadcast %shift_right_arithmetic3A_217 : i32 to vector<16xi32>
      %shift_right_arithmetic3A_219 = arith.shrsi %get3A_216, %shift_right_arithmetic3A_218 : vector<16xi32>
      %and3A_220 = arith.constant 2047 : i32
      %and3A_221 = vector.broadcast %and3A_220 : i32 to vector<16xi32>
      %and3A_222 = arith.andi %shift_right_arithmetic3A_219, %and3A_221 : vector<16xi32>
      %shift_right_arithmetic3A_223 = arith.constant 21 : i32
      %shift_right_arithmetic3A_224 = vector.broadcast %shift_right_arithmetic3A_223 : i32 to vector<16xi32>
      %shift_right_arithmetic3A_225 = arith.shrsi %get3A_216, %shift_right_arithmetic3A_224 : vector<16xi32>
      %add3A_226 = arith.constant 1024 : i32
      %add3A_227 = vector.broadcast %add3A_226 : i32 to vector<16xi32>
      %add3A_228 = arith.addi %shift_right_arithmetic3A_225, %add3A_227 : vector<16xi32>
      %eq3A_229 = vector.broadcast %scan3A_91#1 : i32 to vector<16xi32>
      %eq3A_230 = arith.cmpi eq, %add3A_228, %eq3A_229 : vector<16xi32>
      %mul3A_231 = arith.constant 2048 : i32
      %mul3A_232 = vector.broadcast %mul3A_231 : i32 to vector<16xi32>
      %mul3A_233 = arith.muli %iota3A, %mul3A_232 : vector<16xi32>
      %add3A_234 = arith.addi %mul3A_233, %and3A_222 : vector<16xi32>
      tpu.vector_store_idx %arg7[%add3A_234], %broadcast_in_dim3A_0 masked %eq3A_230 {add = true} : memref<32768xi32, #tpu.memory_space<vmem>>[vector<16xi32>], vector<16xi32>, vector<16xi1>
    }
    %scan3A_104 = arith.constant 512 : i32
    %sub3A_105 = arith.constant 640 : i32
    %sub3A_106 = arith.subi %sub3A_105, %scan3A_91#2 : i32
    %scan3A_107 = arith.constant 0 : i32
    %scan3A_108 = arith.constant -1 : i32
    %scan3A_109 = arith.constant 0 : i32
    %scan3A_110 = arith.constant 0 : i32
    %scan3A_111 = arith.constant 128 : i32
    %scan3A_112 = arith.addi %scan3A_110, %scan3A_111 : i32
    %scan3A_113 = arith.constant 1 : i32
    %scan3A_114:3 = scf.for %scan3A_134 = %scan3A_110 to %scan3A_112 step %scan3A_113 iter_args(%scan3A_135 = %scan3A_107, %scan3A_136 = %scan3A_108, %scan3A_137 = %scan3A_109) -> (i32, i32, i32)  : i32 {
      %sub3A_138 = arith.constant 127 : i32
      %sub3A_139 = arith.subi %sub3A_138, %scan3A_134 : i32
      %mul3A_140 = arith.constant 16 : i32
      %mul3A_141 = arith.muli %sub3A_139, %mul3A_140 : i32
      %add3A_142 = arith.constant 0 : i32
      %add3A_143 = arith.addi %add3A_142, %mul3A_141 : i32
      %get3A = arith.index_cast %add3A_143 : i32 to index
      %get3A_144 = tpu.vector_load %arg7[%get3A] {strides = array<i32>} : memref<32768xi32, #tpu.memory_space<vmem>>, vector<16xi32>,
      %add3A_145 = arith.addi %broadcast_in_dim3A_2, %get3A_144 : vector<16xi32>
      %mul3A_146 = arith.constant 16 : i32
      %mul3A_147 = arith.muli %sub3A_139, %mul3A_146 : i32
      %add3A_148 = arith.constant 2048 : i32
      %add3A_149 = arith.addi %add3A_148, %mul3A_147 : i32
      %get3A_150 = arith.index_cast %add3A_149 : i32 to index
      %get3A_151 = tpu.vector_load %arg7[%get3A_150] {strides = array<i32>} : memref<32768xi32, #tpu.memory_space<vmem>>, vector<16xi32>,
      %add3A_152 = arith.addi %add3A_145, %get3A_151 : vector<16xi32>
      %mul3A_153 = arith.constant 16 : i32
      %mul3A_154 = arith.muli %sub3A_139, %mul3A_153 : i32
      %add3A_155 = arith.constant 4096 : i32
      %add3A_156 = arith.addi %add3A_155, %mul3A_154 : i32
      %get3A_157 = arith.index_cast %add3A_156 : i32 to index
      %get3A_158 = tpu.vector_load %arg7[%get3A_157] {strides = array<i32>} : memref<32768xi32, #tpu.memory_space<vmem>>, vector<16xi32>,
      %add3A_159 = arith.addi %add3A_152, %get3A_158 : vector<16xi32>
      %mul3A_160 = arith.constant 16 : i32
      %mul3A_161 = arith.muli %sub3A_139, %mul3A_160 : i32
      %add3A_162 = arith.constant 6144 : i32
      %add3A_163 = arith.addi %add3A_162, %mul3A_161 : i32
      %get3A_164 = arith.index_cast %add3A_163 : i32 to index
      %get3A_165 = tpu.vector_load %arg7[%get3A_164] {strides = array<i32>} : memref<32768xi32, #tpu.memory_space<vmem>>, vector<16xi32>,
      %add3A_166 = arith.addi %add3A_159, %get3A_165 : vector<16xi32>
      %mul3A_167 = arith.constant 16 : i32
      %mul3A_168 = arith.muli %sub3A_139, %mul3A_167 : i32
      %add3A_169 = arith.constant 8192 : i32
      %add3A_170 = arith.addi %add3A_169, %mul3A_168 : i32
      %get3A_171 = arith.index_cast %add3A_170 : i32 to index
      %get3A_172 = tpu.vector_load %arg7[%get3A_171] {strides = array<i32>} : memref<32768xi32, #tpu.memory_space<vmem>>, vector<16xi32>,
      %add3A_173 = arith.addi %add3A_166, %get3A_172 : vector<16xi32>
      %mul3A_174 = arith.constant 16 : i32
      %mul3A_175 = arith.muli %sub3A_139, %mul3A_174 : i32
      %add3A_176 = arith.constant 10240 : i32
      %add3A_177 = arith.addi %add3A_176, %mul3A_175 : i32
      %get3A_178 = arith.index_cast %add3A_177 : i32 to index
      %get3A_179 = tpu.vector_load %arg7[%get3A_178] {strides = array<i32>} : memref<32768xi32, #tpu.memory_space<vmem>>, vector<16xi32>,
      %add3A_180 = arith.addi %add3A_173, %get3A_179 : vector<16xi32>
      %mul3A_181 = arith.constant 16 : i32
      %mul3A_182 = arith.muli %sub3A_139, %mul3A_181 : i32
      %add3A_183 = arith.constant 12288 : i32
      %add3A_184 = arith.addi %add3A_183, %mul3A_182 : i32
      %get3A_185 = arith.index_cast %add3A_184 : i32 to index
      %get3A_186 = tpu.vector_load %arg7[%get3A_185] {strides = array<i32>} : memref<32768xi32, #tpu.memory_space<vmem>>, vector<16xi32>,
      %add3A_187 = arith.addi %add3A_180, %get3A_186 : vector<16xi32>
      %mul3A_188 = arith.constant 16 : i32
      %mul3A_189 = arith.muli %sub3A_139, %mul3A_188 : i32
      %add3A_190 = arith.constant 14336 : i32
      %add3A_191 = arith.addi %add3A_190, %mul3A_189 : i32
      %get3A_192 = arith.index_cast %add3A_191 : i32 to index
      %get3A_193 = tpu.vector_load %arg7[%get3A_192] {strides = array<i32>} : memref<32768xi32, #tpu.memory_space<vmem>>, vector<16xi32>,
      %add3A_194 = arith.addi %add3A_187, %get3A_193 : vector<16xi32>
      %mul3A_195 = arith.constant 16 : i32
      %mul3A_196 = arith.muli %sub3A_139, %mul3A_195 : i32
      %add3A_197 = arith.constant 16384 : i32
      %add3A_198 = arith.addi %add3A_197, %mul3A_196 : i32
      %get3A_199 = arith.index_cast %add3A_198 : i32 to index
      %get3A_200 = tpu.vector_load %arg7[%get3A_199] {strides = array<i32>} : memref<32768xi32, #tpu.memory_space<vmem>>, vector<16xi32>,
      %add3A_201 = arith.addi %add3A_194, %get3A_200 : vector<16xi32>
      %mul3A_202 = arith.constant 16 : i32
      %mul3A_203 = arith.muli %sub3A_139, %mul3A_202 : i32
      %add3A_204 = arith.constant 18432 : i32
      %add3A_205 = arith.addi %add3A_204, %mul3A_203 : i32
      %get3A_206 = arith.index_cast %add3A_205 : i32 to index
      %get3A_207 = tpu.vector_load %arg7[%get3A_206] {strides = array<i32>} : memref<32768xi32, #tpu.memory_space<vmem>>, vector<16xi32>,
      %add3A_208 = arith.addi %add3A_201, %get3A_207 : vector<16xi32>
      %mul3A_209 = arith.constant 16 : i32
      %mul3A_210 = arith.muli %sub3A_139, %mul3A_209 : i32
      %add3A_211 = arith.constant 20480 : i32
      %add3A_212 = arith.addi %add3A_211, %mul3A_210 : i32
      %get3A_213 = arith.index_cast %add3A_212 : i32 to index
      %get3A_214 = tpu.vector_load %arg7[%get3A_213] {strides = array<i32>} : memref<32768xi32, #tpu.memory_space<vmem>>, vector<16xi32>,
      %add3A_215 = arith.addi %add3A_208, %get3A_214 : vector<16xi32>
      %mul3A_216 = arith.constant 16 : i32
      %mul3A_217 = arith.muli %sub3A_139, %mul3A_216 : i32
      %add3A_218 = arith.constant 22528 : i32
      %add3A_219 = arith.addi %add3A_218, %mul3A_217 : i32
      %get3A_220 = arith.index_cast %add3A_219 : i32 to index
      %get3A_221 = tpu.vector_load %arg7[%get3A_220] {strides = array<i32>} : memref<32768xi32, #tpu.memory_space<vmem>>, vector<16xi32>,
      %add3A_222 = arith.addi %add3A_215, %get3A_221 : vector<16xi32>
      %mul3A_223 = arith.constant 16 : i32
      %mul3A_224 = arith.muli %sub3A_139, %mul3A_223 : i32
      %add3A_225 = arith.constant 24576 : i32
      %add3A_226 = arith.addi %add3A_225, %mul3A_224 : i32
      %get3A_227 = arith.index_cast %add3A_226 : i32 to index
      %get3A_228 = tpu.vector_load %arg7[%get3A_227] {strides = array<i32>} : memref<32768xi32, #tpu.memory_space<vmem>>, vector<16xi32>,
      %add3A_229 = arith.addi %add3A_222, %get3A_228 : vector<16xi32>
      %mul3A_230 = arith.constant 16 : i32
      %mul3A_231 = arith.muli %sub3A_139, %mul3A_230 : i32
      %add3A_232 = arith.constant 26624 : i32
      %add3A_233 = arith.addi %add3A_232, %mul3A_231 : i32
      %get3A_234 = arith.index_cast %add3A_233 : i32 to index
      %get3A_235 = tpu.vector_load %arg7[%get3A_234] {strides = array<i32>} : memref<32768xi32, #tpu.memory_space<vmem>>, vector<16xi32>,
      %add3A_236 = arith.addi %add3A_229, %get3A_235 : vector<16xi32>
      %mul3A_237 = arith.constant 16 : i32
      %mul3A_238 = arith.muli %sub3A_139, %mul3A_237 : i32
      %add3A_239 = arith.constant 28672 : i32
      %add3A_240 = arith.addi %add3A_239, %mul3A_238 : i32
      %get3A_241 = arith.index_cast %add3A_240 : i32 to index
      %get3A_242 = tpu.vector_load %arg7[%get3A_241] {strides = array<i32>} : memref<32768xi32, #tpu.memory_space<vmem>>, vector<16xi32>,
      %add3A_243 = arith.addi %add3A_236, %get3A_242 : vector<16xi32>
      %mul3A_244 = arith.constant 16 : i32
      %mul3A_245 = arith.muli %sub3A_139, %mul3A_244 : i32
      %add3A_246 = arith.constant 30720 : i32
      %add3A_247 = arith.addi %add3A_246, %mul3A_245 : i32
      %get3A_248 = arith.index_cast %add3A_247 : i32 to index
      %get3A_249 = tpu.vector_load %arg7[%get3A_248] {strides = array<i32>} : memref<32768xi32, #tpu.memory_space<vmem>>, vector<16xi32>,
      %add3A_250 = arith.addi %add3A_243, %get3A_249 : vector<16xi32>
      %rev3A = arith.constant 15 : i32
      %rev3A_251 = vector.broadcast %rev3A : i32 to vector<16xi32>
      %rev3A_252 = tpu.iota {dimensions = array<i32: 0>} : vector<16xi32>
      %rev3A_253 = arith.subi %rev3A_251, %rev3A_252 : vector<16xi32>
      %rev3A_254 = tpu.dynamic_gather %add3A_250[%rev3A_253] in [0] : vector<16xi32>, vector<16xi32> -> vector<16xi32>
      %broadcast_in_dim3A_255 = arith.constant true
      %broadcast_in_dim3A_256 = vector.broadcast %broadcast_in_dim3A_255 : i1 to vector<16xi1>
      %masked_cumsum3A = tpu.scan <sum>, %rev3A_254 masked %broadcast_in_dim3A_256 : vector<16xi32>, vector<16xi1> -> vector<16xi32>
      %rev3A_257 = arith.constant 15 : i32
      %rev3A_258 = vector.broadcast %rev3A_257 : i32 to vector<16xi32>
      %rev3A_259 = tpu.iota {dimensions = array<i32: 0>} : vector<16xi32>
      %rev3A_260 = arith.subi %rev3A_258, %rev3A_259 : vector<16xi32>
      %rev3A_261 = tpu.dynamic_gather %masked_cumsum3A[%rev3A_260] in [0] : vector<16xi32>, vector<16xi32> -> vector<16xi32>
      %add3A_262 = vector.broadcast %scan3A_135 : i32 to vector<16xi32>
      %add3A_263 = arith.addi %add3A_262, %rev3A_261 : vector<16xi32>
      %sub3A_264 = arith.subi %add3A_263, %add3A_250 : vector<16xi32>
      %lt3A = vector.broadcast %sub3A_106 : i32 to vector<16xi32>
      %lt3A_265 = arith.cmpi slt, %sub3A_264, %lt3A : vector<16xi32>
      %add3A_266 = arith.addi %sub3A_264, %add3A_250 : vector<16xi32>
      %ge3A = vector.broadcast %sub3A_106 : i32 to vector<16xi32>
      %ge3A_267 = arith.cmpi sge, %add3A_266, %ge3A : vector<16xi32>
      %and3A = arith.andi %lt3A_265, %ge3A_267 : vector<16xi1>
      %select_n3A = arith.select %and3A, %broadcast_in_dim3A_0, %broadcast_in_dim3A_2 : vector<16xi1>, vector<16xi32>
      %reduce_max3A = arith.constant true
      %reduce_max3A_268 = vector.broadcast %reduce_max3A : i1 to vector<16xi1>
      %reduce_max3A_269 = arith.constant -2147483648 : i32
      %reduce_max3A_270 = vector.broadcast %reduce_max3A_269 : i32 to vector<16xi32>
      %reduce_max3A_271 = arith.xori %select_n3A, %reduce_max3A_270 : vector<16xi32>
      %reduce_max3A_272 = tpu.scan <max>, %reduce_max3A_271 masked %reduce_max3A_268 : vector<16xi32>, vector<16xi1> -> vector<16xi32>
      %reduce_max3A_273 = arith.xori %reduce_max3A_272, %reduce_max3A_270 : vector<16xi32>
      %reduce_max3A_274 = vector.extract %reduce_max3A_273[15] : i32 from vector<16xi32>
      %mul3A_275 = arith.constant 16 : i32
      %mul3A_276 = arith.muli %sub3A_139, %mul3A_275 : i32
      %add3A_277 = vector.broadcast %mul3A_276 : i32 to vector<16xi32>
      %add3A_278 = arith.addi %add3A_277, %iota3A : vector<16xi32>
      %broadcast_in_dim3A_279 = arith.constant -1 : i32
      %broadcast_in_dim3A_280 = vector.broadcast %broadcast_in_dim3A_279 : i32 to vector<16xi32>
      %select_n3A_281 = arith.select %and3A, %add3A_278, %broadcast_in_dim3A_280 : vector<16xi1>, vector<16xi32>
      %reduce_max3A_282 = arith.constant true
      %reduce_max3A_283 = vector.broadcast %reduce_max3A_282 : i1 to vector<16xi1>
      %reduce_max3A_284 = arith.constant -2147483648 : i32
      %reduce_max3A_285 = vector.broadcast %reduce_max3A_284 : i32 to vector<16xi32>
      %reduce_max3A_286 = arith.xori %select_n3A_281, %reduce_max3A_285 : vector<16xi32>
      %reduce_max3A_287 = tpu.scan <max>, %reduce_max3A_286 masked %reduce_max3A_283 : vector<16xi32>, vector<16xi1> -> vector<16xi32>
      %reduce_max3A_288 = arith.xori %reduce_max3A_287, %reduce_max3A_285 : vector<16xi32>
      %reduce_max3A_289 = vector.extract %reduce_max3A_288[15] : i32 from vector<16xi32>
      %broadcast_in_dim3A_290 = arith.constant -1 : i32
      %broadcast_in_dim3A_291 = vector.broadcast %broadcast_in_dim3A_290 : i32 to vector<16xi32>
      %select_n3A_292 = arith.select %and3A, %sub3A_264, %broadcast_in_dim3A_291 : vector<16xi1>, vector<16xi32>
      %reduce_max3A_293 = arith.constant true
      %reduce_max3A_294 = vector.broadcast %reduce_max3A_293 : i1 to vector<16xi1>
      %reduce_max3A_295 = arith.constant -2147483648 : i32
      %reduce_max3A_296 = vector.broadcast %reduce_max3A_295 : i32 to vector<16xi32>
      %reduce_max3A_297 = arith.xori %select_n3A_292, %reduce_max3A_296 : vector<16xi32>
      %reduce_max3A_298 = tpu.scan <max>, %reduce_max3A_297 masked %reduce_max3A_294 : vector<16xi32>, vector<16xi1> -> vector<16xi32>
      %reduce_max3A_299 = arith.xori %reduce_max3A_298, %reduce_max3A_296 : vector<16xi32>
      %reduce_max3A_300 = vector.extract %reduce_max3A_299[15] : i32 from vector<16xi32>
      %gt3A = arith.constant 0 : i32
      %gt3A_301 = arith.cmpi sgt, %reduce_max3A_274, %gt3A : i32
      %select_n3A_302 = arith.select %gt3A_301, %reduce_max3A_289, %scan3A_136 : i32
      %gt3A_303 = arith.constant 0 : i32
      %gt3A_304 = arith.cmpi sgt, %reduce_max3A_274, %gt3A_303 : i32
      %select_n3A_305 = arith.select %gt3A_304, %reduce_max3A_300, %scan3A_137 : i32
      %reduce_sum3A = arith.constant true
      %reduce_sum3A_306 = vector.broadcast %reduce_sum3A : i1 to vector<16xi1>
      %reduce_sum3A_307 = tpu.scan <sum>, %add3A_250 masked %reduce_sum3A_306 : vector<16xi32>, vector<16xi1> -> vector<16xi32>
      %reduce_sum3A_308 = vector.extract %reduce_sum3A_307[15] : i32 from vector<16xi32>
      %add3A_309 = arith.addi %scan3A_135, %reduce_sum3A_308 : i32
      scf.yield %add3A_309, %select_n3A_302, %select_n3A_305 : i32, i32, i32
    }
    %scan3A_115 = arith.constant 128 : i32
    %sub3A_116 = arith.constant 1024 : i32
    %sub3A_117 = arith.subi %scan3A_91#1, %sub3A_116 : i32
    %shift_left3A_118 = arith.constant 11 : i32
    %shift_left3A_119 = arith.shli %sub3A_117, %shift_left3A_118 : i32
    %or3A_120 = arith.ori %shift_left3A_119, %scan3A_114#1 : i32
    %scan3A_121 = arith.constant 0 : i32
    %scan3A_122 = arith.constant 0 : i32
    %scan3A_123 = arith.constant 65 : i32
    %scan3A_124 = arith.addi %scan3A_122, %scan3A_123 : i32
    %scan3A_125 = arith.constant 1 : i32
    scf.for %scan3A_134 = %scan3A_122 to %scan3A_124 step %scan3A_125  : i32 {
      %broadcast_in_dim3A_135 = arith.constant -2147483648 : i32
      %broadcast_in_dim3A_136 = vector.broadcast %broadcast_in_dim3A_135 : i32 to vector<16xi32>
      %mul3A_137 = arith.constant 16 : i32
      %mul3A_138 = arith.muli %scan3A_134, %mul3A_137 : i32
      %swap3A = arith.index_cast %mul3A_138 : i32 to index
      %swap3A_139 = tpu.vector_load %arg8[%swap3A] {strides = array<i32>} : memref<1040xi32, #tpu.memory_space<vmem>>, vector<16xi32>,
      tpu.vector_store %arg8[%swap3A], %broadcast_in_dim3A_136 {strides = array<i32>} : memref<1040xi32, #tpu.memory_space<vmem>>, vector<16xi32>,
      %broadcast_in_dim3A_140 = arith.constant 134217727 : i32
      %broadcast_in_dim3A_141 = vector.broadcast %broadcast_in_dim3A_140 : i32 to vector<16xi32>
      %mul3A_142 = arith.constant 16 : i32
      %mul3A_143 = arith.muli %scan3A_134, %mul3A_142 : i32
      %swap3A_144 = arith.index_cast %mul3A_143 : i32 to index
      %swap3A_145 = tpu.vector_load %arg9[%swap3A_144] {strides = array<i32>} : memref<1040xi32, #tpu.memory_space<vmem>>, vector<16xi32>,
      tpu.vector_store %arg9[%swap3A_144], %broadcast_in_dim3A_141 {strides = array<i32>} : memref<1040xi32, #tpu.memory_space<vmem>>, vector<16xi32>,
    }
    %scan3A_126 = arith.constant 65 : i32
    %scan3A_127 = arith.constant 0 : i32
    %scan3A_128 = arith.constant 0 : i32
    %scan3A_129 = arith.constant 512 : i32
    %scan3A_130 = arith.addi %scan3A_128, %scan3A_129 : i32
    %scan3A_131 = arith.constant 1 : i32
    %scan3A_132 = scf.for %scan3A_134 = %scan3A_128 to %scan3A_130 step %scan3A_131 iter_args(%scan3A_135 = %scan3A_127) -> (i32)  : i32 {
      %mul3A_136 = arith.constant 4 : i32
      %mul3A_137 = arith.muli %scan3A_134, %mul3A_136 : i32
      %add3A_138 = arith.constant 0 : i32
      %add3A_139 = arith.addi %mul3A_137, %add3A_138 : i32
      %mul3A_140 = arith.constant 16 : i32
      %mul3A_141 = arith.muli %add3A_139, %mul3A_140 : i32
      %get3A = arith.index_cast %mul3A_141 : i32 to index
      %get3A_142 = tpu.vector_load %arg6[%get3A] {strides = array<i32>} : memref<32768xi32, #tpu.memory_space<vmem>>, vector<16xi32>,
      %shift_right_arithmetic3A = arith.constant 10 : i32
      %shift_right_arithmetic3A_143 = vector.broadcast %shift_right_arithmetic3A : i32 to vector<16xi32>
      %shift_right_arithmetic3A_144 = arith.shrsi %get3A_142, %shift_right_arithmetic3A_143 : vector<16xi32>
      %ge3A = vector.broadcast %or3A_120 : i32 to vector<16xi32>
      %ge3A_145 = arith.cmpi sge, %shift_right_arithmetic3A_144, %ge3A : vector<16xi32>
      %select_n3A = arith.select %ge3A_145, %broadcast_in_dim3A_0, %broadcast_in_dim3A_2 : vector<16xi1>, vector<16xi32>
      %reduce_sum3A = arith.constant true
      %reduce_sum3A_146 = vector.broadcast %reduce_sum3A : i1 to vector<16xi1>
      %reduce_sum3A_147 = tpu.scan <sum>, %select_n3A masked %reduce_sum3A_146 : vector<16xi32>, vector<16xi1> -> vector<16xi32>
      %reduce_sum3A_148 = vector.extract %reduce_sum3A_147[15] : i32 from vector<16xi32>
      %lt3A = arith.constant 1024 : i32
      %lt3A_149 = arith.cmpi slt, %scan3A_135, %lt3A : i32
      %convert_element_type3A = arith.extui %lt3A_149 : i1 to i32
      %cond3A = arith.constant 0 : i32
      %cond3A_150 = arith.cmpi ne, %convert_element_type3A, %cond3A : i32
      scf.if %cond3A_150 {
        %swap3A = arith.index_cast %scan3A_135 : i32 to index
        %swap3A_224 = tpu.vector_load %arg8[%swap3A] masked %ge3A_145 {strides = array<i32>} : memref<1040xi32, #tpu.memory_space<vmem>>, vector<16xi32>, vector<16xi1>
        tpu.vector_store %arg8[%swap3A], %get3A_142 masked %ge3A_145 {strides = array<i32>} : memref<1040xi32, #tpu.memory_space<vmem>>, vector<16xi32>, vector<16xi1>
        %add3A_225 = vector.broadcast %mul3A_141 : i32 to vector<16xi32>
        %add3A_226 = arith.addi %add3A_225, %iota3A : vector<16xi32>
        %swap3A_227 = arith.index_cast %scan3A_135 : i32 to index
        %swap3A_228 = tpu.vector_load %arg9[%swap3A_227] masked %ge3A_145 {strides = array<i32>} : memref<1040xi32, #tpu.memory_space<vmem>>, vector<16xi32>, vector<16xi1>
        tpu.vector_store %arg9[%swap3A_227], %add3A_226 masked %ge3A_145 {strides = array<i32>} : memref<1040xi32, #tpu.memory_space<vmem>>, vector<16xi32>, vector<16xi1>
      } else {
      }
      %add3A_151 = arith.addi %scan3A_135, %reduce_sum3A_148 : i32
      %mul3A_152 = arith.constant 4 : i32
      %mul3A_153 = arith.muli %scan3A_134, %mul3A_152 : i32
      %add3A_154 = arith.constant 1 : i32
      %add3A_155 = arith.addi %mul3A_153, %add3A_154 : i32
      %mul3A_156 = arith.constant 16 : i32
      %mul3A_157 = arith.muli %add3A_155, %mul3A_156 : i32
      %get3A_158 = arith.index_cast %mul3A_157 : i32 to index
      %get3A_159 = tpu.vector_load %arg6[%get3A_158] {strides = array<i32>} : memref<32768xi32, #tpu.memory_space<vmem>>, vector<16xi32>,
      %shift_right_arithmetic3A_160 = arith.constant 10 : i32
      %shift_right_arithmetic3A_161 = vector.broadcast %shift_right_arithmetic3A_160 : i32 to vector<16xi32>
      %shift_right_arithmetic3A_162 = arith.shrsi %get3A_159, %shift_right_arithmetic3A_161 : vector<16xi32>
      %ge3A_163 = vector.broadcast %or3A_120 : i32 to vector<16xi32>
      %ge3A_164 = arith.cmpi sge, %shift_right_arithmetic3A_162, %ge3A_163 : vector<16xi32>
      %select_n3A_165 = arith.select %ge3A_164, %broadcast_in_dim3A_0, %broadcast_in_dim3A_2 : vector<16xi1>, vector<16xi32>
      %reduce_sum3A_166 = arith.constant true
      %reduce_sum3A_167 = vector.broadcast %reduce_sum3A_166 : i1 to vector<16xi1>
      %reduce_sum3A_168 = tpu.scan <sum>, %select_n3A_165 masked %reduce_sum3A_167 : vector<16xi32>, vector<16xi1> -> vector<16xi32>
      %reduce_sum3A_169 = vector.extract %reduce_sum3A_168[15] : i32 from vector<16xi32>
      %lt3A_170 = arith.constant 1024 : i32
      %lt3A_171 = arith.cmpi slt, %add3A_151, %lt3A_170 : i32
      %convert_element_type3A_172 = arith.extui %lt3A_171 : i1 to i32
      %cond3A_173 = arith.constant 0 : i32
      %cond3A_174 = arith.cmpi ne, %convert_element_type3A_172, %cond3A_173 : i32
      scf.if %cond3A_174 {
        %swap3A = arith.index_cast %add3A_151 : i32 to index
        %swap3A_224 = tpu.vector_load %arg8[%swap3A] masked %ge3A_164 {strides = array<i32>} : memref<1040xi32, #tpu.memory_space<vmem>>, vector<16xi32>, vector<16xi1>
        tpu.vector_store %arg8[%swap3A], %get3A_159 masked %ge3A_164 {strides = array<i32>} : memref<1040xi32, #tpu.memory_space<vmem>>, vector<16xi32>, vector<16xi1>
        %add3A_225 = vector.broadcast %mul3A_157 : i32 to vector<16xi32>
        %add3A_226 = arith.addi %add3A_225, %iota3A : vector<16xi32>
        %swap3A_227 = arith.index_cast %add3A_151 : i32 to index
        %swap3A_228 = tpu.vector_load %arg9[%swap3A_227] masked %ge3A_164 {strides = array<i32>} : memref<1040xi32, #tpu.memory_space<vmem>>, vector<16xi32>, vector<16xi1>
        tpu.vector_store %arg9[%swap3A_227], %add3A_226 masked %ge3A_164 {strides = array<i32>} : memref<1040xi32, #tpu.memory_space<vmem>>, vector<16xi32>, vector<16xi1>
      } else {
      }
      %add3A_175 = arith.addi %add3A_151, %reduce_sum3A_169 : i32
      %mul3A_176 = arith.constant 4 : i32
      %mul3A_177 = arith.muli %scan3A_134, %mul3A_176 : i32
      %add3A_178 = arith.constant 2 : i32
      %add3A_179 = arith.addi %mul3A_177, %add3A_178 : i32
      %mul3A_180 = arith.constant 16 : i32
      %mul3A_181 = arith.muli %add3A_179, %mul3A_180 : i32
      %get3A_182 = arith.index_cast %mul3A_181 : i32 to index
      %get3A_183 = tpu.vector_load %arg6[%get3A_182] {strides = array<i32>} : memref<32768xi32, #tpu.memory_space<vmem>>, vector<16xi32>,
      %shift_right_arithmetic3A_184 = arith.constant 10 : i32
      %shift_right_arithmetic3A_185 = vector.broadcast %shift_right_arithmetic3A_184 : i32 to vector<16xi32>
      %shift_right_arithmetic3A_186 = arith.shrsi %get3A_183, %shift_right_arithmetic3A_185 : vector<16xi32>
      %ge3A_187 = vector.broadcast %or3A_120 : i32 to vector<16xi32>
      %ge3A_188 = arith.cmpi sge, %shift_right_arithmetic3A_186, %ge3A_187 : vector<16xi32>
      %select_n3A_189 = arith.select %ge3A_188, %broadcast_in_dim3A_0, %broadcast_in_dim3A_2 : vector<16xi1>, vector<16xi32>
      %reduce_sum3A_190 = arith.constant true
      %reduce_sum3A_191 = vector.broadcast %reduce_sum3A_190 : i1 to vector<16xi1>
      %reduce_sum3A_192 = tpu.scan <sum>, %select_n3A_189 masked %reduce_sum3A_191 : vector<16xi32>, vector<16xi1> -> vector<16xi32>
      %reduce_sum3A_193 = vector.extract %reduce_sum3A_192[15] : i32 from vector<16xi32>
      %lt3A_194 = arith.constant 1024 : i32
      %lt3A_195 = arith.cmpi slt, %add3A_175, %lt3A_194 : i32
      %convert_element_type3A_196 = arith.extui %lt3A_195 : i1 to i32
      %cond3A_197 = arith.constant 0 : i32
      %cond3A_198 = arith.cmpi ne, %convert_element_type3A_196, %cond3A_197 : i32
      scf.if %cond3A_198 {
        %swap3A = arith.index_cast %add3A_175 : i32 to index
        %swap3A_224 = tpu.vector_load %arg8[%swap3A] masked %ge3A_188 {strides = array<i32>} : memref<1040xi32, #tpu.memory_space<vmem>>, vector<16xi32>, vector<16xi1>
        tpu.vector_store %arg8[%swap3A], %get3A_183 masked %ge3A_188 {strides = array<i32>} : memref<1040xi32, #tpu.memory_space<vmem>>, vector<16xi32>, vector<16xi1>
        %add3A_225 = vector.broadcast %mul3A_181 : i32 to vector<16xi32>
        %add3A_226 = arith.addi %add3A_225, %iota3A : vector<16xi32>
        %swap3A_227 = arith.index_cast %add3A_175 : i32 to index
        %swap3A_228 = tpu.vector_load %arg9[%swap3A_227] masked %ge3A_188 {strides = array<i32>} : memref<1040xi32, #tpu.memory_space<vmem>>, vector<16xi32>, vector<16xi1>
        tpu.vector_store %arg9[%swap3A_227], %add3A_226 masked %ge3A_188 {strides = array<i32>} : memref<1040xi32, #tpu.memory_space<vmem>>, vector<16xi32>, vector<16xi1>
      } else {
      }
      %add3A_199 = arith.addi %add3A_175, %reduce_sum3A_193 : i32
      %mul3A_200 = arith.constant 4 : i32
      %mul3A_201 = arith.muli %scan3A_134, %mul3A_200 : i32
      %add3A_202 = arith.constant 3 : i32
      %add3A_203 = arith.addi %mul3A_201, %add3A_202 : i32
      %mul3A_204 = arith.constant 16 : i32
      %mul3A_205 = arith.muli %add3A_203, %mul3A_204 : i32
      %get3A_206 = arith.index_cast %mul3A_205 : i32 to index
      %get3A_207 = tpu.vector_load %arg6[%get3A_206] {strides = array<i32>} : memref<32768xi32, #tpu.memory_space<vmem>>, vector<16xi32>,
      %shift_right_arithmetic3A_208 = arith.constant 10 : i32
      %shift_right_arithmetic3A_209 = vector.broadcast %shift_right_arithmetic3A_208 : i32 to vector<16xi32>
      %shift_right_arithmetic3A_210 = arith.shrsi %get3A_207, %shift_right_arithmetic3A_209 : vector<16xi32>
      %ge3A_211 = vector.broadcast %or3A_120 : i32 to vector<16xi32>
      %ge3A_212 = arith.cmpi sge, %shift_right_arithmetic3A_210, %ge3A_211 : vector<16xi32>
      %select_n3A_213 = arith.select %ge3A_212, %broadcast_in_dim3A_0, %broadcast_in_dim3A_2 : vector<16xi1>, vector<16xi32>
      %reduce_sum3A_214 = arith.constant true
      %reduce_sum3A_215 = vector.broadcast %reduce_sum3A_214 : i1 to vector<16xi1>
      %reduce_sum3A_216 = tpu.scan <sum>, %select_n3A_213 masked %reduce_sum3A_215 : vector<16xi32>, vector<16xi1> -> vector<16xi32>
      %reduce_sum3A_217 = vector.extract %reduce_sum3A_216[15] : i32 from vector<16xi32>
      %lt3A_218 = arith.constant 1024 : i32
      %lt3A_219 = arith.cmpi slt, %add3A_199, %lt3A_218 : i32
      %convert_element_type3A_220 = arith.extui %lt3A_219 : i1 to i32
      %cond3A_221 = arith.constant 0 : i32
      %cond3A_222 = arith.cmpi ne, %convert_element_type3A_220, %cond3A_221 : i32
      scf.if %cond3A_222 {
        %swap3A = arith.index_cast %add3A_199 : i32 to index
        %swap3A_224 = tpu.vector_load %arg8[%swap3A] masked %ge3A_212 {strides = array<i32>} : memref<1040xi32, #tpu.memory_space<vmem>>, vector<16xi32>, vector<16xi1>
        tpu.vector_store %arg8[%swap3A], %get3A_207 masked %ge3A_212 {strides = array<i32>} : memref<1040xi32, #tpu.memory_space<vmem>>, vector<16xi32>, vector<16xi1>
        %add3A_225 = vector.broadcast %mul3A_205 : i32 to vector<16xi32>
        %add3A_226 = arith.addi %add3A_225, %iota3A : vector<16xi32>
        %swap3A_227 = arith.index_cast %add3A_199 : i32 to index
        %swap3A_228 = tpu.vector_load %arg9[%swap3A_227] masked %ge3A_212 {strides = array<i32>} : memref<1040xi32, #tpu.memory_space<vmem>>, vector<16xi32>, vector<16xi1>
        tpu.vector_store %arg9[%swap3A_227], %add3A_226 masked %ge3A_212 {strides = array<i32>} : memref<1040xi32, #tpu.memory_space<vmem>>, vector<16xi32>, vector<16xi1>
      } else {
      }
      %add3A_223 = arith.addi %add3A_199, %reduce_sum3A_217 : i32
      scf.yield %add3A_223 : i32
    }
    %scan3A_133 = arith.constant 512 : i32
    "tpu.region"() ({
      %run_scoped3A = tpu.sem_alloc : memref<!tpu.dma_semaphore, #tpu.memory_space<semaphore_mem>>
      %dma_start3A = arith.constant 0 : i32
      %dma_start3A_134 = tpu.memref_slice %arg3[%add3A_70, %dma_start3A] : memref<64x1040xi32, #tpu.memory_space<hbm>> -> memref<1x1040xi32, #tpu.memory_space<hbm>>
      %dma_start3A_135 = tpu.memref_squeeze %dma_start3A_134 : memref<1x1040xi32, #tpu.memory_space<hbm>> -> memref<1040xi32, #tpu.memory_space<hbm>>
      %dma_start3A_136 = arith.constant 0 : i32
      %dma_start3A_137 = tpu.memref_slice %arg3[%add3A_70, %dma_start3A_136] : memref<64x1040xi32, #tpu.memory_space<hbm>> -> memref<1x1040xi32, #tpu.memory_space<hbm>>
      %dma_start3A_138 = tpu.memref_squeeze %dma_start3A_137 : memref<1x1040xi32, #tpu.memory_space<hbm>> -> memref<1040xi32, #tpu.memory_space<hbm>>
      tpu.enqueue_dma source(%arg8 : memref<1040xi32, #tpu.memory_space<vmem>>) target(%dma_start3A_138 : memref<1040xi32, #tpu.memory_space<hbm>>) target_semaphore(%run_scoped3A : memref<!tpu.dma_semaphore, #tpu.memory_space<semaphore_mem>>)
      %dma_wait3A = arith.constant 0 : i32
      %dma_wait3A_139 = tpu.memref_slice %arg3[%add3A_70, %dma_wait3A] : memref<64x1040xi32, #tpu.memory_space<hbm>> -> memref<1x1040xi32, #tpu.memory_space<hbm>>
      %dma_wait3A_140 = tpu.memref_squeeze %dma_wait3A_139 : memref<1x1040xi32, #tpu.memory_space<hbm>> -> memref<1040xi32, #tpu.memory_space<hbm>>
      %dma_wait3A_141 = arith.constant 0 : i32
      %dma_wait3A_142 = tpu.memref_slice %arg3[%add3A_70, %dma_wait3A_141] : memref<64x1040xi32, #tpu.memory_space<hbm>> -> memref<1x1040xi32, #tpu.memory_space<hbm>>
      %dma_wait3A_143 = tpu.memref_squeeze %dma_wait3A_142 : memref<1x1040xi32, #tpu.memory_space<hbm>> -> memref<1040xi32, #tpu.memory_space<hbm>>
      tpu.wait_dma2 semaphore(%run_scoped3A : memref<!tpu.dma_semaphore, #tpu.memory_space<semaphore_mem>>) src(%arg8 : memref<1040xi32, #tpu.memory_space<vmem>>) dst(%dma_wait3A_143 : memref<1040xi32, #tpu.memory_space<hbm>>)
      tpu.yield
    }) : () -> ()
    "tpu.region"() ({
      %run_scoped3A = tpu.sem_alloc : memref<!tpu.dma_semaphore, #tpu.memory_space<semaphore_mem>>
      %dma_start3A = arith.constant 0 : i32
      %dma_start3A_134 = tpu.memref_slice %arg4[%add3A_70, %dma_start3A] : memref<64x1040xi32, #tpu.memory_space<hbm>> -> memref<1x1040xi32, #tpu.memory_space<hbm>>
      %dma_start3A_135 = tpu.memref_squeeze %dma_start3A_134 : memref<1x1040xi32, #tpu.memory_space<hbm>> -> memref<1040xi32, #tpu.memory_space<hbm>>
      %dma_start3A_136 = arith.constant 0 : i32
      %dma_start3A_137 = tpu.memref_slice %arg4[%add3A_70, %dma_start3A_136] : memref<64x1040xi32, #tpu.memory_space<hbm>> -> memref<1x1040xi32, #tpu.memory_space<hbm>>
      %dma_start3A_138 = tpu.memref_squeeze %dma_start3A_137 : memref<1x1040xi32, #tpu.memory_space<hbm>> -> memref<1040xi32, #tpu.memory_space<hbm>>
      tpu.enqueue_dma source(%arg9 : memref<1040xi32, #tpu.memory_space<vmem>>) target(%dma_start3A_138 : memref<1040xi32, #tpu.memory_space<hbm>>) target_semaphore(%run_scoped3A : memref<!tpu.dma_semaphore, #tpu.memory_space<semaphore_mem>>)
      %dma_wait3A = arith.constant 0 : i32
      %dma_wait3A_139 = tpu.memref_slice %arg4[%add3A_70, %dma_wait3A] : memref<64x1040xi32, #tpu.memory_space<hbm>> -> memref<1x1040xi32, #tpu.memory_space<hbm>>
      %dma_wait3A_140 = tpu.memref_squeeze %dma_wait3A_139 : memref<1x1040xi32, #tpu.memory_space<hbm>> -> memref<1040xi32, #tpu.memory_space<hbm>>
      %dma_wait3A_141 = arith.constant 0 : i32
      %dma_wait3A_142 = tpu.memref_slice %arg4[%add3A_70, %dma_wait3A_141] : memref<64x1040xi32, #tpu.memory_space<hbm>> -> memref<1x1040xi32, #tpu.memory_space<hbm>>
      %dma_wait3A_143 = tpu.memref_squeeze %dma_wait3A_142 : memref<1x1040xi32, #tpu.memory_space<hbm>> -> memref<1040xi32, #tpu.memory_space<hbm>>
      tpu.wait_dma2 semaphore(%run_scoped3A : memref<!tpu.dma_semaphore, #tpu.memory_space<semaphore_mem>>) src(%arg9 : memref<1040xi32, #tpu.memory_space<vmem>>) dst(%dma_wait3A_143 : memref<1040xi32, #tpu.memory_space<hbm>>)
      tpu.yield
    }) : () -> ()
    return
  }
}

module attributes {stable_mosaic.version = 14 : i64} {
  func.func @_mask_body(%arg0: i32, %arg1: memref<64x4096xf32, #tpu.memory_space<vmem>>, %arg2: memref<64x128xi32, #tpu.memory_space<vmem>>, %arg3: memref<64x128xi32, #tpu.memory_space<vmem>>, %arg4: memref<4096x64xf32, #tpu.memory_space<vmem>>, %arg5: memref<8x128xf32, #tpu.memory_space<vmem>>, %arg6: memref<8x128xf32, #tpu.memory_space<vmem>>) attributes {dimension_semantics = [#tpu.dimension_semantics<arbitrary>], iteration_bounds = array<i64: 8>, scalar_prefetch = 0 : i64, scratch_operands = 1 : i64, tpu.core_type = #tpu.core_type<tc>, window_params = [{transform_indices = @transform_0, window_bounds = array<i64: 64, 4096>}, {pipeline_mode = #tpu.pipeline_mode<synchronous>, transform_indices = @transform_1, window_bounds = array<i64: 64, 128>}, {pipeline_mode = #tpu.pipeline_mode<synchronous>, transform_indices = @transform_2, window_bounds = array<i64: 64, 128>}, {transform_indices = @transform_3, window_bounds = array<i64: 4096, 64>}, {pipeline_mode = #tpu.pipeline_mode<synchronous>, transform_indices = @transform_4, window_bounds = array<i64: 8, 128>}]} {
    %get3A = arith.constant 0 : index
    %get3A_0 = arith.constant 0 : index
    %get3A_1 = vector.load %arg1[%get3A, %get3A_0] : memref<64x4096xf32, #tpu.memory_space<vmem>>, vector<64x4096xf32>
    %bitcast_convert_type3A = tpu.bitcast %get3A_1 : vector<64x4096xf32> -> vector<64x4096xi32>
    %ge3A = arith.constant 0 : i32
    %ge3A_2 = vector.broadcast %ge3A : i32 to vector<64x4096xi32>
    %ge3A_3 = arith.cmpi sge, %bitcast_convert_type3A, %ge3A_2 : vector<64x4096xi32>
    %xor3A = arith.constant 2147483647 : i32
    %xor3A_4 = vector.broadcast %xor3A : i32 to vector<64x4096xi32>
    %xor3A_5 = arith.xori %bitcast_convert_type3A, %xor3A_4 : vector<64x4096xi32>
    %select_n3A = arith.select %ge3A_3, %bitcast_convert_type3A, %xor3A_5 : vector<64x4096xi1>, vector<64x4096xi32>
    %iota3A = tpu.iota {dimensions = array<i32: 1>} : vector<64x4096xi32>
    %mul3A = arith.constant 4096 : i32
    %mul3A_6 = arith.muli %arg0, %mul3A : i32
    %add3A = vector.broadcast %mul3A_6 : i32 to vector<64x4096xi32>
    %add3A_7 = arith.addi %iota3A, %add3A : vector<64x4096xi32>
    %get3A_8 = arith.constant 0 : index
    %get3A_9 = arith.constant 0 : index
    %get3A_10 = vector.load %arg2[%get3A_8, %get3A_9] : memref<64x128xi32, #tpu.memory_space<vmem>>, vector<64x1xi32>
    %get3A_11 = arith.constant 0 : index
    %get3A_12 = arith.constant 0 : index
    %get3A_13 = vector.load %arg3[%get3A_11, %get3A_12] : memref<64x128xi32, #tpu.memory_space<vmem>>, vector<64x1xi32>
    %gt3A = vector.broadcast %get3A_10 : vector<64x1xi32> to vector<64x4096xi32>
    %gt3A_14 = arith.cmpi sgt, %select_n3A, %gt3A : vector<64x4096xi32>
    %eq3A = vector.broadcast %get3A_10 : vector<64x1xi32> to vector<64x4096xi32>
    %eq3A_15 = arith.cmpi eq, %select_n3A, %eq3A : vector<64x4096xi32>
    %le3A = vector.broadcast %get3A_13 : vector<64x1xi32> to vector<64x4096xi32>
    %le3A_16 = arith.cmpi sle, %add3A_7, %le3A : vector<64x4096xi32>
    %and3A = arith.andi %eq3A_15, %le3A_16 : vector<64x4096xi1>
    %or3A = arith.ori %gt3A_14, %and3A : vector<64x4096xi1>
    %jit3A = arith.constant 1.000000e+00 : f32
    %jit3A_17 = arith.constant 0.000000e+00 : f32
    %broadcast_in_dim3A = vector.broadcast %jit3A : f32 to vector<64x4096xf32>
    %broadcast_in_dim3A_18 = vector.broadcast %jit3A_17 : f32 to vector<64x4096xf32>
    %select_n3A_19 = arith.select %or3A, %broadcast_in_dim3A, %broadcast_in_dim3A_18 : vector<64x4096xi1>, vector<64x4096xf32>
    %transpose3A = tpu.transpose %select_n3A_19, [1, 0] : vector<64x4096xf32> -> vector<4096x64xf32>
    %swap3A = arith.constant 0 : index
    %swap3A_20 = arith.constant 0 : index
    %swap3A_21 = vector.load %arg4[%swap3A, %swap3A_20] : memref<4096x64xf32, #tpu.memory_space<vmem>>, vector<4096x64xf32>
    tpu.vector_store %arg4[%swap3A, %swap3A_20], %transpose3A {strides = array<i32>} : memref<4096x64xf32, #tpu.memory_space<vmem>>, vector<4096x64xf32>,
    %eq3A_22 = arith.constant 0 : i32
    %eq3A_23 = arith.cmpi eq, %arg0, %eq3A_22 : i32
    %convert_element_type3A = arith.extui %eq3A_23 : i1 to i32
    %cond3A = arith.constant 0 : i32
    %cond3A_24 = arith.cmpi ne, %convert_element_type3A, %cond3A : i32
    scf.if %cond3A_24 {
      %broadcast_in_dim3A_39 = arith.constant 0.000000e+00 : f32
      %broadcast_in_dim3A_40 = vector.broadcast %broadcast_in_dim3A_39 : f32 to vector<8x128xf32>
      %swap3A_41 = arith.constant 0 : index
      %swap3A_42 = arith.constant 0 : index
      %swap3A_43 = vector.load %arg6[%swap3A_41, %swap3A_42] : memref<8x128xf32, #tpu.memory_space<vmem>>, vector<8x128xf32>
      tpu.vector_store %arg6[%swap3A_41, %swap3A_42], %broadcast_in_dim3A_40 {strides = array<i32>} : memref<8x128xf32, #tpu.memory_space<vmem>>, vector<8x128xf32>,
    } else {
    }
    %get3A_25 = arith.constant 0 : index
    %get3A_26 = arith.constant 0 : index
    %get3A_27 = vector.load %arg6[%get3A_25, %get3A_26] : memref<8x128xf32, #tpu.memory_space<vmem>>, vector<1x64xf32>
    %reduce_sum3A = arith.constant dense<0.000000e+00> : vector<64xf32>
    %reduce_sum3A_28 = vector.multi_reduction <add>, %select_n3A_19, %reduce_sum3A [1] : vector<64x4096xf32> to vector<64xf32>
    %broadcast_in_dim3A_29 = vector.shape_cast %reduce_sum3A_28 : vector<64xf32> to vector<1x64xf32>
    %add3A_30 = arith.addf %get3A_27, %broadcast_in_dim3A_29 : vector<1x64xf32>
    %swap3A_31 = arith.constant 0 : index
    %swap3A_32 = arith.constant 0 : index
    %swap3A_33 = vector.load %arg6[%swap3A_31, %swap3A_32] : memref<8x128xf32, #tpu.memory_space<vmem>>, vector<1x64xf32>
    tpu.vector_store %arg6[%swap3A_31, %swap3A_32], %add3A_30 {strides = array<i32>} : memref<8x128xf32, #tpu.memory_space<vmem>>, vector<1x64xf32>,
    %eq3A_34 = arith.constant 7 : i32
    %eq3A_35 = arith.cmpi eq, %arg0, %eq3A_34 : i32
    %convert_element_type3A_36 = arith.extui %eq3A_35 : i1 to i32
    %cond3A_37 = arith.constant 0 : i32
    %cond3A_38 = arith.cmpi ne, %convert_element_type3A_36, %cond3A_37 : i32
    scf.if %cond3A_38 {
      %get3A_39 = arith.constant 0 : index
      %get3A_40 = arith.constant 0 : index
      %get3A_41 = vector.load %arg6[%get3A_39, %get3A_40] : memref<8x128xf32, #tpu.memory_space<vmem>>, vector<1x64xf32>
      %reduce_sum3A_42 = vector.shape_cast %get3A_41 : vector<1x64xf32> to vector<1x1x64xf32>
      %reduce_sum3A_43 = arith.constant dense<0.000000e+00> : vector<1xf32>
      %reduce_sum3A_44 = vector.multi_reduction <add>, %reduce_sum3A_42, %reduce_sum3A_43 [1, 2] : vector<1x1x64xf32> to vector<1xf32>
      %reduce_sum3A_45 = vector.shape_cast %reduce_sum3A_44 : vector<1xf32> to vector<1x1x1xf32>
      %reduce_sum3A_46 = vector.extract %reduce_sum3A_45[0, 0, 0] : f32 from vector<1x1x1xf32>
      %div3A = arith.constant 6.400000e+01 : f32
      %div3A_47 = arith.divf %reduce_sum3A_46, %div3A : f32
      %div3A_48 = vector.broadcast %div3A_47 : f32 to vector<1x64xf32>
      %div3A_49 = arith.divf %get3A_41, %div3A_48 : vector<1x64xf32>
      %log3A = math.log %div3A_49 : vector<1x64xf32>
      %mul3A_50 = arith.mulf %get3A_41, %log3A : vector<1x64xf32>
      %reduce_sum3A_51 = vector.shape_cast %mul3A_50 : vector<1x64xf32> to vector<1x1x64xf32>
      %reduce_sum3A_52 = arith.constant dense<0.000000e+00> : vector<1xf32>
      %reduce_sum3A_53 = vector.multi_reduction <add>, %reduce_sum3A_51, %reduce_sum3A_52 [1, 2] : vector<1x1x64xf32> to vector<1xf32>
      %reduce_sum3A_54 = vector.shape_cast %reduce_sum3A_53 : vector<1xf32> to vector<1x1x1xf32>
      %reduce_sum3A_55 = vector.extract %reduce_sum3A_54[0, 0, 0] : f32 from vector<1x1x1xf32>
      %div3A_56 = arith.constant 6.400000e+01 : f32
      %div3A_57 = arith.divf %reduce_sum3A_55, %div3A_56 : f32
      %broadcast_in_dim3A_58 = vector.broadcast %div3A_57 : f32 to vector<8x128xf32>
      %swap3A_59 = arith.constant 0 : index
      %swap3A_60 = arith.constant 0 : index
      %swap3A_61 = vector.load %arg5[%swap3A_59, %swap3A_60] : memref<8x128xf32, #tpu.memory_space<vmem>>, vector<8x128xf32>
      tpu.vector_store %arg5[%swap3A_59, %swap3A_60], %broadcast_in_dim3A_58 {strides = array<i32>} : memref<8x128xf32, #tpu.memory_space<vmem>>, vector<8x128xf32>,
    } else {
    }
    return
  }
  func.func @transform_0(%arg0: i32) -> (i32, i32) {
    %c0_i32 = arith.constant 0 : i32
    %c0_i32_0 = arith.constant 0 : i32
    return %c0_i32, %arg0 : i32, i32
  }
  func.func @transform_1(%arg0: i32) -> (i32, i32) {
    %c0_i32 = arith.constant 0 : i32
    %c0_i32_0 = arith.constant 0 : i32
    %c0_i32_1 = arith.constant 0 : i32
    return %c0_i32, %c0_i32_0 : i32, i32
  }
  func.func @transform_2(%arg0: i32) -> (i32, i32) {
    %c0_i32 = arith.constant 0 : i32
    %c0_i32_0 = arith.constant 0 : i32
    %c0_i32_1 = arith.constant 0 : i32
    return %c0_i32, %c0_i32_0 : i32, i32
  }
  func.func @transform_3(%arg0: i32) -> (i32, i32) {
    %c0_i32 = arith.constant 0 : i32
    %c0_i32_0 = arith.constant 0 : i32
    return %arg0, %c0_i32 : i32, i32
  }
  func.func @transform_4(%arg0: i32) -> (i32, i32) {
    %c0_i32 = arith.constant 0 : i32
    %c0_i32_0 = arith.constant 0 : i32
    %c0_i32_1 = arith.constant 0 : i32
    return %c0_i32, %c0_i32_0 : i32, i32
  }
}

module attributes {stable_mosaic.version = 14 : i64} {
  func.func @_matmul_body(%arg0: i32, %arg1: memref<2048x768xf32, #tpu.memory_space<vmem>>, %arg2: memref<64x768xf32, #tpu.memory_space<vmem>>, %arg3: memref<64x2048xf32, #tpu.memory_space<vmem>>) attributes {dimension_semantics = [#tpu.dimension_semantics<arbitrary>], iteration_bounds = array<i64: 16>, scalar_prefetch = 0 : i64, scratch_operands = 0 : i64, tpu.core_type = #tpu.core_type<tc>, window_params = [{transform_indices = @transform_0, window_bounds = array<i64: 2048, 768>}, {pipeline_mode = #tpu.pipeline_mode<synchronous>, transform_indices = @transform_1, window_bounds = array<i64: 64, 768>}, {transform_indices = @transform_2, window_bounds = array<i64: 64, 2048>}]} {
    %get3A = arith.constant 0 : index
    %get3A_0 = arith.constant 0 : index
    %get3A_1 = vector.load %arg2[%get3A, %get3A_0] : memref<64x768xf32, #tpu.memory_space<vmem>>, vector<64x768xf32>
    %get3A_2 = arith.constant 0 : index
    %get3A_3 = arith.constant 0 : index
    %get3A_4 = vector.load %arg1[%get3A_2, %get3A_3] : memref<2048x768xf32, #tpu.memory_space<vmem>>, vector<2048x768xf32>
    %dot_general3A = arith.constant dense<0.000000e+00> : vector<64x2048xf32>
    %dot_general3A_5 = tpu.matmul %get3A_1, %get3A_4, %dot_general3A {dimension_numbers = #tpu.dot_dimension_numbers<[1], [1], [0], [0], [0, 0, 1, 0], [], []>, transpose_lhs_hint = false} : vector<64x768xf32>, vector<2048x768xf32>, vector<64x2048xf32> -> vector<64x2048xf32>
    %swap3A = arith.constant 0 : index
    %swap3A_6 = arith.constant 0 : index
    %swap3A_7 = vector.load %arg3[%swap3A, %swap3A_6] : memref<64x2048xf32, #tpu.memory_space<vmem>>, vector<64x2048xf32>
    tpu.vector_store %arg3[%swap3A, %swap3A_6], %dot_general3A_5 {strides = array<i32>} : memref<64x2048xf32, #tpu.memory_space<vmem>>, vector<64x2048xf32>,
    return
  }
  func.func @transform_0(%arg0: i32) -> (i32, i32) {
    %c0_i32 = arith.constant 0 : i32
    %c0_i32_0 = arith.constant 0 : i32
    return %arg0, %c0_i32 : i32, i32
  }
  func.func @transform_1(%arg0: i32) -> (i32, i32) {
    %c0_i32 = arith.constant 0 : i32
    %c0_i32_0 = arith.constant 0 : i32
    %c0_i32_1 = arith.constant 0 : i32
    return %c0_i32, %c0_i32_0 : i32, i32
  }
  func.func @transform_2(%arg0: i32) -> (i32, i32) {
    %c0_i32 = arith.constant 0 : i32
    %c0_i32_0 = arith.constant 0 : i32
    return %c0_i32, %arg0 : i32, i32
  }
}

module attributes {stable_mosaic.version = 14 : i64} {
  func.func @_sort_body(%arg0: memref<64x1040xi32, #tpu.memory_space<vmem>>, %arg1: memref<64x1040xi32, #tpu.memory_space<vmem>>, %arg2: memref<64x640xi32, #tpu.memory_space<vmem>>, %arg3: memref<64x128xi32, #tpu.memory_space<vmem>>, %arg4: memref<64x128xi32, #tpu.memory_space<vmem>>) attributes {dimension_semantics = [], scalar_prefetch = 0 : i64, scratch_operands = 0 : i64, tpu.core_type = #tpu.core_type<tc>} {
    %get3A = arith.constant 0 : index
    %get3A_0 = arith.constant 0 : index
    %get3A_1 = vector.load %arg0[%get3A, %get3A_0] : memref<64x1040xi32, #tpu.memory_space<vmem>>, vector<64x1024xi32>
    %get3A_2 = arith.constant 0 : index
    %get3A_3 = arith.constant 0 : index
    %get3A_4 = vector.load %arg1[%get3A_2, %get3A_3] : memref<64x1040xi32, #tpu.memory_space<vmem>>, vector<64x1024xi32>
    %iota3A = tpu.iota {dimensions = array<i32: 1>} : vector<64x1024xi32>
    %and3A = arith.constant 2 : i32
    %and3A_5 = vector.broadcast %and3A : i32 to vector<64x1024xi32>
    %and3A_6 = arith.andi %iota3A, %and3A_5 : vector<64x1024xi32>
    %eq3A = arith.constant 0 : i32
    %eq3A_7 = vector.broadcast %eq3A : i32 to vector<64x1024xi32>
    %eq3A_8 = arith.cmpi eq, %and3A_6, %eq3A_7 : vector<64x1024xi32>
    %and3A_9 = arith.constant 1 : i32
    %and3A_10 = vector.broadcast %and3A_9 : i32 to vector<64x1024xi32>
    %and3A_11 = arith.andi %iota3A, %and3A_10 : vector<64x1024xi32>
    %eq3A_12 = arith.constant 0 : i32
    %eq3A_13 = vector.broadcast %eq3A_12 : i32 to vector<64x1024xi32>
    %eq3A_14 = arith.cmpi eq, %and3A_11, %eq3A_13 : vector<64x1024xi32>
    %slice3A = vector.extract_strided_slice %get3A_1 {offsets = [0, 1], sizes = [64, 1023], strides = [1, 1]} : vector<64x1024xi32> to vector<64x1023xi32>
    %slice3A_15 = vector.extract_strided_slice %get3A_1 {offsets = [0, 0], sizes = [64, 1], strides = [1, 1]} : vector<64x1024xi32> to vector<64x1xi32>
    %concatenate3A = tpu.concatenate %slice3A, %slice3A_15 in 1 : vector<64x1023xi32>, vector<64x1xi32> -> vector<64x1024xi32>
    %slice3A_16 = vector.extract_strided_slice %get3A_1 {offsets = [0, 1023], sizes = [64, 1], strides = [1, 1]} : vector<64x1024xi32> to vector<64x1xi32>
    %slice3A_17 = vector.extract_strided_slice %get3A_1 {offsets = [0, 0], sizes = [64, 1023], strides = [1, 1]} : vector<64x1024xi32> to vector<64x1023xi32>
    %concatenate3A_18 = tpu.concatenate %slice3A_16, %slice3A_17 in 1 : vector<64x1xi32>, vector<64x1023xi32> -> vector<64x1024xi32>
    %select_n3A = arith.select %eq3A_14, %concatenate3A, %concatenate3A_18 : vector<64x1024xi1>, vector<64x1024xi32>
    %slice3A_19 = vector.extract_strided_slice %get3A_4 {offsets = [0, 1], sizes = [64, 1023], strides = [1, 1]} : vector<64x1024xi32> to vector<64x1023xi32>
    %slice3A_20 = vector.extract_strided_slice %get3A_4 {offsets = [0, 0], sizes = [64, 1], strides = [1, 1]} : vector<64x1024xi32> to vector<64x1xi32>
    %concatenate3A_21 = tpu.concatenate %slice3A_19, %slice3A_20 in 1 : vector<64x1023xi32>, vector<64x1xi32> -> vector<64x1024xi32>
    %slice3A_22 = vector.extract_strided_slice %get3A_4 {offsets = [0, 1023], sizes = [64, 1], strides = [1, 1]} : vector<64x1024xi32> to vector<64x1xi32>
    %slice3A_23 = vector.extract_strided_slice %get3A_4 {offsets = [0, 0], sizes = [64, 1023], strides = [1, 1]} : vector<64x1024xi32> to vector<64x1023xi32>
    %concatenate3A_24 = tpu.concatenate %slice3A_22, %slice3A_23 in 1 : vector<64x1xi32>, vector<64x1023xi32> -> vector<64x1024xi32>
    %select_n3A_25 = arith.select %eq3A_14, %concatenate3A_21, %concatenate3A_24 : vector<64x1024xi1>, vector<64x1024xi32>
    %gt3A = arith.cmpi sgt, %get3A_1, %select_n3A : vector<64x1024xi32>
    %eq3A_26 = arith.cmpi eq, %get3A_1, %select_n3A : vector<64x1024xi32>
    %lt3A = arith.cmpi slt, %get3A_4, %select_n3A_25 : vector<64x1024xi32>
    %and3A_27 = arith.andi %eq3A_26, %lt3A : vector<64x1024xi1>
    %or3A = arith.ori %gt3A, %and3A_27 : vector<64x1024xi1>
    %eq3A_28 = arith.xori %eq3A_8, %eq3A_14 : vector<64x1024xi1>
    %eq3A_29 = arith.constant dense<true> : vector<64x1024xi1>
    %eq3A_30 = arith.xori %eq3A_28, %eq3A_29 : vector<64x1024xi1>
    %eq3A_31 = arith.xori %eq3A_30, %or3A : vector<64x1024xi1>
    %eq3A_32 = arith.constant dense<true> : vector<64x1024xi1>
    %eq3A_33 = arith.xori %eq3A_31, %eq3A_32 : vector<64x1024xi1>
    %select_n3A_34 = arith.select %eq3A_33, %get3A_1, %select_n3A : vector<64x1024xi1>, vector<64x1024xi32>
    %select_n3A_35 = arith.select %eq3A_33, %get3A_4, %select_n3A_25 : vector<64x1024xi1>, vector<64x1024xi32>
    %and3A_36 = arith.constant 4 : i32
    %and3A_37 = vector.broadcast %and3A_36 : i32 to vector<64x1024xi32>
    %and3A_38 = arith.andi %iota3A, %and3A_37 : vector<64x1024xi32>
    %eq3A_39 = arith.constant 0 : i32
    %eq3A_40 = vector.broadcast %eq3A_39 : i32 to vector<64x1024xi32>
    %eq3A_41 = arith.cmpi eq, %and3A_38, %eq3A_40 : vector<64x1024xi32>
    %and3A_42 = arith.constant 2 : i32
    %and3A_43 = vector.broadcast %and3A_42 : i32 to vector<64x1024xi32>
    %and3A_44 = arith.andi %iota3A, %and3A_43 : vector<64x1024xi32>
    %eq3A_45 = arith.constant 0 : i32
    %eq3A_46 = vector.broadcast %eq3A_45 : i32 to vector<64x1024xi32>
    %eq3A_47 = arith.cmpi eq, %and3A_44, %eq3A_46 : vector<64x1024xi32>
    %slice3A_48 = vector.extract_strided_slice %select_n3A_34 {offsets = [0, 2], sizes = [64, 1022], strides = [1, 1]} : vector<64x1024xi32> to vector<64x1022xi32>
    %slice3A_49 = vector.extract_strided_slice %select_n3A_34 {offsets = [0, 0], sizes = [64, 2], strides = [1, 1]} : vector<64x1024xi32> to vector<64x2xi32>
    %concatenate3A_50 = tpu.concatenate %slice3A_48, %slice3A_49 in 1 : vector<64x1022xi32>, vector<64x2xi32> -> vector<64x1024xi32>
    %slice3A_51 = vector.extract_strided_slice %select_n3A_34 {offsets = [0, 1022], sizes = [64, 2], strides = [1, 1]} : vector<64x1024xi32> to vector<64x2xi32>
    %slice3A_52 = vector.extract_strided_slice %select_n3A_34 {offsets = [0, 0], sizes = [64, 1022], strides = [1, 1]} : vector<64x1024xi32> to vector<64x1022xi32>
    %concatenate3A_53 = tpu.concatenate %slice3A_51, %slice3A_52 in 1 : vector<64x2xi32>, vector<64x1022xi32> -> vector<64x1024xi32>
    %select_n3A_54 = arith.select %eq3A_47, %concatenate3A_50, %concatenate3A_53 : vector<64x1024xi1>, vector<64x1024xi32>
    %slice3A_55 = vector.extract_strided_slice %select_n3A_35 {offsets = [0, 2], sizes = [64, 1022], strides = [1, 1]} : vector<64x1024xi32> to vector<64x1022xi32>
    %slice3A_56 = vector.extract_strided_slice %select_n3A_35 {offsets = [0, 0], sizes = [64, 2], strides = [1, 1]} : vector<64x1024xi32> to vector<64x2xi32>
    %concatenate3A_57 = tpu.concatenate %slice3A_55, %slice3A_56 in 1 : vector<64x1022xi32>, vector<64x2xi32> -> vector<64x1024xi32>
    %slice3A_58 = vector.extract_strided_slice %select_n3A_35 {offsets = [0, 1022], sizes = [64, 2], strides = [1, 1]} : vector<64x1024xi32> to vector<64x2xi32>
    %slice3A_59 = vector.extract_strided_slice %select_n3A_35 {offsets = [0, 0], sizes = [64, 1022], strides = [1, 1]} : vector<64x1024xi32> to vector<64x1022xi32>
    %concatenate3A_60 = tpu.concatenate %slice3A_58, %slice3A_59 in 1 : vector<64x2xi32>, vector<64x1022xi32> -> vector<64x1024xi32>
    %select_n3A_61 = arith.select %eq3A_47, %concatenate3A_57, %concatenate3A_60 : vector<64x1024xi1>, vector<64x1024xi32>
    %gt3A_62 = arith.cmpi sgt, %select_n3A_34, %select_n3A_54 : vector<64x1024xi32>
    %eq3A_63 = arith.cmpi eq, %select_n3A_34, %select_n3A_54 : vector<64x1024xi32>
    %lt3A_64 = arith.cmpi slt, %select_n3A_35, %select_n3A_61 : vector<64x1024xi32>
    %and3A_65 = arith.andi %eq3A_63, %lt3A_64 : vector<64x1024xi1>
    %or3A_66 = arith.ori %gt3A_62, %and3A_65 : vector<64x1024xi1>
    %eq3A_67 = arith.xori %eq3A_41, %eq3A_47 : vector<64x1024xi1>
    %eq3A_68 = arith.constant dense<true> : vector<64x1024xi1>
    %eq3A_69 = arith.xori %eq3A_67, %eq3A_68 : vector<64x1024xi1>
    %eq3A_70 = arith.xori %eq3A_69, %or3A_66 : vector<64x1024xi1>
    %eq3A_71 = arith.constant dense<true> : vector<64x1024xi1>
    %eq3A_72 = arith.xori %eq3A_70, %eq3A_71 : vector<64x1024xi1>
    %select_n3A_73 = arith.select %eq3A_72, %select_n3A_34, %select_n3A_54 : vector<64x1024xi1>, vector<64x1024xi32>
    %select_n3A_74 = arith.select %eq3A_72, %select_n3A_35, %select_n3A_61 : vector<64x1024xi1>, vector<64x1024xi32>
    %and3A_75 = arith.constant 1 : i32
    %and3A_76 = vector.broadcast %and3A_75 : i32 to vector<64x1024xi32>
    %and3A_77 = arith.andi %iota3A, %and3A_76 : vector<64x1024xi32>
    %eq3A_78 = arith.constant 0 : i32
    %eq3A_79 = vector.broadcast %eq3A_78 : i32 to vector<64x1024xi32>
    %eq3A_80 = arith.cmpi eq, %and3A_77, %eq3A_79 : vector<64x1024xi32>
    %slice3A_81 = vector.extract_strided_slice %select_n3A_73 {offsets = [0, 1], sizes = [64, 1023], strides = [1, 1]} : vector<64x1024xi32> to vector<64x1023xi32>
    %slice3A_82 = vector.extract_strided_slice %select_n3A_73 {offsets = [0, 0], sizes = [64, 1], strides = [1, 1]} : vector<64x1024xi32> to vector<64x1xi32>
    %concatenate3A_83 = tpu.concatenate %slice3A_81, %slice3A_82 in 1 : vector<64x1023xi32>, vector<64x1xi32> -> vector<64x1024xi32>
    %slice3A_84 = vector.extract_strided_slice %select_n3A_73 {offsets = [0, 1023], sizes = [64, 1], strides = [1, 1]} : vector<64x1024xi32> to vector<64x1xi32>
    %slice3A_85 = vector.extract_strided_slice %select_n3A_73 {offsets = [0, 0], sizes = [64, 1023], strides = [1, 1]} : vector<64x1024xi32> to vector<64x1023xi32>
    %concatenate3A_86 = tpu.concatenate %slice3A_84, %slice3A_85 in 1 : vector<64x1xi32>, vector<64x1023xi32> -> vector<64x1024xi32>
    %select_n3A_87 = arith.select %eq3A_80, %concatenate3A_83, %concatenate3A_86 : vector<64x1024xi1>, vector<64x1024xi32>
    %slice3A_88 = vector.extract_strided_slice %select_n3A_74 {offsets = [0, 1], sizes = [64, 1023], strides = [1, 1]} : vector<64x1024xi32> to vector<64x1023xi32>
    %slice3A_89 = vector.extract_strided_slice %select_n3A_74 {offsets = [0, 0], sizes = [64, 1], strides = [1, 1]} : vector<64x1024xi32> to vector<64x1xi32>
    %concatenate3A_90 = tpu.concatenate %slice3A_88, %slice3A_89 in 1 : vector<64x1023xi32>, vector<64x1xi32> -> vector<64x1024xi32>
    %slice3A_91 = vector.extract_strided_slice %select_n3A_74 {offsets = [0, 1023], sizes = [64, 1], strides = [1, 1]} : vector<64x1024xi32> to vector<64x1xi32>
    %slice3A_92 = vector.extract_strided_slice %select_n3A_74 {offsets = [0, 0], sizes = [64, 1023], strides = [1, 1]} : vector<64x1024xi32> to vector<64x1023xi32>
    %concatenate3A_93 = tpu.concatenate %slice3A_91, %slice3A_92 in 1 : vector<64x1xi32>, vector<64x1023xi32> -> vector<64x1024xi32>
    %select_n3A_94 = arith.select %eq3A_80, %concatenate3A_90, %concatenate3A_93 : vector<64x1024xi1>, vector<64x1024xi32>
    %gt3A_95 = arith.cmpi sgt, %select_n3A_73, %select_n3A_87 : vector<64x1024xi32>
    %eq3A_96 = arith.cmpi eq, %select_n3A_73, %select_n3A_87 : vector<64x1024xi32>
    %lt3A_97 = arith.cmpi slt, %select_n3A_74, %select_n3A_94 : vector<64x1024xi32>
    %and3A_98 = arith.andi %eq3A_96, %lt3A_97 : vector<64x1024xi1>
    %or3A_99 = arith.ori %gt3A_95, %and3A_98 : vector<64x1024xi1>
    %eq3A_100 = arith.xori %eq3A_41, %eq3A_80 : vector<64x1024xi1>
    %eq3A_101 = arith.constant dense<true> : vector<64x1024xi1>
    %eq3A_102 = arith.xori %eq3A_100, %eq3A_101 : vector<64x1024xi1>
    %eq3A_103 = arith.xori %eq3A_102, %or3A_99 : vector<64x1024xi1>
    %eq3A_104 = arith.constant dense<true> : vector<64x1024xi1>
    %eq3A_105 = arith.xori %eq3A_103, %eq3A_104 : vector<64x1024xi1>
    %select_n3A_106 = arith.select %eq3A_105, %select_n3A_73, %select_n3A_87 : vector<64x1024xi1>, vector<64x1024xi32>
    %select_n3A_107 = arith.select %eq3A_105, %select_n3A_74, %select_n3A_94 : vector<64x1024xi1>, vector<64x1024xi32>
    %and3A_108 = arith.constant 8 : i32
    %and3A_109 = vector.broadcast %and3A_108 : i32 to vector<64x1024xi32>
    %and3A_110 = arith.andi %iota3A, %and3A_109 : vector<64x1024xi32>
    %eq3A_111 = arith.constant 0 : i32
    %eq3A_112 = vector.broadcast %eq3A_111 : i32 to vector<64x1024xi32>
    %eq3A_113 = arith.cmpi eq, %and3A_110, %eq3A_112 : vector<64x1024xi32>
    %and3A_114 = arith.constant 4 : i32
    %and3A_115 = vector.broadcast %and3A_114 : i32 to vector<64x1024xi32>
    %and3A_116 = arith.andi %iota3A, %and3A_115 : vector<64x1024xi32>
    %eq3A_117 = arith.constant 0 : i32
    %eq3A_118 = vector.broadcast %eq3A_117 : i32 to vector<64x1024xi32>
    %eq3A_119 = arith.cmpi eq, %and3A_116, %eq3A_118 : vector<64x1024xi32>
    %slice3A_120 = vector.extract_strided_slice %select_n3A_106 {offsets = [0, 4], sizes = [64, 1020], strides = [1, 1]} : vector<64x1024xi32> to vector<64x1020xi32>
    %slice3A_121 = vector.extract_strided_slice %select_n3A_106 {offsets = [0, 0], sizes = [64, 4], strides = [1, 1]} : vector<64x1024xi32> to vector<64x4xi32>
    %concatenate3A_122 = tpu.concatenate %slice3A_120, %slice3A_121 in 1 : vector<64x1020xi32>, vector<64x4xi32> -> vector<64x1024xi32>
    %slice3A_123 = vector.extract_strided_slice %select_n3A_106 {offsets = [0, 1020], sizes = [64, 4], strides = [1, 1]} : vector<64x1024xi32> to vector<64x4xi32>
    %slice3A_124 = vector.extract_strided_slice %select_n3A_106 {offsets = [0, 0], sizes = [64, 1020], strides = [1, 1]} : vector<64x1024xi32> to vector<64x1020xi32>
    %concatenate3A_125 = tpu.concatenate %slice3A_123, %slice3A_124 in 1 : vector<64x4xi32>, vector<64x1020xi32> -> vector<64x1024xi32>
    %select_n3A_126 = arith.select %eq3A_119, %concatenate3A_122, %concatenate3A_125 : vector<64x1024xi1>, vector<64x1024xi32>
    %slice3A_127 = vector.extract_strided_slice %select_n3A_107 {offsets = [0, 4], sizes = [64, 1020], strides = [1, 1]} : vector<64x1024xi32> to vector<64x1020xi32>
    %slice3A_128 = vector.extract_strided_slice %select_n3A_107 {offsets = [0, 0], sizes = [64, 4], strides = [1, 1]} : vector<64x1024xi32> to vector<64x4xi32>
    %concatenate3A_129 = tpu.concatenate %slice3A_127, %slice3A_128 in 1 : vector<64x1020xi32>, vector<64x4xi32> -> vector<64x1024xi32>
    %slice3A_130 = vector.extract_strided_slice %select_n3A_107 {offsets = [0, 1020], sizes = [64, 4], strides = [1, 1]} : vector<64x1024xi32> to vector<64x4xi32>
    %slice3A_131 = vector.extract_strided_slice %select_n3A_107 {offsets = [0, 0], sizes = [64, 1020], strides = [1, 1]} : vector<64x1024xi32> to vector<64x1020xi32>
    %concatenate3A_132 = tpu.concatenate %slice3A_130, %slice3A_131 in 1 : vector<64x4xi32>, vector<64x1020xi32> -> vector<64x1024xi32>
    %select_n3A_133 = arith.select %eq3A_119, %concatenate3A_129, %concatenate3A_132 : vector<64x1024xi1>, vector<64x1024xi32>
    %gt3A_134 = arith.cmpi sgt, %select_n3A_106, %select_n3A_126 : vector<64x1024xi32>
    %eq3A_135 = arith.cmpi eq, %select_n3A_106, %select_n3A_126 : vector<64x1024xi32>
    %lt3A_136 = arith.cmpi slt, %select_n3A_107, %select_n3A_133 : vector<64x1024xi32>
    %and3A_137 = arith.andi %eq3A_135, %lt3A_136 : vector<64x1024xi1>
    %or3A_138 = arith.ori %gt3A_134, %and3A_137 : vector<64x1024xi1>
    %eq3A_139 = arith.xori %eq3A_113, %eq3A_119 : vector<64x1024xi1>
    %eq3A_140 = arith.constant dense<true> : vector<64x1024xi1>
    %eq3A_141 = arith.xori %eq3A_139, %eq3A_140 : vector<64x1024xi1>
    %eq3A_142 = arith.xori %eq3A_141, %or3A_138 : vector<64x1024xi1>
    %eq3A_143 = arith.constant dense<true> : vector<64x1024xi1>
    %eq3A_144 = arith.xori %eq3A_142, %eq3A_143 : vector<64x1024xi1>
    %select_n3A_145 = arith.select %eq3A_144, %select_n3A_106, %select_n3A_126 : vector<64x1024xi1>, vector<64x1024xi32>
    %select_n3A_146 = arith.select %eq3A_144, %select_n3A_107, %select_n3A_133 : vector<64x1024xi1>, vector<64x1024xi32>
    %and3A_147 = arith.constant 2 : i32
    %and3A_148 = vector.broadcast %and3A_147 : i32 to vector<64x1024xi32>
    %and3A_149 = arith.andi %iota3A, %and3A_148 : vector<64x1024xi32>
    %eq3A_150 = arith.constant 0 : i32
    %eq3A_151 = vector.broadcast %eq3A_150 : i32 to vector<64x1024xi32>
    %eq3A_152 = arith.cmpi eq, %and3A_149, %eq3A_151 : vector<64x1024xi32>
    %slice3A_153 = vector.extract_strided_slice %select_n3A_145 {offsets = [0, 2], sizes = [64, 1022], strides = [1, 1]} : vector<64x1024xi32> to vector<64x1022xi32>
    %slice3A_154 = vector.extract_strided_slice %select_n3A_145 {offsets = [0, 0], sizes = [64, 2], strides = [1, 1]} : vector<64x1024xi32> to vector<64x2xi32>
    %concatenate3A_155 = tpu.concatenate %slice3A_153, %slice3A_154 in 1 : vector<64x1022xi32>, vector<64x2xi32> -> vector<64x1024xi32>
    %slice3A_156 = vector.extract_strided_slice %select_n3A_145 {offsets = [0, 1022], sizes = [64, 2], strides = [1, 1]} : vector<64x1024xi32> to vector<64x2xi32>
    %slice3A_157 = vector.extract_strided_slice %select_n3A_145 {offsets = [0, 0], sizes = [64, 1022], strides = [1, 1]} : vector<64x1024xi32> to vector<64x1022xi32>
    %concatenate3A_158 = tpu.concatenate %slice3A_156, %slice3A_157 in 1 : vector<64x2xi32>, vector<64x1022xi32> -> vector<64x1024xi32>
    %select_n3A_159 = arith.select %eq3A_152, %concatenate3A_155, %concatenate3A_158 : vector<64x1024xi1>, vector<64x1024xi32>
    %slice3A_160 = vector.extract_strided_slice %select_n3A_146 {offsets = [0, 2], sizes = [64, 1022], strides = [1, 1]} : vector<64x1024xi32> to vector<64x1022xi32>
    %slice3A_161 = vector.extract_strided_slice %select_n3A_146 {offsets = [0, 0], sizes = [64, 2], strides = [1, 1]} : vector<64x1024xi32> to vector<64x2xi32>
    %concatenate3A_162 = tpu.concatenate %slice3A_160, %slice3A_161 in 1 : vector<64x1022xi32>, vector<64x2xi32> -> vector<64x1024xi32>
    %slice3A_163 = vector.extract_strided_slice %select_n3A_146 {offsets = [0, 1022], sizes = [64, 2], strides = [1, 1]} : vector<64x1024xi32> to vector<64x2xi32>
    %slice3A_164 = vector.extract_strided_slice %select_n3A_146 {offsets = [0, 0], sizes = [64, 1022], strides = [1, 1]} : vector<64x1024xi32> to vector<64x1022xi32>
    %concatenate3A_165 = tpu.concatenate %slice3A_163, %slice3A_164 in 1 : vector<64x2xi32>, vector<64x1022xi32> -> vector<64x1024xi32>
    %select_n3A_166 = arith.select %eq3A_152, %concatenate3A_162, %concatenate3A_165 : vector<64x1024xi1>, vector<64x1024xi32>
    %gt3A_167 = arith.cmpi sgt, %select_n3A_145, %select_n3A_159 : vector<64x1024xi32>
    %eq3A_168 = arith.cmpi eq, %select_n3A_145, %select_n3A_159 : vector<64x1024xi32>
    %lt3A_169 = arith.cmpi slt, %select_n3A_146, %select_n3A_166 : vector<64x1024xi32>
    %and3A_170 = arith.andi %eq3A_168, %lt3A_169 : vector<64x1024xi1>
    %or3A_171 = arith.ori %gt3A_167, %and3A_170 : vector<64x1024xi1>
    %eq3A_172 = arith.xori %eq3A_113, %eq3A_152 : vector<64x1024xi1>
    %eq3A_173 = arith.constant dense<true> : vector<64x1024xi1>
    %eq3A_174 = arith.xori %eq3A_172, %eq3A_173 : vector<64x1024xi1>
    %eq3A_175 = arith.xori %eq3A_174, %or3A_171 : vector<64x1024xi1>
    %eq3A_176 = arith.constant dense<true> : vector<64x1024xi1>
    %eq3A_177 = arith.xori %eq3A_175, %eq3A_176 : vector<64x1024xi1>
    %select_n3A_178 = arith.select %eq3A_177, %select_n3A_145, %select_n3A_159 : vector<64x1024xi1>, vector<64x1024xi32>
    %select_n3A_179 = arith.select %eq3A_177, %select_n3A_146, %select_n3A_166 : vector<64x1024xi1>, vector<64x1024xi32>
    %and3A_180 = arith.constant 1 : i32
    %and3A_181 = vector.broadcast %and3A_180 : i32 to vector<64x1024xi32>
    %and3A_182 = arith.andi %iota3A, %and3A_181 : vector<64x1024xi32>
    %eq3A_183 = arith.constant 0 : i32
    %eq3A_184 = vector.broadcast %eq3A_183 : i32 to vector<64x1024xi32>
    %eq3A_185 = arith.cmpi eq, %and3A_182, %eq3A_184 : vector<64x1024xi32>
    %slice3A_186 = vector.extract_strided_slice %select_n3A_178 {offsets = [0, 1], sizes = [64, 1023], strides = [1, 1]} : vector<64x1024xi32> to vector<64x1023xi32>
    %slice3A_187 = vector.extract_strided_slice %select_n3A_178 {offsets = [0, 0], sizes = [64, 1], strides = [1, 1]} : vector<64x1024xi32> to vector<64x1xi32>
    %concatenate3A_188 = tpu.concatenate %slice3A_186, %slice3A_187 in 1 : vector<64x1023xi32>, vector<64x1xi32> -> vector<64x1024xi32>
    %slice3A_189 = vector.extract_strided_slice %select_n3A_178 {offsets = [0, 1023], sizes = [64, 1], strides = [1, 1]} : vector<64x1024xi32> to vector<64x1xi32>
    %slice3A_190 = vector.extract_strided_slice %select_n3A_178 {offsets = [0, 0], sizes = [64, 1023], strides = [1, 1]} : vector<64x1024xi32> to vector<64x1023xi32>
    %concatenate3A_191 = tpu.concatenate %slice3A_189, %slice3A_190 in 1 : vector<64x1xi32>, vector<64x1023xi32> -> vector<64x1024xi32>
    %select_n3A_192 = arith.select %eq3A_185, %concatenate3A_188, %concatenate3A_191 : vector<64x1024xi1>, vector<64x1024xi32>
    %slice3A_193 = vector.extract_strided_slice %select_n3A_179 {offsets = [0, 1], sizes = [64, 1023], strides = [1, 1]} : vector<64x1024xi32> to vector<64x1023xi32>
    %slice3A_194 = vector.extract_strided_slice %select_n3A_179 {offsets = [0, 0], sizes = [64, 1], strides = [1, 1]} : vector<64x1024xi32> to vector<64x1xi32>
    %concatenate3A_195 = tpu.concatenate %slice3A_193, %slice3A_194 in 1 : vector<64x1023xi32>, vector<64x1xi32> -> vector<64x1024xi32>
    %slice3A_196 = vector.extract_strided_slice %select_n3A_179 {offsets = [0, 1023], sizes = [64, 1], strides = [1, 1]} : vector<64x1024xi32> to vector<64x1xi32>
    %slice3A_197 = vector.extract_strided_slice %select_n3A_179 {offsets = [0, 0], sizes = [64, 1023], strides = [1, 1]} : vector<64x1024xi32> to vector<64x1023xi32>
    %concatenate3A_198 = tpu.concatenate %slice3A_196, %slice3A_197 in 1 : vector<64x1xi32>, vector<64x1023xi32> -> vector<64x1024xi32>
    %select_n3A_199 = arith.select %eq3A_185, %concatenate3A_195, %concatenate3A_198 : vector<64x1024xi1>, vector<64x1024xi32>
    %gt3A_200 = arith.cmpi sgt, %select_n3A_178, %select_n3A_192 : vector<64x1024xi32>
    %eq3A_201 = arith.cmpi eq, %select_n3A_178, %select_n3A_192 : vector<64x1024xi32>
    %lt3A_202 = arith.cmpi slt, %select_n3A_179, %select_n3A_199 : vector<64x1024xi32>
    %and3A_203 = arith.andi %eq3A_201, %lt3A_202 : vector<64x1024xi1>
    %or3A_204 = arith.ori %gt3A_200, %and3A_203 : vector<64x1024xi1>
    %eq3A_205 = arith.xori %eq3A_113, %eq3A_185 : vector<64x1024xi1>
    %eq3A_206 = arith.constant dense<true> : vector<64x1024xi1>
    %eq3A_207 = arith.xori %eq3A_205, %eq3A_206 : vector<64x1024xi1>
    %eq3A_208 = arith.xori %eq3A_207, %or3A_204 : vector<64x1024xi1>
    %eq3A_209 = arith.constant dense<true> : vector<64x1024xi1>
    %eq3A_210 = arith.xori %eq3A_208, %eq3A_209 : vector<64x1024xi1>
    %select_n3A_211 = arith.select %eq3A_210, %select_n3A_178, %select_n3A_192 : vector<64x1024xi1>, vector<64x1024xi32>
    %select_n3A_212 = arith.select %eq3A_210, %select_n3A_179, %select_n3A_199 : vector<64x1024xi1>, vector<64x1024xi32>
    %and3A_213 = arith.constant 16 : i32
    %and3A_214 = vector.broadcast %and3A_213 : i32 to vector<64x1024xi32>
    %and3A_215 = arith.andi %iota3A, %and3A_214 : vector<64x1024xi32>
    %eq3A_216 = arith.constant 0 : i32
    %eq3A_217 = vector.broadcast %eq3A_216 : i32 to vector<64x1024xi32>
    %eq3A_218 = arith.cmpi eq, %and3A_215, %eq3A_217 : vector<64x1024xi32>
    %and3A_219 = arith.constant 8 : i32
    %and3A_220 = vector.broadcast %and3A_219 : i32 to vector<64x1024xi32>
    %and3A_221 = arith.andi %iota3A, %and3A_220 : vector<64x1024xi32>
    %eq3A_222 = arith.constant 0 : i32
    %eq3A_223 = vector.broadcast %eq3A_222 : i32 to vector<64x1024xi32>
    %eq3A_224 = arith.cmpi eq, %and3A_221, %eq3A_223 : vector<64x1024xi32>
    %slice3A_225 = vector.extract_strided_slice %select_n3A_211 {offsets = [0, 8], sizes = [64, 1016], strides = [1, 1]} : vector<64x1024xi32> to vector<64x1016xi32>
    %slice3A_226 = vector.extract_strided_slice %select_n3A_211 {offsets = [0, 0], sizes = [64, 8], strides = [1, 1]} : vector<64x1024xi32> to vector<64x8xi32>
    %concatenate3A_227 = tpu.concatenate %slice3A_225, %slice3A_226 in 1 : vector<64x1016xi32>, vector<64x8xi32> -> vector<64x1024xi32>
    %slice3A_228 = vector.extract_strided_slice %select_n3A_211 {offsets = [0, 1016], sizes = [64, 8], strides = [1, 1]} : vector<64x1024xi32> to vector<64x8xi32>
    %slice3A_229 = vector.extract_strided_slice %select_n3A_211 {offsets = [0, 0], sizes = [64, 1016], strides = [1, 1]} : vector<64x1024xi32> to vector<64x1016xi32>
    %concatenate3A_230 = tpu.concatenate %slice3A_228, %slice3A_229 in 1 : vector<64x8xi32>, vector<64x1016xi32> -> vector<64x1024xi32>
    %select_n3A_231 = arith.select %eq3A_224, %concatenate3A_227, %concatenate3A_230 : vector<64x1024xi1>, vector<64x1024xi32>
    %slice3A_232 = vector.extract_strided_slice %select_n3A_212 {offsets = [0, 8], sizes = [64, 1016], strides = [1, 1]} : vector<64x1024xi32> to vector<64x1016xi32>
    %slice3A_233 = vector.extract_strided_slice %select_n3A_212 {offsets = [0, 0], sizes = [64, 8], strides = [1, 1]} : vector<64x1024xi32> to vector<64x8xi32>
    %concatenate3A_234 = tpu.concatenate %slice3A_232, %slice3A_233 in 1 : vector<64x1016xi32>, vector<64x8xi32> -> vector<64x1024xi32>
    %slice3A_235 = vector.extract_strided_slice %select_n3A_212 {offsets = [0, 1016], sizes = [64, 8], strides = [1, 1]} : vector<64x1024xi32> to vector<64x8xi32>
    %slice3A_236 = vector.extract_strided_slice %select_n3A_212 {offsets = [0, 0], sizes = [64, 1016], strides = [1, 1]} : vector<64x1024xi32> to vector<64x1016xi32>
    %concatenate3A_237 = tpu.concatenate %slice3A_235, %slice3A_236 in 1 : vector<64x8xi32>, vector<64x1016xi32> -> vector<64x1024xi32>
    %select_n3A_238 = arith.select %eq3A_224, %concatenate3A_234, %concatenate3A_237 : vector<64x1024xi1>, vector<64x1024xi32>
    %gt3A_239 = arith.cmpi sgt, %select_n3A_211, %select_n3A_231 : vector<64x1024xi32>
    %eq3A_240 = arith.cmpi eq, %select_n3A_211, %select_n3A_231 : vector<64x1024xi32>
    %lt3A_241 = arith.cmpi slt, %select_n3A_212, %select_n3A_238 : vector<64x1024xi32>
    %and3A_242 = arith.andi %eq3A_240, %lt3A_241 : vector<64x1024xi1>
    %or3A_243 = arith.ori %gt3A_239, %and3A_242 : vector<64x1024xi1>
    %eq3A_244 = arith.xori %eq3A_218, %eq3A_224 : vector<64x1024xi1>
    %eq3A_245 = arith.constant dense<true> : vector<64x1024xi1>
    %eq3A_246 = arith.xori %eq3A_244, %eq3A_245 : vector<64x1024xi1>
    %eq3A_247 = arith.xori %eq3A_246, %or3A_243 : vector<64x1024xi1>
    %eq3A_248 = arith.constant dense<true> : vector<64x1024xi1>
    %eq3A_249 = arith.xori %eq3A_247, %eq3A_248 : vector<64x1024xi1>
    %select_n3A_250 = arith.select %eq3A_249, %select_n3A_211, %select_n3A_231 : vector<64x1024xi1>, vector<64x1024xi32>
    %select_n3A_251 = arith.select %eq3A_249, %select_n3A_212, %select_n3A_238 : vector<64x1024xi1>, vector<64x1024xi32>
    %and3A_252 = arith.constant 4 : i32
    %and3A_253 = vector.broadcast %and3A_252 : i32 to vector<64x1024xi32>
    %and3A_254 = arith.andi %iota3A, %and3A_253 : vector<64x1024xi32>
    %eq3A_255 = arith.constant 0 : i32
    %eq3A_256 = vector.broadcast %eq3A_255 : i32 to vector<64x1024xi32>
    %eq3A_257 = arith.cmpi eq, %and3A_254, %eq3A_256 : vector<64x1024xi32>
    %slice3A_258 = vector.extract_strided_slice %select_n3A_250 {offsets = [0, 4], sizes = [64, 1020], strides = [1, 1]} : vector<64x1024xi32> to vector<64x1020xi32>
    %slice3A_259 = vector.extract_strided_slice %select_n3A_250 {offsets = [0, 0], sizes = [64, 4], strides = [1, 1]} : vector<64x1024xi32> to vector<64x4xi32>
    %concatenate3A_260 = tpu.concatenate %slice3A_258, %slice3A_259 in 1 : vector<64x1020xi32>, vector<64x4xi32> -> vector<64x1024xi32>
    %slice3A_261 = vector.extract_strided_slice %select_n3A_250 {offsets = [0, 1020], sizes = [64, 4], strides = [1, 1]} : vector<64x1024xi32> to vector<64x4xi32>
    %slice3A_262 = vector.extract_strided_slice %select_n3A_250 {offsets = [0, 0], sizes = [64, 1020], strides = [1, 1]} : vector<64x1024xi32> to vector<64x1020xi32>
    %concatenate3A_263 = tpu.concatenate %slice3A_261, %slice3A_262 in 1 : vector<64x4xi32>, vector<64x1020xi32> -> vector<64x1024xi32>
    %select_n3A_264 = arith.select %eq3A_257, %concatenate3A_260, %concatenate3A_263 : vector<64x1024xi1>, vector<64x1024xi32>
    %slice3A_265 = vector.extract_strided_slice %select_n3A_251 {offsets = [0, 4], sizes = [64, 1020], strides = [1, 1]} : vector<64x1024xi32> to vector<64x1020xi32>
    %slice3A_266 = vector.extract_strided_slice %select_n3A_251 {offsets = [0, 0], sizes = [64, 4], strides = [1, 1]} : vector<64x1024xi32> to vector<64x4xi32>
    %concatenate3A_267 = tpu.concatenate %slice3A_265, %slice3A_266 in 1 : vector<64x1020xi32>, vector<64x4xi32> -> vector<64x1024xi32>
    %slice3A_268 = vector.extract_strided_slice %select_n3A_251 {offsets = [0, 1020], sizes = [64, 4], strides = [1, 1]} : vector<64x1024xi32> to vector<64x4xi32>
    %slice3A_269 = vector.extract_strided_slice %select_n3A_251 {offsets = [0, 0], sizes = [64, 1020], strides = [1, 1]} : vector<64x1024xi32> to vector<64x1020xi32>
    %concatenate3A_270 = tpu.concatenate %slice3A_268, %slice3A_269 in 1 : vector<64x4xi32>, vector<64x1020xi32> -> vector<64x1024xi32>
    %select_n3A_271 = arith.select %eq3A_257, %concatenate3A_267, %concatenate3A_270 : vector<64x1024xi1>, vector<64x1024xi32>
    %gt3A_272 = arith.cmpi sgt, %select_n3A_250, %select_n3A_264 : vector<64x1024xi32>
    %eq3A_273 = arith.cmpi eq, %select_n3A_250, %select_n3A_264 : vector<64x1024xi32>
    %lt3A_274 = arith.cmpi slt, %select_n3A_251, %select_n3A_271 : vector<64x1024xi32>
    %and3A_275 = arith.andi %eq3A_273, %lt3A_274 : vector<64x1024xi1>
    %or3A_276 = arith.ori %gt3A_272, %and3A_275 : vector<64x1024xi1>
    %eq3A_277 = arith.xori %eq3A_218, %eq3A_257 : vector<64x1024xi1>
    %eq3A_278 = arith.constant dense<true> : vector<64x1024xi1>
    %eq3A_279 = arith.xori %eq3A_277, %eq3A_278 : vector<64x1024xi1>
    %eq3A_280 = arith.xori %eq3A_279, %or3A_276 : vector<64x1024xi1>
    %eq3A_281 = arith.constant dense<true> : vector<64x1024xi1>
    %eq3A_282 = arith.xori %eq3A_280, %eq3A_281 : vector<64x1024xi1>
    %select_n3A_283 = arith.select %eq3A_282, %select_n3A_250, %select_n3A_264 : vector<64x1024xi1>, vector<64x1024xi32>
    %select_n3A_284 = arith.select %eq3A_282, %select_n3A_251, %select_n3A_271 : vector<64x1024xi1>, vector<64x1024xi32>
    %and3A_285 = arith.constant 2 : i32
    %and3A_286 = vector.broadcast %and3A_285 : i32 to vector<64x1024xi32>
    %and3A_287 = arith.andi %iota3A, %and3A_286 : vector<64x1024xi32>
    %eq3A_288 = arith.constant 0 : i32
    %eq3A_289 = vector.broadcast %eq3A_288 : i32 to vector<64x1024xi32>
    %eq3A_290 = arith.cmpi eq, %and3A_287, %eq3A_289 : vector<64x1024xi32>
    %slice3A_291 = vector.extract_strided_slice %select_n3A_283 {offsets = [0, 2], sizes = [64, 1022], strides = [1, 1]} : vector<64x1024xi32> to vector<64x1022xi32>
    %slice3A_292 = vector.extract_strided_slice %select_n3A_283 {offsets = [0, 0], sizes = [64, 2], strides = [1, 1]} : vector<64x1024xi32> to vector<64x2xi32>
    %concatenate3A_293 = tpu.concatenate %slice3A_291, %slice3A_292 in 1 : vector<64x1022xi32>, vector<64x2xi32> -> vector<64x1024xi32>
    %slice3A_294 = vector.extract_strided_slice %select_n3A_283 {offsets = [0, 1022], sizes = [64, 2], strides = [1, 1]} : vector<64x1024xi32> to vector<64x2xi32>
    %slice3A_295 = vector.extract_strided_slice %select_n3A_283 {offsets = [0, 0], sizes = [64, 1022], strides = [1, 1]} : vector<64x1024xi32> to vector<64x1022xi32>
    %concatenate3A_296 = tpu.concatenate %slice3A_294, %slice3A_295 in 1 : vector<64x2xi32>, vector<64x1022xi32> -> vector<64x1024xi32>
    %select_n3A_297 = arith.select %eq3A_290, %concatenate3A_293, %concatenate3A_296 : vector<64x1024xi1>, vector<64x1024xi32>
    %slice3A_298 = vector.extract_strided_slice %select_n3A_284 {offsets = [0, 2], sizes = [64, 1022], strides = [1, 1]} : vector<64x1024xi32> to vector<64x1022xi32>
    %slice3A_299 = vector.extract_strided_slice %select_n3A_284 {offsets = [0, 0], sizes = [64, 2], strides = [1, 1]} : vector<64x1024xi32> to vector<64x2xi32>
    %concatenate3A_300 = tpu.concatenate %slice3A_298, %slice3A_299 in 1 : vector<64x1022xi32>, vector<64x2xi32> -> vector<64x1024xi32>
    %slice3A_301 = vector.extract_strided_slice %select_n3A_284 {offsets = [0, 1022], sizes = [64, 2], strides = [1, 1]} : vector<64x1024xi32> to vector<64x2xi32>
    %slice3A_302 = vector.extract_strided_slice %select_n3A_284 {offsets = [0, 0], sizes = [64, 1022], strides = [1, 1]} : vector<64x1024xi32> to vector<64x1022xi32>
    %concatenate3A_303 = tpu.concatenate %slice3A_301, %slice3A_302 in 1 : vector<64x2xi32>, vector<64x1022xi32> -> vector<64x1024xi32>
    %select_n3A_304 = arith.select %eq3A_290, %concatenate3A_300, %concatenate3A_303 : vector<64x1024xi1>, vector<64x1024xi32>
    %gt3A_305 = arith.cmpi sgt, %select_n3A_283, %select_n3A_297 : vector<64x1024xi32>
    %eq3A_306 = arith.cmpi eq, %select_n3A_283, %select_n3A_297 : vector<64x1024xi32>
    %lt3A_307 = arith.cmpi slt, %select_n3A_284, %select_n3A_304 : vector<64x1024xi32>
    %and3A_308 = arith.andi %eq3A_306, %lt3A_307 : vector<64x1024xi1>
    %or3A_309 = arith.ori %gt3A_305, %and3A_308 : vector<64x1024xi1>
    %eq3A_310 = arith.xori %eq3A_218, %eq3A_290 : vector<64x1024xi1>
    %eq3A_311 = arith.constant dense<true> : vector<64x1024xi1>
    %eq3A_312 = arith.xori %eq3A_310, %eq3A_311 : vector<64x1024xi1>
    %eq3A_313 = arith.xori %eq3A_312, %or3A_309 : vector<64x1024xi1>
    %eq3A_314 = arith.constant dense<true> : vector<64x1024xi1>
    %eq3A_315 = arith.xori %eq3A_313, %eq3A_314 : vector<64x1024xi1>
    %select_n3A_316 = arith.select %eq3A_315, %select_n3A_283, %select_n3A_297 : vector<64x1024xi1>, vector<64x1024xi32>
    %select_n3A_317 = arith.select %eq3A_315, %select_n3A_284, %select_n3A_304 : vector<64x1024xi1>, vector<64x1024xi32>
    %and3A_318 = arith.constant 1 : i32
    %and3A_319 = vector.broadcast %and3A_318 : i32 to vector<64x1024xi32>
    %and3A_320 = arith.andi %iota3A, %and3A_319 : vector<64x1024xi32>
    %eq3A_321 = arith.constant 0 : i32
    %eq3A_322 = vector.broadcast %eq3A_321 : i32 to vector<64x1024xi32>
    %eq3A_323 = arith.cmpi eq, %and3A_320, %eq3A_322 : vector<64x1024xi32>
    %slice3A_324 = vector.extract_strided_slice %select_n3A_316 {offsets = [0, 1], sizes = [64, 1023], strides = [1, 1]} : vector<64x1024xi32> to vector<64x1023xi32>
    %slice3A_325 = vector.extract_strided_slice %select_n3A_316 {offsets = [0, 0], sizes = [64, 1], strides = [1, 1]} : vector<64x1024xi32> to vector<64x1xi32>
    %concatenate3A_326 = tpu.concatenate %slice3A_324, %slice3A_325 in 1 : vector<64x1023xi32>, vector<64x1xi32> -> vector<64x1024xi32>
    %slice3A_327 = vector.extract_strided_slice %select_n3A_316 {offsets = [0, 1023], sizes = [64, 1], strides = [1, 1]} : vector<64x1024xi32> to vector<64x1xi32>
    %slice3A_328 = vector.extract_strided_slice %select_n3A_316 {offsets = [0, 0], sizes = [64, 1023], strides = [1, 1]} : vector<64x1024xi32> to vector<64x1023xi32>
    %concatenate3A_329 = tpu.concatenate %slice3A_327, %slice3A_328 in 1 : vector<64x1xi32>, vector<64x1023xi32> -> vector<64x1024xi32>
    %select_n3A_330 = arith.select %eq3A_323, %concatenate3A_326, %concatenate3A_329 : vector<64x1024xi1>, vector<64x1024xi32>
    %slice3A_331 = vector.extract_strided_slice %select_n3A_317 {offsets = [0, 1], sizes = [64, 1023], strides = [1, 1]} : vector<64x1024xi32> to vector<64x1023xi32>
    %slice3A_332 = vector.extract_strided_slice %select_n3A_317 {offsets = [0, 0], sizes = [64, 1], strides = [1, 1]} : vector<64x1024xi32> to vector<64x1xi32>
    %concatenate3A_333 = tpu.concatenate %slice3A_331, %slice3A_332 in 1 : vector<64x1023xi32>, vector<64x1xi32> -> vector<64x1024xi32>
    %slice3A_334 = vector.extract_strided_slice %select_n3A_317 {offsets = [0, 1023], sizes = [64, 1], strides = [1, 1]} : vector<64x1024xi32> to vector<64x1xi32>
    %slice3A_335 = vector.extract_strided_slice %select_n3A_317 {offsets = [0, 0], sizes = [64, 1023], strides = [1, 1]} : vector<64x1024xi32> to vector<64x1023xi32>
    %concatenate3A_336 = tpu.concatenate %slice3A_334, %slice3A_335 in 1 : vector<64x1xi32>, vector<64x1023xi32> -> vector<64x1024xi32>
    %select_n3A_337 = arith.select %eq3A_323, %concatenate3A_333, %concatenate3A_336 : vector<64x1024xi1>, vector<64x1024xi32>
    %gt3A_338 = arith.cmpi sgt, %select_n3A_316, %select_n3A_330 : vector<64x1024xi32>
    %eq3A_339 = arith.cmpi eq, %select_n3A_316, %select_n3A_330 : vector<64x1024xi32>
    %lt3A_340 = arith.cmpi slt, %select_n3A_317, %select_n3A_337 : vector<64x1024xi32>
    %and3A_341 = arith.andi %eq3A_339, %lt3A_340 : vector<64x1024xi1>
    %or3A_342 = arith.ori %gt3A_338, %and3A_341 : vector<64x1024xi1>
    %eq3A_343 = arith.xori %eq3A_218, %eq3A_323 : vector<64x1024xi1>
    %eq3A_344 = arith.constant dense<true> : vector<64x1024xi1>
    %eq3A_345 = arith.xori %eq3A_343, %eq3A_344 : vector<64x1024xi1>
    %eq3A_346 = arith.xori %eq3A_345, %or3A_342 : vector<64x1024xi1>
    %eq3A_347 = arith.constant dense<true> : vector<64x1024xi1>
    %eq3A_348 = arith.xori %eq3A_346, %eq3A_347 : vector<64x1024xi1>
    %select_n3A_349 = arith.select %eq3A_348, %select_n3A_316, %select_n3A_330 : vector<64x1024xi1>, vector<64x1024xi32>
    %select_n3A_350 = arith.select %eq3A_348, %select_n3A_317, %select_n3A_337 : vector<64x1024xi1>, vector<64x1024xi32>
    %and3A_351 = arith.constant 32 : i32
    %and3A_352 = vector.broadcast %and3A_351 : i32 to vector<64x1024xi32>
    %and3A_353 = arith.andi %iota3A, %and3A_352 : vector<64x1024xi32>
    %eq3A_354 = arith.constant 0 : i32
    %eq3A_355 = vector.broadcast %eq3A_354 : i32 to vector<64x1024xi32>
    %eq3A_356 = arith.cmpi eq, %and3A_353, %eq3A_355 : vector<64x1024xi32>
    %and3A_357 = arith.constant 16 : i32
    %and3A_358 = vector.broadcast %and3A_357 : i32 to vector<64x1024xi32>
    %and3A_359 = arith.andi %iota3A, %and3A_358 : vector<64x1024xi32>
    %eq3A_360 = arith.constant 0 : i32
    %eq3A_361 = vector.broadcast %eq3A_360 : i32 to vector<64x1024xi32>
    %eq3A_362 = arith.cmpi eq, %and3A_359, %eq3A_361 : vector<64x1024xi32>
    %slice3A_363 = vector.extract_strided_slice %select_n3A_349 {offsets = [0, 16], sizes = [64, 1008], strides = [1, 1]} : vector<64x1024xi32> to vector<64x1008xi32>
    %slice3A_364 = vector.extract_strided_slice %select_n3A_349 {offsets = [0, 0], sizes = [64, 16], strides = [1, 1]} : vector<64x1024xi32> to vector<64x16xi32>
    %concatenate3A_365 = tpu.concatenate %slice3A_363, %slice3A_364 in 1 : vector<64x1008xi32>, vector<64x16xi32> -> vector<64x1024xi32>
    %slice3A_366 = vector.extract_strided_slice %select_n3A_349 {offsets = [0, 1008], sizes = [64, 16], strides = [1, 1]} : vector<64x1024xi32> to vector<64x16xi32>
    %slice3A_367 = vector.extract_strided_slice %select_n3A_349 {offsets = [0, 0], sizes = [64, 1008], strides = [1, 1]} : vector<64x1024xi32> to vector<64x1008xi32>
    %concatenate3A_368 = tpu.concatenate %slice3A_366, %slice3A_367 in 1 : vector<64x16xi32>, vector<64x1008xi32> -> vector<64x1024xi32>
    %select_n3A_369 = arith.select %eq3A_362, %concatenate3A_365, %concatenate3A_368 : vector<64x1024xi1>, vector<64x1024xi32>
    %slice3A_370 = vector.extract_strided_slice %select_n3A_350 {offsets = [0, 16], sizes = [64, 1008], strides = [1, 1]} : vector<64x1024xi32> to vector<64x1008xi32>
    %slice3A_371 = vector.extract_strided_slice %select_n3A_350 {offsets = [0, 0], sizes = [64, 16], strides = [1, 1]} : vector<64x1024xi32> to vector<64x16xi32>
    %concatenate3A_372 = tpu.concatenate %slice3A_370, %slice3A_371 in 1 : vector<64x1008xi32>, vector<64x16xi32> -> vector<64x1024xi32>
    %slice3A_373 = vector.extract_strided_slice %select_n3A_350 {offsets = [0, 1008], sizes = [64, 16], strides = [1, 1]} : vector<64x1024xi32> to vector<64x16xi32>
    %slice3A_374 = vector.extract_strided_slice %select_n3A_350 {offsets = [0, 0], sizes = [64, 1008], strides = [1, 1]} : vector<64x1024xi32> to vector<64x1008xi32>
    %concatenate3A_375 = tpu.concatenate %slice3A_373, %slice3A_374 in 1 : vector<64x16xi32>, vector<64x1008xi32> -> vector<64x1024xi32>
    %select_n3A_376 = arith.select %eq3A_362, %concatenate3A_372, %concatenate3A_375 : vector<64x1024xi1>, vector<64x1024xi32>
    %gt3A_377 = arith.cmpi sgt, %select_n3A_349, %select_n3A_369 : vector<64x1024xi32>
    %eq3A_378 = arith.cmpi eq, %select_n3A_349, %select_n3A_369 : vector<64x1024xi32>
    %lt3A_379 = arith.cmpi slt, %select_n3A_350, %select_n3A_376 : vector<64x1024xi32>
    %and3A_380 = arith.andi %eq3A_378, %lt3A_379 : vector<64x1024xi1>
    %or3A_381 = arith.ori %gt3A_377, %and3A_380 : vector<64x1024xi1>
    %eq3A_382 = arith.xori %eq3A_356, %eq3A_362 : vector<64x1024xi1>
    %eq3A_383 = arith.constant dense<true> : vector<64x1024xi1>
    %eq3A_384 = arith.xori %eq3A_382, %eq3A_383 : vector<64x1024xi1>
    %eq3A_385 = arith.xori %eq3A_384, %or3A_381 : vector<64x1024xi1>
    %eq3A_386 = arith.constant dense<true> : vector<64x1024xi1>
    %eq3A_387 = arith.xori %eq3A_385, %eq3A_386 : vector<64x1024xi1>
    %select_n3A_388 = arith.select %eq3A_387, %select_n3A_349, %select_n3A_369 : vector<64x1024xi1>, vector<64x1024xi32>
    %select_n3A_389 = arith.select %eq3A_387, %select_n3A_350, %select_n3A_376 : vector<64x1024xi1>, vector<64x1024xi32>
    %and3A_390 = arith.constant 8 : i32
    %and3A_391 = vector.broadcast %and3A_390 : i32 to vector<64x1024xi32>
    %and3A_392 = arith.andi %iota3A, %and3A_391 : vector<64x1024xi32>
    %eq3A_393 = arith.constant 0 : i32
    %eq3A_394 = vector.broadcast %eq3A_393 : i32 to vector<64x1024xi32>
    %eq3A_395 = arith.cmpi eq, %and3A_392, %eq3A_394 : vector<64x1024xi32>
    %slice3A_396 = vector.extract_strided_slice %select_n3A_388 {offsets = [0, 8], sizes = [64, 1016], strides = [1, 1]} : vector<64x1024xi32> to vector<64x1016xi32>
    %slice3A_397 = vector.extract_strided_slice %select_n3A_388 {offsets = [0, 0], sizes = [64, 8], strides = [1, 1]} : vector<64x1024xi32> to vector<64x8xi32>
    %concatenate3A_398 = tpu.concatenate %slice3A_396, %slice3A_397 in 1 : vector<64x1016xi32>, vector<64x8xi32> -> vector<64x1024xi32>
    %slice3A_399 = vector.extract_strided_slice %select_n3A_388 {offsets = [0, 1016], sizes = [64, 8], strides = [1, 1]} : vector<64x1024xi32> to vector<64x8xi32>
    %slice3A_400 = vector.extract_strided_slice %select_n3A_388 {offsets = [0, 0], sizes = [64, 1016], strides = [1, 1]} : vector<64x1024xi32> to vector<64x1016xi32>
    %concatenate3A_401 = tpu.concatenate %slice3A_399, %slice3A_400 in 1 : vector<64x8xi32>, vector<64x1016xi32> -> vector<64x1024xi32>
    %select_n3A_402 = arith.select %eq3A_395, %concatenate3A_398, %concatenate3A_401 : vector<64x1024xi1>, vector<64x1024xi32>
    %slice3A_403 = vector.extract_strided_slice %select_n3A_389 {offsets = [0, 8], sizes = [64, 1016], strides = [1, 1]} : vector<64x1024xi32> to vector<64x1016xi32>
    %slice3A_404 = vector.extract_strided_slice %select_n3A_389 {offsets = [0, 0], sizes = [64, 8], strides = [1, 1]} : vector<64x1024xi32> to vector<64x8xi32>
    %concatenate3A_405 = tpu.concatenate %slice3A_403, %slice3A_404 in 1 : vector<64x1016xi32>, vector<64x8xi32> -> vector<64x1024xi32>
    %slice3A_406 = vector.extract_strided_slice %select_n3A_389 {offsets = [0, 1016], sizes = [64, 8], strides = [1, 1]} : vector<64x1024xi32> to vector<64x8xi32>
    %slice3A_407 = vector.extract_strided_slice %select_n3A_389 {offsets = [0, 0], sizes = [64, 1016], strides = [1, 1]} : vector<64x1024xi32> to vector<64x1016xi32>
    %concatenate3A_408 = tpu.concatenate %slice3A_406, %slice3A_407 in 1 : vector<64x8xi32>, vector<64x1016xi32> -> vector<64x1024xi32>
    %select_n3A_409 = arith.select %eq3A_395, %concatenate3A_405, %concatenate3A_408 : vector<64x1024xi1>, vector<64x1024xi32>
    %gt3A_410 = arith.cmpi sgt, %select_n3A_388, %select_n3A_402 : vector<64x1024xi32>
    %eq3A_411 = arith.cmpi eq, %select_n3A_388, %select_n3A_402 : vector<64x1024xi32>
    %lt3A_412 = arith.cmpi slt, %select_n3A_389, %select_n3A_409 : vector<64x1024xi32>
    %and3A_413 = arith.andi %eq3A_411, %lt3A_412 : vector<64x1024xi1>
    %or3A_414 = arith.ori %gt3A_410, %and3A_413 : vector<64x1024xi1>
    %eq3A_415 = arith.xori %eq3A_356, %eq3A_395 : vector<64x1024xi1>
    %eq3A_416 = arith.constant dense<true> : vector<64x1024xi1>
    %eq3A_417 = arith.xori %eq3A_415, %eq3A_416 : vector<64x1024xi1>
    %eq3A_418 = arith.xori %eq3A_417, %or3A_414 : vector<64x1024xi1>
    %eq3A_419 = arith.constant dense<true> : vector<64x1024xi1>
    %eq3A_420 = arith.xori %eq3A_418, %eq3A_419 : vector<64x1024xi1>
    %select_n3A_421 = arith.select %eq3A_420, %select_n3A_388, %select_n3A_402 : vector<64x1024xi1>, vector<64x1024xi32>
    %select_n3A_422 = arith.select %eq3A_420, %select_n3A_389, %select_n3A_409 : vector<64x1024xi1>, vector<64x1024xi32>
    %and3A_423 = arith.constant 4 : i32
    %and3A_424 = vector.broadcast %and3A_423 : i32 to vector<64x1024xi32>
    %and3A_425 = arith.andi %iota3A, %and3A_424 : vector<64x1024xi32>
    %eq3A_426 = arith.constant 0 : i32
    %eq3A_427 = vector.broadcast %eq3A_426 : i32 to vector<64x1024xi32>
    %eq3A_428 = arith.cmpi eq, %and3A_425, %eq3A_427 : vector<64x1024xi32>
    %slice3A_429 = vector.extract_strided_slice %select_n3A_421 {offsets = [0, 4], sizes = [64, 1020], strides = [1, 1]} : vector<64x1024xi32> to vector<64x1020xi32>
    %slice3A_430 = vector.extract_strided_slice %select_n3A_421 {offsets = [0, 0], sizes = [64, 4], strides = [1, 1]} : vector<64x1024xi32> to vector<64x4xi32>
    %concatenate3A_431 = tpu.concatenate %slice3A_429, %slice3A_430 in 1 : vector<64x1020xi32>, vector<64x4xi32> -> vector<64x1024xi32>
    %slice3A_432 = vector.extract_strided_slice %select_n3A_421 {offsets = [0, 1020], sizes = [64, 4], strides = [1, 1]} : vector<64x1024xi32> to vector<64x4xi32>
    %slice3A_433 = vector.extract_strided_slice %select_n3A_421 {offsets = [0, 0], sizes = [64, 1020], strides = [1, 1]} : vector<64x1024xi32> to vector<64x1020xi32>
    %concatenate3A_434 = tpu.concatenate %slice3A_432, %slice3A_433 in 1 : vector<64x4xi32>, vector<64x1020xi32> -> vector<64x1024xi32>
    %select_n3A_435 = arith.select %eq3A_428, %concatenate3A_431, %concatenate3A_434 : vector<64x1024xi1>, vector<64x1024xi32>
    %slice3A_436 = vector.extract_strided_slice %select_n3A_422 {offsets = [0, 4], sizes = [64, 1020], strides = [1, 1]} : vector<64x1024xi32> to vector<64x1020xi32>
    %slice3A_437 = vector.extract_strided_slice %select_n3A_422 {offsets = [0, 0], sizes = [64, 4], strides = [1, 1]} : vector<64x1024xi32> to vector<64x4xi32>
    %concatenate3A_438 = tpu.concatenate %slice3A_436, %slice3A_437 in 1 : vector<64x1020xi32>, vector<64x4xi32> -> vector<64x1024xi32>
    %slice3A_439 = vector.extract_strided_slice %select_n3A_422 {offsets = [0, 1020], sizes = [64, 4], strides = [1, 1]} : vector<64x1024xi32> to vector<64x4xi32>
    %slice3A_440 = vector.extract_strided_slice %select_n3A_422 {offsets = [0, 0], sizes = [64, 1020], strides = [1, 1]} : vector<64x1024xi32> to vector<64x1020xi32>
    %concatenate3A_441 = tpu.concatenate %slice3A_439, %slice3A_440 in 1 : vector<64x4xi32>, vector<64x1020xi32> -> vector<64x1024xi32>
    %select_n3A_442 = arith.select %eq3A_428, %concatenate3A_438, %concatenate3A_441 : vector<64x1024xi1>, vector<64x1024xi32>
    %gt3A_443 = arith.cmpi sgt, %select_n3A_421, %select_n3A_435 : vector<64x1024xi32>
    %eq3A_444 = arith.cmpi eq, %select_n3A_421, %select_n3A_435 : vector<64x1024xi32>
    %lt3A_445 = arith.cmpi slt, %select_n3A_422, %select_n3A_442 : vector<64x1024xi32>
    %and3A_446 = arith.andi %eq3A_444, %lt3A_445 : vector<64x1024xi1>
    %or3A_447 = arith.ori %gt3A_443, %and3A_446 : vector<64x1024xi1>
    %eq3A_448 = arith.xori %eq3A_356, %eq3A_428 : vector<64x1024xi1>
    %eq3A_449 = arith.constant dense<true> : vector<64x1024xi1>
    %eq3A_450 = arith.xori %eq3A_448, %eq3A_449 : vector<64x1024xi1>
    %eq3A_451 = arith.xori %eq3A_450, %or3A_447 : vector<64x1024xi1>
    %eq3A_452 = arith.constant dense<true> : vector<64x1024xi1>
    %eq3A_453 = arith.xori %eq3A_451, %eq3A_452 : vector<64x1024xi1>
    %select_n3A_454 = arith.select %eq3A_453, %select_n3A_421, %select_n3A_435 : vector<64x1024xi1>, vector<64x1024xi32>
    %select_n3A_455 = arith.select %eq3A_453, %select_n3A_422, %select_n3A_442 : vector<64x1024xi1>, vector<64x1024xi32>
    %and3A_456 = arith.constant 2 : i32
    %and3A_457 = vector.broadcast %and3A_456 : i32 to vector<64x1024xi32>
    %and3A_458 = arith.andi %iota3A, %and3A_457 : vector<64x1024xi32>
    %eq3A_459 = arith.constant 0 : i32
    %eq3A_460 = vector.broadcast %eq3A_459 : i32 to vector<64x1024xi32>
    %eq3A_461 = arith.cmpi eq, %and3A_458, %eq3A_460 : vector<64x1024xi32>
    %slice3A_462 = vector.extract_strided_slice %select_n3A_454 {offsets = [0, 2], sizes = [64, 1022], strides = [1, 1]} : vector<64x1024xi32> to vector<64x1022xi32>
    %slice3A_463 = vector.extract_strided_slice %select_n3A_454 {offsets = [0, 0], sizes = [64, 2], strides = [1, 1]} : vector<64x1024xi32> to vector<64x2xi32>
    %concatenate3A_464 = tpu.concatenate %slice3A_462, %slice3A_463 in 1 : vector<64x1022xi32>, vector<64x2xi32> -> vector<64x1024xi32>
    %slice3A_465 = vector.extract_strided_slice %select_n3A_454 {offsets = [0, 1022], sizes = [64, 2], strides = [1, 1]} : vector<64x1024xi32> to vector<64x2xi32>
    %slice3A_466 = vector.extract_strided_slice %select_n3A_454 {offsets = [0, 0], sizes = [64, 1022], strides = [1, 1]} : vector<64x1024xi32> to vector<64x1022xi32>
    %concatenate3A_467 = tpu.concatenate %slice3A_465, %slice3A_466 in 1 : vector<64x2xi32>, vector<64x1022xi32> -> vector<64x1024xi32>
    %select_n3A_468 = arith.select %eq3A_461, %concatenate3A_464, %concatenate3A_467 : vector<64x1024xi1>, vector<64x1024xi32>
    %slice3A_469 = vector.extract_strided_slice %select_n3A_455 {offsets = [0, 2], sizes = [64, 1022], strides = [1, 1]} : vector<64x1024xi32> to vector<64x1022xi32>
    %slice3A_470 = vector.extract_strided_slice %select_n3A_455 {offsets = [0, 0], sizes = [64, 2], strides = [1, 1]} : vector<64x1024xi32> to vector<64x2xi32>
    %concatenate3A_471 = tpu.concatenate %slice3A_469, %slice3A_470 in 1 : vector<64x1022xi32>, vector<64x2xi32> -> vector<64x1024xi32>
    %slice3A_472 = vector.extract_strided_slice %select_n3A_455 {offsets = [0, 1022], sizes = [64, 2], strides = [1, 1]} : vector<64x1024xi32> to vector<64x2xi32>
    %slice3A_473 = vector.extract_strided_slice %select_n3A_455 {offsets = [0, 0], sizes = [64, 1022], strides = [1, 1]} : vector<64x1024xi32> to vector<64x1022xi32>
    %concatenate3A_474 = tpu.concatenate %slice3A_472, %slice3A_473 in 1 : vector<64x2xi32>, vector<64x1022xi32> -> vector<64x1024xi32>
    %select_n3A_475 = arith.select %eq3A_461, %concatenate3A_471, %concatenate3A_474 : vector<64x1024xi1>, vector<64x1024xi32>
    %gt3A_476 = arith.cmpi sgt, %select_n3A_454, %select_n3A_468 : vector<64x1024xi32>
    %eq3A_477 = arith.cmpi eq, %select_n3A_454, %select_n3A_468 : vector<64x1024xi32>
    %lt3A_478 = arith.cmpi slt, %select_n3A_455, %select_n3A_475 : vector<64x1024xi32>
    %and3A_479 = arith.andi %eq3A_477, %lt3A_478 : vector<64x1024xi1>
    %or3A_480 = arith.ori %gt3A_476, %and3A_479 : vector<64x1024xi1>
    %eq3A_481 = arith.xori %eq3A_356, %eq3A_461 : vector<64x1024xi1>
    %eq3A_482 = arith.constant dense<true> : vector<64x1024xi1>
    %eq3A_483 = arith.xori %eq3A_481, %eq3A_482 : vector<64x1024xi1>
    %eq3A_484 = arith.xori %eq3A_483, %or3A_480 : vector<64x1024xi1>
    %eq3A_485 = arith.constant dense<true> : vector<64x1024xi1>
    %eq3A_486 = arith.xori %eq3A_484, %eq3A_485 : vector<64x1024xi1>
    %select_n3A_487 = arith.select %eq3A_486, %select_n3A_454, %select_n3A_468 : vector<64x1024xi1>, vector<64x1024xi32>
    %select_n3A_488 = arith.select %eq3A_486, %select_n3A_455, %select_n3A_475 : vector<64x1024xi1>, vector<64x1024xi32>
    %and3A_489 = arith.constant 1 : i32
    %and3A_490 = vector.broadcast %and3A_489 : i32 to vector<64x1024xi32>
    %and3A_491 = arith.andi %iota3A, %and3A_490 : vector<64x1024xi32>
    %eq3A_492 = arith.constant 0 : i32
    %eq3A_493 = vector.broadcast %eq3A_492 : i32 to vector<64x1024xi32>
    %eq3A_494 = arith.cmpi eq, %and3A_491, %eq3A_493 : vector<64x1024xi32>
    %slice3A_495 = vector.extract_strided_slice %select_n3A_487 {offsets = [0, 1], sizes = [64, 1023], strides = [1, 1]} : vector<64x1024xi32> to vector<64x1023xi32>
    %slice3A_496 = vector.extract_strided_slice %select_n3A_487 {offsets = [0, 0], sizes = [64, 1], strides = [1, 1]} : vector<64x1024xi32> to vector<64x1xi32>
    %concatenate3A_497 = tpu.concatenate %slice3A_495, %slice3A_496 in 1 : vector<64x1023xi32>, vector<64x1xi32> -> vector<64x1024xi32>
    %slice3A_498 = vector.extract_strided_slice %select_n3A_487 {offsets = [0, 1023], sizes = [64, 1], strides = [1, 1]} : vector<64x1024xi32> to vector<64x1xi32>
    %slice3A_499 = vector.extract_strided_slice %select_n3A_487 {offsets = [0, 0], sizes = [64, 1023], strides = [1, 1]} : vector<64x1024xi32> to vector<64x1023xi32>
    %concatenate3A_500 = tpu.concatenate %slice3A_498, %slice3A_499 in 1 : vector<64x1xi32>, vector<64x1023xi32> -> vector<64x1024xi32>
    %select_n3A_501 = arith.select %eq3A_494, %concatenate3A_497, %concatenate3A_500 : vector<64x1024xi1>, vector<64x1024xi32>
    %slice3A_502 = vector.extract_strided_slice %select_n3A_488 {offsets = [0, 1], sizes = [64, 1023], strides = [1, 1]} : vector<64x1024xi32> to vector<64x1023xi32>
    %slice3A_503 = vector.extract_strided_slice %select_n3A_488 {offsets = [0, 0], sizes = [64, 1], strides = [1, 1]} : vector<64x1024xi32> to vector<64x1xi32>
    %concatenate3A_504 = tpu.concatenate %slice3A_502, %slice3A_503 in 1 : vector<64x1023xi32>, vector<64x1xi32> -> vector<64x1024xi32>
    %slice3A_505 = vector.extract_strided_slice %select_n3A_488 {offsets = [0, 1023], sizes = [64, 1], strides = [1, 1]} : vector<64x1024xi32> to vector<64x1xi32>
    %slice3A_506 = vector.extract_strided_slice %select_n3A_488 {offsets = [0, 0], sizes = [64, 1023], strides = [1, 1]} : vector<64x1024xi32> to vector<64x1023xi32>
    %concatenate3A_507 = tpu.concatenate %slice3A_505, %slice3A_506 in 1 : vector<64x1xi32>, vector<64x1023xi32> -> vector<64x1024xi32>
    %select_n3A_508 = arith.select %eq3A_494, %concatenate3A_504, %concatenate3A_507 : vector<64x1024xi1>, vector<64x1024xi32>
    %gt3A_509 = arith.cmpi sgt, %select_n3A_487, %select_n3A_501 : vector<64x1024xi32>
    %eq3A_510 = arith.cmpi eq, %select_n3A_487, %select_n3A_501 : vector<64x1024xi32>
    %lt3A_511 = arith.cmpi slt, %select_n3A_488, %select_n3A_508 : vector<64x1024xi32>
    %and3A_512 = arith.andi %eq3A_510, %lt3A_511 : vector<64x1024xi1>
    %or3A_513 = arith.ori %gt3A_509, %and3A_512 : vector<64x1024xi1>
    %eq3A_514 = arith.xori %eq3A_356, %eq3A_494 : vector<64x1024xi1>
    %eq3A_515 = arith.constant dense<true> : vector<64x1024xi1>
    %eq3A_516 = arith.xori %eq3A_514, %eq3A_515 : vector<64x1024xi1>
    %eq3A_517 = arith.xori %eq3A_516, %or3A_513 : vector<64x1024xi1>
    %eq3A_518 = arith.constant dense<true> : vector<64x1024xi1>
    %eq3A_519 = arith.xori %eq3A_517, %eq3A_518 : vector<64x1024xi1>
    %select_n3A_520 = arith.select %eq3A_519, %select_n3A_487, %select_n3A_501 : vector<64x1024xi1>, vector<64x1024xi32>
    %select_n3A_521 = arith.select %eq3A_519, %select_n3A_488, %select_n3A_508 : vector<64x1024xi1>, vector<64x1024xi32>
    %and3A_522 = arith.constant 64 : i32
    %and3A_523 = vector.broadcast %and3A_522 : i32 to vector<64x1024xi32>
    %and3A_524 = arith.andi %iota3A, %and3A_523 : vector<64x1024xi32>
    %eq3A_525 = arith.constant 0 : i32
    %eq3A_526 = vector.broadcast %eq3A_525 : i32 to vector<64x1024xi32>
    %eq3A_527 = arith.cmpi eq, %and3A_524, %eq3A_526 : vector<64x1024xi32>
    %and3A_528 = arith.constant 32 : i32
    %and3A_529 = vector.broadcast %and3A_528 : i32 to vector<64x1024xi32>
    %and3A_530 = arith.andi %iota3A, %and3A_529 : vector<64x1024xi32>
    %eq3A_531 = arith.constant 0 : i32
    %eq3A_532 = vector.broadcast %eq3A_531 : i32 to vector<64x1024xi32>
    %eq3A_533 = arith.cmpi eq, %and3A_530, %eq3A_532 : vector<64x1024xi32>
    %slice3A_534 = vector.extract_strided_slice %select_n3A_520 {offsets = [0, 32], sizes = [64, 992], strides = [1, 1]} : vector<64x1024xi32> to vector<64x992xi32>
    %slice3A_535 = vector.extract_strided_slice %select_n3A_520 {offsets = [0, 0], sizes = [64, 32], strides = [1, 1]} : vector<64x1024xi32> to vector<64x32xi32>
    %concatenate3A_536 = tpu.concatenate %slice3A_534, %slice3A_535 in 1 : vector<64x992xi32>, vector<64x32xi32> -> vector<64x1024xi32>
    %slice3A_537 = vector.extract_strided_slice %select_n3A_520 {offsets = [0, 992], sizes = [64, 32], strides = [1, 1]} : vector<64x1024xi32> to vector<64x32xi32>
    %slice3A_538 = vector.extract_strided_slice %select_n3A_520 {offsets = [0, 0], sizes = [64, 992], strides = [1, 1]} : vector<64x1024xi32> to vector<64x992xi32>
    %concatenate3A_539 = tpu.concatenate %slice3A_537, %slice3A_538 in 1 : vector<64x32xi32>, vector<64x992xi32> -> vector<64x1024xi32>
    %select_n3A_540 = arith.select %eq3A_533, %concatenate3A_536, %concatenate3A_539 : vector<64x1024xi1>, vector<64x1024xi32>
    %slice3A_541 = vector.extract_strided_slice %select_n3A_521 {offsets = [0, 32], sizes = [64, 992], strides = [1, 1]} : vector<64x1024xi32> to vector<64x992xi32>
    %slice3A_542 = vector.extract_strided_slice %select_n3A_521 {offsets = [0, 0], sizes = [64, 32], strides = [1, 1]} : vector<64x1024xi32> to vector<64x32xi32>
    %concatenate3A_543 = tpu.concatenate %slice3A_541, %slice3A_542 in 1 : vector<64x992xi32>, vector<64x32xi32> -> vector<64x1024xi32>
    %slice3A_544 = vector.extract_strided_slice %select_n3A_521 {offsets = [0, 992], sizes = [64, 32], strides = [1, 1]} : vector<64x1024xi32> to vector<64x32xi32>
    %slice3A_545 = vector.extract_strided_slice %select_n3A_521 {offsets = [0, 0], sizes = [64, 992], strides = [1, 1]} : vector<64x1024xi32> to vector<64x992xi32>
    %concatenate3A_546 = tpu.concatenate %slice3A_544, %slice3A_545 in 1 : vector<64x32xi32>, vector<64x992xi32> -> vector<64x1024xi32>
    %select_n3A_547 = arith.select %eq3A_533, %concatenate3A_543, %concatenate3A_546 : vector<64x1024xi1>, vector<64x1024xi32>
    %gt3A_548 = arith.cmpi sgt, %select_n3A_520, %select_n3A_540 : vector<64x1024xi32>
    %eq3A_549 = arith.cmpi eq, %select_n3A_520, %select_n3A_540 : vector<64x1024xi32>
    %lt3A_550 = arith.cmpi slt, %select_n3A_521, %select_n3A_547 : vector<64x1024xi32>
    %and3A_551 = arith.andi %eq3A_549, %lt3A_550 : vector<64x1024xi1>
    %or3A_552 = arith.ori %gt3A_548, %and3A_551 : vector<64x1024xi1>
    %eq3A_553 = arith.xori %eq3A_527, %eq3A_533 : vector<64x1024xi1>
    %eq3A_554 = arith.constant dense<true> : vector<64x1024xi1>
    %eq3A_555 = arith.xori %eq3A_553, %eq3A_554 : vector<64x1024xi1>
    %eq3A_556 = arith.xori %eq3A_555, %or3A_552 : vector<64x1024xi1>
    %eq3A_557 = arith.constant dense<true> : vector<64x1024xi1>
    %eq3A_558 = arith.xori %eq3A_556, %eq3A_557 : vector<64x1024xi1>
    %select_n3A_559 = arith.select %eq3A_558, %select_n3A_520, %select_n3A_540 : vector<64x1024xi1>, vector<64x1024xi32>
    %select_n3A_560 = arith.select %eq3A_558, %select_n3A_521, %select_n3A_547 : vector<64x1024xi1>, vector<64x1024xi32>
    %and3A_561 = arith.constant 16 : i32
    %and3A_562 = vector.broadcast %and3A_561 : i32 to vector<64x1024xi32>
    %and3A_563 = arith.andi %iota3A, %and3A_562 : vector<64x1024xi32>
    %eq3A_564 = arith.constant 0 : i32
    %eq3A_565 = vector.broadcast %eq3A_564 : i32 to vector<64x1024xi32>
    %eq3A_566 = arith.cmpi eq, %and3A_563, %eq3A_565 : vector<64x1024xi32>
    %slice3A_567 = vector.extract_strided_slice %select_n3A_559 {offsets = [0, 16], sizes = [64, 1008], strides = [1, 1]} : vector<64x1024xi32> to vector<64x1008xi32>
    %slice3A_568 = vector.extract_strided_slice %select_n3A_559 {offsets = [0, 0], sizes = [64, 16], strides = [1, 1]} : vector<64x1024xi32> to vector<64x16xi32>
    %concatenate3A_569 = tpu.concatenate %slice3A_567, %slice3A_568 in 1 : vector<64x1008xi32>, vector<64x16xi32> -> vector<64x1024xi32>
    %slice3A_570 = vector.extract_strided_slice %select_n3A_559 {offsets = [0, 1008], sizes = [64, 16], strides = [1, 1]} : vector<64x1024xi32> to vector<64x16xi32>
    %slice3A_571 = vector.extract_strided_slice %select_n3A_559 {offsets = [0, 0], sizes = [64, 1008], strides = [1, 1]} : vector<64x1024xi32> to vector<64x1008xi32>
    %concatenate3A_572 = tpu.concatenate %slice3A_570, %slice3A_571 in 1 : vector<64x16xi32>, vector<64x1008xi32> -> vector<64x1024xi32>
    %select_n3A_573 = arith.select %eq3A_566, %concatenate3A_569, %concatenate3A_572 : vector<64x1024xi1>, vector<64x1024xi32>
    %slice3A_574 = vector.extract_strided_slice %select_n3A_560 {offsets = [0, 16], sizes = [64, 1008], strides = [1, 1]} : vector<64x1024xi32> to vector<64x1008xi32>
    %slice3A_575 = vector.extract_strided_slice %select_n3A_560 {offsets = [0, 0], sizes = [64, 16], strides = [1, 1]} : vector<64x1024xi32> to vector<64x16xi32>
    %concatenate3A_576 = tpu.concatenate %slice3A_574, %slice3A_575 in 1 : vector<64x1008xi32>, vector<64x16xi32> -> vector<64x1024xi32>
    %slice3A_577 = vector.extract_strided_slice %select_n3A_560 {offsets = [0, 1008], sizes = [64, 16], strides = [1, 1]} : vector<64x1024xi32> to vector<64x16xi32>
    %slice3A_578 = vector.extract_strided_slice %select_n3A_560 {offsets = [0, 0], sizes = [64, 1008], strides = [1, 1]} : vector<64x1024xi32> to vector<64x1008xi32>
    %concatenate3A_579 = tpu.concatenate %slice3A_577, %slice3A_578 in 1 : vector<64x16xi32>, vector<64x1008xi32> -> vector<64x1024xi32>
    %select_n3A_580 = arith.select %eq3A_566, %concatenate3A_576, %concatenate3A_579 : vector<64x1024xi1>, vector<64x1024xi32>
    %gt3A_581 = arith.cmpi sgt, %select_n3A_559, %select_n3A_573 : vector<64x1024xi32>
    %eq3A_582 = arith.cmpi eq, %select_n3A_559, %select_n3A_573 : vector<64x1024xi32>
    %lt3A_583 = arith.cmpi slt, %select_n3A_560, %select_n3A_580 : vector<64x1024xi32>
    %and3A_584 = arith.andi %eq3A_582, %lt3A_583 : vector<64x1024xi1>
    %or3A_585 = arith.ori %gt3A_581, %and3A_584 : vector<64x1024xi1>
    %eq3A_586 = arith.xori %eq3A_527, %eq3A_566 : vector<64x1024xi1>
    %eq3A_587 = arith.constant dense<true> : vector<64x1024xi1>
    %eq3A_588 = arith.xori %eq3A_586, %eq3A_587 : vector<64x1024xi1>
    %eq3A_589 = arith.xori %eq3A_588, %or3A_585 : vector<64x1024xi1>
    %eq3A_590 = arith.constant dense<true> : vector<64x1024xi1>
    %eq3A_591 = arith.xori %eq3A_589, %eq3A_590 : vector<64x1024xi1>
    %select_n3A_592 = arith.select %eq3A_591, %select_n3A_559, %select_n3A_573 : vector<64x1024xi1>, vector<64x1024xi32>
    %select_n3A_593 = arith.select %eq3A_591, %select_n3A_560, %select_n3A_580 : vector<64x1024xi1>, vector<64x1024xi32>
    %and3A_594 = arith.constant 8 : i32
    %and3A_595 = vector.broadcast %and3A_594 : i32 to vector<64x1024xi32>
    %and3A_596 = arith.andi %iota3A, %and3A_595 : vector<64x1024xi32>
    %eq3A_597 = arith.constant 0 : i32
    %eq3A_598 = vector.broadcast %eq3A_597 : i32 to vector<64x1024xi32>
    %eq3A_599 = arith.cmpi eq, %and3A_596, %eq3A_598 : vector<64x1024xi32>
    %slice3A_600 = vector.extract_strided_slice %select_n3A_592 {offsets = [0, 8], sizes = [64, 1016], strides = [1, 1]} : vector<64x1024xi32> to vector<64x1016xi32>
    %slice3A_601 = vector.extract_strided_slice %select_n3A_592 {offsets = [0, 0], sizes = [64, 8], strides = [1, 1]} : vector<64x1024xi32> to vector<64x8xi32>
    %concatenate3A_602 = tpu.concatenate %slice3A_600, %slice3A_601 in 1 : vector<64x1016xi32>, vector<64x8xi32> -> vector<64x1024xi32>
    %slice3A_603 = vector.extract_strided_slice %select_n3A_592 {offsets = [0, 1016], sizes = [64, 8], strides = [1, 1]} : vector<64x1024xi32> to vector<64x8xi32>
    %slice3A_604 = vector.extract_strided_slice %select_n3A_592 {offsets = [0, 0], sizes = [64, 1016], strides = [1, 1]} : vector<64x1024xi32> to vector<64x1016xi32>
    %concatenate3A_605 = tpu.concatenate %slice3A_603, %slice3A_604 in 1 : vector<64x8xi32>, vector<64x1016xi32> -> vector<64x1024xi32>
    %select_n3A_606 = arith.select %eq3A_599, %concatenate3A_602, %concatenate3A_605 : vector<64x1024xi1>, vector<64x1024xi32>
    %slice3A_607 = vector.extract_strided_slice %select_n3A_593 {offsets = [0, 8], sizes = [64, 1016], strides = [1, 1]} : vector<64x1024xi32> to vector<64x1016xi32>
    %slice3A_608 = vector.extract_strided_slice %select_n3A_593 {offsets = [0, 0], sizes = [64, 8], strides = [1, 1]} : vector<64x1024xi32> to vector<64x8xi32>
    %concatenate3A_609 = tpu.concatenate %slice3A_607, %slice3A_608 in 1 : vector<64x1016xi32>, vector<64x8xi32> -> vector<64x1024xi32>
    %slice3A_610 = vector.extract_strided_slice %select_n3A_593 {offsets = [0, 1016], sizes = [64, 8], strides = [1, 1]} : vector<64x1024xi32> to vector<64x8xi32>
    %slice3A_611 = vector.extract_strided_slice %select_n3A_593 {offsets = [0, 0], sizes = [64, 1016], strides = [1, 1]} : vector<64x1024xi32> to vector<64x1016xi32>
    %concatenate3A_612 = tpu.concatenate %slice3A_610, %slice3A_611 in 1 : vector<64x8xi32>, vector<64x1016xi32> -> vector<64x1024xi32>
    %select_n3A_613 = arith.select %eq3A_599, %concatenate3A_609, %concatenate3A_612 : vector<64x1024xi1>, vector<64x1024xi32>
    %gt3A_614 = arith.cmpi sgt, %select_n3A_592, %select_n3A_606 : vector<64x1024xi32>
    %eq3A_615 = arith.cmpi eq, %select_n3A_592, %select_n3A_606 : vector<64x1024xi32>
    %lt3A_616 = arith.cmpi slt, %select_n3A_593, %select_n3A_613 : vector<64x1024xi32>
    %and3A_617 = arith.andi %eq3A_615, %lt3A_616 : vector<64x1024xi1>
    %or3A_618 = arith.ori %gt3A_614, %and3A_617 : vector<64x1024xi1>
    %eq3A_619 = arith.xori %eq3A_527, %eq3A_599 : vector<64x1024xi1>
    %eq3A_620 = arith.constant dense<true> : vector<64x1024xi1>
    %eq3A_621 = arith.xori %eq3A_619, %eq3A_620 : vector<64x1024xi1>
    %eq3A_622 = arith.xori %eq3A_621, %or3A_618 : vector<64x1024xi1>
    %eq3A_623 = arith.constant dense<true> : vector<64x1024xi1>
    %eq3A_624 = arith.xori %eq3A_622, %eq3A_623 : vector<64x1024xi1>
    %select_n3A_625 = arith.select %eq3A_624, %select_n3A_592, %select_n3A_606 : vector<64x1024xi1>, vector<64x1024xi32>
    %select_n3A_626 = arith.select %eq3A_624, %select_n3A_593, %select_n3A_613 : vector<64x1024xi1>, vector<64x1024xi32>
    %and3A_627 = arith.constant 4 : i32
    %and3A_628 = vector.broadcast %and3A_627 : i32 to vector<64x1024xi32>
    %and3A_629 = arith.andi %iota3A, %and3A_628 : vector<64x1024xi32>
    %eq3A_630 = arith.constant 0 : i32
    %eq3A_631 = vector.broadcast %eq3A_630 : i32 to vector<64x1024xi32>
    %eq3A_632 = arith.cmpi eq, %and3A_629, %eq3A_631 : vector<64x1024xi32>
    %slice3A_633 = vector.extract_strided_slice %select_n3A_625 {offsets = [0, 4], sizes = [64, 1020], strides = [1, 1]} : vector<64x1024xi32> to vector<64x1020xi32>
    %slice3A_634 = vector.extract_strided_slice %select_n3A_625 {offsets = [0, 0], sizes = [64, 4], strides = [1, 1]} : vector<64x1024xi32> to vector<64x4xi32>
    %concatenate3A_635 = tpu.concatenate %slice3A_633, %slice3A_634 in 1 : vector<64x1020xi32>, vector<64x4xi32> -> vector<64x1024xi32>
    %slice3A_636 = vector.extract_strided_slice %select_n3A_625 {offsets = [0, 1020], sizes = [64, 4], strides = [1, 1]} : vector<64x1024xi32> to vector<64x4xi32>
    %slice3A_637 = vector.extract_strided_slice %select_n3A_625 {offsets = [0, 0], sizes = [64, 1020], strides = [1, 1]} : vector<64x1024xi32> to vector<64x1020xi32>
    %concatenate3A_638 = tpu.concatenate %slice3A_636, %slice3A_637 in 1 : vector<64x4xi32>, vector<64x1020xi32> -> vector<64x1024xi32>
    %select_n3A_639 = arith.select %eq3A_632, %concatenate3A_635, %concatenate3A_638 : vector<64x1024xi1>, vector<64x1024xi32>
    %slice3A_640 = vector.extract_strided_slice %select_n3A_626 {offsets = [0, 4], sizes = [64, 1020], strides = [1, 1]} : vector<64x1024xi32> to vector<64x1020xi32>
    %slice3A_641 = vector.extract_strided_slice %select_n3A_626 {offsets = [0, 0], sizes = [64, 4], strides = [1, 1]} : vector<64x1024xi32> to vector<64x4xi32>
    %concatenate3A_642 = tpu.concatenate %slice3A_640, %slice3A_641 in 1 : vector<64x1020xi32>, vector<64x4xi32> -> vector<64x1024xi32>
    %slice3A_643 = vector.extract_strided_slice %select_n3A_626 {offsets = [0, 1020], sizes = [64, 4], strides = [1, 1]} : vector<64x1024xi32> to vector<64x4xi32>
    %slice3A_644 = vector.extract_strided_slice %select_n3A_626 {offsets = [0, 0], sizes = [64, 1020], strides = [1, 1]} : vector<64x1024xi32> to vector<64x1020xi32>
    %concatenate3A_645 = tpu.concatenate %slice3A_643, %slice3A_644 in 1 : vector<64x4xi32>, vector<64x1020xi32> -> vector<64x1024xi32>
    %select_n3A_646 = arith.select %eq3A_632, %concatenate3A_642, %concatenate3A_645 : vector<64x1024xi1>, vector<64x1024xi32>
    %gt3A_647 = arith.cmpi sgt, %select_n3A_625, %select_n3A_639 : vector<64x1024xi32>
    %eq3A_648 = arith.cmpi eq, %select_n3A_625, %select_n3A_639 : vector<64x1024xi32>
    %lt3A_649 = arith.cmpi slt, %select_n3A_626, %select_n3A_646 : vector<64x1024xi32>
    %and3A_650 = arith.andi %eq3A_648, %lt3A_649 : vector<64x1024xi1>
    %or3A_651 = arith.ori %gt3A_647, %and3A_650 : vector<64x1024xi1>
    %eq3A_652 = arith.xori %eq3A_527, %eq3A_632 : vector<64x1024xi1>
    %eq3A_653 = arith.constant dense<true> : vector<64x1024xi1>
    %eq3A_654 = arith.xori %eq3A_652, %eq3A_653 : vector<64x1024xi1>
    %eq3A_655 = arith.xori %eq3A_654, %or3A_651 : vector<64x1024xi1>
    %eq3A_656 = arith.constant dense<true> : vector<64x1024xi1>
    %eq3A_657 = arith.xori %eq3A_655, %eq3A_656 : vector<64x1024xi1>
    %select_n3A_658 = arith.select %eq3A_657, %select_n3A_625, %select_n3A_639 : vector<64x1024xi1>, vector<64x1024xi32>
    %select_n3A_659 = arith.select %eq3A_657, %select_n3A_626, %select_n3A_646 : vector<64x1024xi1>, vector<64x1024xi32>
    %and3A_660 = arith.constant 2 : i32
    %and3A_661 = vector.broadcast %and3A_660 : i32 to vector<64x1024xi32>
    %and3A_662 = arith.andi %iota3A, %and3A_661 : vector<64x1024xi32>
    %eq3A_663 = arith.constant 0 : i32
    %eq3A_664 = vector.broadcast %eq3A_663 : i32 to vector<64x1024xi32>
    %eq3A_665 = arith.cmpi eq, %and3A_662, %eq3A_664 : vector<64x1024xi32>
    %slice3A_666 = vector.extract_strided_slice %select_n3A_658 {offsets = [0, 2], sizes = [64, 1022], strides = [1, 1]} : vector<64x1024xi32> to vector<64x1022xi32>
    %slice3A_667 = vector.extract_strided_slice %select_n3A_658 {offsets = [0, 0], sizes = [64, 2], strides = [1, 1]} : vector<64x1024xi32> to vector<64x2xi32>
    %concatenate3A_668 = tpu.concatenate %slice3A_666, %slice3A_667 in 1 : vector<64x1022xi32>, vector<64x2xi32> -> vector<64x1024xi32>
    %slice3A_669 = vector.extract_strided_slice %select_n3A_658 {offsets = [0, 1022], sizes = [64, 2], strides = [1, 1]} : vector<64x1024xi32> to vector<64x2xi32>
    %slice3A_670 = vector.extract_strided_slice %select_n3A_658 {offsets = [0, 0], sizes = [64, 1022], strides = [1, 1]} : vector<64x1024xi32> to vector<64x1022xi32>
    %concatenate3A_671 = tpu.concatenate %slice3A_669, %slice3A_670 in 1 : vector<64x2xi32>, vector<64x1022xi32> -> vector<64x1024xi32>
    %select_n3A_672 = arith.select %eq3A_665, %concatenate3A_668, %concatenate3A_671 : vector<64x1024xi1>, vector<64x1024xi32>
    %slice3A_673 = vector.extract_strided_slice %select_n3A_659 {offsets = [0, 2], sizes = [64, 1022], strides = [1, 1]} : vector<64x1024xi32> to vector<64x1022xi32>
    %slice3A_674 = vector.extract_strided_slice %select_n3A_659 {offsets = [0, 0], sizes = [64, 2], strides = [1, 1]} : vector<64x1024xi32> to vector<64x2xi32>
    %concatenate3A_675 = tpu.concatenate %slice3A_673, %slice3A_674 in 1 : vector<64x1022xi32>, vector<64x2xi32> -> vector<64x1024xi32>
    %slice3A_676 = vector.extract_strided_slice %select_n3A_659 {offsets = [0, 1022], sizes = [64, 2], strides = [1, 1]} : vector<64x1024xi32> to vector<64x2xi32>
    %slice3A_677 = vector.extract_strided_slice %select_n3A_659 {offsets = [0, 0], sizes = [64, 1022], strides = [1, 1]} : vector<64x1024xi32> to vector<64x1022xi32>
    %concatenate3A_678 = tpu.concatenate %slice3A_676, %slice3A_677 in 1 : vector<64x2xi32>, vector<64x1022xi32> -> vector<64x1024xi32>
    %select_n3A_679 = arith.select %eq3A_665, %concatenate3A_675, %concatenate3A_678 : vector<64x1024xi1>, vector<64x1024xi32>
    %gt3A_680 = arith.cmpi sgt, %select_n3A_658, %select_n3A_672 : vector<64x1024xi32>
    %eq3A_681 = arith.cmpi eq, %select_n3A_658, %select_n3A_672 : vector<64x1024xi32>
    %lt3A_682 = arith.cmpi slt, %select_n3A_659, %select_n3A_679 : vector<64x1024xi32>
    %and3A_683 = arith.andi %eq3A_681, %lt3A_682 : vector<64x1024xi1>
    %or3A_684 = arith.ori %gt3A_680, %and3A_683 : vector<64x1024xi1>
    %eq3A_685 = arith.xori %eq3A_527, %eq3A_665 : vector<64x1024xi1>
    %eq3A_686 = arith.constant dense<true> : vector<64x1024xi1>
    %eq3A_687 = arith.xori %eq3A_685, %eq3A_686 : vector<64x1024xi1>
    %eq3A_688 = arith.xori %eq3A_687, %or3A_684 : vector<64x1024xi1>
    %eq3A_689 = arith.constant dense<true> : vector<64x1024xi1>
    %eq3A_690 = arith.xori %eq3A_688, %eq3A_689 : vector<64x1024xi1>
    %select_n3A_691 = arith.select %eq3A_690, %select_n3A_658, %select_n3A_672 : vector<64x1024xi1>, vector<64x1024xi32>
    %select_n3A_692 = arith.select %eq3A_690, %select_n3A_659, %select_n3A_679 : vector<64x1024xi1>, vector<64x1024xi32>
    %and3A_693 = arith.constant 1 : i32
    %and3A_694 = vector.broadcast %and3A_693 : i32 to vector<64x1024xi32>
    %and3A_695 = arith.andi %iota3A, %and3A_694 : vector<64x1024xi32>
    %eq3A_696 = arith.constant 0 : i32
    %eq3A_697 = vector.broadcast %eq3A_696 : i32 to vector<64x1024xi32>
    %eq3A_698 = arith.cmpi eq, %and3A_695, %eq3A_697 : vector<64x1024xi32>
    %slice3A_699 = vector.extract_strided_slice %select_n3A_691 {offsets = [0, 1], sizes = [64, 1023], strides = [1, 1]} : vector<64x1024xi32> to vector<64x1023xi32>
    %slice3A_700 = vector.extract_strided_slice %select_n3A_691 {offsets = [0, 0], sizes = [64, 1], strides = [1, 1]} : vector<64x1024xi32> to vector<64x1xi32>
    %concatenate3A_701 = tpu.concatenate %slice3A_699, %slice3A_700 in 1 : vector<64x1023xi32>, vector<64x1xi32> -> vector<64x1024xi32>
    %slice3A_702 = vector.extract_strided_slice %select_n3A_691 {offsets = [0, 1023], sizes = [64, 1], strides = [1, 1]} : vector<64x1024xi32> to vector<64x1xi32>
    %slice3A_703 = vector.extract_strided_slice %select_n3A_691 {offsets = [0, 0], sizes = [64, 1023], strides = [1, 1]} : vector<64x1024xi32> to vector<64x1023xi32>
    %concatenate3A_704 = tpu.concatenate %slice3A_702, %slice3A_703 in 1 : vector<64x1xi32>, vector<64x1023xi32> -> vector<64x1024xi32>
    %select_n3A_705 = arith.select %eq3A_698, %concatenate3A_701, %concatenate3A_704 : vector<64x1024xi1>, vector<64x1024xi32>
    %slice3A_706 = vector.extract_strided_slice %select_n3A_692 {offsets = [0, 1], sizes = [64, 1023], strides = [1, 1]} : vector<64x1024xi32> to vector<64x1023xi32>
    %slice3A_707 = vector.extract_strided_slice %select_n3A_692 {offsets = [0, 0], sizes = [64, 1], strides = [1, 1]} : vector<64x1024xi32> to vector<64x1xi32>
    %concatenate3A_708 = tpu.concatenate %slice3A_706, %slice3A_707 in 1 : vector<64x1023xi32>, vector<64x1xi32> -> vector<64x1024xi32>
    %slice3A_709 = vector.extract_strided_slice %select_n3A_692 {offsets = [0, 1023], sizes = [64, 1], strides = [1, 1]} : vector<64x1024xi32> to vector<64x1xi32>
    %slice3A_710 = vector.extract_strided_slice %select_n3A_692 {offsets = [0, 0], sizes = [64, 1023], strides = [1, 1]} : vector<64x1024xi32> to vector<64x1023xi32>
    %concatenate3A_711 = tpu.concatenate %slice3A_709, %slice3A_710 in 1 : vector<64x1xi32>, vector<64x1023xi32> -> vector<64x1024xi32>
    %select_n3A_712 = arith.select %eq3A_698, %concatenate3A_708, %concatenate3A_711 : vector<64x1024xi1>, vector<64x1024xi32>
    %gt3A_713 = arith.cmpi sgt, %select_n3A_691, %select_n3A_705 : vector<64x1024xi32>
    %eq3A_714 = arith.cmpi eq, %select_n3A_691, %select_n3A_705 : vector<64x1024xi32>
    %lt3A_715 = arith.cmpi slt, %select_n3A_692, %select_n3A_712 : vector<64x1024xi32>
    %and3A_716 = arith.andi %eq3A_714, %lt3A_715 : vector<64x1024xi1>
    %or3A_717 = arith.ori %gt3A_713, %and3A_716 : vector<64x1024xi1>
    %eq3A_718 = arith.xori %eq3A_527, %eq3A_698 : vector<64x1024xi1>
    %eq3A_719 = arith.constant dense<true> : vector<64x1024xi1>
    %eq3A_720 = arith.xori %eq3A_718, %eq3A_719 : vector<64x1024xi1>
    %eq3A_721 = arith.xori %eq3A_720, %or3A_717 : vector<64x1024xi1>
    %eq3A_722 = arith.constant dense<true> : vector<64x1024xi1>
    %eq3A_723 = arith.xori %eq3A_721, %eq3A_722 : vector<64x1024xi1>
    %select_n3A_724 = arith.select %eq3A_723, %select_n3A_691, %select_n3A_705 : vector<64x1024xi1>, vector<64x1024xi32>
    %select_n3A_725 = arith.select %eq3A_723, %select_n3A_692, %select_n3A_712 : vector<64x1024xi1>, vector<64x1024xi32>
    %and3A_726 = arith.constant 128 : i32
    %and3A_727 = vector.broadcast %and3A_726 : i32 to vector<64x1024xi32>
    %and3A_728 = arith.andi %iota3A, %and3A_727 : vector<64x1024xi32>
    %eq3A_729 = arith.constant 0 : i32
    %eq3A_730 = vector.broadcast %eq3A_729 : i32 to vector<64x1024xi32>
    %eq3A_731 = arith.cmpi eq, %and3A_728, %eq3A_730 : vector<64x1024xi32>
    %and3A_732 = arith.constant 64 : i32
    %and3A_733 = vector.broadcast %and3A_732 : i32 to vector<64x1024xi32>
    %and3A_734 = arith.andi %iota3A, %and3A_733 : vector<64x1024xi32>
    %eq3A_735 = arith.constant 0 : i32
    %eq3A_736 = vector.broadcast %eq3A_735 : i32 to vector<64x1024xi32>
    %eq3A_737 = arith.cmpi eq, %and3A_734, %eq3A_736 : vector<64x1024xi32>
    %slice3A_738 = vector.extract_strided_slice %select_n3A_724 {offsets = [0, 64], sizes = [64, 960], strides = [1, 1]} : vector<64x1024xi32> to vector<64x960xi32>
    %slice3A_739 = vector.extract_strided_slice %select_n3A_724 {offsets = [0, 0], sizes = [64, 64], strides = [1, 1]} : vector<64x1024xi32> to vector<64x64xi32>
    %concatenate3A_740 = tpu.concatenate %slice3A_738, %slice3A_739 in 1 : vector<64x960xi32>, vector<64x64xi32> -> vector<64x1024xi32>
    %slice3A_741 = vector.extract_strided_slice %select_n3A_724 {offsets = [0, 960], sizes = [64, 64], strides = [1, 1]} : vector<64x1024xi32> to vector<64x64xi32>
    %slice3A_742 = vector.extract_strided_slice %select_n3A_724 {offsets = [0, 0], sizes = [64, 960], strides = [1, 1]} : vector<64x1024xi32> to vector<64x960xi32>
    %concatenate3A_743 = tpu.concatenate %slice3A_741, %slice3A_742 in 1 : vector<64x64xi32>, vector<64x960xi32> -> vector<64x1024xi32>
    %select_n3A_744 = arith.select %eq3A_737, %concatenate3A_740, %concatenate3A_743 : vector<64x1024xi1>, vector<64x1024xi32>
    %slice3A_745 = vector.extract_strided_slice %select_n3A_725 {offsets = [0, 64], sizes = [64, 960], strides = [1, 1]} : vector<64x1024xi32> to vector<64x960xi32>
    %slice3A_746 = vector.extract_strided_slice %select_n3A_725 {offsets = [0, 0], sizes = [64, 64], strides = [1, 1]} : vector<64x1024xi32> to vector<64x64xi32>
    %concatenate3A_747 = tpu.concatenate %slice3A_745, %slice3A_746 in 1 : vector<64x960xi32>, vector<64x64xi32> -> vector<64x1024xi32>
    %slice3A_748 = vector.extract_strided_slice %select_n3A_725 {offsets = [0, 960], sizes = [64, 64], strides = [1, 1]} : vector<64x1024xi32> to vector<64x64xi32>
    %slice3A_749 = vector.extract_strided_slice %select_n3A_725 {offsets = [0, 0], sizes = [64, 960], strides = [1, 1]} : vector<64x1024xi32> to vector<64x960xi32>
    %concatenate3A_750 = tpu.concatenate %slice3A_748, %slice3A_749 in 1 : vector<64x64xi32>, vector<64x960xi32> -> vector<64x1024xi32>
    %select_n3A_751 = arith.select %eq3A_737, %concatenate3A_747, %concatenate3A_750 : vector<64x1024xi1>, vector<64x1024xi32>
    %gt3A_752 = arith.cmpi sgt, %select_n3A_724, %select_n3A_744 : vector<64x1024xi32>
    %eq3A_753 = arith.cmpi eq, %select_n3A_724, %select_n3A_744 : vector<64x1024xi32>
    %lt3A_754 = arith.cmpi slt, %select_n3A_725, %select_n3A_751 : vector<64x1024xi32>
    %and3A_755 = arith.andi %eq3A_753, %lt3A_754 : vector<64x1024xi1>
    %or3A_756 = arith.ori %gt3A_752, %and3A_755 : vector<64x1024xi1>
    %eq3A_757 = arith.xori %eq3A_731, %eq3A_737 : vector<64x1024xi1>
    %eq3A_758 = arith.constant dense<true> : vector<64x1024xi1>
    %eq3A_759 = arith.xori %eq3A_757, %eq3A_758 : vector<64x1024xi1>
    %eq3A_760 = arith.xori %eq3A_759, %or3A_756 : vector<64x1024xi1>
    %eq3A_761 = arith.constant dense<true> : vector<64x1024xi1>
    %eq3A_762 = arith.xori %eq3A_760, %eq3A_761 : vector<64x1024xi1>
    %select_n3A_763 = arith.select %eq3A_762, %select_n3A_724, %select_n3A_744 : vector<64x1024xi1>, vector<64x1024xi32>
    %select_n3A_764 = arith.select %eq3A_762, %select_n3A_725, %select_n3A_751 : vector<64x1024xi1>, vector<64x1024xi32>
    %and3A_765 = arith.constant 32 : i32
    %and3A_766 = vector.broadcast %and3A_765 : i32 to vector<64x1024xi32>
    %and3A_767 = arith.andi %iota3A, %and3A_766 : vector<64x1024xi32>
    %eq3A_768 = arith.constant 0 : i32
    %eq3A_769 = vector.broadcast %eq3A_768 : i32 to vector<64x1024xi32>
    %eq3A_770 = arith.cmpi eq, %and3A_767, %eq3A_769 : vector<64x1024xi32>
    %slice3A_771 = vector.extract_strided_slice %select_n3A_763 {offsets = [0, 32], sizes = [64, 992], strides = [1, 1]} : vector<64x1024xi32> to vector<64x992xi32>
    %slice3A_772 = vector.extract_strided_slice %select_n3A_763 {offsets = [0, 0], sizes = [64, 32], strides = [1, 1]} : vector<64x1024xi32> to vector<64x32xi32>
    %concatenate3A_773 = tpu.concatenate %slice3A_771, %slice3A_772 in 1 : vector<64x992xi32>, vector<64x32xi32> -> vector<64x1024xi32>
    %slice3A_774 = vector.extract_strided_slice %select_n3A_763 {offsets = [0, 992], sizes = [64, 32], strides = [1, 1]} : vector<64x1024xi32> to vector<64x32xi32>
    %slice3A_775 = vector.extract_strided_slice %select_n3A_763 {offsets = [0, 0], sizes = [64, 992], strides = [1, 1]} : vector<64x1024xi32> to vector<64x992xi32>
    %concatenate3A_776 = tpu.concatenate %slice3A_774, %slice3A_775 in 1 : vector<64x32xi32>, vector<64x992xi32> -> vector<64x1024xi32>
    %select_n3A_777 = arith.select %eq3A_770, %concatenate3A_773, %concatenate3A_776 : vector<64x1024xi1>, vector<64x1024xi32>
    %slice3A_778 = vector.extract_strided_slice %select_n3A_764 {offsets = [0, 32], sizes = [64, 992], strides = [1, 1]} : vector<64x1024xi32> to vector<64x992xi32>
    %slice3A_779 = vector.extract_strided_slice %select_n3A_764 {offsets = [0, 0], sizes = [64, 32], strides = [1, 1]} : vector<64x1024xi32> to vector<64x32xi32>
    %concatenate3A_780 = tpu.concatenate %slice3A_778, %slice3A_779 in 1 : vector<64x992xi32>, vector<64x32xi32> -> vector<64x1024xi32>
    %slice3A_781 = vector.extract_strided_slice %select_n3A_764 {offsets = [0, 992], sizes = [64, 32], strides = [1, 1]} : vector<64x1024xi32> to vector<64x32xi32>
    %slice3A_782 = vector.extract_strided_slice %select_n3A_764 {offsets = [0, 0], sizes = [64, 992], strides = [1, 1]} : vector<64x1024xi32> to vector<64x992xi32>
    %concatenate3A_783 = tpu.concatenate %slice3A_781, %slice3A_782 in 1 : vector<64x32xi32>, vector<64x992xi32> -> vector<64x1024xi32>
    %select_n3A_784 = arith.select %eq3A_770, %concatenate3A_780, %concatenate3A_783 : vector<64x1024xi1>, vector<64x1024xi32>
    %gt3A_785 = arith.cmpi sgt, %select_n3A_763, %select_n3A_777 : vector<64x1024xi32>
    %eq3A_786 = arith.cmpi eq, %select_n3A_763, %select_n3A_777 : vector<64x1024xi32>
    %lt3A_787 = arith.cmpi slt, %select_n3A_764, %select_n3A_784 : vector<64x1024xi32>
    %and3A_788 = arith.andi %eq3A_786, %lt3A_787 : vector<64x1024xi1>
    %or3A_789 = arith.ori %gt3A_785, %and3A_788 : vector<64x1024xi1>
    %eq3A_790 = arith.xori %eq3A_731, %eq3A_770 : vector<64x1024xi1>
    %eq3A_791 = arith.constant dense<true> : vector<64x1024xi1>
    %eq3A_792 = arith.xori %eq3A_790, %eq3A_791 : vector<64x1024xi1>
    %eq3A_793 = arith.xori %eq3A_792, %or3A_789 : vector<64x1024xi1>
    %eq3A_794 = arith.constant dense<true> : vector<64x1024xi1>
    %eq3A_795 = arith.xori %eq3A_793, %eq3A_794 : vector<64x1024xi1>
    %select_n3A_796 = arith.select %eq3A_795, %select_n3A_763, %select_n3A_777 : vector<64x1024xi1>, vector<64x1024xi32>
    %select_n3A_797 = arith.select %eq3A_795, %select_n3A_764, %select_n3A_784 : vector<64x1024xi1>, vector<64x1024xi32>
    %and3A_798 = arith.constant 16 : i32
    %and3A_799 = vector.broadcast %and3A_798 : i32 to vector<64x1024xi32>
    %and3A_800 = arith.andi %iota3A, %and3A_799 : vector<64x1024xi32>
    %eq3A_801 = arith.constant 0 : i32
    %eq3A_802 = vector.broadcast %eq3A_801 : i32 to vector<64x1024xi32>
    %eq3A_803 = arith.cmpi eq, %and3A_800, %eq3A_802 : vector<64x1024xi32>
    %slice3A_804 = vector.extract_strided_slice %select_n3A_796 {offsets = [0, 16], sizes = [64, 1008], strides = [1, 1]} : vector<64x1024xi32> to vector<64x1008xi32>
    %slice3A_805 = vector.extract_strided_slice %select_n3A_796 {offsets = [0, 0], sizes = [64, 16], strides = [1, 1]} : vector<64x1024xi32> to vector<64x16xi32>
    %concatenate3A_806 = tpu.concatenate %slice3A_804, %slice3A_805 in 1 : vector<64x1008xi32>, vector<64x16xi32> -> vector<64x1024xi32>
    %slice3A_807 = vector.extract_strided_slice %select_n3A_796 {offsets = [0, 1008], sizes = [64, 16], strides = [1, 1]} : vector<64x1024xi32> to vector<64x16xi32>
    %slice3A_808 = vector.extract_strided_slice %select_n3A_796 {offsets = [0, 0], sizes = [64, 1008], strides = [1, 1]} : vector<64x1024xi32> to vector<64x1008xi32>
    %concatenate3A_809 = tpu.concatenate %slice3A_807, %slice3A_808 in 1 : vector<64x16xi32>, vector<64x1008xi32> -> vector<64x1024xi32>
    %select_n3A_810 = arith.select %eq3A_803, %concatenate3A_806, %concatenate3A_809 : vector<64x1024xi1>, vector<64x1024xi32>
    %slice3A_811 = vector.extract_strided_slice %select_n3A_797 {offsets = [0, 16], sizes = [64, 1008], strides = [1, 1]} : vector<64x1024xi32> to vector<64x1008xi32>
    %slice3A_812 = vector.extract_strided_slice %select_n3A_797 {offsets = [0, 0], sizes = [64, 16], strides = [1, 1]} : vector<64x1024xi32> to vector<64x16xi32>
    %concatenate3A_813 = tpu.concatenate %slice3A_811, %slice3A_812 in 1 : vector<64x1008xi32>, vector<64x16xi32> -> vector<64x1024xi32>
    %slice3A_814 = vector.extract_strided_slice %select_n3A_797 {offsets = [0, 1008], sizes = [64, 16], strides = [1, 1]} : vector<64x1024xi32> to vector<64x16xi32>
    %slice3A_815 = vector.extract_strided_slice %select_n3A_797 {offsets = [0, 0], sizes = [64, 1008], strides = [1, 1]} : vector<64x1024xi32> to vector<64x1008xi32>
    %concatenate3A_816 = tpu.concatenate %slice3A_814, %slice3A_815 in 1 : vector<64x16xi32>, vector<64x1008xi32> -> vector<64x1024xi32>
    %select_n3A_817 = arith.select %eq3A_803, %concatenate3A_813, %concatenate3A_816 : vector<64x1024xi1>, vector<64x1024xi32>
    %gt3A_818 = arith.cmpi sgt, %select_n3A_796, %select_n3A_810 : vector<64x1024xi32>
    %eq3A_819 = arith.cmpi eq, %select_n3A_796, %select_n3A_810 : vector<64x1024xi32>
    %lt3A_820 = arith.cmpi slt, %select_n3A_797, %select_n3A_817 : vector<64x1024xi32>
    %and3A_821 = arith.andi %eq3A_819, %lt3A_820 : vector<64x1024xi1>
    %or3A_822 = arith.ori %gt3A_818, %and3A_821 : vector<64x1024xi1>
    %eq3A_823 = arith.xori %eq3A_731, %eq3A_803 : vector<64x1024xi1>
    %eq3A_824 = arith.constant dense<true> : vector<64x1024xi1>
    %eq3A_825 = arith.xori %eq3A_823, %eq3A_824 : vector<64x1024xi1>
    %eq3A_826 = arith.xori %eq3A_825, %or3A_822 : vector<64x1024xi1>
    %eq3A_827 = arith.constant dense<true> : vector<64x1024xi1>
    %eq3A_828 = arith.xori %eq3A_826, %eq3A_827 : vector<64x1024xi1>
    %select_n3A_829 = arith.select %eq3A_828, %select_n3A_796, %select_n3A_810 : vector<64x1024xi1>, vector<64x1024xi32>
    %select_n3A_830 = arith.select %eq3A_828, %select_n3A_797, %select_n3A_817 : vector<64x1024xi1>, vector<64x1024xi32>
    %and3A_831 = arith.constant 8 : i32
    %and3A_832 = vector.broadcast %and3A_831 : i32 to vector<64x1024xi32>
    %and3A_833 = arith.andi %iota3A, %and3A_832 : vector<64x1024xi32>
    %eq3A_834 = arith.constant 0 : i32
    %eq3A_835 = vector.broadcast %eq3A_834 : i32 to vector<64x1024xi32>
    %eq3A_836 = arith.cmpi eq, %and3A_833, %eq3A_835 : vector<64x1024xi32>
    %slice3A_837 = vector.extract_strided_slice %select_n3A_829 {offsets = [0, 8], sizes = [64, 1016], strides = [1, 1]} : vector<64x1024xi32> to vector<64x1016xi32>
    %slice3A_838 = vector.extract_strided_slice %select_n3A_829 {offsets = [0, 0], sizes = [64, 8], strides = [1, 1]} : vector<64x1024xi32> to vector<64x8xi32>
    %concatenate3A_839 = tpu.concatenate %slice3A_837, %slice3A_838 in 1 : vector<64x1016xi32>, vector<64x8xi32> -> vector<64x1024xi32>
    %slice3A_840 = vector.extract_strided_slice %select_n3A_829 {offsets = [0, 1016], sizes = [64, 8], strides = [1, 1]} : vector<64x1024xi32> to vector<64x8xi32>
    %slice3A_841 = vector.extract_strided_slice %select_n3A_829 {offsets = [0, 0], sizes = [64, 1016], strides = [1, 1]} : vector<64x1024xi32> to vector<64x1016xi32>
    %concatenate3A_842 = tpu.concatenate %slice3A_840, %slice3A_841 in 1 : vector<64x8xi32>, vector<64x1016xi32> -> vector<64x1024xi32>
    %select_n3A_843 = arith.select %eq3A_836, %concatenate3A_839, %concatenate3A_842 : vector<64x1024xi1>, vector<64x1024xi32>
    %slice3A_844 = vector.extract_strided_slice %select_n3A_830 {offsets = [0, 8], sizes = [64, 1016], strides = [1, 1]} : vector<64x1024xi32> to vector<64x1016xi32>
    %slice3A_845 = vector.extract_strided_slice %select_n3A_830 {offsets = [0, 0], sizes = [64, 8], strides = [1, 1]} : vector<64x1024xi32> to vector<64x8xi32>
    %concatenate3A_846 = tpu.concatenate %slice3A_844, %slice3A_845 in 1 : vector<64x1016xi32>, vector<64x8xi32> -> vector<64x1024xi32>
    %slice3A_847 = vector.extract_strided_slice %select_n3A_830 {offsets = [0, 1016], sizes = [64, 8], strides = [1, 1]} : vector<64x1024xi32> to vector<64x8xi32>
    %slice3A_848 = vector.extract_strided_slice %select_n3A_830 {offsets = [0, 0], sizes = [64, 1016], strides = [1, 1]} : vector<64x1024xi32> to vector<64x1016xi32>
    %concatenate3A_849 = tpu.concatenate %slice3A_847, %slice3A_848 in 1 : vector<64x8xi32>, vector<64x1016xi32> -> vector<64x1024xi32>
    %select_n3A_850 = arith.select %eq3A_836, %concatenate3A_846, %concatenate3A_849 : vector<64x1024xi1>, vector<64x1024xi32>
    %gt3A_851 = arith.cmpi sgt, %select_n3A_829, %select_n3A_843 : vector<64x1024xi32>
    %eq3A_852 = arith.cmpi eq, %select_n3A_829, %select_n3A_843 : vector<64x1024xi32>
    %lt3A_853 = arith.cmpi slt, %select_n3A_830, %select_n3A_850 : vector<64x1024xi32>
    %and3A_854 = arith.andi %eq3A_852, %lt3A_853 : vector<64x1024xi1>
    %or3A_855 = arith.ori %gt3A_851, %and3A_854 : vector<64x1024xi1>
    %eq3A_856 = arith.xori %eq3A_731, %eq3A_836 : vector<64x1024xi1>
    %eq3A_857 = arith.constant dense<true> : vector<64x1024xi1>
    %eq3A_858 = arith.xori %eq3A_856, %eq3A_857 : vector<64x1024xi1>
    %eq3A_859 = arith.xori %eq3A_858, %or3A_855 : vector<64x1024xi1>
    %eq3A_860 = arith.constant dense<true> : vector<64x1024xi1>
    %eq3A_861 = arith.xori %eq3A_859, %eq3A_860 : vector<64x1024xi1>
    %select_n3A_862 = arith.select %eq3A_861, %select_n3A_829, %select_n3A_843 : vector<64x1024xi1>, vector<64x1024xi32>
    %select_n3A_863 = arith.select %eq3A_861, %select_n3A_830, %select_n3A_850 : vector<64x1024xi1>, vector<64x1024xi32>
    %and3A_864 = arith.constant 4 : i32
    %and3A_865 = vector.broadcast %and3A_864 : i32 to vector<64x1024xi32>
    %and3A_866 = arith.andi %iota3A, %and3A_865 : vector<64x1024xi32>
    %eq3A_867 = arith.constant 0 : i32
    %eq3A_868 = vector.broadcast %eq3A_867 : i32 to vector<64x1024xi32>
    %eq3A_869 = arith.cmpi eq, %and3A_866, %eq3A_868 : vector<64x1024xi32>
    %slice3A_870 = vector.extract_strided_slice %select_n3A_862 {offsets = [0, 4], sizes = [64, 1020], strides = [1, 1]} : vector<64x1024xi32> to vector<64x1020xi32>
    %slice3A_871 = vector.extract_strided_slice %select_n3A_862 {offsets = [0, 0], sizes = [64, 4], strides = [1, 1]} : vector<64x1024xi32> to vector<64x4xi32>
    %concatenate3A_872 = tpu.concatenate %slice3A_870, %slice3A_871 in 1 : vector<64x1020xi32>, vector<64x4xi32> -> vector<64x1024xi32>
    %slice3A_873 = vector.extract_strided_slice %select_n3A_862 {offsets = [0, 1020], sizes = [64, 4], strides = [1, 1]} : vector<64x1024xi32> to vector<64x4xi32>
    %slice3A_874 = vector.extract_strided_slice %select_n3A_862 {offsets = [0, 0], sizes = [64, 1020], strides = [1, 1]} : vector<64x1024xi32> to vector<64x1020xi32>
    %concatenate3A_875 = tpu.concatenate %slice3A_873, %slice3A_874 in 1 : vector<64x4xi32>, vector<64x1020xi32> -> vector<64x1024xi32>
    %select_n3A_876 = arith.select %eq3A_869, %concatenate3A_872, %concatenate3A_875 : vector<64x1024xi1>, vector<64x1024xi32>
    %slice3A_877 = vector.extract_strided_slice %select_n3A_863 {offsets = [0, 4], sizes = [64, 1020], strides = [1, 1]} : vector<64x1024xi32> to vector<64x1020xi32>
    %slice3A_878 = vector.extract_strided_slice %select_n3A_863 {offsets = [0, 0], sizes = [64, 4], strides = [1, 1]} : vector<64x1024xi32> to vector<64x4xi32>
    %concatenate3A_879 = tpu.concatenate %slice3A_877, %slice3A_878 in 1 : vector<64x1020xi32>, vector<64x4xi32> -> vector<64x1024xi32>
    %slice3A_880 = vector.extract_strided_slice %select_n3A_863 {offsets = [0, 1020], sizes = [64, 4], strides = [1, 1]} : vector<64x1024xi32> to vector<64x4xi32>
    %slice3A_881 = vector.extract_strided_slice %select_n3A_863 {offsets = [0, 0], sizes = [64, 1020], strides = [1, 1]} : vector<64x1024xi32> to vector<64x1020xi32>
    %concatenate3A_882 = tpu.concatenate %slice3A_880, %slice3A_881 in 1 : vector<64x4xi32>, vector<64x1020xi32> -> vector<64x1024xi32>
    %select_n3A_883 = arith.select %eq3A_869, %concatenate3A_879, %concatenate3A_882 : vector<64x1024xi1>, vector<64x1024xi32>
    %gt3A_884 = arith.cmpi sgt, %select_n3A_862, %select_n3A_876 : vector<64x1024xi32>
    %eq3A_885 = arith.cmpi eq, %select_n3A_862, %select_n3A_876 : vector<64x1024xi32>
    %lt3A_886 = arith.cmpi slt, %select_n3A_863, %select_n3A_883 : vector<64x1024xi32>
    %and3A_887 = arith.andi %eq3A_885, %lt3A_886 : vector<64x1024xi1>
    %or3A_888 = arith.ori %gt3A_884, %and3A_887 : vector<64x1024xi1>
    %eq3A_889 = arith.xori %eq3A_731, %eq3A_869 : vector<64x1024xi1>
    %eq3A_890 = arith.constant dense<true> : vector<64x1024xi1>
    %eq3A_891 = arith.xori %eq3A_889, %eq3A_890 : vector<64x1024xi1>
    %eq3A_892 = arith.xori %eq3A_891, %or3A_888 : vector<64x1024xi1>
    %eq3A_893 = arith.constant dense<true> : vector<64x1024xi1>
    %eq3A_894 = arith.xori %eq3A_892, %eq3A_893 : vector<64x1024xi1>
    %select_n3A_895 = arith.select %eq3A_894, %select_n3A_862, %select_n3A_876 : vector<64x1024xi1>, vector<64x1024xi32>
    %select_n3A_896 = arith.select %eq3A_894, %select_n3A_863, %select_n3A_883 : vector<64x1024xi1>, vector<64x1024xi32>
    %and3A_897 = arith.constant 2 : i32
    %and3A_898 = vector.broadcast %and3A_897 : i32 to vector<64x1024xi32>
    %and3A_899 = arith.andi %iota3A, %and3A_898 : vector<64x1024xi32>
    %eq3A_900 = arith.constant 0 : i32
    %eq3A_901 = vector.broadcast %eq3A_900 : i32 to vector<64x1024xi32>
    %eq3A_902 = arith.cmpi eq, %and3A_899, %eq3A_901 : vector<64x1024xi32>
    %slice3A_903 = vector.extract_strided_slice %select_n3A_895 {offsets = [0, 2], sizes = [64, 1022], strides = [1, 1]} : vector<64x1024xi32> to vector<64x1022xi32>
    %slice3A_904 = vector.extract_strided_slice %select_n3A_895 {offsets = [0, 0], sizes = [64, 2], strides = [1, 1]} : vector<64x1024xi32> to vector<64x2xi32>
    %concatenate3A_905 = tpu.concatenate %slice3A_903, %slice3A_904 in 1 : vector<64x1022xi32>, vector<64x2xi32> -> vector<64x1024xi32>
    %slice3A_906 = vector.extract_strided_slice %select_n3A_895 {offsets = [0, 1022], sizes = [64, 2], strides = [1, 1]} : vector<64x1024xi32> to vector<64x2xi32>
    %slice3A_907 = vector.extract_strided_slice %select_n3A_895 {offsets = [0, 0], sizes = [64, 1022], strides = [1, 1]} : vector<64x1024xi32> to vector<64x1022xi32>
    %concatenate3A_908 = tpu.concatenate %slice3A_906, %slice3A_907 in 1 : vector<64x2xi32>, vector<64x1022xi32> -> vector<64x1024xi32>
    %select_n3A_909 = arith.select %eq3A_902, %concatenate3A_905, %concatenate3A_908 : vector<64x1024xi1>, vector<64x1024xi32>
    %slice3A_910 = vector.extract_strided_slice %select_n3A_896 {offsets = [0, 2], sizes = [64, 1022], strides = [1, 1]} : vector<64x1024xi32> to vector<64x1022xi32>
    %slice3A_911 = vector.extract_strided_slice %select_n3A_896 {offsets = [0, 0], sizes = [64, 2], strides = [1, 1]} : vector<64x1024xi32> to vector<64x2xi32>
    %concatenate3A_912 = tpu.concatenate %slice3A_910, %slice3A_911 in 1 : vector<64x1022xi32>, vector<64x2xi32> -> vector<64x1024xi32>
    %slice3A_913 = vector.extract_strided_slice %select_n3A_896 {offsets = [0, 1022], sizes = [64, 2], strides = [1, 1]} : vector<64x1024xi32> to vector<64x2xi32>
    %slice3A_914 = vector.extract_strided_slice %select_n3A_896 {offsets = [0, 0], sizes = [64, 1022], strides = [1, 1]} : vector<64x1024xi32> to vector<64x1022xi32>
    %concatenate3A_915 = tpu.concatenate %slice3A_913, %slice3A_914 in 1 : vector<64x2xi32>, vector<64x1022xi32> -> vector<64x1024xi32>
    %select_n3A_916 = arith.select %eq3A_902, %concatenate3A_912, %concatenate3A_915 : vector<64x1024xi1>, vector<64x1024xi32>
    %gt3A_917 = arith.cmpi sgt, %select_n3A_895, %select_n3A_909 : vector<64x1024xi32>
    %eq3A_918 = arith.cmpi eq, %select_n3A_895, %select_n3A_909 : vector<64x1024xi32>
    %lt3A_919 = arith.cmpi slt, %select_n3A_896, %select_n3A_916 : vector<64x1024xi32>
    %and3A_920 = arith.andi %eq3A_918, %lt3A_919 : vector<64x1024xi1>
    %or3A_921 = arith.ori %gt3A_917, %and3A_920 : vector<64x1024xi1>
    %eq3A_922 = arith.xori %eq3A_731, %eq3A_902 : vector<64x1024xi1>
    %eq3A_923 = arith.constant dense<true> : vector<64x1024xi1>
    %eq3A_924 = arith.xori %eq3A_922, %eq3A_923 : vector<64x1024xi1>
    %eq3A_925 = arith.xori %eq3A_924, %or3A_921 : vector<64x1024xi1>
    %eq3A_926 = arith.constant dense<true> : vector<64x1024xi1>
    %eq3A_927 = arith.xori %eq3A_925, %eq3A_926 : vector<64x1024xi1>
    %select_n3A_928 = arith.select %eq3A_927, %select_n3A_895, %select_n3A_909 : vector<64x1024xi1>, vector<64x1024xi32>
    %select_n3A_929 = arith.select %eq3A_927, %select_n3A_896, %select_n3A_916 : vector<64x1024xi1>, vector<64x1024xi32>
    %and3A_930 = arith.constant 1 : i32
    %and3A_931 = vector.broadcast %and3A_930 : i32 to vector<64x1024xi32>
    %and3A_932 = arith.andi %iota3A, %and3A_931 : vector<64x1024xi32>
    %eq3A_933 = arith.constant 0 : i32
    %eq3A_934 = vector.broadcast %eq3A_933 : i32 to vector<64x1024xi32>
    %eq3A_935 = arith.cmpi eq, %and3A_932, %eq3A_934 : vector<64x1024xi32>
    %slice3A_936 = vector.extract_strided_slice %select_n3A_928 {offsets = [0, 1], sizes = [64, 1023], strides = [1, 1]} : vector<64x1024xi32> to vector<64x1023xi32>
    %slice3A_937 = vector.extract_strided_slice %select_n3A_928 {offsets = [0, 0], sizes = [64, 1], strides = [1, 1]} : vector<64x1024xi32> to vector<64x1xi32>
    %concatenate3A_938 = tpu.concatenate %slice3A_936, %slice3A_937 in 1 : vector<64x1023xi32>, vector<64x1xi32> -> vector<64x1024xi32>
    %slice3A_939 = vector.extract_strided_slice %select_n3A_928 {offsets = [0, 1023], sizes = [64, 1], strides = [1, 1]} : vector<64x1024xi32> to vector<64x1xi32>
    %slice3A_940 = vector.extract_strided_slice %select_n3A_928 {offsets = [0, 0], sizes = [64, 1023], strides = [1, 1]} : vector<64x1024xi32> to vector<64x1023xi32>
    %concatenate3A_941 = tpu.concatenate %slice3A_939, %slice3A_940 in 1 : vector<64x1xi32>, vector<64x1023xi32> -> vector<64x1024xi32>
    %select_n3A_942 = arith.select %eq3A_935, %concatenate3A_938, %concatenate3A_941 : vector<64x1024xi1>, vector<64x1024xi32>
    %slice3A_943 = vector.extract_strided_slice %select_n3A_929 {offsets = [0, 1], sizes = [64, 1023], strides = [1, 1]} : vector<64x1024xi32> to vector<64x1023xi32>
    %slice3A_944 = vector.extract_strided_slice %select_n3A_929 {offsets = [0, 0], sizes = [64, 1], strides = [1, 1]} : vector<64x1024xi32> to vector<64x1xi32>
    %concatenate3A_945 = tpu.concatenate %slice3A_943, %slice3A_944 in 1 : vector<64x1023xi32>, vector<64x1xi32> -> vector<64x1024xi32>
    %slice3A_946 = vector.extract_strided_slice %select_n3A_929 {offsets = [0, 1023], sizes = [64, 1], strides = [1, 1]} : vector<64x1024xi32> to vector<64x1xi32>
    %slice3A_947 = vector.extract_strided_slice %select_n3A_929 {offsets = [0, 0], sizes = [64, 1023], strides = [1, 1]} : vector<64x1024xi32> to vector<64x1023xi32>
    %concatenate3A_948 = tpu.concatenate %slice3A_946, %slice3A_947 in 1 : vector<64x1xi32>, vector<64x1023xi32> -> vector<64x1024xi32>
    %select_n3A_949 = arith.select %eq3A_935, %concatenate3A_945, %concatenate3A_948 : vector<64x1024xi1>, vector<64x1024xi32>
    %gt3A_950 = arith.cmpi sgt, %select_n3A_928, %select_n3A_942 : vector<64x1024xi32>
    %eq3A_951 = arith.cmpi eq, %select_n3A_928, %select_n3A_942 : vector<64x1024xi32>
    %lt3A_952 = arith.cmpi slt, %select_n3A_929, %select_n3A_949 : vector<64x1024xi32>
    %and3A_953 = arith.andi %eq3A_951, %lt3A_952 : vector<64x1024xi1>
    %or3A_954 = arith.ori %gt3A_950, %and3A_953 : vector<64x1024xi1>
    %eq3A_955 = arith.xori %eq3A_731, %eq3A_935 : vector<64x1024xi1>
    %eq3A_956 = arith.constant dense<true> : vector<64x1024xi1>
    %eq3A_957 = arith.xori %eq3A_955, %eq3A_956 : vector<64x1024xi1>
    %eq3A_958 = arith.xori %eq3A_957, %or3A_954 : vector<64x1024xi1>
    %eq3A_959 = arith.constant dense<true> : vector<64x1024xi1>
    %eq3A_960 = arith.xori %eq3A_958, %eq3A_959 : vector<64x1024xi1>
    %select_n3A_961 = arith.select %eq3A_960, %select_n3A_928, %select_n3A_942 : vector<64x1024xi1>, vector<64x1024xi32>
    %select_n3A_962 = arith.select %eq3A_960, %select_n3A_929, %select_n3A_949 : vector<64x1024xi1>, vector<64x1024xi32>
    %and3A_963 = arith.constant 256 : i32
    %and3A_964 = vector.broadcast %and3A_963 : i32 to vector<64x1024xi32>
    %and3A_965 = arith.andi %iota3A, %and3A_964 : vector<64x1024xi32>
    %eq3A_966 = arith.constant 0 : i32
    %eq3A_967 = vector.broadcast %eq3A_966 : i32 to vector<64x1024xi32>
    %eq3A_968 = arith.cmpi eq, %and3A_965, %eq3A_967 : vector<64x1024xi32>
    %and3A_969 = arith.constant 128 : i32
    %and3A_970 = vector.broadcast %and3A_969 : i32 to vector<64x1024xi32>
    %and3A_971 = arith.andi %iota3A, %and3A_970 : vector<64x1024xi32>
    %eq3A_972 = arith.constant 0 : i32
    %eq3A_973 = vector.broadcast %eq3A_972 : i32 to vector<64x1024xi32>
    %eq3A_974 = arith.cmpi eq, %and3A_971, %eq3A_973 : vector<64x1024xi32>
    %slice3A_975 = vector.extract_strided_slice %select_n3A_961 {offsets = [0, 128], sizes = [64, 896], strides = [1, 1]} : vector<64x1024xi32> to vector<64x896xi32>
    %slice3A_976 = vector.extract_strided_slice %select_n3A_961 {offsets = [0, 0], sizes = [64, 128], strides = [1, 1]} : vector<64x1024xi32> to vector<64x128xi32>
    %concatenate3A_977 = tpu.concatenate %slice3A_975, %slice3A_976 in 1 : vector<64x896xi32>, vector<64x128xi32> -> vector<64x1024xi32>
    %slice3A_978 = vector.extract_strided_slice %select_n3A_961 {offsets = [0, 896], sizes = [64, 128], strides = [1, 1]} : vector<64x1024xi32> to vector<64x128xi32>
    %slice3A_979 = vector.extract_strided_slice %select_n3A_961 {offsets = [0, 0], sizes = [64, 896], strides = [1, 1]} : vector<64x1024xi32> to vector<64x896xi32>
    %concatenate3A_980 = tpu.concatenate %slice3A_978, %slice3A_979 in 1 : vector<64x128xi32>, vector<64x896xi32> -> vector<64x1024xi32>
    %select_n3A_981 = arith.select %eq3A_974, %concatenate3A_977, %concatenate3A_980 : vector<64x1024xi1>, vector<64x1024xi32>
    %slice3A_982 = vector.extract_strided_slice %select_n3A_962 {offsets = [0, 128], sizes = [64, 896], strides = [1, 1]} : vector<64x1024xi32> to vector<64x896xi32>
    %slice3A_983 = vector.extract_strided_slice %select_n3A_962 {offsets = [0, 0], sizes = [64, 128], strides = [1, 1]} : vector<64x1024xi32> to vector<64x128xi32>
    %concatenate3A_984 = tpu.concatenate %slice3A_982, %slice3A_983 in 1 : vector<64x896xi32>, vector<64x128xi32> -> vector<64x1024xi32>
    %slice3A_985 = vector.extract_strided_slice %select_n3A_962 {offsets = [0, 896], sizes = [64, 128], strides = [1, 1]} : vector<64x1024xi32> to vector<64x128xi32>
    %slice3A_986 = vector.extract_strided_slice %select_n3A_962 {offsets = [0, 0], sizes = [64, 896], strides = [1, 1]} : vector<64x1024xi32> to vector<64x896xi32>
    %concatenate3A_987 = tpu.concatenate %slice3A_985, %slice3A_986 in 1 : vector<64x128xi32>, vector<64x896xi32> -> vector<64x1024xi32>
    %select_n3A_988 = arith.select %eq3A_974, %concatenate3A_984, %concatenate3A_987 : vector<64x1024xi1>, vector<64x1024xi32>
    %gt3A_989 = arith.cmpi sgt, %select_n3A_961, %select_n3A_981 : vector<64x1024xi32>
    %eq3A_990 = arith.cmpi eq, %select_n3A_961, %select_n3A_981 : vector<64x1024xi32>
    %lt3A_991 = arith.cmpi slt, %select_n3A_962, %select_n3A_988 : vector<64x1024xi32>
    %and3A_992 = arith.andi %eq3A_990, %lt3A_991 : vector<64x1024xi1>
    %or3A_993 = arith.ori %gt3A_989, %and3A_992 : vector<64x1024xi1>
    %eq3A_994 = arith.xori %eq3A_968, %eq3A_974 : vector<64x1024xi1>
    %eq3A_995 = arith.constant dense<true> : vector<64x1024xi1>
    %eq3A_996 = arith.xori %eq3A_994, %eq3A_995 : vector<64x1024xi1>
    %eq3A_997 = arith.xori %eq3A_996, %or3A_993 : vector<64x1024xi1>
    %eq3A_998 = arith.constant dense<true> : vector<64x1024xi1>
    %eq3A_999 = arith.xori %eq3A_997, %eq3A_998 : vector<64x1024xi1>
    %select_n3A_1000 = arith.select %eq3A_999, %select_n3A_961, %select_n3A_981 : vector<64x1024xi1>, vector<64x1024xi32>
    %select_n3A_1001 = arith.select %eq3A_999, %select_n3A_962, %select_n3A_988 : vector<64x1024xi1>, vector<64x1024xi32>
    %and3A_1002 = arith.constant 64 : i32
    %and3A_1003 = vector.broadcast %and3A_1002 : i32 to vector<64x1024xi32>
    %and3A_1004 = arith.andi %iota3A, %and3A_1003 : vector<64x1024xi32>
    %eq3A_1005 = arith.constant 0 : i32
    %eq3A_1006 = vector.broadcast %eq3A_1005 : i32 to vector<64x1024xi32>
    %eq3A_1007 = arith.cmpi eq, %and3A_1004, %eq3A_1006 : vector<64x1024xi32>
    %slice3A_1008 = vector.extract_strided_slice %select_n3A_1000 {offsets = [0, 64], sizes = [64, 960], strides = [1, 1]} : vector<64x1024xi32> to vector<64x960xi32>
    %slice3A_1009 = vector.extract_strided_slice %select_n3A_1000 {offsets = [0, 0], sizes = [64, 64], strides = [1, 1]} : vector<64x1024xi32> to vector<64x64xi32>
    %concatenate3A_1010 = tpu.concatenate %slice3A_1008, %slice3A_1009 in 1 : vector<64x960xi32>, vector<64x64xi32> -> vector<64x1024xi32>
    %slice3A_1011 = vector.extract_strided_slice %select_n3A_1000 {offsets = [0, 960], sizes = [64, 64], strides = [1, 1]} : vector<64x1024xi32> to vector<64x64xi32>
    %slice3A_1012 = vector.extract_strided_slice %select_n3A_1000 {offsets = [0, 0], sizes = [64, 960], strides = [1, 1]} : vector<64x1024xi32> to vector<64x960xi32>
    %concatenate3A_1013 = tpu.concatenate %slice3A_1011, %slice3A_1012 in 1 : vector<64x64xi32>, vector<64x960xi32> -> vector<64x1024xi32>
    %select_n3A_1014 = arith.select %eq3A_1007, %concatenate3A_1010, %concatenate3A_1013 : vector<64x1024xi1>, vector<64x1024xi32>
    %slice3A_1015 = vector.extract_strided_slice %select_n3A_1001 {offsets = [0, 64], sizes = [64, 960], strides = [1, 1]} : vector<64x1024xi32> to vector<64x960xi32>
    %slice3A_1016 = vector.extract_strided_slice %select_n3A_1001 {offsets = [0, 0], sizes = [64, 64], strides = [1, 1]} : vector<64x1024xi32> to vector<64x64xi32>
    %concatenate3A_1017 = tpu.concatenate %slice3A_1015, %slice3A_1016 in 1 : vector<64x960xi32>, vector<64x64xi32> -> vector<64x1024xi32>
    %slice3A_1018 = vector.extract_strided_slice %select_n3A_1001 {offsets = [0, 960], sizes = [64, 64], strides = [1, 1]} : vector<64x1024xi32> to vector<64x64xi32>
    %slice3A_1019 = vector.extract_strided_slice %select_n3A_1001 {offsets = [0, 0], sizes = [64, 960], strides = [1, 1]} : vector<64x1024xi32> to vector<64x960xi32>
    %concatenate3A_1020 = tpu.concatenate %slice3A_1018, %slice3A_1019 in 1 : vector<64x64xi32>, vector<64x960xi32> -> vector<64x1024xi32>
    %select_n3A_1021 = arith.select %eq3A_1007, %concatenate3A_1017, %concatenate3A_1020 : vector<64x1024xi1>, vector<64x1024xi32>
    %gt3A_1022 = arith.cmpi sgt, %select_n3A_1000, %select_n3A_1014 : vector<64x1024xi32>
    %eq3A_1023 = arith.cmpi eq, %select_n3A_1000, %select_n3A_1014 : vector<64x1024xi32>
    %lt3A_1024 = arith.cmpi slt, %select_n3A_1001, %select_n3A_1021 : vector<64x1024xi32>
    %and3A_1025 = arith.andi %eq3A_1023, %lt3A_1024 : vector<64x1024xi1>
    %or3A_1026 = arith.ori %gt3A_1022, %and3A_1025 : vector<64x1024xi1>
    %eq3A_1027 = arith.xori %eq3A_968, %eq3A_1007 : vector<64x1024xi1>
    %eq3A_1028 = arith.constant dense<true> : vector<64x1024xi1>
    %eq3A_1029 = arith.xori %eq3A_1027, %eq3A_1028 : vector<64x1024xi1>
    %eq3A_1030 = arith.xori %eq3A_1029, %or3A_1026 : vector<64x1024xi1>
    %eq3A_1031 = arith.constant dense<true> : vector<64x1024xi1>
    %eq3A_1032 = arith.xori %eq3A_1030, %eq3A_1031 : vector<64x1024xi1>
    %select_n3A_1033 = arith.select %eq3A_1032, %select_n3A_1000, %select_n3A_1014 : vector<64x1024xi1>, vector<64x1024xi32>
    %select_n3A_1034 = arith.select %eq3A_1032, %select_n3A_1001, %select_n3A_1021 : vector<64x1024xi1>, vector<64x1024xi32>
    %and3A_1035 = arith.constant 32 : i32
    %and3A_1036 = vector.broadcast %and3A_1035 : i32 to vector<64x1024xi32>
    %and3A_1037 = arith.andi %iota3A, %and3A_1036 : vector<64x1024xi32>
    %eq3A_1038 = arith.constant 0 : i32
    %eq3A_1039 = vector.broadcast %eq3A_1038 : i32 to vector<64x1024xi32>
    %eq3A_1040 = arith.cmpi eq, %and3A_1037, %eq3A_1039 : vector<64x1024xi32>
    %slice3A_1041 = vector.extract_strided_slice %select_n3A_1033 {offsets = [0, 32], sizes = [64, 992], strides = [1, 1]} : vector<64x1024xi32> to vector<64x992xi32>
    %slice3A_1042 = vector.extract_strided_slice %select_n3A_1033 {offsets = [0, 0], sizes = [64, 32], strides = [1, 1]} : vector<64x1024xi32> to vector<64x32xi32>
    %concatenate3A_1043 = tpu.concatenate %slice3A_1041, %slice3A_1042 in 1 : vector<64x992xi32>, vector<64x32xi32> -> vector<64x1024xi32>
    %slice3A_1044 = vector.extract_strided_slice %select_n3A_1033 {offsets = [0, 992], sizes = [64, 32], strides = [1, 1]} : vector<64x1024xi32> to vector<64x32xi32>
    %slice3A_1045 = vector.extract_strided_slice %select_n3A_1033 {offsets = [0, 0], sizes = [64, 992], strides = [1, 1]} : vector<64x1024xi32> to vector<64x992xi32>
    %concatenate3A_1046 = tpu.concatenate %slice3A_1044, %slice3A_1045 in 1 : vector<64x32xi32>, vector<64x992xi32> -> vector<64x1024xi32>
    %select_n3A_1047 = arith.select %eq3A_1040, %concatenate3A_1043, %concatenate3A_1046 : vector<64x1024xi1>, vector<64x1024xi32>
    %slice3A_1048 = vector.extract_strided_slice %select_n3A_1034 {offsets = [0, 32], sizes = [64, 992], strides = [1, 1]} : vector<64x1024xi32> to vector<64x992xi32>
    %slice3A_1049 = vector.extract_strided_slice %select_n3A_1034 {offsets = [0, 0], sizes = [64, 32], strides = [1, 1]} : vector<64x1024xi32> to vector<64x32xi32>
    %concatenate3A_1050 = tpu.concatenate %slice3A_1048, %slice3A_1049 in 1 : vector<64x992xi32>, vector<64x32xi32> -> vector<64x1024xi32>
    %slice3A_1051 = vector.extract_strided_slice %select_n3A_1034 {offsets = [0, 992], sizes = [64, 32], strides = [1, 1]} : vector<64x1024xi32> to vector<64x32xi32>
    %slice3A_1052 = vector.extract_strided_slice %select_n3A_1034 {offsets = [0, 0], sizes = [64, 992], strides = [1, 1]} : vector<64x1024xi32> to vector<64x992xi32>
    %concatenate3A_1053 = tpu.concatenate %slice3A_1051, %slice3A_1052 in 1 : vector<64x32xi32>, vector<64x992xi32> -> vector<64x1024xi32>
    %select_n3A_1054 = arith.select %eq3A_1040, %concatenate3A_1050, %concatenate3A_1053 : vector<64x1024xi1>, vector<64x1024xi32>
    %gt3A_1055 = arith.cmpi sgt, %select_n3A_1033, %select_n3A_1047 : vector<64x1024xi32>
    %eq3A_1056 = arith.cmpi eq, %select_n3A_1033, %select_n3A_1047 : vector<64x1024xi32>
    %lt3A_1057 = arith.cmpi slt, %select_n3A_1034, %select_n3A_1054 : vector<64x1024xi32>
    %and3A_1058 = arith.andi %eq3A_1056, %lt3A_1057 : vector<64x1024xi1>
    %or3A_1059 = arith.ori %gt3A_1055, %and3A_1058 : vector<64x1024xi1>
    %eq3A_1060 = arith.xori %eq3A_968, %eq3A_1040 : vector<64x1024xi1>
    %eq3A_1061 = arith.constant dense<true> : vector<64x1024xi1>
    %eq3A_1062 = arith.xori %eq3A_1060, %eq3A_1061 : vector<64x1024xi1>
    %eq3A_1063 = arith.xori %eq3A_1062, %or3A_1059 : vector<64x1024xi1>
    %eq3A_1064 = arith.constant dense<true> : vector<64x1024xi1>
    %eq3A_1065 = arith.xori %eq3A_1063, %eq3A_1064 : vector<64x1024xi1>
    %select_n3A_1066 = arith.select %eq3A_1065, %select_n3A_1033, %select_n3A_1047 : vector<64x1024xi1>, vector<64x1024xi32>
    %select_n3A_1067 = arith.select %eq3A_1065, %select_n3A_1034, %select_n3A_1054 : vector<64x1024xi1>, vector<64x1024xi32>
    %and3A_1068 = arith.constant 16 : i32
    %and3A_1069 = vector.broadcast %and3A_1068 : i32 to vector<64x1024xi32>
    %and3A_1070 = arith.andi %iota3A, %and3A_1069 : vector<64x1024xi32>
    %eq3A_1071 = arith.constant 0 : i32
    %eq3A_1072 = vector.broadcast %eq3A_1071 : i32 to vector<64x1024xi32>
    %eq3A_1073 = arith.cmpi eq, %and3A_1070, %eq3A_1072 : vector<64x1024xi32>
    %slice3A_1074 = vector.extract_strided_slice %select_n3A_1066 {offsets = [0, 16], sizes = [64, 1008], strides = [1, 1]} : vector<64x1024xi32> to vector<64x1008xi32>
    %slice3A_1075 = vector.extract_strided_slice %select_n3A_1066 {offsets = [0, 0], sizes = [64, 16], strides = [1, 1]} : vector<64x1024xi32> to vector<64x16xi32>
    %concatenate3A_1076 = tpu.concatenate %slice3A_1074, %slice3A_1075 in 1 : vector<64x1008xi32>, vector<64x16xi32> -> vector<64x1024xi32>
    %slice3A_1077 = vector.extract_strided_slice %select_n3A_1066 {offsets = [0, 1008], sizes = [64, 16], strides = [1, 1]} : vector<64x1024xi32> to vector<64x16xi32>
    %slice3A_1078 = vector.extract_strided_slice %select_n3A_1066 {offsets = [0, 0], sizes = [64, 1008], strides = [1, 1]} : vector<64x1024xi32> to vector<64x1008xi32>
    %concatenate3A_1079 = tpu.concatenate %slice3A_1077, %slice3A_1078 in 1 : vector<64x16xi32>, vector<64x1008xi32> -> vector<64x1024xi32>
    %select_n3A_1080 = arith.select %eq3A_1073, %concatenate3A_1076, %concatenate3A_1079 : vector<64x1024xi1>, vector<64x1024xi32>
    %slice3A_1081 = vector.extract_strided_slice %select_n3A_1067 {offsets = [0, 16], sizes = [64, 1008], strides = [1, 1]} : vector<64x1024xi32> to vector<64x1008xi32>
    %slice3A_1082 = vector.extract_strided_slice %select_n3A_1067 {offsets = [0, 0], sizes = [64, 16], strides = [1, 1]} : vector<64x1024xi32> to vector<64x16xi32>
    %concatenate3A_1083 = tpu.concatenate %slice3A_1081, %slice3A_1082 in 1 : vector<64x1008xi32>, vector<64x16xi32> -> vector<64x1024xi32>
    %slice3A_1084 = vector.extract_strided_slice %select_n3A_1067 {offsets = [0, 1008], sizes = [64, 16], strides = [1, 1]} : vector<64x1024xi32> to vector<64x16xi32>
    %slice3A_1085 = vector.extract_strided_slice %select_n3A_1067 {offsets = [0, 0], sizes = [64, 1008], strides = [1, 1]} : vector<64x1024xi32> to vector<64x1008xi32>
    %concatenate3A_1086 = tpu.concatenate %slice3A_1084, %slice3A_1085 in 1 : vector<64x16xi32>, vector<64x1008xi32> -> vector<64x1024xi32>
    %select_n3A_1087 = arith.select %eq3A_1073, %concatenate3A_1083, %concatenate3A_1086 : vector<64x1024xi1>, vector<64x1024xi32>
    %gt3A_1088 = arith.cmpi sgt, %select_n3A_1066, %select_n3A_1080 : vector<64x1024xi32>
    %eq3A_1089 = arith.cmpi eq, %select_n3A_1066, %select_n3A_1080 : vector<64x1024xi32>
    %lt3A_1090 = arith.cmpi slt, %select_n3A_1067, %select_n3A_1087 : vector<64x1024xi32>
    %and3A_1091 = arith.andi %eq3A_1089, %lt3A_1090 : vector<64x1024xi1>
    %or3A_1092 = arith.ori %gt3A_1088, %and3A_1091 : vector<64x1024xi1>
    %eq3A_1093 = arith.xori %eq3A_968, %eq3A_1073 : vector<64x1024xi1>
    %eq3A_1094 = arith.constant dense<true> : vector<64x1024xi1>
    %eq3A_1095 = arith.xori %eq3A_1093, %eq3A_1094 : vector<64x1024xi1>
    %eq3A_1096 = arith.xori %eq3A_1095, %or3A_1092 : vector<64x1024xi1>
    %eq3A_1097 = arith.constant dense<true> : vector<64x1024xi1>
    %eq3A_1098 = arith.xori %eq3A_1096, %eq3A_1097 : vector<64x1024xi1>
    %select_n3A_1099 = arith.select %eq3A_1098, %select_n3A_1066, %select_n3A_1080 : vector<64x1024xi1>, vector<64x1024xi32>
    %select_n3A_1100 = arith.select %eq3A_1098, %select_n3A_1067, %select_n3A_1087 : vector<64x1024xi1>, vector<64x1024xi32>
    %and3A_1101 = arith.constant 8 : i32
    %and3A_1102 = vector.broadcast %and3A_1101 : i32 to vector<64x1024xi32>
    %and3A_1103 = arith.andi %iota3A, %and3A_1102 : vector<64x1024xi32>
    %eq3A_1104 = arith.constant 0 : i32
    %eq3A_1105 = vector.broadcast %eq3A_1104 : i32 to vector<64x1024xi32>
    %eq3A_1106 = arith.cmpi eq, %and3A_1103, %eq3A_1105 : vector<64x1024xi32>
    %slice3A_1107 = vector.extract_strided_slice %select_n3A_1099 {offsets = [0, 8], sizes = [64, 1016], strides = [1, 1]} : vector<64x1024xi32> to vector<64x1016xi32>
    %slice3A_1108 = vector.extract_strided_slice %select_n3A_1099 {offsets = [0, 0], sizes = [64, 8], strides = [1, 1]} : vector<64x1024xi32> to vector<64x8xi32>
    %concatenate3A_1109 = tpu.concatenate %slice3A_1107, %slice3A_1108 in 1 : vector<64x1016xi32>, vector<64x8xi32> -> vector<64x1024xi32>
    %slice3A_1110 = vector.extract_strided_slice %select_n3A_1099 {offsets = [0, 1016], sizes = [64, 8], strides = [1, 1]} : vector<64x1024xi32> to vector<64x8xi32>
    %slice3A_1111 = vector.extract_strided_slice %select_n3A_1099 {offsets = [0, 0], sizes = [64, 1016], strides = [1, 1]} : vector<64x1024xi32> to vector<64x1016xi32>
    %concatenate3A_1112 = tpu.concatenate %slice3A_1110, %slice3A_1111 in 1 : vector<64x8xi32>, vector<64x1016xi32> -> vector<64x1024xi32>
    %select_n3A_1113 = arith.select %eq3A_1106, %concatenate3A_1109, %concatenate3A_1112 : vector<64x1024xi1>, vector<64x1024xi32>
    %slice3A_1114 = vector.extract_strided_slice %select_n3A_1100 {offsets = [0, 8], sizes = [64, 1016], strides = [1, 1]} : vector<64x1024xi32> to vector<64x1016xi32>
    %slice3A_1115 = vector.extract_strided_slice %select_n3A_1100 {offsets = [0, 0], sizes = [64, 8], strides = [1, 1]} : vector<64x1024xi32> to vector<64x8xi32>
    %concatenate3A_1116 = tpu.concatenate %slice3A_1114, %slice3A_1115 in 1 : vector<64x1016xi32>, vector<64x8xi32> -> vector<64x1024xi32>
    %slice3A_1117 = vector.extract_strided_slice %select_n3A_1100 {offsets = [0, 1016], sizes = [64, 8], strides = [1, 1]} : vector<64x1024xi32> to vector<64x8xi32>
    %slice3A_1118 = vector.extract_strided_slice %select_n3A_1100 {offsets = [0, 0], sizes = [64, 1016], strides = [1, 1]} : vector<64x1024xi32> to vector<64x1016xi32>
    %concatenate3A_1119 = tpu.concatenate %slice3A_1117, %slice3A_1118 in 1 : vector<64x8xi32>, vector<64x1016xi32> -> vector<64x1024xi32>
    %select_n3A_1120 = arith.select %eq3A_1106, %concatenate3A_1116, %concatenate3A_1119 : vector<64x1024xi1>, vector<64x1024xi32>
    %gt3A_1121 = arith.cmpi sgt, %select_n3A_1099, %select_n3A_1113 : vector<64x1024xi32>
    %eq3A_1122 = arith.cmpi eq, %select_n3A_1099, %select_n3A_1113 : vector<64x1024xi32>
    %lt3A_1123 = arith.cmpi slt, %select_n3A_1100, %select_n3A_1120 : vector<64x1024xi32>
    %and3A_1124 = arith.andi %eq3A_1122, %lt3A_1123 : vector<64x1024xi1>
    %or3A_1125 = arith.ori %gt3A_1121, %and3A_1124 : vector<64x1024xi1>
    %eq3A_1126 = arith.xori %eq3A_968, %eq3A_1106 : vector<64x1024xi1>
    %eq3A_1127 = arith.constant dense<true> : vector<64x1024xi1>
    %eq3A_1128 = arith.xori %eq3A_1126, %eq3A_1127 : vector<64x1024xi1>
    %eq3A_1129 = arith.xori %eq3A_1128, %or3A_1125 : vector<64x1024xi1>
    %eq3A_1130 = arith.constant dense<true> : vector<64x1024xi1>
    %eq3A_1131 = arith.xori %eq3A_1129, %eq3A_1130 : vector<64x1024xi1>
    %select_n3A_1132 = arith.select %eq3A_1131, %select_n3A_1099, %select_n3A_1113 : vector<64x1024xi1>, vector<64x1024xi32>
    %select_n3A_1133 = arith.select %eq3A_1131, %select_n3A_1100, %select_n3A_1120 : vector<64x1024xi1>, vector<64x1024xi32>
    %and3A_1134 = arith.constant 4 : i32
    %and3A_1135 = vector.broadcast %and3A_1134 : i32 to vector<64x1024xi32>
    %and3A_1136 = arith.andi %iota3A, %and3A_1135 : vector<64x1024xi32>
    %eq3A_1137 = arith.constant 0 : i32
    %eq3A_1138 = vector.broadcast %eq3A_1137 : i32 to vector<64x1024xi32>
    %eq3A_1139 = arith.cmpi eq, %and3A_1136, %eq3A_1138 : vector<64x1024xi32>
    %slice3A_1140 = vector.extract_strided_slice %select_n3A_1132 {offsets = [0, 4], sizes = [64, 1020], strides = [1, 1]} : vector<64x1024xi32> to vector<64x1020xi32>
    %slice3A_1141 = vector.extract_strided_slice %select_n3A_1132 {offsets = [0, 0], sizes = [64, 4], strides = [1, 1]} : vector<64x1024xi32> to vector<64x4xi32>
    %concatenate3A_1142 = tpu.concatenate %slice3A_1140, %slice3A_1141 in 1 : vector<64x1020xi32>, vector<64x4xi32> -> vector<64x1024xi32>
    %slice3A_1143 = vector.extract_strided_slice %select_n3A_1132 {offsets = [0, 1020], sizes = [64, 4], strides = [1, 1]} : vector<64x1024xi32> to vector<64x4xi32>
    %slice3A_1144 = vector.extract_strided_slice %select_n3A_1132 {offsets = [0, 0], sizes = [64, 1020], strides = [1, 1]} : vector<64x1024xi32> to vector<64x1020xi32>
    %concatenate3A_1145 = tpu.concatenate %slice3A_1143, %slice3A_1144 in 1 : vector<64x4xi32>, vector<64x1020xi32> -> vector<64x1024xi32>
    %select_n3A_1146 = arith.select %eq3A_1139, %concatenate3A_1142, %concatenate3A_1145 : vector<64x1024xi1>, vector<64x1024xi32>
    %slice3A_1147 = vector.extract_strided_slice %select_n3A_1133 {offsets = [0, 4], sizes = [64, 1020], strides = [1, 1]} : vector<64x1024xi32> to vector<64x1020xi32>
    %slice3A_1148 = vector.extract_strided_slice %select_n3A_1133 {offsets = [0, 0], sizes = [64, 4], strides = [1, 1]} : vector<64x1024xi32> to vector<64x4xi32>
    %concatenate3A_1149 = tpu.concatenate %slice3A_1147, %slice3A_1148 in 1 : vector<64x1020xi32>, vector<64x4xi32> -> vector<64x1024xi32>
    %slice3A_1150 = vector.extract_strided_slice %select_n3A_1133 {offsets = [0, 1020], sizes = [64, 4], strides = [1, 1]} : vector<64x1024xi32> to vector<64x4xi32>
    %slice3A_1151 = vector.extract_strided_slice %select_n3A_1133 {offsets = [0, 0], sizes = [64, 1020], strides = [1, 1]} : vector<64x1024xi32> to vector<64x1020xi32>
    %concatenate3A_1152 = tpu.concatenate %slice3A_1150, %slice3A_1151 in 1 : vector<64x4xi32>, vector<64x1020xi32> -> vector<64x1024xi32>
    %select_n3A_1153 = arith.select %eq3A_1139, %concatenate3A_1149, %concatenate3A_1152 : vector<64x1024xi1>, vector<64x1024xi32>
    %gt3A_1154 = arith.cmpi sgt, %select_n3A_1132, %select_n3A_1146 : vector<64x1024xi32>
    %eq3A_1155 = arith.cmpi eq, %select_n3A_1132, %select_n3A_1146 : vector<64x1024xi32>
    %lt3A_1156 = arith.cmpi slt, %select_n3A_1133, %select_n3A_1153 : vector<64x1024xi32>
    %and3A_1157 = arith.andi %eq3A_1155, %lt3A_1156 : vector<64x1024xi1>
    %or3A_1158 = arith.ori %gt3A_1154, %and3A_1157 : vector<64x1024xi1>
    %eq3A_1159 = arith.xori %eq3A_968, %eq3A_1139 : vector<64x1024xi1>
    %eq3A_1160 = arith.constant dense<true> : vector<64x1024xi1>
    %eq3A_1161 = arith.xori %eq3A_1159, %eq3A_1160 : vector<64x1024xi1>
    %eq3A_1162 = arith.xori %eq3A_1161, %or3A_1158 : vector<64x1024xi1>
    %eq3A_1163 = arith.constant dense<true> : vector<64x1024xi1>
    %eq3A_1164 = arith.xori %eq3A_1162, %eq3A_1163 : vector<64x1024xi1>
    %select_n3A_1165 = arith.select %eq3A_1164, %select_n3A_1132, %select_n3A_1146 : vector<64x1024xi1>, vector<64x1024xi32>
    %select_n3A_1166 = arith.select %eq3A_1164, %select_n3A_1133, %select_n3A_1153 : vector<64x1024xi1>, vector<64x1024xi32>
    %and3A_1167 = arith.constant 2 : i32
    %and3A_1168 = vector.broadcast %and3A_1167 : i32 to vector<64x1024xi32>
    %and3A_1169 = arith.andi %iota3A, %and3A_1168 : vector<64x1024xi32>
    %eq3A_1170 = arith.constant 0 : i32
    %eq3A_1171 = vector.broadcast %eq3A_1170 : i32 to vector<64x1024xi32>
    %eq3A_1172 = arith.cmpi eq, %and3A_1169, %eq3A_1171 : vector<64x1024xi32>
    %slice3A_1173 = vector.extract_strided_slice %select_n3A_1165 {offsets = [0, 2], sizes = [64, 1022], strides = [1, 1]} : vector<64x1024xi32> to vector<64x1022xi32>
    %slice3A_1174 = vector.extract_strided_slice %select_n3A_1165 {offsets = [0, 0], sizes = [64, 2], strides = [1, 1]} : vector<64x1024xi32> to vector<64x2xi32>
    %concatenate3A_1175 = tpu.concatenate %slice3A_1173, %slice3A_1174 in 1 : vector<64x1022xi32>, vector<64x2xi32> -> vector<64x1024xi32>
    %slice3A_1176 = vector.extract_strided_slice %select_n3A_1165 {offsets = [0, 1022], sizes = [64, 2], strides = [1, 1]} : vector<64x1024xi32> to vector<64x2xi32>
    %slice3A_1177 = vector.extract_strided_slice %select_n3A_1165 {offsets = [0, 0], sizes = [64, 1022], strides = [1, 1]} : vector<64x1024xi32> to vector<64x1022xi32>
    %concatenate3A_1178 = tpu.concatenate %slice3A_1176, %slice3A_1177 in 1 : vector<64x2xi32>, vector<64x1022xi32> -> vector<64x1024xi32>
    %select_n3A_1179 = arith.select %eq3A_1172, %concatenate3A_1175, %concatenate3A_1178 : vector<64x1024xi1>, vector<64x1024xi32>
    %slice3A_1180 = vector.extract_strided_slice %select_n3A_1166 {offsets = [0, 2], sizes = [64, 1022], strides = [1, 1]} : vector<64x1024xi32> to vector<64x1022xi32>
    %slice3A_1181 = vector.extract_strided_slice %select_n3A_1166 {offsets = [0, 0], sizes = [64, 2], strides = [1, 1]} : vector<64x1024xi32> to vector<64x2xi32>
    %concatenate3A_1182 = tpu.concatenate %slice3A_1180, %slice3A_1181 in 1 : vector<64x1022xi32>, vector<64x2xi32> -> vector<64x1024xi32>
    %slice3A_1183 = vector.extract_strided_slice %select_n3A_1166 {offsets = [0, 1022], sizes = [64, 2], strides = [1, 1]} : vector<64x1024xi32> to vector<64x2xi32>
    %slice3A_1184 = vector.extract_strided_slice %select_n3A_1166 {offsets = [0, 0], sizes = [64, 1022], strides = [1, 1]} : vector<64x1024xi32> to vector<64x1022xi32>
    %concatenate3A_1185 = tpu.concatenate %slice3A_1183, %slice3A_1184 in 1 : vector<64x2xi32>, vector<64x1022xi32> -> vector<64x1024xi32>
    %select_n3A_1186 = arith.select %eq3A_1172, %concatenate3A_1182, %concatenate3A_1185 : vector<64x1024xi1>, vector<64x1024xi32>
    %gt3A_1187 = arith.cmpi sgt, %select_n3A_1165, %select_n3A_1179 : vector<64x1024xi32>
    %eq3A_1188 = arith.cmpi eq, %select_n3A_1165, %select_n3A_1179 : vector<64x1024xi32>
    %lt3A_1189 = arith.cmpi slt, %select_n3A_1166, %select_n3A_1186 : vector<64x1024xi32>
    %and3A_1190 = arith.andi %eq3A_1188, %lt3A_1189 : vector<64x1024xi1>
    %or3A_1191 = arith.ori %gt3A_1187, %and3A_1190 : vector<64x1024xi1>
    %eq3A_1192 = arith.xori %eq3A_968, %eq3A_1172 : vector<64x1024xi1>
    %eq3A_1193 = arith.constant dense<true> : vector<64x1024xi1>
    %eq3A_1194 = arith.xori %eq3A_1192, %eq3A_1193 : vector<64x1024xi1>
    %eq3A_1195 = arith.xori %eq3A_1194, %or3A_1191 : vector<64x1024xi1>
    %eq3A_1196 = arith.constant dense<true> : vector<64x1024xi1>
    %eq3A_1197 = arith.xori %eq3A_1195, %eq3A_1196 : vector<64x1024xi1>
    %select_n3A_1198 = arith.select %eq3A_1197, %select_n3A_1165, %select_n3A_1179 : vector<64x1024xi1>, vector<64x1024xi32>
    %select_n3A_1199 = arith.select %eq3A_1197, %select_n3A_1166, %select_n3A_1186 : vector<64x1024xi1>, vector<64x1024xi32>
    %and3A_1200 = arith.constant 1 : i32
    %and3A_1201 = vector.broadcast %and3A_1200 : i32 to vector<64x1024xi32>
    %and3A_1202 = arith.andi %iota3A, %and3A_1201 : vector<64x1024xi32>
    %eq3A_1203 = arith.constant 0 : i32
    %eq3A_1204 = vector.broadcast %eq3A_1203 : i32 to vector<64x1024xi32>
    %eq3A_1205 = arith.cmpi eq, %and3A_1202, %eq3A_1204 : vector<64x1024xi32>
    %slice3A_1206 = vector.extract_strided_slice %select_n3A_1198 {offsets = [0, 1], sizes = [64, 1023], strides = [1, 1]} : vector<64x1024xi32> to vector<64x1023xi32>
    %slice3A_1207 = vector.extract_strided_slice %select_n3A_1198 {offsets = [0, 0], sizes = [64, 1], strides = [1, 1]} : vector<64x1024xi32> to vector<64x1xi32>
    %concatenate3A_1208 = tpu.concatenate %slice3A_1206, %slice3A_1207 in 1 : vector<64x1023xi32>, vector<64x1xi32> -> vector<64x1024xi32>
    %slice3A_1209 = vector.extract_strided_slice %select_n3A_1198 {offsets = [0, 1023], sizes = [64, 1], strides = [1, 1]} : vector<64x1024xi32> to vector<64x1xi32>
    %slice3A_1210 = vector.extract_strided_slice %select_n3A_1198 {offsets = [0, 0], sizes = [64, 1023], strides = [1, 1]} : vector<64x1024xi32> to vector<64x1023xi32>
    %concatenate3A_1211 = tpu.concatenate %slice3A_1209, %slice3A_1210 in 1 : vector<64x1xi32>, vector<64x1023xi32> -> vector<64x1024xi32>
    %select_n3A_1212 = arith.select %eq3A_1205, %concatenate3A_1208, %concatenate3A_1211 : vector<64x1024xi1>, vector<64x1024xi32>
    %slice3A_1213 = vector.extract_strided_slice %select_n3A_1199 {offsets = [0, 1], sizes = [64, 1023], strides = [1, 1]} : vector<64x1024xi32> to vector<64x1023xi32>
    %slice3A_1214 = vector.extract_strided_slice %select_n3A_1199 {offsets = [0, 0], sizes = [64, 1], strides = [1, 1]} : vector<64x1024xi32> to vector<64x1xi32>
    %concatenate3A_1215 = tpu.concatenate %slice3A_1213, %slice3A_1214 in 1 : vector<64x1023xi32>, vector<64x1xi32> -> vector<64x1024xi32>
    %slice3A_1216 = vector.extract_strided_slice %select_n3A_1199 {offsets = [0, 1023], sizes = [64, 1], strides = [1, 1]} : vector<64x1024xi32> to vector<64x1xi32>
    %slice3A_1217 = vector.extract_strided_slice %select_n3A_1199 {offsets = [0, 0], sizes = [64, 1023], strides = [1, 1]} : vector<64x1024xi32> to vector<64x1023xi32>
    %concatenate3A_1218 = tpu.concatenate %slice3A_1216, %slice3A_1217 in 1 : vector<64x1xi32>, vector<64x1023xi32> -> vector<64x1024xi32>
    %select_n3A_1219 = arith.select %eq3A_1205, %concatenate3A_1215, %concatenate3A_1218 : vector<64x1024xi1>, vector<64x1024xi32>
    %gt3A_1220 = arith.cmpi sgt, %select_n3A_1198, %select_n3A_1212 : vector<64x1024xi32>
    %eq3A_1221 = arith.cmpi eq, %select_n3A_1198, %select_n3A_1212 : vector<64x1024xi32>
    %lt3A_1222 = arith.cmpi slt, %select_n3A_1199, %select_n3A_1219 : vector<64x1024xi32>
    %and3A_1223 = arith.andi %eq3A_1221, %lt3A_1222 : vector<64x1024xi1>
    %or3A_1224 = arith.ori %gt3A_1220, %and3A_1223 : vector<64x1024xi1>
    %eq3A_1225 = arith.xori %eq3A_968, %eq3A_1205 : vector<64x1024xi1>
    %eq3A_1226 = arith.constant dense<true> : vector<64x1024xi1>
    %eq3A_1227 = arith.xori %eq3A_1225, %eq3A_1226 : vector<64x1024xi1>
    %eq3A_1228 = arith.xori %eq3A_1227, %or3A_1224 : vector<64x1024xi1>
    %eq3A_1229 = arith.constant dense<true> : vector<64x1024xi1>
    %eq3A_1230 = arith.xori %eq3A_1228, %eq3A_1229 : vector<64x1024xi1>
    %select_n3A_1231 = arith.select %eq3A_1230, %select_n3A_1198, %select_n3A_1212 : vector<64x1024xi1>, vector<64x1024xi32>
    %select_n3A_1232 = arith.select %eq3A_1230, %select_n3A_1199, %select_n3A_1219 : vector<64x1024xi1>, vector<64x1024xi32>
    %and3A_1233 = arith.constant 512 : i32
    %and3A_1234 = vector.broadcast %and3A_1233 : i32 to vector<64x1024xi32>
    %and3A_1235 = arith.andi %iota3A, %and3A_1234 : vector<64x1024xi32>
    %eq3A_1236 = arith.constant 0 : i32
    %eq3A_1237 = vector.broadcast %eq3A_1236 : i32 to vector<64x1024xi32>
    %eq3A_1238 = arith.cmpi eq, %and3A_1235, %eq3A_1237 : vector<64x1024xi32>
    %and3A_1239 = arith.constant 256 : i32
    %and3A_1240 = vector.broadcast %and3A_1239 : i32 to vector<64x1024xi32>
    %and3A_1241 = arith.andi %iota3A, %and3A_1240 : vector<64x1024xi32>
    %eq3A_1242 = arith.constant 0 : i32
    %eq3A_1243 = vector.broadcast %eq3A_1242 : i32 to vector<64x1024xi32>
    %eq3A_1244 = arith.cmpi eq, %and3A_1241, %eq3A_1243 : vector<64x1024xi32>
    %slice3A_1245 = vector.extract_strided_slice %select_n3A_1231 {offsets = [0, 256], sizes = [64, 768], strides = [1, 1]} : vector<64x1024xi32> to vector<64x768xi32>
    %slice3A_1246 = vector.extract_strided_slice %select_n3A_1231 {offsets = [0, 0], sizes = [64, 256], strides = [1, 1]} : vector<64x1024xi32> to vector<64x256xi32>
    %concatenate3A_1247 = tpu.concatenate %slice3A_1245, %slice3A_1246 in 1 : vector<64x768xi32>, vector<64x256xi32> -> vector<64x1024xi32>
    %slice3A_1248 = vector.extract_strided_slice %select_n3A_1231 {offsets = [0, 768], sizes = [64, 256], strides = [1, 1]} : vector<64x1024xi32> to vector<64x256xi32>
    %slice3A_1249 = vector.extract_strided_slice %select_n3A_1231 {offsets = [0, 0], sizes = [64, 768], strides = [1, 1]} : vector<64x1024xi32> to vector<64x768xi32>
    %concatenate3A_1250 = tpu.concatenate %slice3A_1248, %slice3A_1249 in 1 : vector<64x256xi32>, vector<64x768xi32> -> vector<64x1024xi32>
    %select_n3A_1251 = arith.select %eq3A_1244, %concatenate3A_1247, %concatenate3A_1250 : vector<64x1024xi1>, vector<64x1024xi32>
    %slice3A_1252 = vector.extract_strided_slice %select_n3A_1232 {offsets = [0, 256], sizes = [64, 768], strides = [1, 1]} : vector<64x1024xi32> to vector<64x768xi32>
    %slice3A_1253 = vector.extract_strided_slice %select_n3A_1232 {offsets = [0, 0], sizes = [64, 256], strides = [1, 1]} : vector<64x1024xi32> to vector<64x256xi32>
    %concatenate3A_1254 = tpu.concatenate %slice3A_1252, %slice3A_1253 in 1 : vector<64x768xi32>, vector<64x256xi32> -> vector<64x1024xi32>
    %slice3A_1255 = vector.extract_strided_slice %select_n3A_1232 {offsets = [0, 768], sizes = [64, 256], strides = [1, 1]} : vector<64x1024xi32> to vector<64x256xi32>
    %slice3A_1256 = vector.extract_strided_slice %select_n3A_1232 {offsets = [0, 0], sizes = [64, 768], strides = [1, 1]} : vector<64x1024xi32> to vector<64x768xi32>
    %concatenate3A_1257 = tpu.concatenate %slice3A_1255, %slice3A_1256 in 1 : vector<64x256xi32>, vector<64x768xi32> -> vector<64x1024xi32>
    %select_n3A_1258 = arith.select %eq3A_1244, %concatenate3A_1254, %concatenate3A_1257 : vector<64x1024xi1>, vector<64x1024xi32>
    %gt3A_1259 = arith.cmpi sgt, %select_n3A_1231, %select_n3A_1251 : vector<64x1024xi32>
    %eq3A_1260 = arith.cmpi eq, %select_n3A_1231, %select_n3A_1251 : vector<64x1024xi32>
    %lt3A_1261 = arith.cmpi slt, %select_n3A_1232, %select_n3A_1258 : vector<64x1024xi32>
    %and3A_1262 = arith.andi %eq3A_1260, %lt3A_1261 : vector<64x1024xi1>
    %or3A_1263 = arith.ori %gt3A_1259, %and3A_1262 : vector<64x1024xi1>
    %eq3A_1264 = arith.xori %eq3A_1238, %eq3A_1244 : vector<64x1024xi1>
    %eq3A_1265 = arith.constant dense<true> : vector<64x1024xi1>
    %eq3A_1266 = arith.xori %eq3A_1264, %eq3A_1265 : vector<64x1024xi1>
    %eq3A_1267 = arith.xori %eq3A_1266, %or3A_1263 : vector<64x1024xi1>
    %eq3A_1268 = arith.constant dense<true> : vector<64x1024xi1>
    %eq3A_1269 = arith.xori %eq3A_1267, %eq3A_1268 : vector<64x1024xi1>
    %select_n3A_1270 = arith.select %eq3A_1269, %select_n3A_1231, %select_n3A_1251 : vector<64x1024xi1>, vector<64x1024xi32>
    %select_n3A_1271 = arith.select %eq3A_1269, %select_n3A_1232, %select_n3A_1258 : vector<64x1024xi1>, vector<64x1024xi32>
    %and3A_1272 = arith.constant 128 : i32
    %and3A_1273 = vector.broadcast %and3A_1272 : i32 to vector<64x1024xi32>
    %and3A_1274 = arith.andi %iota3A, %and3A_1273 : vector<64x1024xi32>
    %eq3A_1275 = arith.constant 0 : i32
    %eq3A_1276 = vector.broadcast %eq3A_1275 : i32 to vector<64x1024xi32>
    %eq3A_1277 = arith.cmpi eq, %and3A_1274, %eq3A_1276 : vector<64x1024xi32>
    %slice3A_1278 = vector.extract_strided_slice %select_n3A_1270 {offsets = [0, 128], sizes = [64, 896], strides = [1, 1]} : vector<64x1024xi32> to vector<64x896xi32>
    %slice3A_1279 = vector.extract_strided_slice %select_n3A_1270 {offsets = [0, 0], sizes = [64, 128], strides = [1, 1]} : vector<64x1024xi32> to vector<64x128xi32>
    %concatenate3A_1280 = tpu.concatenate %slice3A_1278, %slice3A_1279 in 1 : vector<64x896xi32>, vector<64x128xi32> -> vector<64x1024xi32>
    %slice3A_1281 = vector.extract_strided_slice %select_n3A_1270 {offsets = [0, 896], sizes = [64, 128], strides = [1, 1]} : vector<64x1024xi32> to vector<64x128xi32>
    %slice3A_1282 = vector.extract_strided_slice %select_n3A_1270 {offsets = [0, 0], sizes = [64, 896], strides = [1, 1]} : vector<64x1024xi32> to vector<64x896xi32>
    %concatenate3A_1283 = tpu.concatenate %slice3A_1281, %slice3A_1282 in 1 : vector<64x128xi32>, vector<64x896xi32> -> vector<64x1024xi32>
    %select_n3A_1284 = arith.select %eq3A_1277, %concatenate3A_1280, %concatenate3A_1283 : vector<64x1024xi1>, vector<64x1024xi32>
    %slice3A_1285 = vector.extract_strided_slice %select_n3A_1271 {offsets = [0, 128], sizes = [64, 896], strides = [1, 1]} : vector<64x1024xi32> to vector<64x896xi32>
    %slice3A_1286 = vector.extract_strided_slice %select_n3A_1271 {offsets = [0, 0], sizes = [64, 128], strides = [1, 1]} : vector<64x1024xi32> to vector<64x128xi32>
    %concatenate3A_1287 = tpu.concatenate %slice3A_1285, %slice3A_1286 in 1 : vector<64x896xi32>, vector<64x128xi32> -> vector<64x1024xi32>
    %slice3A_1288 = vector.extract_strided_slice %select_n3A_1271 {offsets = [0, 896], sizes = [64, 128], strides = [1, 1]} : vector<64x1024xi32> to vector<64x128xi32>
    %slice3A_1289 = vector.extract_strided_slice %select_n3A_1271 {offsets = [0, 0], sizes = [64, 896], strides = [1, 1]} : vector<64x1024xi32> to vector<64x896xi32>
    %concatenate3A_1290 = tpu.concatenate %slice3A_1288, %slice3A_1289 in 1 : vector<64x128xi32>, vector<64x896xi32> -> vector<64x1024xi32>
    %select_n3A_1291 = arith.select %eq3A_1277, %concatenate3A_1287, %concatenate3A_1290 : vector<64x1024xi1>, vector<64x1024xi32>
    %gt3A_1292 = arith.cmpi sgt, %select_n3A_1270, %select_n3A_1284 : vector<64x1024xi32>
    %eq3A_1293 = arith.cmpi eq, %select_n3A_1270, %select_n3A_1284 : vector<64x1024xi32>
    %lt3A_1294 = arith.cmpi slt, %select_n3A_1271, %select_n3A_1291 : vector<64x1024xi32>
    %and3A_1295 = arith.andi %eq3A_1293, %lt3A_1294 : vector<64x1024xi1>
    %or3A_1296 = arith.ori %gt3A_1292, %and3A_1295 : vector<64x1024xi1>
    %eq3A_1297 = arith.xori %eq3A_1238, %eq3A_1277 : vector<64x1024xi1>
    %eq3A_1298 = arith.constant dense<true> : vector<64x1024xi1>
    %eq3A_1299 = arith.xori %eq3A_1297, %eq3A_1298 : vector<64x1024xi1>
    %eq3A_1300 = arith.xori %eq3A_1299, %or3A_1296 : vector<64x1024xi1>
    %eq3A_1301 = arith.constant dense<true> : vector<64x1024xi1>
    %eq3A_1302 = arith.xori %eq3A_1300, %eq3A_1301 : vector<64x1024xi1>
    %select_n3A_1303 = arith.select %eq3A_1302, %select_n3A_1270, %select_n3A_1284 : vector<64x1024xi1>, vector<64x1024xi32>
    %select_n3A_1304 = arith.select %eq3A_1302, %select_n3A_1271, %select_n3A_1291 : vector<64x1024xi1>, vector<64x1024xi32>
    %and3A_1305 = arith.constant 64 : i32
    %and3A_1306 = vector.broadcast %and3A_1305 : i32 to vector<64x1024xi32>
    %and3A_1307 = arith.andi %iota3A, %and3A_1306 : vector<64x1024xi32>
    %eq3A_1308 = arith.constant 0 : i32
    %eq3A_1309 = vector.broadcast %eq3A_1308 : i32 to vector<64x1024xi32>
    %eq3A_1310 = arith.cmpi eq, %and3A_1307, %eq3A_1309 : vector<64x1024xi32>
    %slice3A_1311 = vector.extract_strided_slice %select_n3A_1303 {offsets = [0, 64], sizes = [64, 960], strides = [1, 1]} : vector<64x1024xi32> to vector<64x960xi32>
    %slice3A_1312 = vector.extract_strided_slice %select_n3A_1303 {offsets = [0, 0], sizes = [64, 64], strides = [1, 1]} : vector<64x1024xi32> to vector<64x64xi32>
    %concatenate3A_1313 = tpu.concatenate %slice3A_1311, %slice3A_1312 in 1 : vector<64x960xi32>, vector<64x64xi32> -> vector<64x1024xi32>
    %slice3A_1314 = vector.extract_strided_slice %select_n3A_1303 {offsets = [0, 960], sizes = [64, 64], strides = [1, 1]} : vector<64x1024xi32> to vector<64x64xi32>
    %slice3A_1315 = vector.extract_strided_slice %select_n3A_1303 {offsets = [0, 0], sizes = [64, 960], strides = [1, 1]} : vector<64x1024xi32> to vector<64x960xi32>
    %concatenate3A_1316 = tpu.concatenate %slice3A_1314, %slice3A_1315 in 1 : vector<64x64xi32>, vector<64x960xi32> -> vector<64x1024xi32>
    %select_n3A_1317 = arith.select %eq3A_1310, %concatenate3A_1313, %concatenate3A_1316 : vector<64x1024xi1>, vector<64x1024xi32>
    %slice3A_1318 = vector.extract_strided_slice %select_n3A_1304 {offsets = [0, 64], sizes = [64, 960], strides = [1, 1]} : vector<64x1024xi32> to vector<64x960xi32>
    %slice3A_1319 = vector.extract_strided_slice %select_n3A_1304 {offsets = [0, 0], sizes = [64, 64], strides = [1, 1]} : vector<64x1024xi32> to vector<64x64xi32>
    %concatenate3A_1320 = tpu.concatenate %slice3A_1318, %slice3A_1319 in 1 : vector<64x960xi32>, vector<64x64xi32> -> vector<64x1024xi32>
    %slice3A_1321 = vector.extract_strided_slice %select_n3A_1304 {offsets = [0, 960], sizes = [64, 64], strides = [1, 1]} : vector<64x1024xi32> to vector<64x64xi32>
    %slice3A_1322 = vector.extract_strided_slice %select_n3A_1304 {offsets = [0, 0], sizes = [64, 960], strides = [1, 1]} : vector<64x1024xi32> to vector<64x960xi32>
    %concatenate3A_1323 = tpu.concatenate %slice3A_1321, %slice3A_1322 in 1 : vector<64x64xi32>, vector<64x960xi32> -> vector<64x1024xi32>
    %select_n3A_1324 = arith.select %eq3A_1310, %concatenate3A_1320, %concatenate3A_1323 : vector<64x1024xi1>, vector<64x1024xi32>
    %gt3A_1325 = arith.cmpi sgt, %select_n3A_1303, %select_n3A_1317 : vector<64x1024xi32>
    %eq3A_1326 = arith.cmpi eq, %select_n3A_1303, %select_n3A_1317 : vector<64x1024xi32>
    %lt3A_1327 = arith.cmpi slt, %select_n3A_1304, %select_n3A_1324 : vector<64x1024xi32>
    %and3A_1328 = arith.andi %eq3A_1326, %lt3A_1327 : vector<64x1024xi1>
    %or3A_1329 = arith.ori %gt3A_1325, %and3A_1328 : vector<64x1024xi1>
    %eq3A_1330 = arith.xori %eq3A_1238, %eq3A_1310 : vector<64x1024xi1>
    %eq3A_1331 = arith.constant dense<true> : vector<64x1024xi1>
    %eq3A_1332 = arith.xori %eq3A_1330, %eq3A_1331 : vector<64x1024xi1>
    %eq3A_1333 = arith.xori %eq3A_1332, %or3A_1329 : vector<64x1024xi1>
    %eq3A_1334 = arith.constant dense<true> : vector<64x1024xi1>
    %eq3A_1335 = arith.xori %eq3A_1333, %eq3A_1334 : vector<64x1024xi1>
    %select_n3A_1336 = arith.select %eq3A_1335, %select_n3A_1303, %select_n3A_1317 : vector<64x1024xi1>, vector<64x1024xi32>
    %select_n3A_1337 = arith.select %eq3A_1335, %select_n3A_1304, %select_n3A_1324 : vector<64x1024xi1>, vector<64x1024xi32>
    %and3A_1338 = arith.constant 32 : i32
    %and3A_1339 = vector.broadcast %and3A_1338 : i32 to vector<64x1024xi32>
    %and3A_1340 = arith.andi %iota3A, %and3A_1339 : vector<64x1024xi32>
    %eq3A_1341 = arith.constant 0 : i32
    %eq3A_1342 = vector.broadcast %eq3A_1341 : i32 to vector<64x1024xi32>
    %eq3A_1343 = arith.cmpi eq, %and3A_1340, %eq3A_1342 : vector<64x1024xi32>
    %slice3A_1344 = vector.extract_strided_slice %select_n3A_1336 {offsets = [0, 32], sizes = [64, 992], strides = [1, 1]} : vector<64x1024xi32> to vector<64x992xi32>
    %slice3A_1345 = vector.extract_strided_slice %select_n3A_1336 {offsets = [0, 0], sizes = [64, 32], strides = [1, 1]} : vector<64x1024xi32> to vector<64x32xi32>
    %concatenate3A_1346 = tpu.concatenate %slice3A_1344, %slice3A_1345 in 1 : vector<64x992xi32>, vector<64x32xi32> -> vector<64x1024xi32>
    %slice3A_1347 = vector.extract_strided_slice %select_n3A_1336 {offsets = [0, 992], sizes = [64, 32], strides = [1, 1]} : vector<64x1024xi32> to vector<64x32xi32>
    %slice3A_1348 = vector.extract_strided_slice %select_n3A_1336 {offsets = [0, 0], sizes = [64, 992], strides = [1, 1]} : vector<64x1024xi32> to vector<64x992xi32>
    %concatenate3A_1349 = tpu.concatenate %slice3A_1347, %slice3A_1348 in 1 : vector<64x32xi32>, vector<64x992xi32> -> vector<64x1024xi32>
    %select_n3A_1350 = arith.select %eq3A_1343, %concatenate3A_1346, %concatenate3A_1349 : vector<64x1024xi1>, vector<64x1024xi32>
    %slice3A_1351 = vector.extract_strided_slice %select_n3A_1337 {offsets = [0, 32], sizes = [64, 992], strides = [1, 1]} : vector<64x1024xi32> to vector<64x992xi32>
    %slice3A_1352 = vector.extract_strided_slice %select_n3A_1337 {offsets = [0, 0], sizes = [64, 32], strides = [1, 1]} : vector<64x1024xi32> to vector<64x32xi32>
    %concatenate3A_1353 = tpu.concatenate %slice3A_1351, %slice3A_1352 in 1 : vector<64x992xi32>, vector<64x32xi32> -> vector<64x1024xi32>
    %slice3A_1354 = vector.extract_strided_slice %select_n3A_1337 {offsets = [0, 992], sizes = [64, 32], strides = [1, 1]} : vector<64x1024xi32> to vector<64x32xi32>
    %slice3A_1355 = vector.extract_strided_slice %select_n3A_1337 {offsets = [0, 0], sizes = [64, 992], strides = [1, 1]} : vector<64x1024xi32> to vector<64x992xi32>
    %concatenate3A_1356 = tpu.concatenate %slice3A_1354, %slice3A_1355 in 1 : vector<64x32xi32>, vector<64x992xi32> -> vector<64x1024xi32>
    %select_n3A_1357 = arith.select %eq3A_1343, %concatenate3A_1353, %concatenate3A_1356 : vector<64x1024xi1>, vector<64x1024xi32>
    %gt3A_1358 = arith.cmpi sgt, %select_n3A_1336, %select_n3A_1350 : vector<64x1024xi32>
    %eq3A_1359 = arith.cmpi eq, %select_n3A_1336, %select_n3A_1350 : vector<64x1024xi32>
    %lt3A_1360 = arith.cmpi slt, %select_n3A_1337, %select_n3A_1357 : vector<64x1024xi32>
    %and3A_1361 = arith.andi %eq3A_1359, %lt3A_1360 : vector<64x1024xi1>
    %or3A_1362 = arith.ori %gt3A_1358, %and3A_1361 : vector<64x1024xi1>
    %eq3A_1363 = arith.xori %eq3A_1238, %eq3A_1343 : vector<64x1024xi1>
    %eq3A_1364 = arith.constant dense<true> : vector<64x1024xi1>
    %eq3A_1365 = arith.xori %eq3A_1363, %eq3A_1364 : vector<64x1024xi1>
    %eq3A_1366 = arith.xori %eq3A_1365, %or3A_1362 : vector<64x1024xi1>
    %eq3A_1367 = arith.constant dense<true> : vector<64x1024xi1>
    %eq3A_1368 = arith.xori %eq3A_1366, %eq3A_1367 : vector<64x1024xi1>
    %select_n3A_1369 = arith.select %eq3A_1368, %select_n3A_1336, %select_n3A_1350 : vector<64x1024xi1>, vector<64x1024xi32>
    %select_n3A_1370 = arith.select %eq3A_1368, %select_n3A_1337, %select_n3A_1357 : vector<64x1024xi1>, vector<64x1024xi32>
    %and3A_1371 = arith.constant 16 : i32
    %and3A_1372 = vector.broadcast %and3A_1371 : i32 to vector<64x1024xi32>
    %and3A_1373 = arith.andi %iota3A, %and3A_1372 : vector<64x1024xi32>
    %eq3A_1374 = arith.constant 0 : i32
    %eq3A_1375 = vector.broadcast %eq3A_1374 : i32 to vector<64x1024xi32>
    %eq3A_1376 = arith.cmpi eq, %and3A_1373, %eq3A_1375 : vector<64x1024xi32>
    %slice3A_1377 = vector.extract_strided_slice %select_n3A_1369 {offsets = [0, 16], sizes = [64, 1008], strides = [1, 1]} : vector<64x1024xi32> to vector<64x1008xi32>
    %slice3A_1378 = vector.extract_strided_slice %select_n3A_1369 {offsets = [0, 0], sizes = [64, 16], strides = [1, 1]} : vector<64x1024xi32> to vector<64x16xi32>
    %concatenate3A_1379 = tpu.concatenate %slice3A_1377, %slice3A_1378 in 1 : vector<64x1008xi32>, vector<64x16xi32> -> vector<64x1024xi32>
    %slice3A_1380 = vector.extract_strided_slice %select_n3A_1369 {offsets = [0, 1008], sizes = [64, 16], strides = [1, 1]} : vector<64x1024xi32> to vector<64x16xi32>
    %slice3A_1381 = vector.extract_strided_slice %select_n3A_1369 {offsets = [0, 0], sizes = [64, 1008], strides = [1, 1]} : vector<64x1024xi32> to vector<64x1008xi32>
    %concatenate3A_1382 = tpu.concatenate %slice3A_1380, %slice3A_1381 in 1 : vector<64x16xi32>, vector<64x1008xi32> -> vector<64x1024xi32>
    %select_n3A_1383 = arith.select %eq3A_1376, %concatenate3A_1379, %concatenate3A_1382 : vector<64x1024xi1>, vector<64x1024xi32>
    %slice3A_1384 = vector.extract_strided_slice %select_n3A_1370 {offsets = [0, 16], sizes = [64, 1008], strides = [1, 1]} : vector<64x1024xi32> to vector<64x1008xi32>
    %slice3A_1385 = vector.extract_strided_slice %select_n3A_1370 {offsets = [0, 0], sizes = [64, 16], strides = [1, 1]} : vector<64x1024xi32> to vector<64x16xi32>
    %concatenate3A_1386 = tpu.concatenate %slice3A_1384, %slice3A_1385 in 1 : vector<64x1008xi32>, vector<64x16xi32> -> vector<64x1024xi32>
    %slice3A_1387 = vector.extract_strided_slice %select_n3A_1370 {offsets = [0, 1008], sizes = [64, 16], strides = [1, 1]} : vector<64x1024xi32> to vector<64x16xi32>
    %slice3A_1388 = vector.extract_strided_slice %select_n3A_1370 {offsets = [0, 0], sizes = [64, 1008], strides = [1, 1]} : vector<64x1024xi32> to vector<64x1008xi32>
    %concatenate3A_1389 = tpu.concatenate %slice3A_1387, %slice3A_1388 in 1 : vector<64x16xi32>, vector<64x1008xi32> -> vector<64x1024xi32>
    %select_n3A_1390 = arith.select %eq3A_1376, %concatenate3A_1386, %concatenate3A_1389 : vector<64x1024xi1>, vector<64x1024xi32>
    %gt3A_1391 = arith.cmpi sgt, %select_n3A_1369, %select_n3A_1383 : vector<64x1024xi32>
    %eq3A_1392 = arith.cmpi eq, %select_n3A_1369, %select_n3A_1383 : vector<64x1024xi32>
    %lt3A_1393 = arith.cmpi slt, %select_n3A_1370, %select_n3A_1390 : vector<64x1024xi32>
    %and3A_1394 = arith.andi %eq3A_1392, %lt3A_1393 : vector<64x1024xi1>
    %or3A_1395 = arith.ori %gt3A_1391, %and3A_1394 : vector<64x1024xi1>
    %eq3A_1396 = arith.xori %eq3A_1238, %eq3A_1376 : vector<64x1024xi1>
    %eq3A_1397 = arith.constant dense<true> : vector<64x1024xi1>
    %eq3A_1398 = arith.xori %eq3A_1396, %eq3A_1397 : vector<64x1024xi1>
    %eq3A_1399 = arith.xori %eq3A_1398, %or3A_1395 : vector<64x1024xi1>
    %eq3A_1400 = arith.constant dense<true> : vector<64x1024xi1>
    %eq3A_1401 = arith.xori %eq3A_1399, %eq3A_1400 : vector<64x1024xi1>
    %select_n3A_1402 = arith.select %eq3A_1401, %select_n3A_1369, %select_n3A_1383 : vector<64x1024xi1>, vector<64x1024xi32>
    %select_n3A_1403 = arith.select %eq3A_1401, %select_n3A_1370, %select_n3A_1390 : vector<64x1024xi1>, vector<64x1024xi32>
    %and3A_1404 = arith.constant 8 : i32
    %and3A_1405 = vector.broadcast %and3A_1404 : i32 to vector<64x1024xi32>
    %and3A_1406 = arith.andi %iota3A, %and3A_1405 : vector<64x1024xi32>
    %eq3A_1407 = arith.constant 0 : i32
    %eq3A_1408 = vector.broadcast %eq3A_1407 : i32 to vector<64x1024xi32>
    %eq3A_1409 = arith.cmpi eq, %and3A_1406, %eq3A_1408 : vector<64x1024xi32>
    %slice3A_1410 = vector.extract_strided_slice %select_n3A_1402 {offsets = [0, 8], sizes = [64, 1016], strides = [1, 1]} : vector<64x1024xi32> to vector<64x1016xi32>
    %slice3A_1411 = vector.extract_strided_slice %select_n3A_1402 {offsets = [0, 0], sizes = [64, 8], strides = [1, 1]} : vector<64x1024xi32> to vector<64x8xi32>
    %concatenate3A_1412 = tpu.concatenate %slice3A_1410, %slice3A_1411 in 1 : vector<64x1016xi32>, vector<64x8xi32> -> vector<64x1024xi32>
    %slice3A_1413 = vector.extract_strided_slice %select_n3A_1402 {offsets = [0, 1016], sizes = [64, 8], strides = [1, 1]} : vector<64x1024xi32> to vector<64x8xi32>
    %slice3A_1414 = vector.extract_strided_slice %select_n3A_1402 {offsets = [0, 0], sizes = [64, 1016], strides = [1, 1]} : vector<64x1024xi32> to vector<64x1016xi32>
    %concatenate3A_1415 = tpu.concatenate %slice3A_1413, %slice3A_1414 in 1 : vector<64x8xi32>, vector<64x1016xi32> -> vector<64x1024xi32>
    %select_n3A_1416 = arith.select %eq3A_1409, %concatenate3A_1412, %concatenate3A_1415 : vector<64x1024xi1>, vector<64x1024xi32>
    %slice3A_1417 = vector.extract_strided_slice %select_n3A_1403 {offsets = [0, 8], sizes = [64, 1016], strides = [1, 1]} : vector<64x1024xi32> to vector<64x1016xi32>
    %slice3A_1418 = vector.extract_strided_slice %select_n3A_1403 {offsets = [0, 0], sizes = [64, 8], strides = [1, 1]} : vector<64x1024xi32> to vector<64x8xi32>
    %concatenate3A_1419 = tpu.concatenate %slice3A_1417, %slice3A_1418 in 1 : vector<64x1016xi32>, vector<64x8xi32> -> vector<64x1024xi32>
    %slice3A_1420 = vector.extract_strided_slice %select_n3A_1403 {offsets = [0, 1016], sizes = [64, 8], strides = [1, 1]} : vector<64x1024xi32> to vector<64x8xi32>
    %slice3A_1421 = vector.extract_strided_slice %select_n3A_1403 {offsets = [0, 0], sizes = [64, 1016], strides = [1, 1]} : vector<64x1024xi32> to vector<64x1016xi32>
    %concatenate3A_1422 = tpu.concatenate %slice3A_1420, %slice3A_1421 in 1 : vector<64x8xi32>, vector<64x1016xi32> -> vector<64x1024xi32>
    %select_n3A_1423 = arith.select %eq3A_1409, %concatenate3A_1419, %concatenate3A_1422 : vector<64x1024xi1>, vector<64x1024xi32>
    %gt3A_1424 = arith.cmpi sgt, %select_n3A_1402, %select_n3A_1416 : vector<64x1024xi32>
    %eq3A_1425 = arith.cmpi eq, %select_n3A_1402, %select_n3A_1416 : vector<64x1024xi32>
    %lt3A_1426 = arith.cmpi slt, %select_n3A_1403, %select_n3A_1423 : vector<64x1024xi32>
    %and3A_1427 = arith.andi %eq3A_1425, %lt3A_1426 : vector<64x1024xi1>
    %or3A_1428 = arith.ori %gt3A_1424, %and3A_1427 : vector<64x1024xi1>
    %eq3A_1429 = arith.xori %eq3A_1238, %eq3A_1409 : vector<64x1024xi1>
    %eq3A_1430 = arith.constant dense<true> : vector<64x1024xi1>
    %eq3A_1431 = arith.xori %eq3A_1429, %eq3A_1430 : vector<64x1024xi1>
    %eq3A_1432 = arith.xori %eq3A_1431, %or3A_1428 : vector<64x1024xi1>
    %eq3A_1433 = arith.constant dense<true> : vector<64x1024xi1>
    %eq3A_1434 = arith.xori %eq3A_1432, %eq3A_1433 : vector<64x1024xi1>
    %select_n3A_1435 = arith.select %eq3A_1434, %select_n3A_1402, %select_n3A_1416 : vector<64x1024xi1>, vector<64x1024xi32>
    %select_n3A_1436 = arith.select %eq3A_1434, %select_n3A_1403, %select_n3A_1423 : vector<64x1024xi1>, vector<64x1024xi32>
    %and3A_1437 = arith.constant 4 : i32
    %and3A_1438 = vector.broadcast %and3A_1437 : i32 to vector<64x1024xi32>
    %and3A_1439 = arith.andi %iota3A, %and3A_1438 : vector<64x1024xi32>
    %eq3A_1440 = arith.constant 0 : i32
    %eq3A_1441 = vector.broadcast %eq3A_1440 : i32 to vector<64x1024xi32>
    %eq3A_1442 = arith.cmpi eq, %and3A_1439, %eq3A_1441 : vector<64x1024xi32>
    %slice3A_1443 = vector.extract_strided_slice %select_n3A_1435 {offsets = [0, 4], sizes = [64, 1020], strides = [1, 1]} : vector<64x1024xi32> to vector<64x1020xi32>
    %slice3A_1444 = vector.extract_strided_slice %select_n3A_1435 {offsets = [0, 0], sizes = [64, 4], strides = [1, 1]} : vector<64x1024xi32> to vector<64x4xi32>
    %concatenate3A_1445 = tpu.concatenate %slice3A_1443, %slice3A_1444 in 1 : vector<64x1020xi32>, vector<64x4xi32> -> vector<64x1024xi32>
    %slice3A_1446 = vector.extract_strided_slice %select_n3A_1435 {offsets = [0, 1020], sizes = [64, 4], strides = [1, 1]} : vector<64x1024xi32> to vector<64x4xi32>
    %slice3A_1447 = vector.extract_strided_slice %select_n3A_1435 {offsets = [0, 0], sizes = [64, 1020], strides = [1, 1]} : vector<64x1024xi32> to vector<64x1020xi32>
    %concatenate3A_1448 = tpu.concatenate %slice3A_1446, %slice3A_1447 in 1 : vector<64x4xi32>, vector<64x1020xi32> -> vector<64x1024xi32>
    %select_n3A_1449 = arith.select %eq3A_1442, %concatenate3A_1445, %concatenate3A_1448 : vector<64x1024xi1>, vector<64x1024xi32>
    %slice3A_1450 = vector.extract_strided_slice %select_n3A_1436 {offsets = [0, 4], sizes = [64, 1020], strides = [1, 1]} : vector<64x1024xi32> to vector<64x1020xi32>
    %slice3A_1451 = vector.extract_strided_slice %select_n3A_1436 {offsets = [0, 0], sizes = [64, 4], strides = [1, 1]} : vector<64x1024xi32> to vector<64x4xi32>
    %concatenate3A_1452 = tpu.concatenate %slice3A_1450, %slice3A_1451 in 1 : vector<64x1020xi32>, vector<64x4xi32> -> vector<64x1024xi32>
    %slice3A_1453 = vector.extract_strided_slice %select_n3A_1436 {offsets = [0, 1020], sizes = [64, 4], strides = [1, 1]} : vector<64x1024xi32> to vector<64x4xi32>
    %slice3A_1454 = vector.extract_strided_slice %select_n3A_1436 {offsets = [0, 0], sizes = [64, 1020], strides = [1, 1]} : vector<64x1024xi32> to vector<64x1020xi32>
    %concatenate3A_1455 = tpu.concatenate %slice3A_1453, %slice3A_1454 in 1 : vector<64x4xi32>, vector<64x1020xi32> -> vector<64x1024xi32>
    %select_n3A_1456 = arith.select %eq3A_1442, %concatenate3A_1452, %concatenate3A_1455 : vector<64x1024xi1>, vector<64x1024xi32>
    %gt3A_1457 = arith.cmpi sgt, %select_n3A_1435, %select_n3A_1449 : vector<64x1024xi32>
    %eq3A_1458 = arith.cmpi eq, %select_n3A_1435, %select_n3A_1449 : vector<64x1024xi32>
    %lt3A_1459 = arith.cmpi slt, %select_n3A_1436, %select_n3A_1456 : vector<64x1024xi32>
    %and3A_1460 = arith.andi %eq3A_1458, %lt3A_1459 : vector<64x1024xi1>
    %or3A_1461 = arith.ori %gt3A_1457, %and3A_1460 : vector<64x1024xi1>
    %eq3A_1462 = arith.xori %eq3A_1238, %eq3A_1442 : vector<64x1024xi1>
    %eq3A_1463 = arith.constant dense<true> : vector<64x1024xi1>
    %eq3A_1464 = arith.xori %eq3A_1462, %eq3A_1463 : vector<64x1024xi1>
    %eq3A_1465 = arith.xori %eq3A_1464, %or3A_1461 : vector<64x1024xi1>
    %eq3A_1466 = arith.constant dense<true> : vector<64x1024xi1>
    %eq3A_1467 = arith.xori %eq3A_1465, %eq3A_1466 : vector<64x1024xi1>
    %select_n3A_1468 = arith.select %eq3A_1467, %select_n3A_1435, %select_n3A_1449 : vector<64x1024xi1>, vector<64x1024xi32>
    %select_n3A_1469 = arith.select %eq3A_1467, %select_n3A_1436, %select_n3A_1456 : vector<64x1024xi1>, vector<64x1024xi32>
    %and3A_1470 = arith.constant 2 : i32
    %and3A_1471 = vector.broadcast %and3A_1470 : i32 to vector<64x1024xi32>
    %and3A_1472 = arith.andi %iota3A, %and3A_1471 : vector<64x1024xi32>
    %eq3A_1473 = arith.constant 0 : i32
    %eq3A_1474 = vector.broadcast %eq3A_1473 : i32 to vector<64x1024xi32>
    %eq3A_1475 = arith.cmpi eq, %and3A_1472, %eq3A_1474 : vector<64x1024xi32>
    %slice3A_1476 = vector.extract_strided_slice %select_n3A_1468 {offsets = [0, 2], sizes = [64, 1022], strides = [1, 1]} : vector<64x1024xi32> to vector<64x1022xi32>
    %slice3A_1477 = vector.extract_strided_slice %select_n3A_1468 {offsets = [0, 0], sizes = [64, 2], strides = [1, 1]} : vector<64x1024xi32> to vector<64x2xi32>
    %concatenate3A_1478 = tpu.concatenate %slice3A_1476, %slice3A_1477 in 1 : vector<64x1022xi32>, vector<64x2xi32> -> vector<64x1024xi32>
    %slice3A_1479 = vector.extract_strided_slice %select_n3A_1468 {offsets = [0, 1022], sizes = [64, 2], strides = [1, 1]} : vector<64x1024xi32> to vector<64x2xi32>
    %slice3A_1480 = vector.extract_strided_slice %select_n3A_1468 {offsets = [0, 0], sizes = [64, 1022], strides = [1, 1]} : vector<64x1024xi32> to vector<64x1022xi32>
    %concatenate3A_1481 = tpu.concatenate %slice3A_1479, %slice3A_1480 in 1 : vector<64x2xi32>, vector<64x1022xi32> -> vector<64x1024xi32>
    %select_n3A_1482 = arith.select %eq3A_1475, %concatenate3A_1478, %concatenate3A_1481 : vector<64x1024xi1>, vector<64x1024xi32>
    %slice3A_1483 = vector.extract_strided_slice %select_n3A_1469 {offsets = [0, 2], sizes = [64, 1022], strides = [1, 1]} : vector<64x1024xi32> to vector<64x1022xi32>
    %slice3A_1484 = vector.extract_strided_slice %select_n3A_1469 {offsets = [0, 0], sizes = [64, 2], strides = [1, 1]} : vector<64x1024xi32> to vector<64x2xi32>
    %concatenate3A_1485 = tpu.concatenate %slice3A_1483, %slice3A_1484 in 1 : vector<64x1022xi32>, vector<64x2xi32> -> vector<64x1024xi32>
    %slice3A_1486 = vector.extract_strided_slice %select_n3A_1469 {offsets = [0, 1022], sizes = [64, 2], strides = [1, 1]} : vector<64x1024xi32> to vector<64x2xi32>
    %slice3A_1487 = vector.extract_strided_slice %select_n3A_1469 {offsets = [0, 0], sizes = [64, 1022], strides = [1, 1]} : vector<64x1024xi32> to vector<64x1022xi32>
    %concatenate3A_1488 = tpu.concatenate %slice3A_1486, %slice3A_1487 in 1 : vector<64x2xi32>, vector<64x1022xi32> -> vector<64x1024xi32>
    %select_n3A_1489 = arith.select %eq3A_1475, %concatenate3A_1485, %concatenate3A_1488 : vector<64x1024xi1>, vector<64x1024xi32>
    %gt3A_1490 = arith.cmpi sgt, %select_n3A_1468, %select_n3A_1482 : vector<64x1024xi32>
    %eq3A_1491 = arith.cmpi eq, %select_n3A_1468, %select_n3A_1482 : vector<64x1024xi32>
    %lt3A_1492 = arith.cmpi slt, %select_n3A_1469, %select_n3A_1489 : vector<64x1024xi32>
    %and3A_1493 = arith.andi %eq3A_1491, %lt3A_1492 : vector<64x1024xi1>
    %or3A_1494 = arith.ori %gt3A_1490, %and3A_1493 : vector<64x1024xi1>
    %eq3A_1495 = arith.xori %eq3A_1238, %eq3A_1475 : vector<64x1024xi1>
    %eq3A_1496 = arith.constant dense<true> : vector<64x1024xi1>
    %eq3A_1497 = arith.xori %eq3A_1495, %eq3A_1496 : vector<64x1024xi1>
    %eq3A_1498 = arith.xori %eq3A_1497, %or3A_1494 : vector<64x1024xi1>
    %eq3A_1499 = arith.constant dense<true> : vector<64x1024xi1>
    %eq3A_1500 = arith.xori %eq3A_1498, %eq3A_1499 : vector<64x1024xi1>
    %select_n3A_1501 = arith.select %eq3A_1500, %select_n3A_1468, %select_n3A_1482 : vector<64x1024xi1>, vector<64x1024xi32>
    %select_n3A_1502 = arith.select %eq3A_1500, %select_n3A_1469, %select_n3A_1489 : vector<64x1024xi1>, vector<64x1024xi32>
    %and3A_1503 = arith.constant 1 : i32
    %and3A_1504 = vector.broadcast %and3A_1503 : i32 to vector<64x1024xi32>
    %and3A_1505 = arith.andi %iota3A, %and3A_1504 : vector<64x1024xi32>
    %eq3A_1506 = arith.constant 0 : i32
    %eq3A_1507 = vector.broadcast %eq3A_1506 : i32 to vector<64x1024xi32>
    %eq3A_1508 = arith.cmpi eq, %and3A_1505, %eq3A_1507 : vector<64x1024xi32>
    %slice3A_1509 = vector.extract_strided_slice %select_n3A_1501 {offsets = [0, 1], sizes = [64, 1023], strides = [1, 1]} : vector<64x1024xi32> to vector<64x1023xi32>
    %slice3A_1510 = vector.extract_strided_slice %select_n3A_1501 {offsets = [0, 0], sizes = [64, 1], strides = [1, 1]} : vector<64x1024xi32> to vector<64x1xi32>
    %concatenate3A_1511 = tpu.concatenate %slice3A_1509, %slice3A_1510 in 1 : vector<64x1023xi32>, vector<64x1xi32> -> vector<64x1024xi32>
    %slice3A_1512 = vector.extract_strided_slice %select_n3A_1501 {offsets = [0, 1023], sizes = [64, 1], strides = [1, 1]} : vector<64x1024xi32> to vector<64x1xi32>
    %slice3A_1513 = vector.extract_strided_slice %select_n3A_1501 {offsets = [0, 0], sizes = [64, 1023], strides = [1, 1]} : vector<64x1024xi32> to vector<64x1023xi32>
    %concatenate3A_1514 = tpu.concatenate %slice3A_1512, %slice3A_1513 in 1 : vector<64x1xi32>, vector<64x1023xi32> -> vector<64x1024xi32>
    %select_n3A_1515 = arith.select %eq3A_1508, %concatenate3A_1511, %concatenate3A_1514 : vector<64x1024xi1>, vector<64x1024xi32>
    %slice3A_1516 = vector.extract_strided_slice %select_n3A_1502 {offsets = [0, 1], sizes = [64, 1023], strides = [1, 1]} : vector<64x1024xi32> to vector<64x1023xi32>
    %slice3A_1517 = vector.extract_strided_slice %select_n3A_1502 {offsets = [0, 0], sizes = [64, 1], strides = [1, 1]} : vector<64x1024xi32> to vector<64x1xi32>
    %concatenate3A_1518 = tpu.concatenate %slice3A_1516, %slice3A_1517 in 1 : vector<64x1023xi32>, vector<64x1xi32> -> vector<64x1024xi32>
    %slice3A_1519 = vector.extract_strided_slice %select_n3A_1502 {offsets = [0, 1023], sizes = [64, 1], strides = [1, 1]} : vector<64x1024xi32> to vector<64x1xi32>
    %slice3A_1520 = vector.extract_strided_slice %select_n3A_1502 {offsets = [0, 0], sizes = [64, 1023], strides = [1, 1]} : vector<64x1024xi32> to vector<64x1023xi32>
    %concatenate3A_1521 = tpu.concatenate %slice3A_1519, %slice3A_1520 in 1 : vector<64x1xi32>, vector<64x1023xi32> -> vector<64x1024xi32>
    %select_n3A_1522 = arith.select %eq3A_1508, %concatenate3A_1518, %concatenate3A_1521 : vector<64x1024xi1>, vector<64x1024xi32>
    %gt3A_1523 = arith.cmpi sgt, %select_n3A_1501, %select_n3A_1515 : vector<64x1024xi32>
    %eq3A_1524 = arith.cmpi eq, %select_n3A_1501, %select_n3A_1515 : vector<64x1024xi32>
    %lt3A_1525 = arith.cmpi slt, %select_n3A_1502, %select_n3A_1522 : vector<64x1024xi32>
    %and3A_1526 = arith.andi %eq3A_1524, %lt3A_1525 : vector<64x1024xi1>
    %or3A_1527 = arith.ori %gt3A_1523, %and3A_1526 : vector<64x1024xi1>
    %eq3A_1528 = arith.xori %eq3A_1238, %eq3A_1508 : vector<64x1024xi1>
    %eq3A_1529 = arith.constant dense<true> : vector<64x1024xi1>
    %eq3A_1530 = arith.xori %eq3A_1528, %eq3A_1529 : vector<64x1024xi1>
    %eq3A_1531 = arith.xori %eq3A_1530, %or3A_1527 : vector<64x1024xi1>
    %eq3A_1532 = arith.constant dense<true> : vector<64x1024xi1>
    %eq3A_1533 = arith.xori %eq3A_1531, %eq3A_1532 : vector<64x1024xi1>
    %select_n3A_1534 = arith.select %eq3A_1533, %select_n3A_1501, %select_n3A_1515 : vector<64x1024xi1>, vector<64x1024xi32>
    %select_n3A_1535 = arith.select %eq3A_1533, %select_n3A_1502, %select_n3A_1522 : vector<64x1024xi1>, vector<64x1024xi32>
    %ge3A = arith.constant 0 : i32
    %ge3A_1536 = vector.broadcast %ge3A : i32 to vector<64x1024xi32>
    %ge3A_1537 = arith.cmpi sge, %iota3A, %ge3A_1536 : vector<64x1024xi32>
    %and3A_1538 = arith.constant 512 : i32
    %and3A_1539 = vector.broadcast %and3A_1538 : i32 to vector<64x1024xi32>
    %and3A_1540 = arith.andi %iota3A, %and3A_1539 : vector<64x1024xi32>
    %eq3A_1541 = arith.constant 0 : i32
    %eq3A_1542 = vector.broadcast %eq3A_1541 : i32 to vector<64x1024xi32>
    %eq3A_1543 = arith.cmpi eq, %and3A_1540, %eq3A_1542 : vector<64x1024xi32>
    %slice3A_1544 = vector.extract_strided_slice %select_n3A_1534 {offsets = [0, 512], sizes = [64, 512], strides = [1, 1]} : vector<64x1024xi32> to vector<64x512xi32>
    %slice3A_1545 = vector.extract_strided_slice %select_n3A_1534 {offsets = [0, 0], sizes = [64, 512], strides = [1, 1]} : vector<64x1024xi32> to vector<64x512xi32>
    %concatenate3A_1546 = tpu.concatenate %slice3A_1544, %slice3A_1545 in 1 : vector<64x512xi32>, vector<64x512xi32> -> vector<64x1024xi32>
    %slice3A_1547 = vector.extract_strided_slice %select_n3A_1534 {offsets = [0, 512], sizes = [64, 512], strides = [1, 1]} : vector<64x1024xi32> to vector<64x512xi32>
    %slice3A_1548 = vector.extract_strided_slice %select_n3A_1534 {offsets = [0, 0], sizes = [64, 512], strides = [1, 1]} : vector<64x1024xi32> to vector<64x512xi32>
    %concatenate3A_1549 = tpu.concatenate %slice3A_1547, %slice3A_1548 in 1 : vector<64x512xi32>, vector<64x512xi32> -> vector<64x1024xi32>
    %select_n3A_1550 = arith.select %eq3A_1543, %concatenate3A_1546, %concatenate3A_1549 : vector<64x1024xi1>, vector<64x1024xi32>
    %slice3A_1551 = vector.extract_strided_slice %select_n3A_1535 {offsets = [0, 512], sizes = [64, 512], strides = [1, 1]} : vector<64x1024xi32> to vector<64x512xi32>
    %slice3A_1552 = vector.extract_strided_slice %select_n3A_1535 {offsets = [0, 0], sizes = [64, 512], strides = [1, 1]} : vector<64x1024xi32> to vector<64x512xi32>
    %concatenate3A_1553 = tpu.concatenate %slice3A_1551, %slice3A_1552 in 1 : vector<64x512xi32>, vector<64x512xi32> -> vector<64x1024xi32>
    %slice3A_1554 = vector.extract_strided_slice %select_n3A_1535 {offsets = [0, 512], sizes = [64, 512], strides = [1, 1]} : vector<64x1024xi32> to vector<64x512xi32>
    %slice3A_1555 = vector.extract_strided_slice %select_n3A_1535 {offsets = [0, 0], sizes = [64, 512], strides = [1, 1]} : vector<64x1024xi32> to vector<64x512xi32>
    %concatenate3A_1556 = tpu.concatenate %slice3A_1554, %slice3A_1555 in 1 : vector<64x512xi32>, vector<64x512xi32> -> vector<64x1024xi32>
    %select_n3A_1557 = arith.select %eq3A_1543, %concatenate3A_1553, %concatenate3A_1556 : vector<64x1024xi1>, vector<64x1024xi32>
    %gt3A_1558 = arith.cmpi sgt, %select_n3A_1534, %select_n3A_1550 : vector<64x1024xi32>
    %eq3A_1559 = arith.cmpi eq, %select_n3A_1534, %select_n3A_1550 : vector<64x1024xi32>
    %lt3A_1560 = arith.cmpi slt, %select_n3A_1535, %select_n3A_1557 : vector<64x1024xi32>
    %and3A_1561 = arith.andi %eq3A_1559, %lt3A_1560 : vector<64x1024xi1>
    %or3A_1562 = arith.ori %gt3A_1558, %and3A_1561 : vector<64x1024xi1>
    %eq3A_1563 = arith.xori %ge3A_1537, %eq3A_1543 : vector<64x1024xi1>
    %eq3A_1564 = arith.constant dense<true> : vector<64x1024xi1>
    %eq3A_1565 = arith.xori %eq3A_1563, %eq3A_1564 : vector<64x1024xi1>
    %eq3A_1566 = arith.xori %eq3A_1565, %or3A_1562 : vector<64x1024xi1>
    %eq3A_1567 = arith.constant dense<true> : vector<64x1024xi1>
    %eq3A_1568 = arith.xori %eq3A_1566, %eq3A_1567 : vector<64x1024xi1>
    %select_n3A_1569 = arith.select %eq3A_1568, %select_n3A_1534, %select_n3A_1550 : vector<64x1024xi1>, vector<64x1024xi32>
    %select_n3A_1570 = arith.select %eq3A_1568, %select_n3A_1535, %select_n3A_1557 : vector<64x1024xi1>, vector<64x1024xi32>
    %and3A_1571 = arith.constant 256 : i32
    %and3A_1572 = vector.broadcast %and3A_1571 : i32 to vector<64x1024xi32>
    %and3A_1573 = arith.andi %iota3A, %and3A_1572 : vector<64x1024xi32>
    %eq3A_1574 = arith.constant 0 : i32
    %eq3A_1575 = vector.broadcast %eq3A_1574 : i32 to vector<64x1024xi32>
    %eq3A_1576 = arith.cmpi eq, %and3A_1573, %eq3A_1575 : vector<64x1024xi32>
    %slice3A_1577 = vector.extract_strided_slice %select_n3A_1569 {offsets = [0, 256], sizes = [64, 768], strides = [1, 1]} : vector<64x1024xi32> to vector<64x768xi32>
    %slice3A_1578 = vector.extract_strided_slice %select_n3A_1569 {offsets = [0, 0], sizes = [64, 256], strides = [1, 1]} : vector<64x1024xi32> to vector<64x256xi32>
    %concatenate3A_1579 = tpu.concatenate %slice3A_1577, %slice3A_1578 in 1 : vector<64x768xi32>, vector<64x256xi32> -> vector<64x1024xi32>
    %slice3A_1580 = vector.extract_strided_slice %select_n3A_1569 {offsets = [0, 768], sizes = [64, 256], strides = [1, 1]} : vector<64x1024xi32> to vector<64x256xi32>
    %slice3A_1581 = vector.extract_strided_slice %select_n3A_1569 {offsets = [0, 0], sizes = [64, 768], strides = [1, 1]} : vector<64x1024xi32> to vector<64x768xi32>
    %concatenate3A_1582 = tpu.concatenate %slice3A_1580, %slice3A_1581 in 1 : vector<64x256xi32>, vector<64x768xi32> -> vector<64x1024xi32>
    %select_n3A_1583 = arith.select %eq3A_1576, %concatenate3A_1579, %concatenate3A_1582 : vector<64x1024xi1>, vector<64x1024xi32>
    %slice3A_1584 = vector.extract_strided_slice %select_n3A_1570 {offsets = [0, 256], sizes = [64, 768], strides = [1, 1]} : vector<64x1024xi32> to vector<64x768xi32>
    %slice3A_1585 = vector.extract_strided_slice %select_n3A_1570 {offsets = [0, 0], sizes = [64, 256], strides = [1, 1]} : vector<64x1024xi32> to vector<64x256xi32>
    %concatenate3A_1586 = tpu.concatenate %slice3A_1584, %slice3A_1585 in 1 : vector<64x768xi32>, vector<64x256xi32> -> vector<64x1024xi32>
    %slice3A_1587 = vector.extract_strided_slice %select_n3A_1570 {offsets = [0, 768], sizes = [64, 256], strides = [1, 1]} : vector<64x1024xi32> to vector<64x256xi32>
    %slice3A_1588 = vector.extract_strided_slice %select_n3A_1570 {offsets = [0, 0], sizes = [64, 768], strides = [1, 1]} : vector<64x1024xi32> to vector<64x768xi32>
    %concatenate3A_1589 = tpu.concatenate %slice3A_1587, %slice3A_1588 in 1 : vector<64x256xi32>, vector<64x768xi32> -> vector<64x1024xi32>
    %select_n3A_1590 = arith.select %eq3A_1576, %concatenate3A_1586, %concatenate3A_1589 : vector<64x1024xi1>, vector<64x1024xi32>
    %gt3A_1591 = arith.cmpi sgt, %select_n3A_1569, %select_n3A_1583 : vector<64x1024xi32>
    %eq3A_1592 = arith.cmpi eq, %select_n3A_1569, %select_n3A_1583 : vector<64x1024xi32>
    %lt3A_1593 = arith.cmpi slt, %select_n3A_1570, %select_n3A_1590 : vector<64x1024xi32>
    %and3A_1594 = arith.andi %eq3A_1592, %lt3A_1593 : vector<64x1024xi1>
    %or3A_1595 = arith.ori %gt3A_1591, %and3A_1594 : vector<64x1024xi1>
    %eq3A_1596 = arith.xori %ge3A_1537, %eq3A_1576 : vector<64x1024xi1>
    %eq3A_1597 = arith.constant dense<true> : vector<64x1024xi1>
    %eq3A_1598 = arith.xori %eq3A_1596, %eq3A_1597 : vector<64x1024xi1>
    %eq3A_1599 = arith.xori %eq3A_1598, %or3A_1595 : vector<64x1024xi1>
    %eq3A_1600 = arith.constant dense<true> : vector<64x1024xi1>
    %eq3A_1601 = arith.xori %eq3A_1599, %eq3A_1600 : vector<64x1024xi1>
    %select_n3A_1602 = arith.select %eq3A_1601, %select_n3A_1569, %select_n3A_1583 : vector<64x1024xi1>, vector<64x1024xi32>
    %select_n3A_1603 = arith.select %eq3A_1601, %select_n3A_1570, %select_n3A_1590 : vector<64x1024xi1>, vector<64x1024xi32>
    %and3A_1604 = arith.constant 128 : i32
    %and3A_1605 = vector.broadcast %and3A_1604 : i32 to vector<64x1024xi32>
    %and3A_1606 = arith.andi %iota3A, %and3A_1605 : vector<64x1024xi32>
    %eq3A_1607 = arith.constant 0 : i32
    %eq3A_1608 = vector.broadcast %eq3A_1607 : i32 to vector<64x1024xi32>
    %eq3A_1609 = arith.cmpi eq, %and3A_1606, %eq3A_1608 : vector<64x1024xi32>
    %slice3A_1610 = vector.extract_strided_slice %select_n3A_1602 {offsets = [0, 128], sizes = [64, 896], strides = [1, 1]} : vector<64x1024xi32> to vector<64x896xi32>
    %slice3A_1611 = vector.extract_strided_slice %select_n3A_1602 {offsets = [0, 0], sizes = [64, 128], strides = [1, 1]} : vector<64x1024xi32> to vector<64x128xi32>
    %concatenate3A_1612 = tpu.concatenate %slice3A_1610, %slice3A_1611 in 1 : vector<64x896xi32>, vector<64x128xi32> -> vector<64x1024xi32>
    %slice3A_1613 = vector.extract_strided_slice %select_n3A_1602 {offsets = [0, 896], sizes = [64, 128], strides = [1, 1]} : vector<64x1024xi32> to vector<64x128xi32>
    %slice3A_1614 = vector.extract_strided_slice %select_n3A_1602 {offsets = [0, 0], sizes = [64, 896], strides = [1, 1]} : vector<64x1024xi32> to vector<64x896xi32>
    %concatenate3A_1615 = tpu.concatenate %slice3A_1613, %slice3A_1614 in 1 : vector<64x128xi32>, vector<64x896xi32> -> vector<64x1024xi32>
    %select_n3A_1616 = arith.select %eq3A_1609, %concatenate3A_1612, %concatenate3A_1615 : vector<64x1024xi1>, vector<64x1024xi32>
    %slice3A_1617 = vector.extract_strided_slice %select_n3A_1603 {offsets = [0, 128], sizes = [64, 896], strides = [1, 1]} : vector<64x1024xi32> to vector<64x896xi32>
    %slice3A_1618 = vector.extract_strided_slice %select_n3A_1603 {offsets = [0, 0], sizes = [64, 128], strides = [1, 1]} : vector<64x1024xi32> to vector<64x128xi32>
    %concatenate3A_1619 = tpu.concatenate %slice3A_1617, %slice3A_1618 in 1 : vector<64x896xi32>, vector<64x128xi32> -> vector<64x1024xi32>
    %slice3A_1620 = vector.extract_strided_slice %select_n3A_1603 {offsets = [0, 896], sizes = [64, 128], strides = [1, 1]} : vector<64x1024xi32> to vector<64x128xi32>
    %slice3A_1621 = vector.extract_strided_slice %select_n3A_1603 {offsets = [0, 0], sizes = [64, 896], strides = [1, 1]} : vector<64x1024xi32> to vector<64x896xi32>
    %concatenate3A_1622 = tpu.concatenate %slice3A_1620, %slice3A_1621 in 1 : vector<64x128xi32>, vector<64x896xi32> -> vector<64x1024xi32>
    %select_n3A_1623 = arith.select %eq3A_1609, %concatenate3A_1619, %concatenate3A_1622 : vector<64x1024xi1>, vector<64x1024xi32>
    %gt3A_1624 = arith.cmpi sgt, %select_n3A_1602, %select_n3A_1616 : vector<64x1024xi32>
    %eq3A_1625 = arith.cmpi eq, %select_n3A_1602, %select_n3A_1616 : vector<64x1024xi32>
    %lt3A_1626 = arith.cmpi slt, %select_n3A_1603, %select_n3A_1623 : vector<64x1024xi32>
    %and3A_1627 = arith.andi %eq3A_1625, %lt3A_1626 : vector<64x1024xi1>
    %or3A_1628 = arith.ori %gt3A_1624, %and3A_1627 : vector<64x1024xi1>
    %eq3A_1629 = arith.xori %ge3A_1537, %eq3A_1609 : vector<64x1024xi1>
    %eq3A_1630 = arith.constant dense<true> : vector<64x1024xi1>
    %eq3A_1631 = arith.xori %eq3A_1629, %eq3A_1630 : vector<64x1024xi1>
    %eq3A_1632 = arith.xori %eq3A_1631, %or3A_1628 : vector<64x1024xi1>
    %eq3A_1633 = arith.constant dense<true> : vector<64x1024xi1>
    %eq3A_1634 = arith.xori %eq3A_1632, %eq3A_1633 : vector<64x1024xi1>
    %select_n3A_1635 = arith.select %eq3A_1634, %select_n3A_1602, %select_n3A_1616 : vector<64x1024xi1>, vector<64x1024xi32>
    %select_n3A_1636 = arith.select %eq3A_1634, %select_n3A_1603, %select_n3A_1623 : vector<64x1024xi1>, vector<64x1024xi32>
    %and3A_1637 = arith.constant 64 : i32
    %and3A_1638 = vector.broadcast %and3A_1637 : i32 to vector<64x1024xi32>
    %and3A_1639 = arith.andi %iota3A, %and3A_1638 : vector<64x1024xi32>
    %eq3A_1640 = arith.constant 0 : i32
    %eq3A_1641 = vector.broadcast %eq3A_1640 : i32 to vector<64x1024xi32>
    %eq3A_1642 = arith.cmpi eq, %and3A_1639, %eq3A_1641 : vector<64x1024xi32>
    %slice3A_1643 = vector.extract_strided_slice %select_n3A_1635 {offsets = [0, 64], sizes = [64, 960], strides = [1, 1]} : vector<64x1024xi32> to vector<64x960xi32>
    %slice3A_1644 = vector.extract_strided_slice %select_n3A_1635 {offsets = [0, 0], sizes = [64, 64], strides = [1, 1]} : vector<64x1024xi32> to vector<64x64xi32>
    %concatenate3A_1645 = tpu.concatenate %slice3A_1643, %slice3A_1644 in 1 : vector<64x960xi32>, vector<64x64xi32> -> vector<64x1024xi32>
    %slice3A_1646 = vector.extract_strided_slice %select_n3A_1635 {offsets = [0, 960], sizes = [64, 64], strides = [1, 1]} : vector<64x1024xi32> to vector<64x64xi32>
    %slice3A_1647 = vector.extract_strided_slice %select_n3A_1635 {offsets = [0, 0], sizes = [64, 960], strides = [1, 1]} : vector<64x1024xi32> to vector<64x960xi32>
    %concatenate3A_1648 = tpu.concatenate %slice3A_1646, %slice3A_1647 in 1 : vector<64x64xi32>, vector<64x960xi32> -> vector<64x1024xi32>
    %select_n3A_1649 = arith.select %eq3A_1642, %concatenate3A_1645, %concatenate3A_1648 : vector<64x1024xi1>, vector<64x1024xi32>
    %slice3A_1650 = vector.extract_strided_slice %select_n3A_1636 {offsets = [0, 64], sizes = [64, 960], strides = [1, 1]} : vector<64x1024xi32> to vector<64x960xi32>
    %slice3A_1651 = vector.extract_strided_slice %select_n3A_1636 {offsets = [0, 0], sizes = [64, 64], strides = [1, 1]} : vector<64x1024xi32> to vector<64x64xi32>
    %concatenate3A_1652 = tpu.concatenate %slice3A_1650, %slice3A_1651 in 1 : vector<64x960xi32>, vector<64x64xi32> -> vector<64x1024xi32>
    %slice3A_1653 = vector.extract_strided_slice %select_n3A_1636 {offsets = [0, 960], sizes = [64, 64], strides = [1, 1]} : vector<64x1024xi32> to vector<64x64xi32>
    %slice3A_1654 = vector.extract_strided_slice %select_n3A_1636 {offsets = [0, 0], sizes = [64, 960], strides = [1, 1]} : vector<64x1024xi32> to vector<64x960xi32>
    %concatenate3A_1655 = tpu.concatenate %slice3A_1653, %slice3A_1654 in 1 : vector<64x64xi32>, vector<64x960xi32> -> vector<64x1024xi32>
    %select_n3A_1656 = arith.select %eq3A_1642, %concatenate3A_1652, %concatenate3A_1655 : vector<64x1024xi1>, vector<64x1024xi32>
    %gt3A_1657 = arith.cmpi sgt, %select_n3A_1635, %select_n3A_1649 : vector<64x1024xi32>
    %eq3A_1658 = arith.cmpi eq, %select_n3A_1635, %select_n3A_1649 : vector<64x1024xi32>
    %lt3A_1659 = arith.cmpi slt, %select_n3A_1636, %select_n3A_1656 : vector<64x1024xi32>
    %and3A_1660 = arith.andi %eq3A_1658, %lt3A_1659 : vector<64x1024xi1>
    %or3A_1661 = arith.ori %gt3A_1657, %and3A_1660 : vector<64x1024xi1>
    %eq3A_1662 = arith.xori %ge3A_1537, %eq3A_1642 : vector<64x1024xi1>
    %eq3A_1663 = arith.constant dense<true> : vector<64x1024xi1>
    %eq3A_1664 = arith.xori %eq3A_1662, %eq3A_1663 : vector<64x1024xi1>
    %eq3A_1665 = arith.xori %eq3A_1664, %or3A_1661 : vector<64x1024xi1>
    %eq3A_1666 = arith.constant dense<true> : vector<64x1024xi1>
    %eq3A_1667 = arith.xori %eq3A_1665, %eq3A_1666 : vector<64x1024xi1>
    %select_n3A_1668 = arith.select %eq3A_1667, %select_n3A_1635, %select_n3A_1649 : vector<64x1024xi1>, vector<64x1024xi32>
    %select_n3A_1669 = arith.select %eq3A_1667, %select_n3A_1636, %select_n3A_1656 : vector<64x1024xi1>, vector<64x1024xi32>
    %and3A_1670 = arith.constant 32 : i32
    %and3A_1671 = vector.broadcast %and3A_1670 : i32 to vector<64x1024xi32>
    %and3A_1672 = arith.andi %iota3A, %and3A_1671 : vector<64x1024xi32>
    %eq3A_1673 = arith.constant 0 : i32
    %eq3A_1674 = vector.broadcast %eq3A_1673 : i32 to vector<64x1024xi32>
    %eq3A_1675 = arith.cmpi eq, %and3A_1672, %eq3A_1674 : vector<64x1024xi32>
    %slice3A_1676 = vector.extract_strided_slice %select_n3A_1668 {offsets = [0, 32], sizes = [64, 992], strides = [1, 1]} : vector<64x1024xi32> to vector<64x992xi32>
    %slice3A_1677 = vector.extract_strided_slice %select_n3A_1668 {offsets = [0, 0], sizes = [64, 32], strides = [1, 1]} : vector<64x1024xi32> to vector<64x32xi32>
    %concatenate3A_1678 = tpu.concatenate %slice3A_1676, %slice3A_1677 in 1 : vector<64x992xi32>, vector<64x32xi32> -> vector<64x1024xi32>
    %slice3A_1679 = vector.extract_strided_slice %select_n3A_1668 {offsets = [0, 992], sizes = [64, 32], strides = [1, 1]} : vector<64x1024xi32> to vector<64x32xi32>
    %slice3A_1680 = vector.extract_strided_slice %select_n3A_1668 {offsets = [0, 0], sizes = [64, 992], strides = [1, 1]} : vector<64x1024xi32> to vector<64x992xi32>
    %concatenate3A_1681 = tpu.concatenate %slice3A_1679, %slice3A_1680 in 1 : vector<64x32xi32>, vector<64x992xi32> -> vector<64x1024xi32>
    %select_n3A_1682 = arith.select %eq3A_1675, %concatenate3A_1678, %concatenate3A_1681 : vector<64x1024xi1>, vector<64x1024xi32>
    %slice3A_1683 = vector.extract_strided_slice %select_n3A_1669 {offsets = [0, 32], sizes = [64, 992], strides = [1, 1]} : vector<64x1024xi32> to vector<64x992xi32>
    %slice3A_1684 = vector.extract_strided_slice %select_n3A_1669 {offsets = [0, 0], sizes = [64, 32], strides = [1, 1]} : vector<64x1024xi32> to vector<64x32xi32>
    %concatenate3A_1685 = tpu.concatenate %slice3A_1683, %slice3A_1684 in 1 : vector<64x992xi32>, vector<64x32xi32> -> vector<64x1024xi32>
    %slice3A_1686 = vector.extract_strided_slice %select_n3A_1669 {offsets = [0, 992], sizes = [64, 32], strides = [1, 1]} : vector<64x1024xi32> to vector<64x32xi32>
    %slice3A_1687 = vector.extract_strided_slice %select_n3A_1669 {offsets = [0, 0], sizes = [64, 992], strides = [1, 1]} : vector<64x1024xi32> to vector<64x992xi32>
    %concatenate3A_1688 = tpu.concatenate %slice3A_1686, %slice3A_1687 in 1 : vector<64x32xi32>, vector<64x992xi32> -> vector<64x1024xi32>
    %select_n3A_1689 = arith.select %eq3A_1675, %concatenate3A_1685, %concatenate3A_1688 : vector<64x1024xi1>, vector<64x1024xi32>
    %gt3A_1690 = arith.cmpi sgt, %select_n3A_1668, %select_n3A_1682 : vector<64x1024xi32>
    %eq3A_1691 = arith.cmpi eq, %select_n3A_1668, %select_n3A_1682 : vector<64x1024xi32>
    %lt3A_1692 = arith.cmpi slt, %select_n3A_1669, %select_n3A_1689 : vector<64x1024xi32>
    %and3A_1693 = arith.andi %eq3A_1691, %lt3A_1692 : vector<64x1024xi1>
    %or3A_1694 = arith.ori %gt3A_1690, %and3A_1693 : vector<64x1024xi1>
    %eq3A_1695 = arith.xori %ge3A_1537, %eq3A_1675 : vector<64x1024xi1>
    %eq3A_1696 = arith.constant dense<true> : vector<64x1024xi1>
    %eq3A_1697 = arith.xori %eq3A_1695, %eq3A_1696 : vector<64x1024xi1>
    %eq3A_1698 = arith.xori %eq3A_1697, %or3A_1694 : vector<64x1024xi1>
    %eq3A_1699 = arith.constant dense<true> : vector<64x1024xi1>
    %eq3A_1700 = arith.xori %eq3A_1698, %eq3A_1699 : vector<64x1024xi1>
    %select_n3A_1701 = arith.select %eq3A_1700, %select_n3A_1668, %select_n3A_1682 : vector<64x1024xi1>, vector<64x1024xi32>
    %select_n3A_1702 = arith.select %eq3A_1700, %select_n3A_1669, %select_n3A_1689 : vector<64x1024xi1>, vector<64x1024xi32>
    %and3A_1703 = arith.constant 16 : i32
    %and3A_1704 = vector.broadcast %and3A_1703 : i32 to vector<64x1024xi32>
    %and3A_1705 = arith.andi %iota3A, %and3A_1704 : vector<64x1024xi32>
    %eq3A_1706 = arith.constant 0 : i32
    %eq3A_1707 = vector.broadcast %eq3A_1706 : i32 to vector<64x1024xi32>
    %eq3A_1708 = arith.cmpi eq, %and3A_1705, %eq3A_1707 : vector<64x1024xi32>
    %slice3A_1709 = vector.extract_strided_slice %select_n3A_1701 {offsets = [0, 16], sizes = [64, 1008], strides = [1, 1]} : vector<64x1024xi32> to vector<64x1008xi32>
    %slice3A_1710 = vector.extract_strided_slice %select_n3A_1701 {offsets = [0, 0], sizes = [64, 16], strides = [1, 1]} : vector<64x1024xi32> to vector<64x16xi32>
    %concatenate3A_1711 = tpu.concatenate %slice3A_1709, %slice3A_1710 in 1 : vector<64x1008xi32>, vector<64x16xi32> -> vector<64x1024xi32>
    %slice3A_1712 = vector.extract_strided_slice %select_n3A_1701 {offsets = [0, 1008], sizes = [64, 16], strides = [1, 1]} : vector<64x1024xi32> to vector<64x16xi32>
    %slice3A_1713 = vector.extract_strided_slice %select_n3A_1701 {offsets = [0, 0], sizes = [64, 1008], strides = [1, 1]} : vector<64x1024xi32> to vector<64x1008xi32>
    %concatenate3A_1714 = tpu.concatenate %slice3A_1712, %slice3A_1713 in 1 : vector<64x16xi32>, vector<64x1008xi32> -> vector<64x1024xi32>
    %select_n3A_1715 = arith.select %eq3A_1708, %concatenate3A_1711, %concatenate3A_1714 : vector<64x1024xi1>, vector<64x1024xi32>
    %slice3A_1716 = vector.extract_strided_slice %select_n3A_1702 {offsets = [0, 16], sizes = [64, 1008], strides = [1, 1]} : vector<64x1024xi32> to vector<64x1008xi32>
    %slice3A_1717 = vector.extract_strided_slice %select_n3A_1702 {offsets = [0, 0], sizes = [64, 16], strides = [1, 1]} : vector<64x1024xi32> to vector<64x16xi32>
    %concatenate3A_1718 = tpu.concatenate %slice3A_1716, %slice3A_1717 in 1 : vector<64x1008xi32>, vector<64x16xi32> -> vector<64x1024xi32>
    %slice3A_1719 = vector.extract_strided_slice %select_n3A_1702 {offsets = [0, 1008], sizes = [64, 16], strides = [1, 1]} : vector<64x1024xi32> to vector<64x16xi32>
    %slice3A_1720 = vector.extract_strided_slice %select_n3A_1702 {offsets = [0, 0], sizes = [64, 1008], strides = [1, 1]} : vector<64x1024xi32> to vector<64x1008xi32>
    %concatenate3A_1721 = tpu.concatenate %slice3A_1719, %slice3A_1720 in 1 : vector<64x16xi32>, vector<64x1008xi32> -> vector<64x1024xi32>
    %select_n3A_1722 = arith.select %eq3A_1708, %concatenate3A_1718, %concatenate3A_1721 : vector<64x1024xi1>, vector<64x1024xi32>
    %gt3A_1723 = arith.cmpi sgt, %select_n3A_1701, %select_n3A_1715 : vector<64x1024xi32>
    %eq3A_1724 = arith.cmpi eq, %select_n3A_1701, %select_n3A_1715 : vector<64x1024xi32>
    %lt3A_1725 = arith.cmpi slt, %select_n3A_1702, %select_n3A_1722 : vector<64x1024xi32>
    %and3A_1726 = arith.andi %eq3A_1724, %lt3A_1725 : vector<64x1024xi1>
    %or3A_1727 = arith.ori %gt3A_1723, %and3A_1726 : vector<64x1024xi1>
    %eq3A_1728 = arith.xori %ge3A_1537, %eq3A_1708 : vector<64x1024xi1>
    %eq3A_1729 = arith.constant dense<true> : vector<64x1024xi1>
    %eq3A_1730 = arith.xori %eq3A_1728, %eq3A_1729 : vector<64x1024xi1>
    %eq3A_1731 = arith.xori %eq3A_1730, %or3A_1727 : vector<64x1024xi1>
    %eq3A_1732 = arith.constant dense<true> : vector<64x1024xi1>
    %eq3A_1733 = arith.xori %eq3A_1731, %eq3A_1732 : vector<64x1024xi1>
    %select_n3A_1734 = arith.select %eq3A_1733, %select_n3A_1701, %select_n3A_1715 : vector<64x1024xi1>, vector<64x1024xi32>
    %select_n3A_1735 = arith.select %eq3A_1733, %select_n3A_1702, %select_n3A_1722 : vector<64x1024xi1>, vector<64x1024xi32>
    %and3A_1736 = arith.constant 8 : i32
    %and3A_1737 = vector.broadcast %and3A_1736 : i32 to vector<64x1024xi32>
    %and3A_1738 = arith.andi %iota3A, %and3A_1737 : vector<64x1024xi32>
    %eq3A_1739 = arith.constant 0 : i32
    %eq3A_1740 = vector.broadcast %eq3A_1739 : i32 to vector<64x1024xi32>
    %eq3A_1741 = arith.cmpi eq, %and3A_1738, %eq3A_1740 : vector<64x1024xi32>
    %slice3A_1742 = vector.extract_strided_slice %select_n3A_1734 {offsets = [0, 8], sizes = [64, 1016], strides = [1, 1]} : vector<64x1024xi32> to vector<64x1016xi32>
    %slice3A_1743 = vector.extract_strided_slice %select_n3A_1734 {offsets = [0, 0], sizes = [64, 8], strides = [1, 1]} : vector<64x1024xi32> to vector<64x8xi32>
    %concatenate3A_1744 = tpu.concatenate %slice3A_1742, %slice3A_1743 in 1 : vector<64x1016xi32>, vector<64x8xi32> -> vector<64x1024xi32>
    %slice3A_1745 = vector.extract_strided_slice %select_n3A_1734 {offsets = [0, 1016], sizes = [64, 8], strides = [1, 1]} : vector<64x1024xi32> to vector<64x8xi32>
    %slice3A_1746 = vector.extract_strided_slice %select_n3A_1734 {offsets = [0, 0], sizes = [64, 1016], strides = [1, 1]} : vector<64x1024xi32> to vector<64x1016xi32>
    %concatenate3A_1747 = tpu.concatenate %slice3A_1745, %slice3A_1746 in 1 : vector<64x8xi32>, vector<64x1016xi32> -> vector<64x1024xi32>
    %select_n3A_1748 = arith.select %eq3A_1741, %concatenate3A_1744, %concatenate3A_1747 : vector<64x1024xi1>, vector<64x1024xi32>
    %slice3A_1749 = vector.extract_strided_slice %select_n3A_1735 {offsets = [0, 8], sizes = [64, 1016], strides = [1, 1]} : vector<64x1024xi32> to vector<64x1016xi32>
    %slice3A_1750 = vector.extract_strided_slice %select_n3A_1735 {offsets = [0, 0], sizes = [64, 8], strides = [1, 1]} : vector<64x1024xi32> to vector<64x8xi32>
    %concatenate3A_1751 = tpu.concatenate %slice3A_1749, %slice3A_1750 in 1 : vector<64x1016xi32>, vector<64x8xi32> -> vector<64x1024xi32>
    %slice3A_1752 = vector.extract_strided_slice %select_n3A_1735 {offsets = [0, 1016], sizes = [64, 8], strides = [1, 1]} : vector<64x1024xi32> to vector<64x8xi32>
    %slice3A_1753 = vector.extract_strided_slice %select_n3A_1735 {offsets = [0, 0], sizes = [64, 1016], strides = [1, 1]} : vector<64x1024xi32> to vector<64x1016xi32>
    %concatenate3A_1754 = tpu.concatenate %slice3A_1752, %slice3A_1753 in 1 : vector<64x8xi32>, vector<64x1016xi32> -> vector<64x1024xi32>
    %select_n3A_1755 = arith.select %eq3A_1741, %concatenate3A_1751, %concatenate3A_1754 : vector<64x1024xi1>, vector<64x1024xi32>
    %gt3A_1756 = arith.cmpi sgt, %select_n3A_1734, %select_n3A_1748 : vector<64x1024xi32>
    %eq3A_1757 = arith.cmpi eq, %select_n3A_1734, %select_n3A_1748 : vector<64x1024xi32>
    %lt3A_1758 = arith.cmpi slt, %select_n3A_1735, %select_n3A_1755 : vector<64x1024xi32>
    %and3A_1759 = arith.andi %eq3A_1757, %lt3A_1758 : vector<64x1024xi1>
    %or3A_1760 = arith.ori %gt3A_1756, %and3A_1759 : vector<64x1024xi1>
    %eq3A_1761 = arith.xori %ge3A_1537, %eq3A_1741 : vector<64x1024xi1>
    %eq3A_1762 = arith.constant dense<true> : vector<64x1024xi1>
    %eq3A_1763 = arith.xori %eq3A_1761, %eq3A_1762 : vector<64x1024xi1>
    %eq3A_1764 = arith.xori %eq3A_1763, %or3A_1760 : vector<64x1024xi1>
    %eq3A_1765 = arith.constant dense<true> : vector<64x1024xi1>
    %eq3A_1766 = arith.xori %eq3A_1764, %eq3A_1765 : vector<64x1024xi1>
    %select_n3A_1767 = arith.select %eq3A_1766, %select_n3A_1734, %select_n3A_1748 : vector<64x1024xi1>, vector<64x1024xi32>
    %select_n3A_1768 = arith.select %eq3A_1766, %select_n3A_1735, %select_n3A_1755 : vector<64x1024xi1>, vector<64x1024xi32>
    %and3A_1769 = arith.constant 4 : i32
    %and3A_1770 = vector.broadcast %and3A_1769 : i32 to vector<64x1024xi32>
    %and3A_1771 = arith.andi %iota3A, %and3A_1770 : vector<64x1024xi32>
    %eq3A_1772 = arith.constant 0 : i32
    %eq3A_1773 = vector.broadcast %eq3A_1772 : i32 to vector<64x1024xi32>
    %eq3A_1774 = arith.cmpi eq, %and3A_1771, %eq3A_1773 : vector<64x1024xi32>
    %slice3A_1775 = vector.extract_strided_slice %select_n3A_1767 {offsets = [0, 4], sizes = [64, 1020], strides = [1, 1]} : vector<64x1024xi32> to vector<64x1020xi32>
    %slice3A_1776 = vector.extract_strided_slice %select_n3A_1767 {offsets = [0, 0], sizes = [64, 4], strides = [1, 1]} : vector<64x1024xi32> to vector<64x4xi32>
    %concatenate3A_1777 = tpu.concatenate %slice3A_1775, %slice3A_1776 in 1 : vector<64x1020xi32>, vector<64x4xi32> -> vector<64x1024xi32>
    %slice3A_1778 = vector.extract_strided_slice %select_n3A_1767 {offsets = [0, 1020], sizes = [64, 4], strides = [1, 1]} : vector<64x1024xi32> to vector<64x4xi32>
    %slice3A_1779 = vector.extract_strided_slice %select_n3A_1767 {offsets = [0, 0], sizes = [64, 1020], strides = [1, 1]} : vector<64x1024xi32> to vector<64x1020xi32>
    %concatenate3A_1780 = tpu.concatenate %slice3A_1778, %slice3A_1779 in 1 : vector<64x4xi32>, vector<64x1020xi32> -> vector<64x1024xi32>
    %select_n3A_1781 = arith.select %eq3A_1774, %concatenate3A_1777, %concatenate3A_1780 : vector<64x1024xi1>, vector<64x1024xi32>
    %slice3A_1782 = vector.extract_strided_slice %select_n3A_1768 {offsets = [0, 4], sizes = [64, 1020], strides = [1, 1]} : vector<64x1024xi32> to vector<64x1020xi32>
    %slice3A_1783 = vector.extract_strided_slice %select_n3A_1768 {offsets = [0, 0], sizes = [64, 4], strides = [1, 1]} : vector<64x1024xi32> to vector<64x4xi32>
    %concatenate3A_1784 = tpu.concatenate %slice3A_1782, %slice3A_1783 in 1 : vector<64x1020xi32>, vector<64x4xi32> -> vector<64x1024xi32>
    %slice3A_1785 = vector.extract_strided_slice %select_n3A_1768 {offsets = [0, 1020], sizes = [64, 4], strides = [1, 1]} : vector<64x1024xi32> to vector<64x4xi32>
    %slice3A_1786 = vector.extract_strided_slice %select_n3A_1768 {offsets = [0, 0], sizes = [64, 1020], strides = [1, 1]} : vector<64x1024xi32> to vector<64x1020xi32>
    %concatenate3A_1787 = tpu.concatenate %slice3A_1785, %slice3A_1786 in 1 : vector<64x4xi32>, vector<64x1020xi32> -> vector<64x1024xi32>
    %select_n3A_1788 = arith.select %eq3A_1774, %concatenate3A_1784, %concatenate3A_1787 : vector<64x1024xi1>, vector<64x1024xi32>
    %gt3A_1789 = arith.cmpi sgt, %select_n3A_1767, %select_n3A_1781 : vector<64x1024xi32>
    %eq3A_1790 = arith.cmpi eq, %select_n3A_1767, %select_n3A_1781 : vector<64x1024xi32>
    %lt3A_1791 = arith.cmpi slt, %select_n3A_1768, %select_n3A_1788 : vector<64x1024xi32>
    %and3A_1792 = arith.andi %eq3A_1790, %lt3A_1791 : vector<64x1024xi1>
    %or3A_1793 = arith.ori %gt3A_1789, %and3A_1792 : vector<64x1024xi1>
    %eq3A_1794 = arith.xori %ge3A_1537, %eq3A_1774 : vector<64x1024xi1>
    %eq3A_1795 = arith.constant dense<true> : vector<64x1024xi1>
    %eq3A_1796 = arith.xori %eq3A_1794, %eq3A_1795 : vector<64x1024xi1>
    %eq3A_1797 = arith.xori %eq3A_1796, %or3A_1793 : vector<64x1024xi1>
    %eq3A_1798 = arith.constant dense<true> : vector<64x1024xi1>
    %eq3A_1799 = arith.xori %eq3A_1797, %eq3A_1798 : vector<64x1024xi1>
    %select_n3A_1800 = arith.select %eq3A_1799, %select_n3A_1767, %select_n3A_1781 : vector<64x1024xi1>, vector<64x1024xi32>
    %select_n3A_1801 = arith.select %eq3A_1799, %select_n3A_1768, %select_n3A_1788 : vector<64x1024xi1>, vector<64x1024xi32>
    %and3A_1802 = arith.constant 2 : i32
    %and3A_1803 = vector.broadcast %and3A_1802 : i32 to vector<64x1024xi32>
    %and3A_1804 = arith.andi %iota3A, %and3A_1803 : vector<64x1024xi32>
    %eq3A_1805 = arith.constant 0 : i32
    %eq3A_1806 = vector.broadcast %eq3A_1805 : i32 to vector<64x1024xi32>
    %eq3A_1807 = arith.cmpi eq, %and3A_1804, %eq3A_1806 : vector<64x1024xi32>
    %slice3A_1808 = vector.extract_strided_slice %select_n3A_1800 {offsets = [0, 2], sizes = [64, 1022], strides = [1, 1]} : vector<64x1024xi32> to vector<64x1022xi32>
    %slice3A_1809 = vector.extract_strided_slice %select_n3A_1800 {offsets = [0, 0], sizes = [64, 2], strides = [1, 1]} : vector<64x1024xi32> to vector<64x2xi32>
    %concatenate3A_1810 = tpu.concatenate %slice3A_1808, %slice3A_1809 in 1 : vector<64x1022xi32>, vector<64x2xi32> -> vector<64x1024xi32>
    %slice3A_1811 = vector.extract_strided_slice %select_n3A_1800 {offsets = [0, 1022], sizes = [64, 2], strides = [1, 1]} : vector<64x1024xi32> to vector<64x2xi32>
    %slice3A_1812 = vector.extract_strided_slice %select_n3A_1800 {offsets = [0, 0], sizes = [64, 1022], strides = [1, 1]} : vector<64x1024xi32> to vector<64x1022xi32>
    %concatenate3A_1813 = tpu.concatenate %slice3A_1811, %slice3A_1812 in 1 : vector<64x2xi32>, vector<64x1022xi32> -> vector<64x1024xi32>
    %select_n3A_1814 = arith.select %eq3A_1807, %concatenate3A_1810, %concatenate3A_1813 : vector<64x1024xi1>, vector<64x1024xi32>
    %slice3A_1815 = vector.extract_strided_slice %select_n3A_1801 {offsets = [0, 2], sizes = [64, 1022], strides = [1, 1]} : vector<64x1024xi32> to vector<64x1022xi32>
    %slice3A_1816 = vector.extract_strided_slice %select_n3A_1801 {offsets = [0, 0], sizes = [64, 2], strides = [1, 1]} : vector<64x1024xi32> to vector<64x2xi32>
    %concatenate3A_1817 = tpu.concatenate %slice3A_1815, %slice3A_1816 in 1 : vector<64x1022xi32>, vector<64x2xi32> -> vector<64x1024xi32>
    %slice3A_1818 = vector.extract_strided_slice %select_n3A_1801 {offsets = [0, 1022], sizes = [64, 2], strides = [1, 1]} : vector<64x1024xi32> to vector<64x2xi32>
    %slice3A_1819 = vector.extract_strided_slice %select_n3A_1801 {offsets = [0, 0], sizes = [64, 1022], strides = [1, 1]} : vector<64x1024xi32> to vector<64x1022xi32>
    %concatenate3A_1820 = tpu.concatenate %slice3A_1818, %slice3A_1819 in 1 : vector<64x2xi32>, vector<64x1022xi32> -> vector<64x1024xi32>
    %select_n3A_1821 = arith.select %eq3A_1807, %concatenate3A_1817, %concatenate3A_1820 : vector<64x1024xi1>, vector<64x1024xi32>
    %gt3A_1822 = arith.cmpi sgt, %select_n3A_1800, %select_n3A_1814 : vector<64x1024xi32>
    %eq3A_1823 = arith.cmpi eq, %select_n3A_1800, %select_n3A_1814 : vector<64x1024xi32>
    %lt3A_1824 = arith.cmpi slt, %select_n3A_1801, %select_n3A_1821 : vector<64x1024xi32>
    %and3A_1825 = arith.andi %eq3A_1823, %lt3A_1824 : vector<64x1024xi1>
    %or3A_1826 = arith.ori %gt3A_1822, %and3A_1825 : vector<64x1024xi1>
    %eq3A_1827 = arith.xori %ge3A_1537, %eq3A_1807 : vector<64x1024xi1>
    %eq3A_1828 = arith.constant dense<true> : vector<64x1024xi1>
    %eq3A_1829 = arith.xori %eq3A_1827, %eq3A_1828 : vector<64x1024xi1>
    %eq3A_1830 = arith.xori %eq3A_1829, %or3A_1826 : vector<64x1024xi1>
    %eq3A_1831 = arith.constant dense<true> : vector<64x1024xi1>
    %eq3A_1832 = arith.xori %eq3A_1830, %eq3A_1831 : vector<64x1024xi1>
    %select_n3A_1833 = arith.select %eq3A_1832, %select_n3A_1800, %select_n3A_1814 : vector<64x1024xi1>, vector<64x1024xi32>
    %select_n3A_1834 = arith.select %eq3A_1832, %select_n3A_1801, %select_n3A_1821 : vector<64x1024xi1>, vector<64x1024xi32>
    %and3A_1835 = arith.constant 1 : i32
    %and3A_1836 = vector.broadcast %and3A_1835 : i32 to vector<64x1024xi32>
    %and3A_1837 = arith.andi %iota3A, %and3A_1836 : vector<64x1024xi32>
    %eq3A_1838 = arith.constant 0 : i32
    %eq3A_1839 = vector.broadcast %eq3A_1838 : i32 to vector<64x1024xi32>
    %eq3A_1840 = arith.cmpi eq, %and3A_1837, %eq3A_1839 : vector<64x1024xi32>
    %slice3A_1841 = vector.extract_strided_slice %select_n3A_1833 {offsets = [0, 1], sizes = [64, 1023], strides = [1, 1]} : vector<64x1024xi32> to vector<64x1023xi32>
    %slice3A_1842 = vector.extract_strided_slice %select_n3A_1833 {offsets = [0, 0], sizes = [64, 1], strides = [1, 1]} : vector<64x1024xi32> to vector<64x1xi32>
    %concatenate3A_1843 = tpu.concatenate %slice3A_1841, %slice3A_1842 in 1 : vector<64x1023xi32>, vector<64x1xi32> -> vector<64x1024xi32>
    %slice3A_1844 = vector.extract_strided_slice %select_n3A_1833 {offsets = [0, 1023], sizes = [64, 1], strides = [1, 1]} : vector<64x1024xi32> to vector<64x1xi32>
    %slice3A_1845 = vector.extract_strided_slice %select_n3A_1833 {offsets = [0, 0], sizes = [64, 1023], strides = [1, 1]} : vector<64x1024xi32> to vector<64x1023xi32>
    %concatenate3A_1846 = tpu.concatenate %slice3A_1844, %slice3A_1845 in 1 : vector<64x1xi32>, vector<64x1023xi32> -> vector<64x1024xi32>
    %select_n3A_1847 = arith.select %eq3A_1840, %concatenate3A_1843, %concatenate3A_1846 : vector<64x1024xi1>, vector<64x1024xi32>
    %slice3A_1848 = vector.extract_strided_slice %select_n3A_1834 {offsets = [0, 1], sizes = [64, 1023], strides = [1, 1]} : vector<64x1024xi32> to vector<64x1023xi32>
    %slice3A_1849 = vector.extract_strided_slice %select_n3A_1834 {offsets = [0, 0], sizes = [64, 1], strides = [1, 1]} : vector<64x1024xi32> to vector<64x1xi32>
    %concatenate3A_1850 = tpu.concatenate %slice3A_1848, %slice3A_1849 in 1 : vector<64x1023xi32>, vector<64x1xi32> -> vector<64x1024xi32>
    %slice3A_1851 = vector.extract_strided_slice %select_n3A_1834 {offsets = [0, 1023], sizes = [64, 1], strides = [1, 1]} : vector<64x1024xi32> to vector<64x1xi32>
    %slice3A_1852 = vector.extract_strided_slice %select_n3A_1834 {offsets = [0, 0], sizes = [64, 1023], strides = [1, 1]} : vector<64x1024xi32> to vector<64x1023xi32>
    %concatenate3A_1853 = tpu.concatenate %slice3A_1851, %slice3A_1852 in 1 : vector<64x1xi32>, vector<64x1023xi32> -> vector<64x1024xi32>
    %select_n3A_1854 = arith.select %eq3A_1840, %concatenate3A_1850, %concatenate3A_1853 : vector<64x1024xi1>, vector<64x1024xi32>
    %gt3A_1855 = arith.cmpi sgt, %select_n3A_1833, %select_n3A_1847 : vector<64x1024xi32>
    %eq3A_1856 = arith.cmpi eq, %select_n3A_1833, %select_n3A_1847 : vector<64x1024xi32>
    %lt3A_1857 = arith.cmpi slt, %select_n3A_1834, %select_n3A_1854 : vector<64x1024xi32>
    %and3A_1858 = arith.andi %eq3A_1856, %lt3A_1857 : vector<64x1024xi1>
    %or3A_1859 = arith.ori %gt3A_1855, %and3A_1858 : vector<64x1024xi1>
    %eq3A_1860 = arith.xori %ge3A_1537, %eq3A_1840 : vector<64x1024xi1>
    %eq3A_1861 = arith.constant dense<true> : vector<64x1024xi1>
    %eq3A_1862 = arith.xori %eq3A_1860, %eq3A_1861 : vector<64x1024xi1>
    %eq3A_1863 = arith.xori %eq3A_1862, %or3A_1859 : vector<64x1024xi1>
    %eq3A_1864 = arith.constant dense<true> : vector<64x1024xi1>
    %eq3A_1865 = arith.xori %eq3A_1863, %eq3A_1864 : vector<64x1024xi1>
    %select_n3A_1866 = arith.select %eq3A_1865, %select_n3A_1833, %select_n3A_1847 : vector<64x1024xi1>, vector<64x1024xi32>
    %select_n3A_1867 = arith.select %eq3A_1865, %select_n3A_1834, %select_n3A_1854 : vector<64x1024xi1>, vector<64x1024xi32>
    %slice3A_1868 = vector.extract_strided_slice %select_n3A_1867 {offsets = [0, 0], sizes = [64, 640], strides = [1, 1]} : vector<64x1024xi32> to vector<64x640xi32>
    %swap3A = arith.constant 0 : index
    %swap3A_1869 = arith.constant 0 : index
    %swap3A_1870 = vector.load %arg2[%swap3A, %swap3A_1869] : memref<64x640xi32, #tpu.memory_space<vmem>>, vector<64x640xi32>
    tpu.vector_store %arg2[%swap3A, %swap3A_1869], %slice3A_1868 {strides = array<i32>} : memref<64x640xi32, #tpu.memory_space<vmem>>, vector<64x640xi32>,
    %slice3A_1871 = vector.extract_strided_slice %select_n3A_1866 {offsets = [0, 639], sizes = [64, 1], strides = [1, 1]} : vector<64x1024xi32> to vector<64x1xi32>
    %broadcast_in_dim3A = vector.shape_cast %slice3A_1871 : vector<64x1xi32> to vector<64x1xi32>
    %broadcast_in_dim3A_1872 = vector.broadcast %broadcast_in_dim3A : vector<64x1xi32> to vector<64x128xi32>
    %swap3A_1873 = arith.constant 0 : index
    %swap3A_1874 = arith.constant 0 : index
    %swap3A_1875 = vector.load %arg3[%swap3A_1873, %swap3A_1874] : memref<64x128xi32, #tpu.memory_space<vmem>>, vector<64x128xi32>
    tpu.vector_store %arg3[%swap3A_1873, %swap3A_1874], %broadcast_in_dim3A_1872 {strides = array<i32>} : memref<64x128xi32, #tpu.memory_space<vmem>>, vector<64x128xi32>,
    %slice3A_1876 = vector.extract_strided_slice %select_n3A_1867 {offsets = [0, 639], sizes = [64, 1], strides = [1, 1]} : vector<64x1024xi32> to vector<64x1xi32>
    %broadcast_in_dim3A_1877 = vector.shape_cast %slice3A_1876 : vector<64x1xi32> to vector<64x1xi32>
    %broadcast_in_dim3A_1878 = vector.broadcast %broadcast_in_dim3A_1877 : vector<64x1xi32> to vector<64x128xi32>
    %swap3A_1879 = arith.constant 0 : index
    %swap3A_1880 = arith.constant 0 : index
    %swap3A_1881 = vector.load %arg4[%swap3A_1879, %swap3A_1880] : memref<64x128xi32, #tpu.memory_space<vmem>>, vector<64x128xi32>
    tpu.vector_store %arg4[%swap3A_1879, %swap3A_1880], %broadcast_in_dim3A_1878 {strides = array<i32>} : memref<64x128xi32, #tpu.memory_space<vmem>>, vector<64x128xi32>,
    return
  }
}

</mosaic_0001>

<sc_bundles>
// kernel: kernel.6.cloned.1.call-start
scs
__scs_entry_jumppad:
0x0: {  	(pc) =	sbr.rel $0x88, $3  }
0x1: {  	(tag) =	ssettag $0x0;
	lr =	simm.s32 $0x1  }
0x2: {  	[smem:$0x3F9F] =	sst lr;
	_ =	strace $0xD0000000  }
0x3: {  	_ = 	snop  }
0x4: {  	_ = 	snop  }
0x5: {  	_ = 	snop  }
0x6: {  	_ = 	snop  }
0x7: {  	_ = 	snop  }
__scs_overlays_trampoline_lowered:
0x8: {  	[smem:$0x3FAE] =	sst s0  }
0x9: {  	[smem:$0x3FAF] =	sst s1  }
0xa: {  	[smem:$0x3FB0] =	sst s2  }
0xb: {  	[smem:$0x3FB1] =	sst s3  }
0xc: {  	[smem:$0x3FB2] =	sst s4  }
0xd: {  	[smem:$0x3FB3] =	sst s5  }
0xe: {  	[smem:$0x3FB4] =	sst s6  }
0xf: {  	[smem:$0x3FB5] =	sst s7  }
0x10: {  	[smem:$0x3FB6] =	sst s8  }
0x11: {  	[smem:$0x3FB7] =	sst s9;
	s0 =	simm.s32 @!p0 $0x0  }
0x12: {  	s1 =	sld [smem:$0x3F9D];
	s0 =	simm.s32 @p0 $0x1  }
0x13: {  	[smem:$0x3FB8] =	sst s0;
	s0 =	simm.s32 @!p1 $0x0  }
0x14: {  	s2 =	sld [smem:$0x3F9C];
	s0 =	simm.s32 @p1 $0x1  }
0x15: {  	[smem:$0x3FB9] =	sst s0;
	s0 =	simm.s32 @!p2 $0x0  }
0x16: {  	s3 =	sld [smem:$0x3FDB];
	s0 =	simm.s32 @p2 $0x1  }
0x17: {  	s4 =	simm.s32 $0x1BF5;
	[smem:$0x3FBB] =	sst s0  }
0x18: {  	s0 =	sld [smem:$0x3F9E];
	_ =	swait.ge [sflag:s4], $0x0  }
0x19: {  	s7 =	sld [smem:$0x3F9F]  }
0x1a: {  	s8 =	sadd.s32 $0xFFFFE003, lr  }
0x1b: {  	s9 =	sadd.s32 $0xFFFFFEF7, lr;
	s5 =	simm.s32 $0xFFFFFFFF;
	p2 =	slt.u32 s8, $0xFFFFF086  }
0x1c: {  	p1 =	slt.u32 s9, $0xF7A;
	s5 =	simm.s32 @!p2 $0x0  }
0x1d: {  	s5 =	simm.s32 @p1 $0x1;
	p0 =	seq.s32 s7, s2  }
0x1e: {  	s7 =	smul.u32 @!p0 $0xF7A, s2;
	p2 =	seq.s32 @!p0 s5, $0x0  }
0x1f: {  	s9 =	smul.u32 $0xF7A, s1;
	s8 =	simm.s32 @!p0 $0x1BF5;
	p2 =	por !p2, p0  }
0x20: {  	[sflag:s8] =	ssyncset.s32 @!p0 $0xFFFFF086;
	s6 =	sadd.s32 @!p0 s3, s7;
	s7 =	simm.s32 @!p0 $0x108  }
0x21: {  	s3 =	sadd.s32 s3, s9;
	s6 =	sadd.s32 @!p0 $0x88, s6;
	s7 =	simm.s32 @p2 $0x1082  }
0x22: {  	[simem:s7], [sflag:s8] =	dma.local @!p0 [hbm:s6], $0xF7A  }
0x23: {  	s9 =	sor.u32 $0xD0000000, s2;
	s6 =	simm.s32 $0x108;
	_ =	swait.ge @!p0 [sflag:s8], $0x0  }
0x24: {  	s3 =	sadd.s32 $0x88, s3;
	s6 =	simm.s32 @!p1 $0x1082;
	[sflag:s4] =	ssyncset.s32 $0xFFFFF086  }
0x25: {  	[simem:s6], [sflag:s4] =	dma.local [hbm:s3], $0xF7A  }
0x26: {  	[smem:$0x3F9F] =	sst s1;
	(tag) =	ssettag s2;
	_ =	strace s9  }
0x27: {  	s1 =	sld [smem:$0x3FAF]  }
0x28: {  	s2 =	sld [smem:$0x3FB0]  }
0x29: {  	s4 =	sld [smem:$0x3FB2]  }
0x2a: {  	p0 =	seq.s32 s5, $0x0;
	s5 =	sld [smem:$0x3FB3]  }
0x2b: {  	s6 =	sld [smem:$0x3FB4]  }
0x2c: {  	s7 =	sld [smem:$0x3FB5]  }
0x2d: {  	s3 =	simm.s32 $0x108;
	s8 =	sld [smem:$0x3FB6]  }
0x2e: {  	s3 =	simm.s32 @!p0 $0x1082;
	s9 =	sld [smem:$0x3FB7]  }
0x2f: {  	lr =	sadd.s32 s0, s3;
	s0 =	sld [smem:$0x3FAE]  }
0x30: {  	s3 =	sld [smem:$0x3FB1]  }
0x31: {  	[smem:$0x3FBA] =	sst s10  }
0x32: {  	s10 =	sld [smem:$0x3FB8];
	_ =	sdelay $0x3  }
0x33: {  	p0 =	seq.s32 s10, $0x1;
	s10 =	sld [smem:$0x3FBA];
	_ =	sdelay $0x3  }
0x34: {  	[smem:$0x3FBA] =	sst s10  }
0x35: {  	s10 =	sld [smem:$0x3FB9];
	_ =	sdelay $0x3  }
0x36: {  	p1 =	seq.s32 s10, $0x1;
	s10 =	sld [smem:$0x3FBA];
	_ =	sdelay $0x3  }
0x37: {  	[smem:$0x3FBA] =	sst s10  }
0x38: {  	s10 =	sld [smem:$0x3FBB]  }
0x39: {  	_ = 	snop;
	(pc) =	sbr.ind lr, $3  }
0x3a: {  	_ = 	snop  }
0x3b: {  	_ = 	snop  }
0x3c: {  	p2 =	seq.s32 s10, $0x1;
	s10 =	sld [smem:$0x3FBA]  }
0x3d: {  	_ =	shalt  }
0x3e: {  	_ =	shalt  }
0x3f: {  	_ =	shalt  }
0x40: {  	_ =	shalt  }
0x41: {  	_ =	shalt  }
0x42: {  	_ =	shalt  }
0x43: {  	_ =	shalt  }
0x44: {  	_ =	shalt  }
0x45: {  	_ =	shalt  }
0x46: {  	_ =	shalt  }
0x47: {  	_ =	shalt  }
0x48: {  	_ =	shalt  }
0x49: {  	_ =	shalt  }
0x4a: {  	_ =	shalt  }
0x4b: {  	_ =	shalt  }
0x4c: {  	_ =	shalt  }
0x4d: {  	_ =	shalt  }
0x4e: {  	_ =	shalt  }
0x4f: {  	_ =	shalt  }
0x50: {  	_ =	shalt  }
0x51: {  	_ =	shalt  }
0x52: {  	_ =	shalt  }
0x53: {  	_ =	shalt  }
0x54: {  	_ =	shalt  }
0x55: {  	_ =	shalt  }
0x56: {  	_ =	shalt  }
0x57: {  	_ =	shalt  }
0x58: {  	_ =	shalt  }
0x59: {  	_ =	shalt  }
0x5a: {  	_ =	shalt  }
0x5b: {  	_ =	shalt  }
0x5c: {  	_ =	shalt  }
0x5d: {  	_ =	shalt  }
0x5e: {  	_ =	shalt  }
0x5f: {  	_ =	shalt  }
0x60: {  	_ =	shalt  }
0x61: {  	_ =	shalt  }
0x62: {  	_ =	shalt  }
0x63: {  	_ =	shalt  }
0x64: {  	_ =	shalt  }
0x65: {  	_ =	shalt  }
0x66: {  	_ =	shalt  }
0x67: {  	_ =	shalt  }
0x68: {  	_ =	shalt  }
0x69: {  	_ =	shalt  }
0x6a: {  	_ =	shalt  }
0x6b: {  	_ =	shalt  }
0x6c: {  	_ =	shalt  }
0x6d: {  	_ =	shalt  }
0x6e: {  	_ =	shalt  }
0x6f: {  	_ =	shalt  }
0x70: {  	_ =	shalt  }
0x71: {  	_ =	shalt  }
0x72: {  	_ =	shalt  }
0x73: {  	_ =	shalt  }
0x74: {  	_ =	shalt  }
0x75: {  	_ =	shalt  }
0x76: {  	_ =	shalt  }
0x77: {  	_ =	shalt  }
0x78: {  	_ =	shalt  }
0x79: {  	_ =	shalt  }
0x7a: {  	_ =	shalt  }
0x7b: {  	_ =	shalt  }
0x7c: {  	_ =	shalt  }
0x7d: {  	_ =	shalt  }
0x7e: {  	_ =	shalt  }
0x7f: {  	_ =	shalt  }
0x80: {  	_ =	shalt  }
0x81: {  	_ =	shalt  }
0x82: {  	_ =	shalt  }
0x83: {  	_ =	shalt  }
0x84: {  	_ =	shalt  }
0x85: {  	_ =	shalt  }
0x86: {  	_ =	shalt  }
0x87: {  	_ =	shalt  }
.Lfunc_end0:
.L_simem_size_0:
called_computation_lowered:
.L_overlay_start_0:
0x88: {  	s2 =	sld [smem:$0x3FD9]  }
0x89: {  	s3 =	sld [smem:$0x3FFE];
	_ =	sdelay $0x1  }
0x8a: {  	s1 =	srdreg.scid  }
0x8b: {  	s0 =	sand.u32 $0x1, s1  }
0x8c: {  	s14 =	sshll.u32 s0, $0xA;
	s2 =	sadd.s32 s3, s2  }
0x8d: {  	s2 =	sadd.s32 s2, s14  }
0x8e: {  	[smem:$0x3FC6] =	sst s2  }
0x8f: {  	_ = 	snop  }
0x90: {  	s2 =	sld [smem:$0x3FD0];
	_ =	sdelay $0x2  }
0x91: {  	s15 =	simm.s32 $0xA;
	s4 =	simm.s32 $0x10  }
0x92: {  	[smem:s4], [sflag:s15] =	dma.local [hbm:s2], $0x1  }
0x93: {  	_ =	swait.eq [sflag:s15], $0x1  }
0x94: {  	[sflag:s15] =	ssyncset.done $0x0  }
0x95: {  	[sflag:s15] =	ssyncadd.s32 $0xFFFFFFFF  }
0x96: {  	s16 =	sld [smem:$0x11];
	(tm) =	ssettm $0x1  }
0x97: {  	s17 =	sld [smem:$0x3FFB];
	_ =	sdelay $0x3  }
0x98: {  	_ =	strace s17  }
0x99: {  	s3 =	sld [smem:$0x3FFC];
	_ =	sdelay $0x3  }
0x9a: {  	_ =	strace s3  }
0x9b: {  	s3 =	sld [smem:$0x3FFD];
	_ =	sdelay $0x3  }
0x9c: {  	_ =	strace s3  }
0x9d: {  	_ =	strace $0x8FFFFFFF  }
0x9e: {  	s18 =	sld [smem:$0x3FDB];
	_ =	sdelay $0x1  }
0x9f: {  	s19 =	simm.s32 $_scs_section_size  }
0xa0: {  	s5 =	simm.s32 $_size__tile_overlayer_lowered;
	s6 =	simm.s32 $_tile_overlayer_lowered  }
0xa1: {  	s22 =	simm.s32 $0x1BFF;
	s21 =	sshll.u32 s6, $0x1;
	s3 =	sadd.s32 s19, s18  }
0xa2: {  	s7 =	simm.s32 $0x0;
	s20 =	sshll.u32 s5, $0x1;
	s5 =	sadd.s32 s21, s3  }
0xa3: {  	[timem:s7], [sflag:s22] =	dma.local [hbm:s5], s20  }
0xa4: {  	_ =	swait.ge [sflag:s22], s20  }
0xa5: {  	s4 =	ssub.s32 $0x0, s20;
	[sflag:s22] =	ssyncset.done $0x0  }
0xa6: {  	[sflag:s22] =	ssyncadd.s32 s4;
	_ =	sdelay $0x1  }
0xa7: {  	s23 =	simm.s32 $0x1B8B  }
0xa8: {  	_ =	swait.ge [sflag:s23], $0x1  }
0xa9: {  	[sflag:s23] =	ssyncset.done $0x0  }
0xaa: {  	s25 =	simm.s32 $0x1B8E;
	s24 =	sld [smem:$0x3FFE];
	[sflag:s23] =	ssyncadd.s32 $0xFFFFFFFF  }
0xab: {  	s26 =	simm.s32 $execute0_lowered;
	[smem:$0x3FD2] =	sst s25  }
0xac: {  	s5 =	sshll.u32 s26, $0x1;
	_ =	strace $0x80000046;
	[dreg:$0x1] =	wrdreg $0xFFFFFFFF  }
0xad: {  	s28 =	simm.s32 $_size_execute0_lowered;
	s3 =	sadd.s32 s3, s5;
	[dreg:$0x0] =	wrdreg $0x0  }
0xae: {  	s5 =	sshll.u32 s28, $0x1;
	[dreg:$0x2] =	wrdreg s3  }
0xaf: {  	[dreg:$0x3] =	wrdreg s5  }
0xb0: {  	[dreg:$0x4] =	wrdreg $0xC0  }
0xb1: {  	_ =	task [dreg:s7], $0x5FFFF  }
0xb2: {  	[dreg:$0x1] =	wrdreg $0xFFFFFFFF  }
0xb3: {  	[dreg:$0x0] =	wrdreg $0x60  }
0xb4: {  	[dreg:$0x2] =	wrdreg s16  }
0xb5: {  	[dreg:$0x3] =	wrdreg s24  }
0xb6: {  	[dreg:$0x4] =	wrdreg $0x9  }
0xb7: {  	_ =	task.clear_ibuf [dreg:s7], $0x5FFFF;
	_ =	strace $0x90000046  }
0xb8: {  	s29 =	simm.s32 $0x9;
	_ =	strace $0x80000048  }
0xb9: {  	_ =	swait.ge [sflag:s29], $0x1  }
0xba: {  	[sflag:s29] =	ssyncadd.s32 $0xFFFFFFFF  }
0xbb: {  	_ =	strace $0x90000048  }
0xbc: {  	_ =	sfence  }
0xbd: {  	s30 =	sld [smem:$0x0];
	_ =	sdelay $0x2  }
0xbe: {  	s31 =	sshll.u32 s1, $0xD;
	s1 =	sshrl.u32 s1, $0x2  }
0xbf: {  	s3 =	sand.u32 $0x4000, s31;
	s1 =	sadd.s32 s1, s30  }
0xc0: {  	s0 =	sor.u32 s3, s0;
	s1 =	sshll.u32 s1, $0x11  }
0xc1: {  	s0 =	sor.u32 s1, s0  }
0xc2: {  	s0 =	sadd.s32 $0x8F2B, s0  }
0xc3: {  	[sflag:s0] =	ssyncadd.remote.s32 $0x1  }
0xc4: {  	_ =	sfence.sel $0xFFFF  }
0xc5: {  	[dreg:$0x0] =	wrdreg $0xFFFFFFFF;
	(pc) =	sbr.abs _section_cstart, $3  }
0xc6: {  	[dreg:$0x1] =	wrdreg $0xFFFFFFFF  }
0xc7: {  	_ =	task.clear_ibuf [dreg:s7], $0x2FFFF;
	_ =	strace $0x9FFFFFFF  }
0xc8: {  	(tm) =	ssettm $0x7FFFFFFF  }
0xc9: {  	_ =	shalt  }
tec
execute0_lowered:
.L_overlay_start_1:
0x0: {  	(tag) =	ssettag $0x1  }
0x1: {  	s6 =	rddreg [dreg:$0x0]  }
0x2: {  	s3 =	rddreg [dreg:$0x1];
	s2 =	simm.s32 $0x0;
	s4 =	srdreg.scid  }
0x3: {  	s1 =	stileid.u32;
	s13 =	simm.s32 $0x10000;
	s14 =	simm.s32 $0x18000  }
0x4: {  	s15 =	simm.s32 $0x18480;
	s16 =	simm.s32 $0x0;
	[smem:$0x7FF] =	sst s2  }
0x5: {  	s7 =	sadd.s32 $0x1600, s3;
	s4 =	sand.u32 $0x1, s4;
	s5 =	sshll.u32 s1, $0x9  }
0x6: {  	s9 =	sshrl.u32 s1, $0x1;
	s12 =	sadd.s32 $0x3A00, s3;
	s8 =	sshll.u32 s4, $0x8  }
0x7: {  	s5 =	sand.u32 $0x200, s5;
	s4 =	ssub.s32 $0x2, s4;
	s28 =	sshll.u32 s9, $0x12  }
0x8: {  	s9 =	smul.u32 $0x2400, s9;
	s5 =	sor.u32 s8, s5;
	s10 =	sshrl.u32 s4, $0x1  }
0x9: {  	_ =	strace $0x80000047;
	s11 =	sor.u32 s28, s5;
	s10 =	ssub.s32 s4, s10  }
0xa: {  	s30 =	sor.u32 s9, s5;
	s5 =	sor.u32 $0x80, s5;
	s29 =	sshrl.u32 s11, $0x3  }
0xb: {  	s31 =	sshrl.u32 s30, $0x3;
	s8 =	sor.u32 s28, s5;
	s5 =	sor.u32 s9, s5  }
0xc: {  	v5 =	vlaneseq.u32;
	s11 =	simm.s32 $0x400;
	s3 =	sadd.s32 s6, s29;
	s4 =	sadd.s32 s7, s31  }
0xd: {  	v1 =	vimm.s32 $0x0;
	v0 =	vmul.u32 $0x800, v5;
	v4 =	vmul.u32 $0xFFFFFFFF, v5;
	s8 =	sshrl.u32 s8, $0x3;
	s9 =	sshrl.u32 s5, $0x3;
	s5 =	sadd.s32 s12, s31  }
0xe: {  	v3 =	vimm.s32 $0x1;
	v6 =	vimm.s32 $0x80000000;
	v7 =	vimm.s32 $0x7FFFFFF;
	s6 =	sadd.s32 s6, s8;
	s7 =	sadd.s32 s7, s9;
	s8 =	sadd.s32 s12, s9  }
0xf: {  	v5 =	vor.u32 $0x80000000, v5;
	v2 =	vor.u32 $0x400, v0;
	v4 =	vadd.s32 $0xF, v4;
	s9 =	smax.u32 s10, $0x1;
	s10 =	simm.s32 $0x80;
	s12 =	simm.s32 $0x1  }
.LBB2_1:
0x10: {  	[tilespmem:s2], [sflag:$0x1] =	stream.strided.gather [hbm4b:s3+s10], $0x8000, s11, s10, $0x38;
	[tilespmem:$0x18900] =	vst v63  }
0x11: {  	_ =	swait.ge [sflag:s12], $0x8000  }
0x12: {  	[sflag:s12] =	ssyncset.done $0x0  }
0x13: {  	s18 =	simm.s32 $0x100;
	s17 =	simm.s32 $0x0;
	[sflag:s12] =	ssyncadd.s32 $0xFFFF8000  }
.LBB2_2:
0x14: {  	p0 =	sne.s32 s18, $0x1FF00;
	[tilespmem:s17+$0x10030] =	vst v1;
	s19 =	smov.u32 s18;
	s18 =	sadd.s32 $0x100, s18  }
.Ltmp0:
0x15: {  	[tilespmem:s17+$0x10020] =	vst v1;
	(pc) =	sbr.rel @p0 .LBB2_2-.Ltmp0, $3  }
0x16: {  	[tilespmem:s17+$0x10000] =	vst v1  }
0x17: {  	[tilespmem:s17+$0x10010] =	vst v1;
	_ =	sdelay $0x1  }
0x18: {  	s17 =	sshra.s32 s19, $0x2  }
0x19: {  	[tilespmem:s17+$0x10030] =	vst v1  }
0x1a: {  	[tilespmem:s17+$0x10020] =	vst v1  }
0x1b: {  	[tilespmem:s17+$0x10000] =	vst v1  }
0x1c: {  	s18 =	simm.s32 $0x0;
	[tilespmem:s17+$0x10010] =	vst v1;
	s17 =	simm.s32 $0x0  }
.LBB2_4:
0x1d: {  	s19 =	sshra.s32 s17, $0x2  }
0x1e: {  	v8 =	vld [tilespmem:s19+$0x0];
	_ =	sdelay $0x4  }
0x1f: {  	v9 =	vxor.u32 $0x7FFFFFFF, v8;
	vm0 =	vlt.s32 v8, $0x0  }
0x20: {  	v8 =	vsel vm0, v9, v8  }
0x21: {  	v9 =	vshra.s32 v8, $0x15  }
0x22: {  	v9 =	vadd.s32 v2, v9;
	_ =	sdelay $0x3  }
0x23: {  	[tilespmem:s19+$0x8000] =	vst v8  }
0x24: {  	[tilespmem:v9+s13+$0x0] =	vst.idx.add.s32.msk $0xffff, v3  }
0x25: {  	v8 =	vld [tilespmem:s19+$0x10];
	_ =	sdelay $0x4  }
0x26: {  	v61 =	vxor.u32 $0x7FFFFFFF, v8;
	vm13 =	vlt.s32 v8, $0x0  }
0x27: {  	v8 =	vsel vm13, v61, v8  }
0x28: {  	v9 =	vshra.s32 v8, $0x15  }
0x29: {  	v9 =	vadd.s32 v2, v9;
	_ =	sdelay $0x3  }
0x2a: {  	[tilespmem:s19+$0x8010] =	vst v8  }
0x2b: {  	[tilespmem:v9+s13+$0x0] =	vst.idx.add.s32.msk $0xffff, v3  }
0x2c: {  	v8 =	vld [tilespmem:s19+$0x20];
	_ =	sdelay $0x4  }
0x2d: {  	v62 =	vxor.u32 $0x7FFFFFFF, v8;
	vm14 =	vlt.s32 v8, $0x0  }
0x2e: {  	v8 =	vsel vm14, v62, v8  }
0x2f: {  	v9 =	vshra.s32 v8, $0x15  }
0x30: {  	v9 =	vadd.s32 v2, v9;
	_ =	sdelay $0x3  }
0x31: {  	[tilespmem:s19+$0x8020] =	vst v8  }
0x32: {  	[tilespmem:v9+s13+$0x0] =	vst.idx.add.s32.msk $0xffff, v3  }
0x33: {  	v8 =	vld [tilespmem:s19+$0x30];
	_ =	sdelay $0x4  }
0x34: {  	v63 =	vxor.u32 $0x7FFFFFFF, v8;
	vm15 =	vlt.s32 v8, $0x0  }
0x35: {  	v8 =	vsel vm15, v63, v8  }
0x36: {  	v9 =	vshra.s32 v8, $0x15  }
0x37: {  	p0 =	sne.s32 s17, $0x1FF00;
	v9 =	vadd.s32 v2, v9  }
.Ltmp1:
0x38: {  	_ = 	snop;
	(pc) =	sbr.rel @p0 .LBB2_4-.Ltmp1, $3  }
0x39: {  	_ =	sdelay $0x1  }
0x3a: {  	[tilespmem:s19+$0x8030] =	vst v8  }
0x3b: {  	s17 =	sadd.s32 $0x100, s17;
	[tilespmem:v9+s13+$0x0] =	vst.idx.add.s32.msk $0xffff, v3  }
0x3c: {  	p4 =	por $0x0, $0x0  }
.Ltmp2:
0x3d: {  	_ = 	snop;
	(pc) =	sbr.rel @p4 .LBB2_6-.Ltmp2, $4  }
0x3e: {  	_ = 	snop  }
0x3f: {  	s17 =	simm.s32 $0xFFFFFFFF  }
0x40: {  	s19 =	simm.s32 $0x7F0;
	s20 =	simm.s32 $0x0;
	p0 =	por $0x0, $0x0  }
0x41: {  	p1 =	por $0x0, $0x0;
	p2 =	por $0x0, $0x0;
	p3 =	por $0x0, $0x0;
	v11 =	vld [tilespmem:s20+$0x107F0]  }
0x42: {  	v8 =	vld [tilespmem:s20+$0x10FF0]  }
0x43: {  	v9 =	vld [tilespmem:s20+$0x117F0]  }
0x44: {  	v10 =	vld [tilespmem:s20+$0x11FF0]  }
0x45: {  	v12 =	vld [tilespmem:s20+$0x127F0]  }
0x46: {  	v13 =	vld [tilespmem:s20+$0x12FF0]  }
0x47: {  	v8 =	vadd.s32 v11, v8;
	v11 =	vld [tilespmem:s20+$0x137F0]  }
0x48: {  	v8 =	vadd.s32 v9, v8;
	v9 =	vld [tilespmem:s20+$0x13FF0]  }
0x49: {  	v8 =	vadd.s32 v10, v8;
	v10 =	vld [tilespmem:s20+$0x147F0]  }
0x4a: {  	v14 =	vld [tilespmem:s20+$0x14FF0];
	v8 =	vadd.s32 v12, v8  }
0x4b: {  	v15 =	vld [tilespmem:s20+$0x157F0];
	v8 =	vadd.s32 v13, v8  }
0x4c: {  	v16 =	vld [tilespmem:s20+$0x15FF0];
	p4 =	por $0x0, $0x0;
	v8 =	vadd.s32 v11, v8  }
.Ltmp3:
0x4d: {  	v12 =	vld [tilespmem:s20+$0x167F0];
	v8 =	vadd.s32 v9, v8;
	(pc) =	sbr.rel @p4 .LBB2_8-.Ltmp3, $4  }
0x4e: {  	s21 =	simm.s32 $0xFFFFFFF0;
	v13 =	vld [tilespmem:s20+$0x16FF0];
	v8 =	vadd.s32 v10, v8  }
0x4f: {  	v11 =	vld [tilespmem:s21+$0x107F0];
	v8 =	vadd.s32 v14, v8  }
0x50: {  	v14 =	vld [tilespmem:s20+$0x177F0];
	v8 =	vadd.s32 v15, v8  }
0x51: {  	p0 =	por $0x1, $0x1;
	v15 =	vld [tilespmem:s20+$0x17FF0];
	v16 =	vadd.s32 v16, v8  }
0x52: {  	_ = 	snop  }
0x53: {  	v8 =	vld [tilespmem:s21+$0x10FF0];
	v9 =	vadd.s32 v12, v16  }
0x54: {  	v12 =	vld [tilespmem:s21+$0x117F0];
	v9 =	vadd.s32 v13, v9  }
0x55: {  	v13 =	vld [tilespmem:s21+$0x11FF0];
	v9 =	vadd.s32 v14, v9  }
0x56: {  	v14 =	vld [tilespmem:s21+$0x127F0];
	v10 =	vadd.s32 v15, v9  }
0x57: {  	v9 =	vld [tilespmem:s21+$0x12FF0];
	v15 =	vperm.xlane v10, v4  }
0x58: {  	v8 =	vadd.s32 v11, v8;
	v11 =	vld [tilespmem:s21+$0x137F0]  }
0x59: {  	v8 =	vadd.s32 v12, v8;
	v12 =	vld [tilespmem:s21+$0x13FF0];
	(xrf0) =	vadd.scan.msk.s32 $0xffff, v15  }
0x5a: {  	v8 =	vadd.s32 v13, v8;
	v13 =	vld [tilespmem:s21+$0x147F0]  }
0x5b: {  	(xrf0) =	vadd.scan.msk.s32 $0xffff, v10;
	v8 =	vadd.s32 v14, v8;
	v14 =	vld [tilespmem:s21+$0x14FF0]  }
0x5c: {  	v8 =	vadd.s32 v9, v8;
	v9 =	vld [tilespmem:s21+$0x157F0]  }
0x5d: {  	v16 =	vld [tilespmem:s21+$0x15FF0];
	p4 =	por $0x0, $0x0;
	v8 =	vadd.s32 v11, v8  }
.Ltmp4:
0x5e: {  	v15 =	vld [tilespmem:s21+$0x17FF0];
	v8 =	vadd.s32 v12, v8;
	(pc) =	sbr.rel @p4 .LBB2_10-.Ltmp4, $4  }
0x5f: {  	v12 =	vld [tilespmem:s21+$0x167F0];
	v8 =	vadd.s32 v13, v8;
	v11, _, _ =	vpop (xrf0)  }
0x60: {  	v13 =	vld [tilespmem:s21+$0x16FF0];
	v8 =	vadd.s32 v14, v8;
	v17 =	vperm.xlane v11, v4  }
0x61: {  	s20 =	simm.s32 $0xFFFFFFE0;
	v14 =	vld [tilespmem:s21+$0x177F0];
	v11, _, _ =	vpop (xrf0);
	v8 =	vadd.s32 v9, v8  }
0x62: {  	p1 =	por $0x1, $0x1;
	(v2sf) =	vpush v11, $0xF;
	v11 =	vld [tilespmem:s20+$0x107F0];
	v16 =	vadd.s32 v16, v8;
	v17 =	vadd.s32 s18, v17  }
0x63: {  	_ = 	snop  }
0x64: {  	v9 =	vld [tilespmem:s20+$0x10FF0];
	v10 =	vsub.s32 v17, v10;
	v8 =	vadd.s32 v12, v16  }
0x65: {  	vm1 =	vgt.s32 v17, $0x27F;
	v12 =	vld [tilespmem:s20+$0x117F0];
	vm0 =	vlt.s32 v10, $0x280;
	v8 =	vadd.s32 v13, v8  }
0x66: {  	v10 =	vxor.u32 $0x80000000, v10;
	v13 =	vld [tilespmem:s20+$0x11FF0];
	vm0 =	vmand vm1, vm0;
	v8 =	vadd.s32 v14, v8  }
0x67: {  	v14 =	vld [tilespmem:s20+$0x127F0];
	v10 =	vnsel vm0, $0x7FFFFFFF, v10;
	v8 =	vadd.s32 v15, v8;
	v15 =	vsel vm0, $0x1, v1  }
0x68: {  	v16 =	vld [tilespmem:s20+$0x12FF0];
	(xrf0) =	vmax.scan.msk.u32 $0xffff, v10;
	v17 =	vperm.xlane v8, v4;
	v15 =	vor.u32 $0x80000000, v15  }
0x69: {  	v10 =	vld [tilespmem:s20+$0x137F0];
	v9 =	vadd.s32 v11, v9;
	(xrf0) =	vmax.scan.msk.u32 $0xffff, v15  }
0x6a: {  	v11 =	vor.u32 s19, v5;
	v9 =	vadd.s32 v12, v9;
	v12 =	vld [tilespmem:s20+$0x13FF0];
	(xrf0) =	vadd.scan.msk.s32 $0xffff, v17  }
0x6b: {  	v11 =	vnsel vm0, $0x7FFFFFFF, v11;
	v9 =	vadd.s32 v13, v9;
	v13 =	vld [tilespmem:s20+$0x147F0];
	(xrf0) =	vadd.scan.msk.s32 $0xffff, v8  }
0x6c: {  	v9 =	vadd.s32 v14, v9;
	v14 =	vld [tilespmem:s20+$0x14FF0];
	(xrf0) =	vmax.scan.msk.u32 $0xffff, v11  }
0x6d: {  	v9 =	vadd.s32 v16, v9;
	v11 =	vld [tilespmem:s20+$0x157F0]  }
0x6e: {  	p4 =	por $0x0, $0x0;
	v9 =	vadd.s32 v10, v9;
	v10 =	vld [tilespmem:s20+$0x15FF0];
	v15, _, _ =	vpop (xrf0)  }
.Ltmp5:
0x6f: {  	v9 =	vadd.s32 v12, v9;
	v12 =	vld [tilespmem:s20+$0x167F0];
	v16, _, _ =	vpop (xrf0);
	(pc) =	sbr.rel @p4 .LBB2_12-.Ltmp5, $4  }
0x70: {  	(v2sf) =	vpush v15, $0xF;
	v9 =	vadd.s32 v13, v9;
	v13 =	vld [tilespmem:s20+$0x16FF0];
	v15, _, _ =	vpop (xrf0)  }
0x71: {  	(v2sf) =	vpush v16, $0xF;
	v9 =	vadd.s32 v14, v9;
	v14 =	vld [tilespmem:s20+$0x177F0];
	v17 =	vperm.xlane v15, v4;
	v16, _, _ =	vpop (xrf0);
	s21 =	spop (v2sf)  }
0x72: {  	s23 =	simm.s32 $0xFFFFFFD0;
	v9 =	vadd.s32 v11, v9;
	v15 =	vld [tilespmem:s20+$0x17FF0];
	(v2sf) =	vpush v16, $0xF;
	s24 =	sadd.s32 $0x0, s21;
	v18, _, _ =	vpop (xrf0)  }
0x73: {  	p2 =	por $0x1, $0x1;
	v11 =	vld [tilespmem:s23+$0x107F0];
	v16 =	vadd.s32 v10, v9;
	s21 =	simm.s32 $0x7E0;
	v9 =	vadd.s32 s24, v17;
	(v2sf) =	vpush v18, $0xF  }
0x74: {  	_ = 	snop  }
0x75: {  	v17 =	vld [tilespmem:s23+$0x10FF0];
	v10 =	vadd.s32 v12, v16;
	v12 =	vsub.s32 v9, v8  }
0x76: {  	v16 =	vld [tilespmem:s23+$0x117F0];
	vm1 =	vgt.s32 v9, $0x27F;
	v10 =	vadd.s32 v13, v10;
	vm0 =	vlt.s32 v12, $0x280  }
0x77: {  	v13 =	vld [tilespmem:s23+$0x11FF0];
	v12 =	vxor.u32 $0x80000000, v12;
	v10 =	vadd.s32 v14, v10;
	vm0 =	vmand vm1, vm0  }
0x78: {  	v14 =	vld [tilespmem:s23+$0x127F0];
	v10 =	vadd.s32 v15, v10;
	v15 =	vsel vm0, $0x1, v1;
	v12 =	vnsel vm0, $0x7FFFFFFF, v12  }
0x79: {  	v18 =	vld [tilespmem:s23+$0x12FF0];
	v19 =	vperm.xlane v10, v4;
	v15 =	vor.u32 $0x80000000, v15;
	(xrf0) =	vmax.scan.msk.u32 $0xffff, v12  }
0x7a: {  	v12 =	vld [tilespmem:s23+$0x137F0];
	v11 =	vadd.s32 v11, v17;
	(xrf0) =	vmax.scan.msk.u32 $0xffff, v15  }
0x7b: {  	v15 =	vor.u32 s21, v5;
	v11 =	vadd.s32 v16, v11;
	v16 =	vld [tilespmem:s23+$0x13FF0];
	(xrf0) =	vadd.scan.msk.s32 $0xffff, v19  }
0x7c: {  	v15 =	vnsel vm0, $0x7FFFFFFF, v15;
	v11 =	vadd.s32 v13, v11;
	v13 =	vld [tilespmem:s23+$0x147F0];
	(xrf0) =	vadd.scan.msk.s32 $0xffff, v10  }
0x7d: {  	v11 =	vadd.s32 v14, v11;
	v14 =	vld [tilespmem:s23+$0x14FF0];
	(xrf0) =	vmax.scan.msk.u32 $0xffff, v15  }
0x7e: {  	v15 =	vld [tilespmem:s23+$0x157F0];
	v11 =	vadd.s32 v18, v11  }
0x7f: {  	p5 =	por $0x0, $0x0;
	v17 =	vld [tilespmem:s23+$0x15FF0];
	v11 =	vadd.s32 v12, v11;
	v18, _, _ =	vpop (xrf0);
	s20 =	spop (v2sf)  }
.Ltmp6:
0x80: {  	s28 =	simm.s32 $0xFFFFFEC0;
	v12 =	vld [tilespmem:s23+$0x167F0];
	v11 =	vadd.s32 v16, v11;
	v16, _, _ =	vpop (xrf0);
	(v2sf) =	vpush v18, $0xF;
	s22 =	spop (v2sf);
	(pc) =	sbr.rel @p5 .LBB2_14-.Ltmp6, $4  }
0x81: {  	s20 =	sxor.u32 $0x80000000, s20;
	v11 =	vadd.s32 v13, v11;
	v13 =	vld [tilespmem:s23+$0x16FF0];
	v18, _, _ =	vpop (xrf0);
	(v2sf) =	vpush v16, $0xF;
	p4 =	sgt.u32 s22, $0x80000000;
	s22 =	simm.s32 $0x0  }
0x82: {  	p3 =	por $0x1, $0x1;
	s25 =	spop (v2sf);
	v11 =	vadd.s32 v14, v11;
	v14 =	vld [tilespmem:s23+$0x177F0];
	v18 =	vperm.xlane v18, v4;
	v16, _, _ =	vpop (xrf0);
	s22 =	smov.u32 @p4 s20  }
0x83: {  	s20 =	simm.s32 $0xFFFFFFC0;
	s24 =	sadd.s32 s24, s25;
	v19 =	vadd.s32 v15, v11;
	v15 =	vld [tilespmem:s23+$0x17FF0];
	(v2sf) =	vpush v16, $0xF;
	v20, _, _ =	vpop (xrf0);
	s31 =	spop (v2sf)  }
0x84: {  	s25 =	simm.s32 $0x7D0;
	s23 =	simm.s32 $0xFFFFFFFF;
	v11 =	vld [tilespmem:s20+$0x107F0];
	v16 =	vadd.s32 v17, v19;
	v17 =	vadd.s32 s24, v18;
	(v2sf) =	vpush v20, $0xF;
	s26 =	sxor.u32 $0x80000000, s31  }
.LBB2_15:
0x85: {  	p5 =	seq.s32 s28, $0xFFFFE040;
	v18 =	vld [tilespmem:s20+$0x10FF0];
	v12 =	vadd.s32 v12, v16;
	v10 =	vsub.s32 v17, v10;
	v16 =	vor.u32 s25, v5;
	s23 =	smov.u32 @p4 s26  }
0x86: {  	vm1 =	vgt.s32 v17, $0x27F;
	v19 =	vld [tilespmem:s20+$0x117F0];
	v12 =	vadd.s32 v13, v12;
	vm0 =	vlt.s32 v10, $0x280  }
0x87: {  	v13 =	vld [tilespmem:s20+$0x11FF0];
	v12 =	vadd.s32 v14, v12;
	vm0 =	vmand vm1, vm0;
	v14 =	vxor.u32 $0x80000000, v10  }
0x88: {  	v17 =	vld [tilespmem:s20+$0x127F0];
	v10 =	vadd.s32 v15, v12;
	v12 =	vsel vm0, $0x1, v1;
	v14 =	vnsel vm0, $0x7FFFFFFF, v14  }
0x89: {  	v16 =	vnsel vm0, $0x7FFFFFFF, v16;
	v15 =	vld [tilespmem:s20+$0x12FF0];
	v20 =	vperm.xlane v10, v4;
	v12 =	vor.u32 $0x80000000, v12;
	(xrf0) =	vmax.scan.msk.u32 $0xffff, v14  }
0x8a: {  	v11 =	vadd.s32 v11, v18;
	v14 =	vld [tilespmem:s20+$0x137F0];
	(xrf0) =	vmax.scan.msk.u32 $0xffff, v12  }
0x8b: {  	v11 =	vadd.s32 v19, v11;
	v12 =	vld [tilespmem:s20+$0x13FF0];
	(xrf0) =	vadd.scan.msk.s32 $0xffff, v20  }
0x8c: {  	v11 =	vadd.s32 v13, v11;
	v13 =	vld [tilespmem:s20+$0x147F0];
	(xrf0) =	vadd.scan.msk.s32 $0xffff, v10  }
0x8d: {  	v11 =	vadd.s32 v17, v11;
	v17 =	vld [tilespmem:s20+$0x14FF0];
	(xrf0) =	vmax.scan.msk.u32 $0xffff, v16  }
0x8e: {  	v11 =	vadd.s32 v15, v11;
	v15 =	vld [tilespmem:s20+$0x157F0]  }
0x8f: {  	v11 =	vadd.s32 v14, v11;
	v16 =	vld [tilespmem:s20+$0x15FF0];
	v14, _, _ =	vpop (xrf0);
	s26 =	spop (v2sf)  }
.Ltmp7:
0x90: {  	v11 =	vadd.s32 v12, v11;
	v12 =	vld [tilespmem:s20+$0x167F0];
	v18, _, _ =	vpop (xrf0);
	(v2sf) =	vpush v14, $0xF;
	s29 =	spop (v2sf);
	(pc) =	sbr.rel @!p5 .LBB2_15-.Ltmp7, $4  }
0x91: {  	s26 =	sxor.u32 $0x80000000, s26;
	v11 =	vadd.s32 v13, v11;
	v13 =	vld [tilespmem:s20+$0x16FF0];
	v19, _, _ =	vpop (xrf0);
	(v2sf) =	vpush v18, $0xF;
	p4 =	sgt.u32 s29, $0x80000000  }
0x92: {  	v11 =	vadd.s32 v17, v11;
	v14 =	vld [tilespmem:s20+$0x177F0];
	v17 =	vperm.xlane v19, v4;
	v18, _, _ =	vpop (xrf0);
	s29 =	spop (v2sf);
	s22 =	smov.u32 @p4 s26  }
0x93: {  	v19 =	vadd.s32 v15, v11;
	v15 =	vld [tilespmem:s20+$0x17FF0];
	s20 =	sshra.s32 s28, $0x2;
	(v2sf) =	vpush v18, $0xF;
	s24 =	sadd.s32 s24, s29;
	v18, _, _ =	vpop (xrf0);
	s26 =	spop (v2sf)  }
0x94: {  	s25 =	sadd.s32 $0xFFFFFFF0, s25;
	s28 =	sadd.s32 $0xFFFFFFC0, s28;
	v11 =	vld [tilespmem:s20+$0x107F0];
	v16 =	vadd.s32 v16, v19;
	v17 =	vadd.s32 s24, v17;
	(v2sf) =	vpush v18, $0xF;
	s26 =	sxor.u32 $0x80000000, s26  }
.LBB2_16:
0x95: {  	_ = 	snop  }
0x96: {  	v12 =	vadd.s32 @p0 v12, v16;
	v10 =	vsub.s32 @p1 v17, v10  }
0x97: {  	v45 =	vld [tilespmem:s20+$0x10FF0];
	vm1 =	vgt.s32 @p1 v17, $0x27F;
	v12 =	vadd.s32 @p0 v13, v12;
	vm0 =	vlt.s32 @p1 v10, $0x280  }
0x98: {  	v46 =	vld [tilespmem:s20+$0x117F0];
	v10 =	vxor.u32 @p1 $0x80000000, v10;
	v12 =	vadd.s32 @p0 v14, v12;
	vm0 =	vmand @p1 vm1, vm0  }
0x99: {  	v47 =	vld [tilespmem:s20+$0x11FF0];
	v12 =	vadd.s32 @p0 v15, v12;
	v15 =	vsel @p1 vm0, $0x1, v1;
	v10 =	vnsel @p1 vm0, $0x7FFFFFFF, v10  }
0x9a: {  	v48 =	vld [tilespmem:s20+$0x127F0];
	v18 =	vperm.xlane @p0 v12, v4;
	v15 =	vor.u32 @p1 $0x80000000, v15;
	(xrf0) =	vmax.scan.msk.u32 @p1 $0xffff, v10  }
0x9b: {  	v49 =	vld [tilespmem:s20+$0x12FF0];
	(xrf0) =	vmax.scan.msk.u32 @p1 $0xffff, v15  }
0x9c: {  	v50 =	vld [tilespmem:s20+$0x137F0];
	v11 =	vadd.s32 v11, v45;
	(xrf0) =	vadd.scan.msk.s32 @p0 $0xffff, v18  }
0x9d: {  	v51 =	vld [tilespmem:s20+$0x13FF0];
	v11 =	vadd.s32 v46, v11;
	(xrf0) =	vadd.scan.msk.s32 @p0 $0xffff, v12  }
0x9e: {  	v52 =	vld [tilespmem:s20+$0x147F0];
	v11 =	vadd.s32 v47, v11  }
0x9f: {  	v53 =	vld [tilespmem:s20+$0x14FF0];
	v11 =	vadd.s32 v48, v11  }
0xa0: {  	v54 =	vld [tilespmem:s20+$0x157F0];
	v10 =	vadd.s32 v49, v11;
	v17, _, _ =	vpop @p1 (xrf0);
	s28 =	spop @p2 (v2sf)  }
0xa1: {  	v55 =	vld [tilespmem:s20+$0x15FF0];
	v10 =	vadd.s32 v50, v10;
	v18, _, _ =	vpop @p1 (xrf0);
	s29 =	spop @p2 (v2sf)  }
0xa2: {  	v56 =	vld [tilespmem:s20+$0x167F0];
	v10 =	vadd.s32 v51, v10;
	(v2sf) =	vpush @p1 v17, $0xF;
	v17, _, _ =	vpop @p0 (xrf0);
	s30 =	spop @p1 (v2sf)  }
0xa3: {  	v57 =	vld [tilespmem:s20+$0x16FF0];
	v10 =	vadd.s32 v52, v10;
	(v2sf) =	vpush @p1 v18, $0xF;
	v17 =	vperm.xlane @p0 v17, v4;
	v18, _, _ =	vpop @p0 (xrf0);
	s24 =	sadd.s32 @p1 s24, s30;
	s30 =	simm.s32 $0x0  }
0xa4: {  	v58 =	vld [tilespmem:s20+$0x177F0];
	v10 =	vadd.s32 v53, v10;
	(v2sf) =	vpush @p0 v18, $0xF;
	s30 =	smov.u32 @p1 s24  }
0xa5: {  	v59 =	vld [tilespmem:s20+$0x17FF0];
	v8 =	vpsel p0, v12, v8;
	v10 =	vadd.s32 v54, v10;
	v17 =	vadd.s32 @p0 s30, v17  }
0xa6: {  	v18 =	vor.u32 @p1 s25, v5;
	v10 =	vadd.s32 v55, v10;
	v9 =	vpsel p0, v17, v9  }
0xa7: {  	v12 =	vnsel @p1 vm0, $0x7FFFFFFF, v18;
	v10 =	vadd.s32 v56, v10;
	v8 =	vsub.s32 @p0 v9, v8  }
0xa8: {  	v10 =	vadd.s32 v57, v10;
	vm1 =	vgt.s32 @p0 v9, $0x27F;
	vm0 =	vlt.s32 @p0 v8, $0x280  }
0xa9: {  	v60 =	vadd.s32 v58, v10;
	v8 =	vxor.u32 @p0 $0x80000000, v8;
	vm0 =	vmand @p0 vm1, vm0  }
0xaa: {  	(xrf0) =	vmax.scan.msk.u32 @p1 $0xffff, v12;
	v9 =	vadd.s32 v59, v60;
	v10 =	vsel @p0 vm0, $0x1, v1;
	v8 =	vnsel @p0 vm0, $0x7FFFFFFF, v8  }
0xab: {  	v11 =	vperm.xlane v9, v4;
	v10 =	vor.u32 @p0 $0x80000000, v10;
	(xrf0) =	vmax.scan.msk.u32 @p0 $0xffff, v8  }
0xac: {  	(xrf0) =	vmax.scan.msk.u32 @p0 $0xffff, v10  }
0xad: {  	(xrf0) =	vadd.scan.msk.s32 $0xffff, v11;
	_ =	sdelay $0x2  }
0xae: {  	s20 =	spop @p2 (v2sf);
	v8, _, _ =	vpop @p1 (xrf0)  }
0xaf: {  	s24 =	spop @p1 (v2sf);
	v10, _, _ =	vpop @p0 (xrf0)  }
0xb0: {  	s31 =	spop @p1 (v2sf);
	v11, _, _ =	vpop @p0 (xrf0)  }
0xb1: {  	(v2sf) =	vpush @p1 v8, $0xF;
	s0 =	spop @p0 (v2sf);
	v8, _, _ =	vpop (xrf0)  }
0xb2: {  	s25 =	sadd.s32 @p1 $0xFFFFFFF0, s25;
	(xrf0) =	vadd.scan.msk.s32 $0xffff, v9;
	(v2sf) =	vpush @p0 v10, $0xF;
	s0 =	sadd.s32 @p0 s30, s0;
	s30 =	simm.s32 $0x0;
	v8 =	vperm.xlane v8, v4  }
0xb3: {  	s21 =	smov.u32 @p1 s25;
	(v2sf) =	vpush @p0 v11, $0xF;
	s30 =	smov.u32 @p0 s0  }
0xb4: {  	v11 =	vor.u32 @p0 s21, v5;
	v8 =	vadd.s32 s30, v8  }
0xb5: {  	v10 =	vnsel @p0 vm0, $0x7FFFFFFF, v11;
	v9 =	vsub.s32 v8, v9  }
0xb6: {  	s0 =	sadd.s32 @p0 $0xFFFFFFF0, s21;
	(xrf0) =	vmax.scan.msk.u32 @p0 $0xffff, v10;
	vm15 =	vgt.s32 v8, $0x27F;
	vm14 =	vlt.s32 v9, $0x280  }
0xb7: {  	s19 =	smov.u32 @p0 s0;
	v8 =	vxor.u32 $0x80000000, v9;
	vm0 =	vmand vm15, vm14  }
0xb8: {  	v61, _, _ =	vpop (xrf0);
	v63 =	vor.u32 s19, v5;
	v62 =	vsel vm0, $0x1, v1;
	v8 =	vnsel vm0, $0x7FFFFFFF, v8  }
0xb9: {  	(v2sf) =	vpush v61, $0xF;
	v9 =	vor.u32 $0x80000000, v62;
	(xrf0) =	vmax.scan.msk.u32 $0xffff, v8;
	v8 =	vnsel vm0, $0x7FFFFFFF, v63  }
0xba: {  	(xrf0) =	vmax.scan.msk.u32 $0xffff, v9  }
0xbb: {  	(xrf0) =	vmax.scan.msk.u32 $0xffff, v8  }
0xbc: {  	v8, _, _ =	vpop @p0 (xrf0)  }
0xbd: {  	(v2sf) =	vpush @p0 v8, $0xF;
	_ =	sdelay $0x1  }
0xbe: {  	v8, _, _ =	vpop (xrf0)  }
0xbf: {  	s0 =	spop @p1 (v2sf);
	v9, _, _ =	vpop (xrf0);
	(v2sf) =	vpush v8, $0xF  }
0xc0: {  	p4 =	por !p4, !p3;
	s19 =	spop @p0 (v2sf);
	(v2sf) =	vpush v9, $0xF;
	v8, _, _ =	vpop (xrf0)  }
0xc1: {  	s26 =	smov.u32 @p4 s23;
	p4 =	sgt.u32 @p2 s29, $0x80000000;
	s21 =	spop @p0 (v2sf);
	(v2sf) =	vpush v8, $0xF  }
0xc2: {  	s23 =	sxor.u32 @p2 $0x80000000, s28;
	p5 =	por !p4, !p2;
	p4 =	por @!p2 p0, p0  }
0xc3: {  	s23 =	smov.u32 @p5 s22;
	s22 =	simm.s32 $0xFFFFFFFF;
	s20 =	sxor.u32 @p2 $0x80000000, s20  }
0xc4: {  	p4 =	por !p4, !p2;
	s22 =	smov.u32 @p3 s26;
	s20 =	smov.u32 @p2 s20  }
0xc5: {  	s20 =	smov.u32 @p4 s22;
	s22 =	simm.s32 $0xFFFFFFFF  }
0xc6: {  	s22 =	smov.u32 @p2 s20;
	s20 =	simm.s32 $0x0;
	p3 =	sgt.u32 @p1 s31, $0x80000000  }
0xc7: {  	p5 =	por !p3, !p1;
	s0 =	sxor.u32 @p1 $0x80000000, s0;
	s25 =	spop (v2sf)  }
0xc8: {  	p3 =	por @!p1 p0, p0;
	s0 =	smov.u32 @p1 s0;
	s25 =	simm.s32 $0x0  }
0xc9: {  	s19 =	sxor.u32 @p0 $0x80000000, s19;
	s25 =	smov.u32 @p2 s23;
	s23 =	sxor.u32 @p1 $0x80000000, s24  }
0xca: {  	p2 =	por !p3, !p1;
	p3 =	sgt.u32 @p0 s21, $0x80000000;
	s23 =	smov.u32 @p5 s25  }
0xcb: {  	p4 =	por !p3, !p0;
	s20 =	smov.u32 @p1 s23;
	s21 =	spop @p0 (v2sf)  }
0xcc: {  	s0 =	smov.u32 @p2 s22;
	s19 =	smov.u32 @p4 s20;
	s20 =	sxor.u32 @p0 $0x80000000, s21  }
0xcd: {  	p3 =	por @!p0 p0, p0;
	s21 =	simm.s32 $0xFFFFFFFF;
	s20 =	smov.u32 @p0 s20  }
0xce: {  	s21 =	smov.u32 @p1 s0;
	p1 =	por !p3, !p0;
	s29 =	spop (v2sf)  }
0xcf: {  	s18 =	smov.u32 @p0 s19;
	s20 =	smov.u32 @p1 s21;
	s30 =	spop (v2sf)  }
0xd0: {  	s0 =	sxor.u32 $0x80000000, s29;
	s17 =	smov.u32 @p0 s20;
	s31 =	spop (v2sf)  }
0xd1: {  	s20 =	simm.s32 $0x100;
	p1 =	sgt.u32 s30, $0x80000000;
	s19 =	sxor.u32 $0x80000000, s31  }
0xd2: {  	s18 =	smov.u32 @p1 s0;
	s17 =	smov.u32 @p1 s19;
	s19 =	simm.s32 $0x0  }
.LBB2_17:
0xd3: {  	p0 =	seq.s32 s20, $0x1FF00;
	[tilespmem:s19+$0x10030] =	vst v1;
	s0 =	smov.u32 s20;
	s20 =	sadd.s32 $0x100, s20  }
.Ltmp8:
0xd4: {  	[tilespmem:s19+$0x10020] =	vst v1;
	(pc) =	sbr.rel @!p0 .LBB2_17-.Ltmp8, $3  }
0xd5: {  	[tilespmem:s19+$0x10000] =	vst v1  }
0xd6: {  	[tilespmem:s19+$0x10010] =	vst v1;
	_ =	sdelay $0x1  }
0xd7: {  	s19 =	sshra.s32 s0, $0x2  }
0xd8: {  	[tilespmem:s19+$0x10030] =	vst v1  }
0xd9: {  	[tilespmem:s19+$0x10020] =	vst v1  }
0xda: {  	[tilespmem:s19+$0x10000] =	vst v1  }
0xdb: {  	[tilespmem:s19+$0x10010] =	vst v1;
	v8 =	vmov s17;
	s19 =	simm.s32 $0x0  }
.LBB2_19:
0xdc: {  	s0 =	sshra.s32 s19, $0x2  }
0xdd: {  	v9 =	vld [tilespmem:s0+$0x8000];
	_ =	sdelay $0x4  }
0xde: {  	v10 =	vshra.s32 v9, $0x15  }
0xdf: {  	v9 =	vshrl.u32 v9, $0xA;
	v10 =	vadd.s32 $0x400, v10  }
0xe0: {  	v9 =	vand.u32 $0x7FF, v9;
	vm0 =	veq.s32 v10, v8  }
0xe1: {  	v9 =	vor.u32 v0, v9;
	_ =	sdelay $0x4  }
0xe2: {  	[tilespmem:v9+s13+$0x0] =	vst.idx.add.s32.msk vm0, v3  }
0xe3: {  	v9 =	vld [tilespmem:s0+$0x8010];
	_ =	sdelay $0x4  }
0xe4: {  	v10 =	vshra.s32 v9, $0x15  }
0xe5: {  	v9 =	vshrl.u32 v9, $0xA;
	v10 =	vadd.s32 $0x400, v10  }
0xe6: {  	v9 =	vand.u32 $0x7FF, v9;
	vm13 =	veq.s32 v10, v8  }
0xe7: {  	v9 =	vor.u32 v0, v9;
	_ =	sdelay $0x4  }
0xe8: {  	[tilespmem:v9+s13+$0x0] =	vst.idx.add.s32.msk vm13, v3  }
0xe9: {  	v9 =	vld [tilespmem:s0+$0x8020];
	_ =	sdelay $0x4  }
0xea: {  	v10 =	vshra.s32 v9, $0x15  }
0xeb: {  	v9 =	vshrl.u32 v9, $0xA;
	v10 =	vadd.s32 $0x400, v10  }
0xec: {  	v9 =	vand.u32 $0x7FF, v9;
	vm14 =	veq.s32 v10, v8  }
0xed: {  	v9 =	vor.u32 v0, v9;
	_ =	sdelay $0x4  }
0xee: {  	[tilespmem:v9+s13+$0x0] =	vst.idx.add.s32.msk vm14, v3  }
0xef: {  	v9 =	vld [tilespmem:s0+$0x8030];
	_ =	sdelay $0x4  }
0xf0: {  	v10 =	vshra.s32 v9, $0x15  }
0xf1: {  	v9 =	vshrl.u32 v9, $0xA;
	v10 =	vadd.s32 $0x400, v10  }
0xf2: {  	v9 =	vand.u32 $0x7FF, v9;
	vm15 =	veq.s32 v10, v8  }
0xf3: {  	p0 =	sne.s32 s19, $0x1FF00;
	v9 =	vor.u32 v0, v9  }
.Ltmp9:
0xf4: {  	_ = 	snop;
	(pc) =	sbr.rel @p0 .LBB2_19-.Ltmp9, $2  }
0xf5: {  	_ =	sdelay $0x2  }
0xf6: {  	s19 =	sadd.s32 $0x100, s19;
	[tilespmem:v9+s13+$0x0] =	vst.idx.add.s32.msk vm15, v3  }
0xf7: {  	s0 =	simm.s32 $0x0  }
0xf8: {  	v8 =	vld [tilespmem:s0+$0x107F0]  }
0xf9: {  	v9 =	vld [tilespmem:s0+$0x10FF0]  }
0xfa: {  	v10 =	vld [tilespmem:s0+$0x117F0]  }
0xfb: {  	v11 =	vld [tilespmem:s0+$0x11FF0]  }
0xfc: {  	v12 =	vld [tilespmem:s0+$0x127F0]  }
0xfd: {  	v13 =	vld [tilespmem:s0+$0x12FF0]  }
0xfe: {  	v8 =	vadd.s32 v8, v9;
	v9 =	vld [tilespmem:s0+$0x137F0]  }
0xff: {  	v8 =	vadd.s32 v10, v8;
	v10 =	vld [tilespmem:s0+$0x13FF0]  }
0x100: {  	v8 =	vadd.s32 v11, v8;
	v11 =	vld [tilespmem:s0+$0x147F0]  }
0x101: {  	v8 =	vadd.s32 v12, v8;
	v12 =	vld [tilespmem:s0+$0x14FF0]  }
0x102: {  	v8 =	vadd.s32 v13, v8;
	v13 =	vld [tilespmem:s0+$0x157F0]  }
0x103: {  	v8 =	vadd.s32 v9, v8;
	v9 =	vld [tilespmem:s0+$0x15FF0]  }
0x104: {  	v8 =	vadd.s32 v10, v8;
	v10 =	vld [tilespmem:s0+$0x167F0]  }
0x105: {  	v8 =	vadd.s32 v11, v8;
	v11 =	vld [tilespmem:s0+$0x16FF0]  }
0x106: {  	v8 =	vadd.s32 v12, v8;
	v12 =	vld [tilespmem:s0+$0x177F0]  }
0x107: {  	s19 =	simm.s32 $0xFFFFFFF0;
	v8 =	vadd.s32 v13, v8;
	v13 =	vld [tilespmem:s0+$0x17FF0]  }
0x108: {  	v14 =	vld [tilespmem:s19+$0x107F0];
	v8 =	vadd.s32 v9, v8  }
0x109: {  	v9 =	vld [tilespmem:s19+$0x10FF0];
	v8 =	vadd.s32 v10, v8  }
0x10a: {  	v10 =	vld [tilespmem:s19+$0x117F0];
	v8 =	vadd.s32 v11, v8  }
0x10b: {  	v11 =	vld [tilespmem:s19+$0x11FF0];
	v8 =	vadd.s32 v12, v8  }
0x10c: {  	v12 =	vld [tilespmem:s19+$0x127F0];
	v13 =	vadd.s32 v13, v8  }
0x10d: {  	v8 =	vld [tilespmem:s19+$0x12FF0];
	v15 =	vperm.xlane v13, v4  }
0x10e: {  	v9 =	vadd.s32 v14, v9;
	v14 =	vld [tilespmem:s19+$0x137F0]  }
0x10f: {  	v9 =	vadd.s32 v10, v9;
	v10 =	vld [tilespmem:s19+$0x13FF0];
	(xrf0) =	vadd.scan.msk.s32 $0xffff, v15  }
0x110: {  	v9 =	vadd.s32 v11, v9;
	v11 =	vld [tilespmem:s19+$0x147F0];
	(xrf0) =	vadd.scan.msk.s32 $0xffff, v13  }
0x111: {  	v9 =	vadd.s32 v12, v9;
	v12 =	vld [tilespmem:s19+$0x14FF0]  }
0x112: {  	v8 =	vadd.s32 v8, v9;
	v9 =	vld [tilespmem:s19+$0x157F0]  }
0x113: {  	v8 =	vadd.s32 v14, v8;
	v14 =	vld [tilespmem:s19+$0x15FF0]  }
0x114: {  	v8 =	vadd.s32 v10, v8;
	v10 =	vld [tilespmem:s19+$0x167F0]  }
0x115: {  	v8 =	vadd.s32 v11, v8;
	v11 =	vld [tilespmem:s19+$0x16FF0];
	v15, _, _ =	vpop (xrf0)  }
0x116: {  	v8 =	vadd.s32 v12, v8;
	v12 =	vld [tilespmem:s19+$0x177F0];
	v15 =	vperm.xlane v15, v4;
	v16, _, _ =	vpop (xrf0)  }
0x117: {  	s30 =	simm.s32 $0x0;
	s21 =	simm.s32 $0xFFFFFFE0;
	v8 =	vadd.s32 v9, v8;
	v9 =	vld [tilespmem:s19+$0x17FF0];
	(v2sf) =	vpush v16, $0xF  }
0x118: {  	s18 =	ssub.s32 $0x280, s18;
	v17 =	vld [tilespmem:s21+$0x10FF0];
	v14 =	vadd.s32 v14, v8;
	v15 =	vadd.s32 s30, v15  }
0x119: {  	v16 =	vld [tilespmem:s21+$0x107F0];
	v8 =	vmov s18;
	v10 =	vadd.s32 v10, v14;
	v13 =	vsub.s32 v15, v13  }
0x11a: {  	s19 =	simm.s32 $0x7F0;
	v14 =	vld [tilespmem:s21+$0x117F0];
	v10 =	vadd.s32 v11, v10;
	vm1 =	vge.s32 v15, v8;
	vm0 =	vlt.s32 v13, v8  }
0x11b: {  	v11 =	vld [tilespmem:s21+$0x11FF0];
	v10 =	vadd.s32 v12, v10;
	v12 =	vor.u32 s19, v5;
	vm0 =	vmand vm1, vm0  }
0x11c: {  	v13 =	vld [tilespmem:s21+$0x127F0];
	v9 =	vadd.s32 v9, v10;
	v10 =	vsel vm0, $0x1, v1;
	v12 =	vnsel vm0, $0x7FFFFFFF, v12  }
0x11d: {  	v15 =	vld [tilespmem:s21+$0x12FF0];
	v18 =	vperm.xlane v9, v4;
	v10 =	vor.u32 $0x80000000, v10;
	(xrf0) =	vmax.scan.msk.u32 $0xffff, v12  }
0x11e: {  	v12 =	vadd.s32 v16, v17;
	v16 =	vld [tilespmem:s21+$0x137F0];
	(xrf0) =	vmax.scan.msk.u32 $0xffff, v10  }
0x11f: {  	v10 =	vadd.s32 v14, v12;
	v12 =	vld [tilespmem:s21+$0x13FF0];
	(xrf0) =	vadd.scan.msk.s32 $0xffff, v18  }
0x120: {  	v10 =	vadd.s32 v11, v10;
	v11 =	vld [tilespmem:s21+$0x147F0];
	(xrf0) =	vadd.scan.msk.s32 $0xffff, v9  }
0x121: {  	v10 =	vadd.s32 v13, v10;
	v13 =	vld [tilespmem:s21+$0x14FF0]  }
0x122: {  	v14 =	vld [tilespmem:s21+$0x157F0];
	v10 =	vadd.s32 v15, v10  }
0x123: {  	v15 =	vld [tilespmem:s21+$0x15FF0];
	v10 =	vadd.s32 v16, v10;
	v16, _, _ =	vpop (xrf0)  }
0x124: {  	v12 =	vadd.s32 v12, v10;
	v10 =	vld [tilespmem:s21+$0x167F0];
	v17, _, _ =	vpop (xrf0);
	(v2sf) =	vpush v16, $0xF  }
0x125: {  	v11 =	vadd.s32 v11, v12;
	v12 =	vld [tilespmem:s21+$0x16FF0];
	v18, _, _ =	vpop (xrf0);
	(v2sf) =	vpush v17, $0xF  }
0x126: {  	v11 =	vadd.s32 v13, v11;
	v13 =	vld [tilespmem:s21+$0x177F0];
	v18 =	vperm.xlane v18, v4;
	s31 =	spop (v2sf);
	v16, _, _ =	vpop (xrf0)  }
0x127: {  	s20 =	simm.s32 $0xFFFFFFD0;
	v17 =	vadd.s32 v14, v11;
	v14 =	vld [tilespmem:s21+$0x17FF0];
	s21 =	sadd.s32 $0x0, s31;
	(v2sf) =	vpush v16, $0xF  }
0x128: {  	s22 =	simm.s32 $0xFFFFFF00;
	s18 =	simm.s32 $0xFFFFFFFF;
	v11 =	vld [tilespmem:s20+$0x107F0];
	v16 =	vadd.s32 v15, v17;
	v15 =	vadd.s32 s21, v18  }
.LBB2_21:
0x129: {  	p0 =	seq.s32 s22, $0xFFFFE040;
	v17 =	vld [tilespmem:s20+$0x10FF0];
	v10 =	vadd.s32 v10, v16;
	v9 =	vsub.s32 v15, v9  }
0x12a: {  	vm1 =	vge.s32 v15, v8;
	s19 =	sadd.s32 $0xFFFFFFF0, s19;
	v16 =	vld [tilespmem:s20+$0x117F0];
	v10 =	vadd.s32 v12, v10;
	vm0 =	vlt.s32 v9, v8  }
0x12b: {  	v12 =	vld [tilespmem:s20+$0x11FF0];
	v9 =	vadd.s32 v13, v10;
	vm0 =	vmand vm1, vm0;
	v10 =	vor.u32 s19, v5  }
0x12c: {  	v13 =	vld [tilespmem:s20+$0x127F0];
	v9 =	vadd.s32 v14, v9;
	v14 =	vsel vm0, $0x1, v1;
	v10 =	vnsel vm0, $0x7FFFFFFF, v10  }
0x12d: {  	v15 =	vld [tilespmem:s20+$0x12FF0];
	v18 =	vperm.xlane v9, v4;
	v14 =	vor.u32 $0x80000000, v14;
	(xrf0) =	vmax.scan.msk.u32 $0xffff, v10  }
0x12e: {  	v10 =	vadd.s32 v11, v17;
	v11 =	vld [tilespmem:s20+$0x137F0];
	(xrf0) =	vmax.scan.msk.u32 $0xffff, v14  }
0x12f: {  	v10 =	vadd.s32 v16, v10;
	v14 =	vld [tilespmem:s20+$0x13FF0];
	(xrf0) =	vadd.scan.msk.s32 $0xffff, v18  }
0x130: {  	v10 =	vadd.s32 v12, v10;
	v12 =	vld [tilespmem:s20+$0x147F0];
	(xrf0) =	vadd.scan.msk.s32 $0xffff, v9  }
0x131: {  	v10 =	vadd.s32 v13, v10;
	v13 =	vld [tilespmem:s20+$0x14FF0]  }
0x132: {  	v10 =	vadd.s32 v15, v10;
	v15 =	vld [tilespmem:s20+$0x157F0]  }
0x133: {  	v10 =	vadd.s32 v11, v10;
	v16 =	vld [tilespmem:s20+$0x15FF0];
	v11, _, _ =	vpop (xrf0);
	s0 =	spop (v2sf)  }
.Ltmp10:
0x134: {  	v19 =	vadd.s32 v14, v10;
	v10 =	vld [tilespmem:s20+$0x167F0];
	v17, _, _ =	vpop (xrf0);
	(v2sf) =	vpush v11, $0xF;
	s23 =	spop (v2sf);
	(pc) =	sbr.rel @!p0 .LBB2_21-.Ltmp10, $4  }
0x135: {  	s0 =	sxor.u32 $0x80000000, s0;
	v11 =	vadd.s32 v12, v19;
	v12 =	vld [tilespmem:s20+$0x16FF0];
	v14, _, _ =	vpop (xrf0);
	(v2sf) =	vpush v17, $0xF;
	p1 =	sgt.u32 s23, $0x80000000  }
0x136: {  	v11 =	vadd.s32 v13, v11;
	v13 =	vld [tilespmem:s20+$0x177F0];
	v17 =	vperm.xlane v14, v4;
	v18, _, _ =	vpop (xrf0);
	s23 =	spop (v2sf);
	s18 =	smov.u32 @p1 s0  }
0x137: {  	v15 =	vadd.s32 v15, v11;
	v14 =	vld [tilespmem:s20+$0x17FF0];
	s20 =	sshra.s32 s22, $0x2;
	(v2sf) =	vpush v18, $0xF;
	s21 =	sadd.s32 s21, s23  }
0x138: {  	s22 =	sadd.s32 $0xFFFFFFC0, s22;
	v11 =	vld [tilespmem:s20+$0x107F0];
	v16 =	vadd.s32 v16, v15;
	v15 =	vadd.s32 s21, v17  }
0x139: {  	v17 =	vld [tilespmem:s20+$0x10FF0];
	v10 =	vadd.s32 v10, v16;
	v9 =	vsub.s32 v15, v9  }
0x13a: {  	v38 =	vld [tilespmem:s20+$0x117F0];
	vm1 =	vge.s32 v15, v8;
	s0 =	sadd.s32 $0xFFFFFFF0, s19;
	v10 =	vadd.s32 v12, v10;
	vm0 =	vlt.s32 v9, v8  }
0x13b: {  	v39 =	vld [tilespmem:s20+$0x11FF0];
	v40 =	vor.u32 s0, v5;
	v10 =	vadd.s32 v13, v10;
	vm0 =	vmand vm1, vm0  }
0x13c: {  	v41 =	vld [tilespmem:s20+$0x127F0];
	v10 =	vadd.s32 v14, v10;
	v42 =	vsel vm0, $0x1, v1;
	v12 =	vnsel vm0, $0x7FFFFFFF, v40  }
0x13d: {  	v43 =	vld [tilespmem:s20+$0x12FF0];
	v18 =	vperm.xlane v10, v4;
	v14 =	vor.u32 $0x80000000, v42;
	(xrf0) =	vmax.scan.msk.u32 $0xffff, v12  }
0x13e: {  	v44 =	vld [tilespmem:s20+$0x137F0];
	v11 =	vadd.s32 v11, v17;
	(xrf0) =	vmax.scan.msk.u32 $0xffff, v14  }
0x13f: {  	v45 =	vld [tilespmem:s20+$0x13FF0];
	v11 =	vadd.s32 v38, v11;
	(xrf0) =	vadd.scan.msk.s32 $0xffff, v18  }
0x140: {  	v46 =	vld [tilespmem:s20+$0x147F0];
	v9 =	vadd.s32 v39, v11;
	(xrf0) =	vadd.scan.msk.s32 $0xffff, v10  }
0x141: {  	v47 =	vld [tilespmem:s20+$0x14FF0];
	v9 =	vadd.s32 v41, v9  }
0x142: {  	v48 =	vld [tilespmem:s20+$0x157F0];
	v9 =	vadd.s32 v43, v9  }
0x143: {  	v49 =	vld [tilespmem:s20+$0x15FF0];
	v9 =	vadd.s32 v44, v9;
	v50, _, _ =	vpop (xrf0)  }
0x144: {  	v51 =	vld [tilespmem:s20+$0x167F0];
	s31 =	spop (v2sf);
	v9 =	vadd.s32 v45, v9;
	v52, _, _ =	vpop (xrf0)  }
0x145: {  	v53 =	vld [tilespmem:s20+$0x16FF0];
	(v2sf) =	vpush v50, $0xF;
	s22 =	spop (v2sf);
	v9 =	vadd.s32 v46, v9;
	v54, _, _ =	vpop (xrf0)  }
0x146: {  	v55 =	vld [tilespmem:s20+$0x177F0];
	(v2sf) =	vpush v52, $0xF;
	v9 =	vadd.s32 v47, v9;
	v16 =	vperm.xlane v54, v4;
	v56, _, _ =	vpop (xrf0);
	s23 =	spop (v2sf)  }
0x147: {  	v57 =	vld [tilespmem:s20+$0x17FF0];
	v9 =	vadd.s32 v48, v9;
	(v2sf) =	vpush v56, $0xF;
	s21 =	sadd.s32 s21, s23  }
0x148: {  	v9 =	vadd.s32 v49, v9;
	v58 =	vadd.s32 s21, v16  }
0x149: {  	v9 =	vadd.s32 v51, v9;
	v10 =	vsub.s32 v58, v10  }
0x14a: {  	s0 =	sadd.s32 $0xFFFFFFF0, s0;
	vm13 =	vge.s32 v58, v8;
	v9 =	vadd.s32 v53, v9;
	vm12 =	vlt.s32 v10, v8  }
0x14b: {  	v59 =	vor.u32 s0, v5;
	v9 =	vadd.s32 v55, v9;
	vm0 =	vmand vm13, vm12  }
0x14c: {  	v9 =	vadd.s32 v57, v9;
	v60 =	vsel vm0, $0x1, v1;
	v10 =	vnsel vm0, $0x7FFFFFFF, v59  }
0x14d: {  	v61 =	vperm.xlane v9, v4;
	v11 =	vor.u32 $0x80000000, v60;
	(xrf0) =	vmax.scan.msk.u32 $0xffff, v10  }
0x14e: {  	(xrf0) =	vmax.scan.msk.u32 $0xffff, v11  }
0x14f: {  	(xrf0) =	vadd.scan.msk.s32 $0xffff, v61;
	_ =	sdelay $0x3  }
0x150: {  	v10, _, _ =	vpop (xrf0)  }
0x151: {  	s23 =	spop (v2sf);
	v11, _, _ =	vpop (xrf0)  }
0x152: {  	s25 =	spop (v2sf);
	v12, _, _ =	vpop (xrf0)  }
0x153: {  	v12 =	vperm.xlane v12, v4;
	s24 =	spop (v2sf)  }
0x154: {  	s20 =	sadd.s32 s21, s24  }
0x155: {  	v12 =	vadd.s32 s20, v12  }
0x156: {  	v62 =	vsub.s32 v12, v9  }
0x157: {  	s0 =	sadd.s32 $0xFFFFFFF0, s0;
	vm15 =	vge.s32 v12, v8;
	vm14 =	vlt.s32 v62, v8  }
0x158: {  	v8 =	vor.u32 s0, v5;
	vm0 =	vmand vm15, vm14  }
0x159: {  	(xrf0) =	vadd.scan.msk.s32 $0xffff, v9;
	v63 =	vsel vm0, $0x1, v1;
	v8 =	vnsel vm0, $0x7FFFFFFF, v8  }
0x15a: {  	v9 =	vor.u32 $0x80000000, v63;
	(xrf0) =	vmax.scan.msk.u32 $0xffff, v8  }
0x15b: {  	(xrf0) =	vmax.scan.msk.u32 $0xffff, v9;
	_ =	sdelay $0x2  }
0x15c: {  	(v2sf) =	vpush v10, $0xF  }
0x15d: {  	(v2sf) =	vpush v11, $0xF;
	v8, _, _ =	vpop (xrf0)  }
0x15e: {  	(v2sf) =	vpush v8, $0xF;
	v8, _, _ =	vpop (xrf0)  }
0x15f: {  	v9, _, _ =	vpop (xrf0);
	(v2sf) =	vpush v8, $0xF  }
0x160: {  	(v2sf) =	vpush v9, $0xF;
	_ =	sdelay $0xa  }
0x161: {  	s19 =	sxor.u32 $0x80000000, s31;
	p0 =	sgt.u32 s22, $0x80000000;
	s26 =	spop (v2sf)  }
0x162: {  	s18 =	smov.u32 @p0 s19;
	s28 =	spop (v2sf)  }
0x163: {  	s19 =	sxor.u32 $0x80000000, s23;
	p0 =	sgt.u32 s25, $0x80000000;
	s29 =	spop (v2sf)  }
0x164: {  	s18 =	smov.u32 @p0 s19;
	s30 =	spop (v2sf)  }
0x165: {  	s0 =	sxor.u32 $0x80000000, s26;
	p0 =	sgt.u32 s28, $0x80000000;
	s31 =	spop (v2sf)  }
0x166: {  	s18 =	smov.u32 @p0 s0;
	s0 =	sxor.u32 $0x80000000, s30;
	p0 =	sgt.u32 s31, $0x80000000  }
0x167: {  	s19 =	simm.s32 $0x40;
	s20 =	simm.s32 $0x0;
	s18 =	smov.u32 @p0 s0  }
.LBB2_23:
0x168: {  	p0 =	seq.s32 s19, $0x1000;
	[tilespmem:s20+$0x18000] =	vst v6;
	s0 =	smov.u32 s19;
	s19 =	sadd.s32 $0x40, s19  }
.Ltmp11:
0x169: {  	[tilespmem:s20+$0x18480] =	vst v7;
	(pc) =	sbr.rel @!p0 .LBB2_23-.Ltmp11, $2  }
0x16a: {  	_ =	sdelay $0x2  }
0x16b: {  	s20 =	sshra.s32 s0, $0x2  }
0x16c: {  	[tilespmem:s20+$0x18000] =	vst v6  }
0x16d: {  	[tilespmem:s20+$0x18480] =	vst v7;
	s28 =	simm.s32 $0x8020  }
0x16e: {  	v9 =	vld [tilespmem:s28+$0xFFFFFFE0];
	_ =	sdelay $0x1  }
0x16f: {  	s0 =	sshll.u32 s17, $0xB  }
0x170: {  	s0 =	sadd.s32 $0xFFE00000, s0  }
0x171: {  	s0 =	sor.u32 s0, s18  }
0x172: {  	p0 =	por $0x0, $0x0;
	v8 =	vmov s0;
	v10 =	vshra.s32 v9, $0xA  }
0x173: {  	s18 =	simm.s32 $0x0;
	vm0 =	vge.s32 v10, v8;
	vm1 =	vge.s32 @!p0 v10, v8;
	v10 =	vlaneseq.u32 @!p0  }
0x174: {  	v11 =	vsel vm0, $0x1, v1;
	[tilespmem:s18+$0x18000] =	vst.msk @!p0 vm1, v9;
	v9 =	vor.u32 @!p0 s18, v10  }
0x175: {  	[tilespmem:s18+$0x18480] =	vst.msk @!p0 vm1, v9;
	(xrf0) =	vadd.scan.msk.s32 $0xffff, v11  }
0x176: {  	v9 =	vld [tilespmem:s28+$0xFFFFFFF0];
	_ =	sdelay $0x4  }
0x177: {  	v10 =	vshra.s32 v9, $0xA;
	v11, _, _ =	vpop (xrf0)  }
0x178: {  	vm13 =	vge.s32 v10, v8;
	(v2sf) =	vpush v11, $0xF  }
0x179: {  	v11 =	vsel vm13, $0x1, v1  }
0x17a: {  	(xrf0) =	vadd.scan.msk.s32 $0xffff, v11;
	_ =	sdelay $0x5  }
0x17b: {  	v11, _, _ =	vpop (xrf0)  }
0x17c: {  	(v2sf) =	vpush v11, $0xF;
	_ =	sdelay $0x5  }
0x17d: {  	s29 =	spop (v2sf)  }
0x17e: {  	s0 =	sadd.s32 $0x0, s29  }
0x17f: {  	p0 =	sgt.s32 s0, $0x3FF  }
0x180: {  	s18 =	simm.s32 $0x10;
	vm0 =	vge.s32 @!p0 v10, v8;
	v10 =	vlaneseq.u32 @!p0  }
0x181: {  	[tilespmem:s0+$0x18000] =	vst.msk @!p0 vm0, v9;
	v9 =	vor.u32 @!p0 s18, v10  }
0x182: {  	[tilespmem:s0+$0x18480] =	vst.msk @!p0 vm0, v9  }
0x183: {  	v9 =	vld [tilespmem:s28+$0x0];
	_ =	sdelay $0x2  }
0x184: {  	s30 =	spop (v2sf)  }
0x185: {  	s0 =	sadd.s32 s0, s30  }
0x186: {  	v10 =	vshra.s32 v9, $0xA;
	p0 =	sgt.s32 s0, $0x3FF  }
0x187: {  	s18 =	simm.s32 $0x20;
	vm0 =	vge.s32 @!p0 v10, v8;
	v11 =	vlaneseq.u32 @!p0;
	vm14 =	vge.s32 v10, v8  }
0x188: {  	[tilespmem:s0+$0x18000] =	vst.msk @!p0 vm0, v9;
	v9 =	vor.u32 @!p0 s18, v11;
	v10 =	vsel vm14, $0x1, v1  }
0x189: {  	[tilespmem:s0+$0x18480] =	vst.msk @!p0 vm0, v9;
	(xrf0) =	vadd.scan.msk.s32 $0xffff, v10  }
0x18a: {  	v9 =	vld [tilespmem:s28+$0x10];
	_ =	sdelay $0x4  }
0x18b: {  	v10 =	vshra.s32 v9, $0xA;
	v12, _, _ =	vpop (xrf0)  }
0x18c: {  	vm15 =	vge.s32 v10, v8;
	(v2sf) =	vpush v12, $0xF  }
0x18d: {  	v11 =	vsel vm15, $0x1, v1  }
0x18e: {  	(xrf0) =	vadd.scan.msk.s32 $0xffff, v11;
	_ =	sdelay $0x5  }
0x18f: {  	v11, _, _ =	vpop (xrf0)  }
0x190: {  	(v2sf) =	vpush v11, $0xF;
	_ =	sdelay $0x5  }
0x191: {  	s31 =	spop (v2sf)  }
0x192: {  	s21 =	sadd.s32 s0, s31  }
0x193: {  	p0 =	sgt.s32 s21, $0x3FF  }
0x194: {  	s0 =	simm.s32 $0x30;
	vm0 =	vge.s32 @!p0 v10, v8;
	v10 =	vlaneseq.u32 @!p0  }
0x195: {  	[tilespmem:s21+$0x18000] =	vst.msk @!p0 vm0, v9;
	v9 =	vor.u32 @!p0 s0, v10  }
0x196: {  	s18 =	simm.s32 $0x8060;
	[tilespmem:s21+$0x18480] =	vst.msk @!p0 vm0, v9  }
0x197: {  	v9 =	vld [tilespmem:s18+$0xFFFFFFE0];
	_ =	sdelay $0x2  }
0x198: {  	s17 =	simm.s32 $0x40;
	s19 =	simm.s32 $0x80;
	s20 =	spop (v2sf)  }
.LBB2_25:
0x199: {  	s0 =	sadd.s32 s21, s20;
	s20 =	smov.u32 s19;
	s19 =	sadd.s32 $0x40, s19  }
0x19a: {  	p0 =	sne.s32 s19, $0x8000;
	v10 =	vshra.s32 v9, $0xA;
	p1 =	sgt.s32 s0, $0x3FF  }
0x19b: {  	vm0 =	vge.s32 v10, v8;
	vm1 =	vge.s32 @!p1 v10, v8;
	v10 =	vlaneseq.u32 @!p1  }
0x19c: {  	v11 =	vsel vm0, $0x1, v1;
	[tilespmem:s0+$0x18000] =	vst.msk @!p1 vm1, v9;
	v9 =	vor.u32 @!p1 s17, v10  }
0x19d: {  	[tilespmem:s0+$0x18480] =	vst.msk @!p1 vm1, v9;
	(xrf0) =	vadd.scan.msk.s32 $0xffff, v11  }
0x19e: {  	v9 =	vld [tilespmem:s18+$0xFFFFFFF0];
	_ =	sdelay $0x4  }
0x19f: {  	v10 =	vshra.s32 v9, $0xA;
	v11, _, _ =	vpop (xrf0)  }
0x1a0: {  	vm0 =	vge.s32 v10, v8;
	(v2sf) =	vpush v11, $0xF  }
0x1a1: {  	v11 =	vsel vm0, $0x1, v1  }
0x1a2: {  	(xrf0) =	vadd.scan.msk.s32 $0xffff, v11;
	_ =	sdelay $0x5  }
0x1a3: {  	v11, _, _ =	vpop (xrf0)  }
0x1a4: {  	(v2sf) =	vpush v11, $0xF;
	_ =	sdelay $0x5  }
0x1a5: {  	s21 =	spop (v2sf)  }
0x1a6: {  	s0 =	sadd.s32 s0, s21  }
0x1a7: {  	p1 =	sgt.s32 s0, $0x3FF  }
0x1a8: {  	s21 =	sadd.s32 $0x10, s17;
	vm0 =	vge.s32 @!p1 v10, v8;
	v10 =	vlaneseq.u32 @!p1  }
0x1a9: {  	[tilespmem:s0+$0x18000] =	vst.msk @!p1 vm0, v9;
	v9 =	vor.u32 @!p1 s21, v10  }
0x1aa: {  	[tilespmem:s0+$0x18480] =	vst.msk @!p1 vm0, v9  }
0x1ab: {  	v9 =	vld [tilespmem:s18+$0x0];
	_ =	sdelay $0x2  }
0x1ac: {  	s21 =	spop (v2sf)  }
0x1ad: {  	s0 =	sadd.s32 s0, s21  }
0x1ae: {  	v10 =	vshra.s32 v9, $0xA;
	p1 =	sgt.s32 s0, $0x3FF  }
0x1af: {  	s21 =	sadd.s32 $0x20, s17;
	vm0 =	vge.s32 v10, v8;
	vm1 =	vge.s32 @!p1 v10, v8;
	v10 =	vlaneseq.u32 @!p1  }
0x1b0: {  	v11 =	vsel vm0, $0x1, v1;
	[tilespmem:s0+$0x18000] =	vst.msk @!p1 vm1, v9;
	v9 =	vor.u32 @!p1 s21, v10  }
0x1b1: {  	[tilespmem:s0+$0x18480] =	vst.msk @!p1 vm1, v9;
	(xrf0) =	vadd.scan.msk.s32 $0xffff, v11  }
0x1b2: {  	v9 =	vld [tilespmem:s18+$0x10];
	_ =	sdelay $0x4  }
0x1b3: {  	v10 =	vshra.s32 v9, $0xA;
	v11, _, _ =	vpop (xrf0)  }
0x1b4: {  	vm0 =	vge.s32 v10, v8;
	(v2sf) =	vpush v11, $0xF  }
0x1b5: {  	v11 =	vsel vm0, $0x1, v1  }
0x1b6: {  	(xrf0) =	vadd.scan.msk.s32 $0xffff, v11;
	_ =	sdelay $0x5  }
0x1b7: {  	v11, _, _ =	vpop (xrf0)  }
0x1b8: {  	(v2sf) =	vpush v11, $0xF;
	_ =	sdelay $0x5  }
0x1b9: {  	s21 =	spop (v2sf)  }
0x1ba: {  	s21 =	sadd.s32 s0, s21  }
0x1bb: {  	p1 =	sgt.s32 s21, $0x3FF  }
0x1bc: {  	s0 =	sadd.s32 $0x30, s17;
	s17 =	smov.u32 s20;
	vm0 =	vge.s32 @!p1 v10, v8;
	v10 =	vlaneseq.u32 @!p1  }
0x1bd: {  	[tilespmem:s21+$0x18000] =	vst.msk @!p1 vm0, v9;
	v9 =	vor.u32 @!p1 s0, v10  }
.Ltmp12:
0x1be: {  	s18 =	sadd.s32 $0x40, s18;
	[tilespmem:s21+$0x18480] =	vst.msk @!p1 vm0, v9;
	(pc) =	sbr.rel @p0 .LBB2_25-.Ltmp12, $2  }
0x1bf: {  	v9 =	vld [tilespmem:s18+$0xFFFFFFE0];
	_ =	sdelay $0x2  }
0x1c0: {  	s20 =	spop (v2sf)  }
0x1c1: {  	s0 =	sadd.s32 s21, s20  }
0x1c2: {  	v10 =	vshra.s32 v9, $0xA;
	p0 =	sgt.s32 s0, $0x3FF  }
0x1c3: {  	vm0 =	vge.s32 v10, v8;
	vm1 =	vge.s32 @!p0 v10, v8;
	v10 =	vlaneseq.u32 @!p0  }
0x1c4: {  	v11 =	vsel vm0, $0x1, v1;
	[tilespmem:s0+$0x18000] =	vst.msk @!p0 vm1, v9;
	v9 =	vor.u32 @!p0 s17, v10  }
0x1c5: {  	[tilespmem:s0+$0x18480] =	vst.msk @!p0 vm1, v9;
	(xrf0) =	vadd.scan.msk.s32 $0xffff, v11  }
0x1c6: {  	v9 =	vld [tilespmem:s18+$0xFFFFFFF0];
	_ =	sdelay $0x4  }
0x1c7: {  	v10 =	vshra.s32 v9, $0xA;
	v11, _, _ =	vpop (xrf0)  }
0x1c8: {  	vm13 =	vge.s32 v10, v8;
	(v2sf) =	vpush v11, $0xF  }
0x1c9: {  	v60 =	vsel vm13, $0x1, v1  }
0x1ca: {  	(xrf0) =	vadd.scan.msk.s32 $0xffff, v60;
	_ =	sdelay $0x5  }
0x1cb: {  	v11, _, _ =	vpop (xrf0)  }
0x1cc: {  	(v2sf) =	vpush v11, $0xF;
	_ =	sdelay $0x5  }
0x1cd: {  	s19 =	spop (v2sf)  }
0x1ce: {  	s0 =	sadd.s32 s0, s19  }
0x1cf: {  	p0 =	sgt.s32 s0, $0x3FF  }
0x1d0: {  	s19 =	sadd.s32 $0x10, s17;
	vm0 =	vge.s32 @!p0 v10, v8;
	v10 =	vlaneseq.u32 @!p0  }
0x1d1: {  	[tilespmem:s0+$0x18000] =	vst.msk @!p0 vm0, v9;
	v9 =	vor.u32 @!p0 s19, v10  }
0x1d2: {  	[tilespmem:s0+$0x18480] =	vst.msk @!p0 vm0, v9  }
0x1d3: {  	v9 =	vld [tilespmem:s18+$0x0];
	_ =	sdelay $0x2  }
0x1d4: {  	s29 =	spop (v2sf)  }
0x1d5: {  	s0 =	sadd.s32 s0, s29  }
0x1d6: {  	v10 =	vshra.s32 v9, $0xA;
	p0 =	sgt.s32 s0, $0x3FF  }
0x1d7: {  	s19 =	sadd.s32 $0x20, s17;
	vm0 =	vge.s32 @!p0 v10, v8;
	v11 =	vlaneseq.u32 @!p0  }
0x1d8: {  	[tilespmem:s0+$0x18000] =	vst.msk @!p0 vm0, v9;
	v9 =	vor.u32 @!p0 s19, v11  }
0x1d9: {  	vm14 =	vge.s32 v10, v8;
	[tilespmem:s0+$0x18480] =	vst.msk @!p0 vm0, v9  }
0x1da: {  	v10 =	vsel vm14, $0x1, v1;
	v9 =	vld [tilespmem:s18+$0x10]  }
0x1db: {  	(xrf0) =	vadd.scan.msk.s32 $0xffff, v10;
	_ =	sdelay $0x3  }
0x1dc: {  	v10 =	vshra.s32 v9, $0xA  }
0x1dd: {  	vm15 =	vge.s32 v10, v8  }
0x1de: {  	v62, _, _ =	vpop (xrf0);
	v61 =	vsel vm15, $0x1, v1  }
0x1df: {  	(v2sf) =	vpush v62, $0xF;
	(xrf0) =	vadd.scan.msk.s32 $0xffff, v61;
	_ =	sdelay $0x5  }
0x1e0: {  	v63, _, _ =	vpop (xrf0)  }
0x1e1: {  	(v2sf) =	vpush v63, $0xF;
	_ =	sdelay $0x7  }
0x1e2: {  	s30 =	spop (v2sf)  }
0x1e3: {  	s0 =	sadd.s32 s0, s30  }
0x1e4: {  	p0 =	sgt.s32 s0, $0x3FF  }
0x1e5: {  	s17 =	sadd.s32 $0x30, s17;
	vm0 =	vge.s32 @!p0 v10, v8;
	v8 =	vlaneseq.u32 @!p0  }
0x1e6: {  	[tilespmem:s0+$0x18000] =	vst.msk @!p0 vm0, v9;
	v8 =	vor.u32 @!p0 s17, v8  }
0x1e7: {  	[tilespmem:s0+$0x18480] =	vst.msk @!p0 vm0, v8  }
0x1e8: {  	[hbm4b:s4+s10] =	stream.strided.scatter [tilespmem:s14], [sflag:$0x1], $0x480, s11, s10, $0x38;
	[tilespmem:$0x18900] =	vst v63  }
0x1e9: {  	s31 =	spop (v2sf)  }
0x1ea: {  	_ =	swait.ge [sflag:s12], $0x480  }
0x1eb: {  	[sflag:s12] =	ssyncset.done $0x0  }
0x1ec: {  	[sflag:s12] =	ssyncadd.s32 $0xFFFFFB80  }
0x1ed: {  	[hbm4b:s5+s10] =	stream.strided.scatter [tilespmem:s15], [sflag:$0x1], $0x480, s11, s10, $0x38;
	[tilespmem:$0x18900] =	vst v63  }
0x1ee: {  	_ =	swait.ge [sflag:s12], $0x480  }
0x1ef: {  	[sflag:s12] =	ssyncset.done $0x0  }
0x1f0: {  	s17 =	simm.s32 $0x0;
	[sflag:s12] =	ssyncadd.s32 $0xFFFFFB80  }
0x1f1: {  	[tilespmem:s17], [sflag:$0x1] =	stream.strided.gather [hbm4b:s6+s10], $0x8000, s11, s10, $0x38;
	[tilespmem:$0x18900] =	vst v63  }
0x1f2: {  	_ =	swait.ge [sflag:s12], $0x8000  }
0x1f3: {  	[sflag:s12] =	ssyncset.done $0x0  }
0x1f4: {  	s19 =	simm.s32 $0x100;
	s18 =	simm.s32 $0x0;
	[sflag:s12] =	ssyncadd.s32 $0xFFFF8000  }
.LBB2_27:
0x1f5: {  	p0 =	sne.s32 s19, $0x1FF00;
	[tilespmem:s18+$0x10030] =	vst v1;
	s0 =	smov.u32 s19;
	s19 =	sadd.s32 $0x100, s19  }
.Ltmp13:
0x1f6: {  	[tilespmem:s18+$0x10020] =	vst v1;
	(pc) =	sbr.rel @p0 .LBB2_27-.Ltmp13, $3  }
0x1f7: {  	[tilespmem:s18+$0x10000] =	vst v1  }
0x1f8: {  	[tilespmem:s18+$0x10010] =	vst v1;
	_ =	sdelay $0x1  }
0x1f9: {  	s18 =	sshra.s32 s0, $0x2  }
0x1fa: {  	[tilespmem:s18+$0x10030] =	vst v1  }
0x1fb: {  	[tilespmem:s18+$0x10020] =	vst v1  }
0x1fc: {  	[tilespmem:s18+$0x10000] =	vst v1  }
0x1fd: {  	[tilespmem:s18+$0x10010] =	vst v1  }
.LBB2_29:
0x1fe: {  	s0 =	sshra.s32 s17, $0x2  }
0x1ff: {  	v8 =	vld [tilespmem:s0+$0x0];
	_ =	sdelay $0x4  }
0x200: {  	v9 =	vxor.u32 $0x7FFFFFFF, v8;
	vm0 =	vlt.s32 v8, $0x0  }
0x201: {  	v8 =	vsel vm0, v9, v8  }
0x202: {  	v9 =	vshra.s32 v8, $0x15  }
0x203: {  	v9 =	vadd.s32 v2, v9;
	_ =	sdelay $0x3  }
0x204: {  	[tilespmem:s0+$0x8000] =	vst v8  }
0x205: {  	[tilespmem:v9+s13+$0x0] =	vst.idx.add.s32.msk $0xffff, v3  }
0x206: {  	v8 =	vld [tilespmem:s0+$0x10];
	_ =	sdelay $0x4  }
0x207: {  	v61 =	vxor.u32 $0x7FFFFFFF, v8;
	vm13 =	vlt.s32 v8, $0x0  }
0x208: {  	v8 =	vsel vm13, v61, v8  }
0x209: {  	v9 =	vshra.s32 v8, $0x15  }
0x20a: {  	v9 =	vadd.s32 v2, v9;
	_ =	sdelay $0x3  }
0x20b: {  	[tilespmem:s0+$0x8010] =	vst v8  }
0x20c: {  	[tilespmem:v9+s13+$0x0] =	vst.idx.add.s32.msk $0xffff, v3  }
0x20d: {  	v8 =	vld [tilespmem:s0+$0x20];
	_ =	sdelay $0x4  }
0x20e: {  	v62 =	vxor.u32 $0x7FFFFFFF, v8;
	vm14 =	vlt.s32 v8, $0x0  }
0x20f: {  	v8 =	vsel vm14, v62, v8  }
0x210: {  	v9 =	vshra.s32 v8, $0x15  }
0x211: {  	v9 =	vadd.s32 v2, v9;
	_ =	sdelay $0x3  }
0x212: {  	[tilespmem:s0+$0x8020] =	vst v8  }
0x213: {  	[tilespmem:v9+s13+$0x0] =	vst.idx.add.s32.msk $0xffff, v3  }
0x214: {  	v8 =	vld [tilespmem:s0+$0x30];
	_ =	sdelay $0x4  }
0x215: {  	v63 =	vxor.u32 $0x7FFFFFFF, v8;
	vm15 =	vlt.s32 v8, $0x0  }
0x216: {  	v8 =	vsel vm15, v63, v8  }
0x217: {  	v9 =	vshra.s32 v8, $0x15  }
0x218: {  	p0 =	sne.s32 s17, $0x1FF00;
	v9 =	vadd.s32 v2, v9  }
.Ltmp14:
0x219: {  	_ = 	snop;
	(pc) =	sbr.rel @p0 .LBB2_29-.Ltmp14, $3  }
0x21a: {  	_ =	sdelay $0x1  }
0x21b: {  	[tilespmem:s0+$0x8030] =	vst v8  }
0x21c: {  	s17 =	sadd.s32 $0x100, s17;
	[tilespmem:v9+s13+$0x0] =	vst.idx.add.s32.msk $0xffff, v3  }
0x21d: {  	s0 =	simm.s32 $0x0  }
0x21e: {  	v8 =	vld [tilespmem:s0+$0x107F0]  }
0x21f: {  	v9 =	vld [tilespmem:s0+$0x10FF0]  }
0x220: {  	v10 =	vld [tilespmem:s0+$0x117F0]  }
0x221: {  	v11 =	vld [tilespmem:s0+$0x11FF0]  }
0x222: {  	v12 =	vld [tilespmem:s0+$0x127F0]  }
0x223: {  	v13 =	vld [tilespmem:s0+$0x12FF0]  }
0x224: {  	v8 =	vadd.s32 v8, v9;
	v9 =	vld [tilespmem:s0+$0x137F0]  }
0x225: {  	v8 =	vadd.s32 v10, v8;
	v10 =	vld [tilespmem:s0+$0x13FF0]  }
0x226: {  	v8 =	vadd.s32 v11, v8;
	v11 =	vld [tilespmem:s0+$0x147F0]  }
0x227: {  	v8 =	vadd.s32 v12, v8;
	v12 =	vld [tilespmem:s0+$0x14FF0]  }
0x228: {  	v8 =	vadd.s32 v13, v8;
	v13 =	vld [tilespmem:s0+$0x157F0]  }
0x229: {  	v8 =	vadd.s32 v9, v8;
	v9 =	vld [tilespmem:s0+$0x15FF0]  }
0x22a: {  	v8 =	vadd.s32 v10, v8;
	v10 =	vld [tilespmem:s0+$0x167F0]  }
0x22b: {  	v8 =	vadd.s32 v11, v8;
	v11 =	vld [tilespmem:s0+$0x16FF0]  }
0x22c: {  	v8 =	vadd.s32 v12, v8;
	v12 =	vld [tilespmem:s0+$0x177F0]  }
0x22d: {  	s17 =	simm.s32 $0xFFFFFFF0;
	v8 =	vadd.s32 v13, v8;
	v13 =	vld [tilespmem:s0+$0x17FF0]  }
0x22e: {  	v14 =	vld [tilespmem:s17+$0x107F0];
	v8 =	vadd.s32 v9, v8  }
0x22f: {  	v9 =	vld [tilespmem:s17+$0x10FF0];
	v8 =	vadd.s32 v10, v8  }
0x230: {  	v10 =	vld [tilespmem:s17+$0x117F0];
	v8 =	vadd.s32 v11, v8  }
0x231: {  	v11 =	vld [tilespmem:s17+$0x11FF0];
	v8 =	vadd.s32 v12, v8  }
0x232: {  	v12 =	vld [tilespmem:s17+$0x127F0];
	v8 =	vadd.s32 v13, v8  }
0x233: {  	v13 =	vld [tilespmem:s17+$0x12FF0];
	v15 =	vperm.xlane v8, v4  }
0x234: {  	v9 =	vadd.s32 v14, v9;
	v14 =	vld [tilespmem:s17+$0x137F0]  }
0x235: {  	v9 =	vadd.s32 v10, v9;
	v10 =	vld [tilespmem:s17+$0x13FF0];
	(xrf0) =	vadd.scan.msk.s32 $0xffff, v15  }
0x236: {  	v9 =	vadd.s32 v11, v9;
	v11 =	vld [tilespmem:s17+$0x147F0];
	(xrf0) =	vadd.scan.msk.s32 $0xffff, v8  }
0x237: {  	v9 =	vadd.s32 v12, v9;
	v12 =	vld [tilespmem:s17+$0x14FF0]  }
0x238: {  	v9 =	vadd.s32 v13, v9;
	v13 =	vld [tilespmem:s17+$0x157F0]  }
0x239: {  	v9 =	vadd.s32 v14, v9;
	v14 =	vld [tilespmem:s17+$0x15FF0]  }
0x23a: {  	v9 =	vadd.s32 v10, v9;
	v10 =	vld [tilespmem:s17+$0x167F0]  }
0x23b: {  	v9 =	vadd.s32 v11, v9;
	v11 =	vld [tilespmem:s17+$0x16FF0];
	v15, _, _ =	vpop (xrf0)  }
0x23c: {  	v9 =	vadd.s32 v12, v9;
	v12 =	vld [tilespmem:s17+$0x177F0];
	v15 =	vperm.xlane v15, v4;
	v16, _, _ =	vpop (xrf0)  }
0x23d: {  	s18 =	simm.s32 $0x0;
	s24 =	simm.s32 $0xFFFFFFE0;
	v9 =	vadd.s32 v13, v9;
	v13 =	vld [tilespmem:s17+$0x17FF0];
	(v2sf) =	vpush v16, $0xF  }
0x23e: {  	v16 =	vld [tilespmem:s24+$0x107F0];
	v9 =	vadd.s32 v14, v9;
	v14 =	vadd.s32 s18, v15  }
0x23f: {  	v15 =	vld [tilespmem:s24+$0x10FF0];
	v9 =	vadd.s32 v10, v9;
	v8 =	vsub.s32 v14, v8  }
0x240: {  	v10 =	vld [tilespmem:s24+$0x117F0];
	v9 =	vadd.s32 v11, v9;
	vm1 =	vgt.s32 v14, $0x27F;
	vm0 =	vlt.s32 v8, $0x280  }
0x241: {  	v11 =	vld [tilespmem:s24+$0x11FF0];
	v9 =	vadd.s32 v12, v9;
	v8 =	vxor.u32 $0x80000000, v8;
	vm0 =	vmand vm1, vm0  }
0x242: {  	v12 =	vld [tilespmem:s24+$0x127F0];
	v9 =	vadd.s32 v13, v9;
	v13 =	vsel vm0, $0x1, v1;
	v8 =	vnsel vm0, $0x7FFFFFFF, v8  }
0x243: {  	v14 =	vld [tilespmem:s24+$0x12FF0];
	v17 =	vperm.xlane v9, v4;
	v13 =	vor.u32 $0x80000000, v13;
	(xrf0) =	vmax.scan.msk.u32 $0xffff, v8  }
0x244: {  	s25 =	simm.s32 $0x7F0;
	v8 =	vadd.s32 v16, v15;
	v15 =	vld [tilespmem:s24+$0x137F0];
	(xrf0) =	vmax.scan.msk.u32 $0xffff, v13  }
0x245: {  	v13 =	vor.u32 s25, v5;
	v8 =	vadd.s32 v10, v8;
	v10 =	vld [tilespmem:s24+$0x13FF0];
	(xrf0) =	vadd.scan.msk.s32 $0xffff, v17  }
0x246: {  	v13 =	vnsel vm0, $0x7FFFFFFF, v13;
	v8 =	vadd.s32 v11, v8;
	v11 =	vld [tilespmem:s24+$0x147F0];
	(xrf0) =	vadd.scan.msk.s32 $0xffff, v9  }
0x247: {  	v8 =	vadd.s32 v12, v8;
	v12 =	vld [tilespmem:s24+$0x14FF0];
	(xrf0) =	vmax.scan.msk.u32 $0xffff, v13  }
0x248: {  	v8 =	vadd.s32 v14, v8;
	v13 =	vld [tilespmem:s24+$0x157F0]  }
0x249: {  	v14 =	vld [tilespmem:s24+$0x15FF0];
	v8 =	vadd.s32 v15, v8;
	v15, _, _ =	vpop (xrf0)  }
0x24a: {  	v8 =	vadd.s32 v10, v8;
	v10 =	vld [tilespmem:s24+$0x167F0];
	v16, _, _ =	vpop (xrf0)  }
0x24b: {  	(v2sf) =	vpush v15, $0xF;
	v8 =	vadd.s32 v11, v8;
	v11 =	vld [tilespmem:s24+$0x16FF0];
	v15, _, _ =	vpop (xrf0)  }
0x24c: {  	(v2sf) =	vpush v16, $0xF;
	v8 =	vadd.s32 v12, v8;
	v12 =	vld [tilespmem:s24+$0x177F0];
	v15 =	vperm.xlane v15, v4;
	v16, _, _ =	vpop (xrf0);
	s26 =	spop (v2sf)  }
0x24d: {  	s19 =	simm.s32 $0xFFFFFFD0;
	v8 =	vadd.s32 v13, v8;
	v13 =	vld [tilespmem:s24+$0x17FF0];
	(v2sf) =	vpush v16, $0xF;
	s21 =	sadd.s32 $0x0, s26;
	v16, _, _ =	vpop (xrf0)  }
0x24e: {  	v17 =	vld [tilespmem:s19+$0x107F0];
	v8 =	vadd.s32 v14, v8;
	v14 =	vadd.s32 s21, v15;
	(v2sf) =	vpush v16, $0xF  }
0x24f: {  	v15 =	vld [tilespmem:s19+$0x10FF0];
	v8 =	vadd.s32 v10, v8;
	v9 =	vsub.s32 v14, v9  }
0x250: {  	v10 =	vld [tilespmem:s19+$0x117F0];
	v8 =	vadd.s32 v11, v8;
	vm15 =	vgt.s32 v14, $0x27F;
	vm14 =	vlt.s32 v9, $0x280  }
0x251: {  	v11 =	vld [tilespmem:s19+$0x11FF0];
	v8 =	vadd.s32 v12, v8;
	v9 =	vxor.u32 $0x80000000, v9;
	vm0 =	vmand vm15, vm14  }
0x252: {  	v12 =	vld [tilespmem:s19+$0x127F0];
	v8 =	vadd.s32 v13, v8;
	v13 =	vsel vm0, $0x1, v1;
	v9 =	vnsel vm0, $0x7FFFFFFF, v9  }
0x253: {  	v14 =	vld [tilespmem:s19+$0x12FF0];
	v16 =	vperm.xlane v8, v4;
	v13 =	vor.u32 $0x80000000, v13;
	(xrf0) =	vmax.scan.msk.u32 $0xffff, v9  }
0x254: {  	s28 =	simm.s32 $0x7E0;
	v9 =	vadd.s32 v17, v15;
	v15 =	vld [tilespmem:s19+$0x137F0];
	(xrf0) =	vmax.scan.msk.u32 $0xffff, v13  }
0x255: {  	v13 =	vor.u32 s28, v5;
	v9 =	vadd.s32 v10, v9;
	v10 =	vld [tilespmem:s19+$0x13FF0];
	(xrf0) =	vadd.scan.msk.s32 $0xffff, v16  }
0x256: {  	v13 =	vnsel vm0, $0x7FFFFFFF, v13;
	v9 =	vadd.s32 v11, v9;
	v11 =	vld [tilespmem:s19+$0x147F0];
	(xrf0) =	vadd.scan.msk.s32 $0xffff, v8  }
0x257: {  	v9 =	vadd.s32 v12, v9;
	v12 =	vld [tilespmem:s19+$0x14FF0];
	(xrf0) =	vmax.scan.msk.u32 $0xffff, v13  }
0x258: {  	v9 =	vadd.s32 v14, v9;
	v13 =	vld [tilespmem:s19+$0x157F0]  }
0x259: {  	v14 =	vld [tilespmem:s19+$0x15FF0];
	v9 =	vadd.s32 v15, v9;
	v15, _, _ =	vpop (xrf0)  }
0x25a: {  	s29 =	spop (v2sf);
	v10 =	vadd.s32 v10, v9;
	v9 =	vld [tilespmem:s19+$0x167F0];
	v16, _, _ =	vpop (xrf0);
	(v2sf) =	vpush v15, $0xF  }
0x25b: {  	s20 =	simm.s32 $0xFFFFFFC0;
	s23 =	simm.s32 $0xFFFFFEC0;
	s30 =	spop (v2sf);
	v11 =	vadd.s32 v11, v10;
	v10 =	vld [tilespmem:s19+$0x16FF0];
	v15, _, _ =	vpop (xrf0);
	(v2sf) =	vpush v16, $0xF  }
0x25c: {  	s17 =	simm.s32 $0xFFFFFFFF;
	s0 =	sxor.u32 $0x80000000, s29;
	v12 =	vadd.s32 v12, v11;
	v11 =	vld [tilespmem:s19+$0x177F0];
	v16 =	vperm.xlane v15, v4;
	v15, _, _ =	vpop (xrf0);
	s22 =	spop (v2sf)  }
0x25d: {  	p0 =	sgt.u32 s30, $0x80000000;
	v17 =	vadd.s32 v13, v12;
	v13 =	vld [tilespmem:s19+$0x17FF0];
	(v2sf) =	vpush v15, $0xF;
	s21 =	sadd.s32 s21, s22;
	v18, _, _ =	vpop (xrf0);
	s31 =	spop (v2sf)  }
0x25e: {  	s18 =	smov.u32 @p0 s0;
	v12 =	vld [tilespmem:s20+$0x107F0];
	s19 =	simm.s32 $0x7D0;
	v15 =	vadd.s32 v14, v17;
	v14 =	vadd.s32 s21, v16;
	(v2sf) =	vpush v18, $0xF;
	s22 =	sxor.u32 $0x80000000, s31  }
.LBB2_31:
0x25f: {  	p1 =	seq.s32 s23, $0xFFFFE040;
	v16 =	vld [tilespmem:s20+$0x10FF0];
	v9 =	vadd.s32 v9, v15;
	v8 =	vsub.s32 v14, v8;
	v15 =	vor.u32 s19, v5;
	s17 =	smov.u32 @p0 s22  }
0x260: {  	vm1 =	vgt.s32 v14, $0x27F;
	v17 =	vld [tilespmem:s20+$0x117F0];
	v9 =	vadd.s32 v10, v9;
	vm0 =	vlt.s32 v8, $0x280  }
0x261: {  	v10 =	vld [tilespmem:s20+$0x11FF0];
	v9 =	vadd.s32 v11, v9;
	vm0 =	vmand vm1, vm0;
	v11 =	vxor.u32 $0x80000000, v8  }
0x262: {  	v14 =	vld [tilespmem:s20+$0x127F0];
	v8 =	vadd.s32 v13, v9;
	v9 =	vsel vm0, $0x1, v1;
	v11 =	vnsel vm0, $0x7FFFFFFF, v11  }
0x263: {  	v15 =	vnsel vm0, $0x7FFFFFFF, v15;
	v13 =	vld [tilespmem:s20+$0x12FF0];
	v18 =	vperm.xlane v8, v4;
	v9 =	vor.u32 $0x80000000, v9;
	(xrf0) =	vmax.scan.msk.u32 $0xffff, v11  }
0x264: {  	v11 =	vadd.s32 v12, v16;
	v12 =	vld [tilespmem:s20+$0x137F0];
	(xrf0) =	vmax.scan.msk.u32 $0xffff, v9  }
0x265: {  	v9 =	vadd.s32 v17, v11;
	v11 =	vld [tilespmem:s20+$0x13FF0];
	(xrf0) =	vadd.scan.msk.s32 $0xffff, v18  }
0x266: {  	v9 =	vadd.s32 v10, v9;
	v10 =	vld [tilespmem:s20+$0x147F0];
	(xrf0) =	vadd.scan.msk.s32 $0xffff, v8  }
0x267: {  	v9 =	vadd.s32 v14, v9;
	v14 =	vld [tilespmem:s20+$0x14FF0];
	(xrf0) =	vmax.scan.msk.u32 $0xffff, v15  }
0x268: {  	v9 =	vadd.s32 v13, v9;
	v13 =	vld [tilespmem:s20+$0x157F0]  }
0x269: {  	v9 =	vadd.s32 v12, v9;
	v15 =	vld [tilespmem:s20+$0x15FF0];
	v12, _, _ =	vpop (xrf0);
	s0 =	spop (v2sf)  }
.Ltmp15:
0x26a: {  	v11 =	vadd.s32 v11, v9;
	v9 =	vld [tilespmem:s20+$0x167F0];
	v16, _, _ =	vpop (xrf0);
	(v2sf) =	vpush v12, $0xF;
	s22 =	spop (v2sf);
	(pc) =	sbr.rel @!p1 .LBB2_31-.Ltmp15, $4  }
0x26b: {  	s0 =	sxor.u32 $0x80000000, s0;
	v11 =	vadd.s32 v10, v11;
	v10 =	vld [tilespmem:s20+$0x16FF0];
	v12, _, _ =	vpop (xrf0);
	(v2sf) =	vpush v16, $0xF;
	p0 =	sgt.u32 s22, $0x80000000  }
0x26c: {  	v14 =	vadd.s32 v14, v11;
	v11 =	vld [tilespmem:s20+$0x177F0];
	v16 =	vperm.xlane v12, v4;
	v12, _, _ =	vpop (xrf0);
	s22 =	spop (v2sf);
	s18 =	smov.u32 @p0 s0  }
0x26d: {  	v14 =	vadd.s32 v13, v14;
	v13 =	vld [tilespmem:s20+$0x17FF0];
	s20 =	sshra.s32 s23, $0x2;
	(v2sf) =	vpush v12, $0xF;
	s21 =	sadd.s32 s21, s22;
	v17, _, _ =	vpop (xrf0);
	s0 =	spop (v2sf)  }
0x26e: {  	s19 =	sadd.s32 $0xFFFFFFF0, s19;
	s23 =	sadd.s32 $0xFFFFFFC0, s23;
	v12 =	vld [tilespmem:s20+$0x107F0];
	v15 =	vadd.s32 v15, v14;
	v14 =	vadd.s32 s21, v16;
	(v2sf) =	vpush v17, $0xF;
	s22 =	sxor.u32 $0x80000000, s0  }
0x26f: {  	v16 =	vld [tilespmem:s20+$0x10FF0];
	v9 =	vadd.s32 v9, v15;
	v8 =	vsub.s32 v14, v8  }
0x270: {  	v30 =	vld [tilespmem:s20+$0x117F0];
	vm1 =	vgt.s32 v14, $0x27F;
	v9 =	vadd.s32 v10, v9;
	vm0 =	vlt.s32 v8, $0x280  }
0x271: {  	v31 =	vld [tilespmem:s20+$0x11FF0];
	v8 =	vxor.u32 $0x80000000, v8;
	v9 =	vadd.s32 v11, v9;
	vm0 =	vmand vm1, vm0  }
0x272: {  	v32 =	vld [tilespmem:s20+$0x127F0];
	v9 =	vadd.s32 v13, v9;
	v33 =	vsel vm0, $0x1, v1;
	v8 =	vnsel vm0, $0x7FFFFFFF, v8  }
0x273: {  	v34 =	vld [tilespmem:s20+$0x12FF0];
	v17 =	vperm.xlane v9, v4;
	v13 =	vor.u32 $0x80000000, v33;
	(xrf0) =	vmax.scan.msk.u32 $0xffff, v8  }
0x274: {  	v35 =	vld [tilespmem:s20+$0x137F0];
	v8 =	vadd.s32 v12, v16;
	(xrf0) =	vmax.scan.msk.u32 $0xffff, v13  }
0x275: {  	v36 =	vld [tilespmem:s20+$0x13FF0];
	v8 =	vadd.s32 v30, v8;
	(xrf0) =	vadd.scan.msk.s32 $0xffff, v17  }
0x276: {  	v37 =	vld [tilespmem:s20+$0x147F0];
	v8 =	vadd.s32 v31, v8;
	(xrf0) =	vadd.scan.msk.s32 $0xffff, v9  }
0x277: {  	v38 =	vld [tilespmem:s20+$0x14FF0];
	v8 =	vadd.s32 v32, v8  }
0x278: {  	v39 =	vld [tilespmem:s20+$0x157F0];
	v8 =	vadd.s32 v34, v8  }
0x279: {  	v40 =	vld [tilespmem:s20+$0x15FF0];
	v8 =	vadd.s32 v35, v8;
	v41, _, _ =	vpop (xrf0)  }
0x27a: {  	v42 =	vld [tilespmem:s20+$0x167F0];
	s23 =	spop (v2sf);
	v8 =	vadd.s32 v36, v8;
	v43, _, _ =	vpop (xrf0)  }
0x27b: {  	v44 =	vld [tilespmem:s20+$0x16FF0];
	(v2sf) =	vpush v41, $0xF;
	s24 =	spop (v2sf);
	v8 =	vadd.s32 v37, v8;
	v45, _, _ =	vpop (xrf0)  }
0x27c: {  	v46 =	vld [tilespmem:s20+$0x177F0];
	(v2sf) =	vpush v43, $0xF;
	v8 =	vadd.s32 v38, v8;
	v15 =	vperm.xlane v45, v4;
	v47, _, _ =	vpop (xrf0);
	s0 =	spop (v2sf)  }
0x27d: {  	v48 =	vld [tilespmem:s20+$0x17FF0];
	v8 =	vadd.s32 v39, v8;
	(v2sf) =	vpush v47, $0xF;
	s0 =	sadd.s32 s21, s0  }
0x27e: {  	v49 =	vor.u32 s19, v5;
	v8 =	vadd.s32 v40, v8;
	v50 =	vadd.s32 s0, v15  }
0x27f: {  	v51 =	vnsel vm0, $0x7FFFFFFF, v49;
	v8 =	vadd.s32 v42, v8;
	v9 =	vsub.s32 v50, v9  }
0x280: {  	vm13 =	vgt.s32 v50, $0x27F;
	v8 =	vadd.s32 v44, v8;
	vm12 =	vlt.s32 v9, $0x280  }
0x281: {  	v9 =	vxor.u32 $0x80000000, v9;
	v8 =	vadd.s32 v46, v8;
	vm0 =	vmand vm13, vm12  }
0x282: {  	(xrf0) =	vmax.scan.msk.u32 $0xffff, v51;
	v8 =	vadd.s32 v48, v8;
	v52 =	vsel vm0, $0x1, v1;
	v9 =	vnsel vm0, $0x7FFFFFFF, v9  }
0x283: {  	v53 =	vperm.xlane v8, v4;
	v10 =	vor.u32 $0x80000000, v52;
	(xrf0) =	vmax.scan.msk.u32 $0xffff, v9  }
0x284: {  	(xrf0) =	vmax.scan.msk.u32 $0xffff, v10  }
0x285: {  	(xrf0) =	vadd.scan.msk.s32 $0xffff, v53;
	_ =	sdelay $0x2  }
0x286: {  	v54, _, _ =	vpop (xrf0)  }
0x287: {  	s28 =	spop (v2sf);
	v55, _, _ =	vpop (xrf0)  }
0x288: {  	s29 =	spop (v2sf);
	v56, _, _ =	vpop (xrf0)  }
0x289: {  	s25 =	spop (v2sf);
	v57, _, _ =	vpop (xrf0)  }
0x28a: {  	v12 =	vperm.xlane v57, v4;
	s26 =	spop (v2sf)  }
0x28b: {  	s0 =	sadd.s32 s0, s26  }
0x28c: {  	v12 =	vadd.s32 s0, v12  }
0x28d: {  	s30 =	sadd.s32 $0xFFFFFFF0, s19;
	v58 =	vsub.s32 v12, v8  }
0x28e: {  	v59 =	vor.u32 s30, v5;
	vm2 =	vgt.s32 v12, $0x27F;
	vm14 =	vlt.s32 v58, $0x280  }
0x28f: {  	v60 =	vnsel vm0, $0x7FFFFFFF, v59;
	(xrf0) =	vadd.scan.msk.s32 $0xffff, v8;
	v8 =	vxor.u32 $0x80000000, v58;
	vm15 =	vmand vm2, vm14  }
0x290: {  	(xrf0) =	vmax.scan.msk.u32 $0xffff, v60;
	s0 =	sadd.s32 $0xFFFFFFF0, s30;
	v61 =	vsel vm15, $0x1, v1;
	v8 =	vnsel vm15, $0x7FFFFFFF, v8  }
0x291: {  	v62 =	vor.u32 s0, v5;
	v12 =	vor.u32 $0x80000000, v61;
	(xrf0) =	vmax.scan.msk.u32 $0xffff, v8  }
0x292: {  	v8 =	vnsel vm15, $0x7FFFFFFF, v62;
	(xrf0) =	vmax.scan.msk.u32 $0xffff, v12  }
0x293: {  	(v2sf) =	vpush v54, $0xF;
	(xrf0) =	vmax.scan.msk.u32 $0xffff, v8  }
0x294: {  	(v2sf) =	vpush v55, $0xF  }
0x295: {  	(v2sf) =	vpush v56, $0xF;
	v8, _, _ =	vpop (xrf0)  }
0x296: {  	(v2sf) =	vpush v8, $0xF;
	v8, _, _ =	vpop (xrf0)  }
0x297: {  	(v2sf) =	vpush v8, $0xF;
	v8, _, _ =	vpop (xrf0)  }
0x298: {  	v63, _, _ =	vpop (xrf0);
	(v2sf) =	vpush v8, $0xF  }
0x299: {  	(v2sf) =	vpush v63, $0xF;
	v8, _, _ =	vpop (xrf0)  }
0x29a: {  	(v2sf) =	vpush v8, $0xF;
	_ =	sdelay $0x6  }
0x29b: {  	s17 =	smov.u32 @p0 s22  }
0x29c: {  	p0 =	sgt.u32 s24, $0x80000000;
	s0 =	sxor.u32 $0x80000000, s23;
	s31 =	spop (v2sf)  }
0x29d: {  	s18 =	smov.u32 @p0 s0;
	s0 =	sxor.u32 $0x80000000, s28;
	s23 =	spop (v2sf)  }
0x29e: {  	s21 =	sxor.u32 $0x80000000, s29;
	s17 =	smov.u32 @p0 s0;
	s24 =	spop (v2sf)  }
0x29f: {  	p0 =	sgt.u32 s25, $0x80000000;
	s19 =	sxor.u32 $0x80000000, s31;
	s26 =	spop (v2sf)  }
0x2a0: {  	s18 =	smov.u32 @p0 s21;
	s17 =	smov.u32 @p0 s19;
	s28 =	spop (v2sf)  }
0x2a1: {  	s20 =	sxor.u32 $0x80000000, s23;
	p0 =	sgt.u32 s24, $0x80000000;
	s29 =	spop (v2sf)  }
0x2a2: {  	s18 =	smov.u32 @p0 s20;
	s19 =	sxor.u32 $0x80000000, s28;
	s30 =	spop (v2sf)  }
0x2a3: {  	s20 =	simm.s32 $0x100;
	s17 =	smov.u32 @p0 s19;
	s31 =	spop (v2sf)  }
0x2a4: {  	s0 =	sxor.u32 $0x80000000, s29;
	p0 =	sgt.u32 s30, $0x80000000;
	s19 =	sxor.u32 $0x80000000, s31  }
0x2a5: {  	s18 =	smov.u32 @p0 s0;
	s17 =	smov.u32 @p0 s19;
	s19 =	simm.s32 $0x0  }
.LBB2_33:
0x2a6: {  	p0 =	seq.s32 s20, $0x1FF00;
	[tilespmem:s19+$0x10030] =	vst v1;
	s0 =	smov.u32 s20;
	s20 =	sadd.s32 $0x100, s20  }
.Ltmp16:
0x2a7: {  	[tilespmem:s19+$0x10020] =	vst v1;
	(pc) =	sbr.rel @!p0 .LBB2_33-.Ltmp16, $3  }
0x2a8: {  	[tilespmem:s19+$0x10000] =	vst v1  }
0x2a9: {  	[tilespmem:s19+$0x10010] =	vst v1;
	_ =	sdelay $0x1  }
0x2aa: {  	s19 =	sshra.s32 s0, $0x2  }
0x2ab: {  	[tilespmem:s19+$0x10030] =	vst v1  }
0x2ac: {  	[tilespmem:s19+$0x10020] =	vst v1  }
0x2ad: {  	[tilespmem:s19+$0x10000] =	vst v1  }
0x2ae: {  	[tilespmem:s19+$0x10010] =	vst v1;
	v8 =	vmov s17;
	s19 =	simm.s32 $0x0  }
.LBB2_35:
0x2af: {  	s0 =	sshra.s32 s19, $0x2  }
0x2b0: {  	v9 =	vld [tilespmem:s0+$0x8000];
	_ =	sdelay $0x4  }
0x2b1: {  	v10 =	vshra.s32 v9, $0x15  }
0x2b2: {  	v9 =	vshrl.u32 v9, $0xA;
	v10 =	vadd.s32 $0x400, v10  }
0x2b3: {  	v9 =	vand.u32 $0x7FF, v9;
	vm0 =	veq.s32 v10, v8  }
0x2b4: {  	v9 =	vor.u32 v0, v9;
	_ =	sdelay $0x4  }
0x2b5: {  	[tilespmem:v9+s13+$0x0] =	vst.idx.add.s32.msk vm0, v3  }
0x2b6: {  	v9 =	vld [tilespmem:s0+$0x8010];
	_ =	sdelay $0x4  }
0x2b7: {  	v10 =	vshra.s32 v9, $0x15  }
0x2b8: {  	v9 =	vshrl.u32 v9, $0xA;
	v10 =	vadd.s32 $0x400, v10  }
0x2b9: {  	v9 =	vand.u32 $0x7FF, v9;
	vm13 =	veq.s32 v10, v8  }
0x2ba: {  	v9 =	vor.u32 v0, v9;
	_ =	sdelay $0x4  }
0x2bb: {  	[tilespmem:v9+s13+$0x0] =	vst.idx.add.s32.msk vm13, v3  }
0x2bc: {  	v9 =	vld [tilespmem:s0+$0x8020];
	_ =	sdelay $0x4  }
0x2bd: {  	v10 =	vshra.s32 v9, $0x15  }
0x2be: {  	v9 =	vshrl.u32 v9, $0xA;
	v10 =	vadd.s32 $0x400, v10  }
0x2bf: {  	v9 =	vand.u32 $0x7FF, v9;
	vm14 =	veq.s32 v10, v8  }
0x2c0: {  	v9 =	vor.u32 v0, v9;
	_ =	sdelay $0x4  }
0x2c1: {  	[tilespmem:v9+s13+$0x0] =	vst.idx.add.s32.msk vm14, v3  }
0x2c2: {  	v9 =	vld [tilespmem:s0+$0x8030];
	_ =	sdelay $0x4  }
0x2c3: {  	v10 =	vshra.s32 v9, $0x15  }
0x2c4: {  	v9 =	vshrl.u32 v9, $0xA;
	v10 =	vadd.s32 $0x400, v10  }
0x2c5: {  	v9 =	vand.u32 $0x7FF, v9;
	vm15 =	veq.s32 v10, v8  }
0x2c6: {  	p0 =	sne.s32 s19, $0x1FF00;
	v9 =	vor.u32 v0, v9  }
.Ltmp17:
0x2c7: {  	_ = 	snop;
	(pc) =	sbr.rel @p0 .LBB2_35-.Ltmp17, $2  }
0x2c8: {  	_ =	sdelay $0x2  }
0x2c9: {  	s19 =	sadd.s32 $0x100, s19;
	[tilespmem:v9+s13+$0x0] =	vst.idx.add.s32.msk vm15, v3  }
0x2ca: {  	s0 =	simm.s32 $0x0  }
0x2cb: {  	v8 =	vld [tilespmem:s0+$0x107F0]  }
0x2cc: {  	v9 =	vld [tilespmem:s0+$0x10FF0]  }
0x2cd: {  	v10 =	vld [tilespmem:s0+$0x117F0]  }
0x2ce: {  	v11 =	vld [tilespmem:s0+$0x11FF0]  }
0x2cf: {  	v12 =	vld [tilespmem:s0+$0x127F0]  }
0x2d0: {  	v13 =	vld [tilespmem:s0+$0x12FF0]  }
0x2d1: {  	v8 =	vadd.s32 v8, v9;
	v9 =	vld [tilespmem:s0+$0x137F0]  }
0x2d2: {  	v8 =	vadd.s32 v10, v8;
	v10 =	vld [tilespmem:s0+$0x13FF0]  }
0x2d3: {  	v8 =	vadd.s32 v11, v8;
	v11 =	vld [tilespmem:s0+$0x147F0]  }
0x2d4: {  	v8 =	vadd.s32 v12, v8;
	v12 =	vld [tilespmem:s0+$0x14FF0]  }
0x2d5: {  	v8 =	vadd.s32 v13, v8;
	v13 =	vld [tilespmem:s0+$0x157F0]  }
0x2d6: {  	v8 =	vadd.s32 v9, v8;
	v9 =	vld [tilespmem:s0+$0x15FF0]  }
0x2d7: {  	v8 =	vadd.s32 v10, v8;
	v10 =	vld [tilespmem:s0+$0x167F0]  }
0x2d8: {  	v8 =	vadd.s32 v11, v8;
	v11 =	vld [tilespmem:s0+$0x16FF0]  }
0x2d9: {  	v8 =	vadd.s32 v12, v8;
	v12 =	vld [tilespmem:s0+$0x177F0]  }
0x2da: {  	s19 =	simm.s32 $0xFFFFFFF0;
	v8 =	vadd.s32 v13, v8;
	v13 =	vld [tilespmem:s0+$0x17FF0]  }
0x2db: {  	v14 =	vld [tilespmem:s19+$0x107F0];
	v8 =	vadd.s32 v9, v8  }
0x2dc: {  	v9 =	vld [tilespmem:s19+$0x10FF0];
	v8 =	vadd.s32 v10, v8  }
0x2dd: {  	v10 =	vld [tilespmem:s19+$0x117F0];
	v8 =	vadd.s32 v11, v8  }
0x2de: {  	v11 =	vld [tilespmem:s19+$0x11FF0];
	v8 =	vadd.s32 v12, v8  }
0x2df: {  	v12 =	vld [tilespmem:s19+$0x127F0];
	v13 =	vadd.s32 v13, v8  }
0x2e0: {  	v8 =	vld [tilespmem:s19+$0x12FF0];
	v15 =	vperm.xlane v13, v4  }
0x2e1: {  	v9 =	vadd.s32 v14, v9;
	v14 =	vld [tilespmem:s19+$0x137F0]  }
0x2e2: {  	v9 =	vadd.s32 v10, v9;
	v10 =	vld [tilespmem:s19+$0x13FF0];
	(xrf0) =	vadd.scan.msk.s32 $0xffff, v15  }
0x2e3: {  	v9 =	vadd.s32 v11, v9;
	v11 =	vld [tilespmem:s19+$0x147F0];
	(xrf0) =	vadd.scan.msk.s32 $0xffff, v13  }
0x2e4: {  	v9 =	vadd.s32 v12, v9;
	v12 =	vld [tilespmem:s19+$0x14FF0]  }
0x2e5: {  	v8 =	vadd.s32 v8, v9;
	v9 =	vld [tilespmem:s19+$0x157F0]  }
0x2e6: {  	v8 =	vadd.s32 v14, v8;
	v14 =	vld [tilespmem:s19+$0x15FF0]  }
0x2e7: {  	v8 =	vadd.s32 v10, v8;
	v10 =	vld [tilespmem:s19+$0x167F0]  }
0x2e8: {  	v8 =	vadd.s32 v11, v8;
	v11 =	vld [tilespmem:s19+$0x16FF0];
	v15, _, _ =	vpop (xrf0)  }
0x2e9: {  	v8 =	vadd.s32 v12, v8;
	v12 =	vld [tilespmem:s19+$0x177F0];
	v15 =	vperm.xlane v15, v4;
	v16, _, _ =	vpop (xrf0)  }
0x2ea: {  	s30 =	simm.s32 $0x0;
	s21 =	simm.s32 $0xFFFFFFE0;
	v8 =	vadd.s32 v9, v8;
	v9 =	vld [tilespmem:s19+$0x17FF0];
	(v2sf) =	vpush v16, $0xF  }
0x2eb: {  	s18 =	ssub.s32 $0x280, s18;
	v17 =	vld [tilespmem:s21+$0x10FF0];
	v14 =	vadd.s32 v14, v8;
	v15 =	vadd.s32 s30, v15  }
0x2ec: {  	v16 =	vld [tilespmem:s21+$0x107F0];
	v8 =	vmov s18;
	v10 =	vadd.s32 v10, v14;
	v13 =	vsub.s32 v15, v13  }
0x2ed: {  	s19 =	simm.s32 $0x7F0;
	v14 =	vld [tilespmem:s21+$0x117F0];
	v10 =	vadd.s32 v11, v10;
	vm1 =	vge.s32 v15, v8;
	vm0 =	vlt.s32 v13, v8  }
0x2ee: {  	v11 =	vld [tilespmem:s21+$0x11FF0];
	v10 =	vadd.s32 v12, v10;
	v12 =	vor.u32 s19, v5;
	vm0 =	vmand vm1, vm0  }
0x2ef: {  	v13 =	vld [tilespmem:s21+$0x127F0];
	v9 =	vadd.s32 v9, v10;
	v10 =	vsel vm0, $0x1, v1;
	v12 =	vnsel vm0, $0x7FFFFFFF, v12  }
0x2f0: {  	v15 =	vld [tilespmem:s21+$0x12FF0];
	v18 =	vperm.xlane v9, v4;
	v10 =	vor.u32 $0x80000000, v10;
	(xrf0) =	vmax.scan.msk.u32 $0xffff, v12  }
0x2f1: {  	v12 =	vadd.s32 v16, v17;
	v16 =	vld [tilespmem:s21+$0x137F0];
	(xrf0) =	vmax.scan.msk.u32 $0xffff, v10  }
0x2f2: {  	v10 =	vadd.s32 v14, v12;
	v12 =	vld [tilespmem:s21+$0x13FF0];
	(xrf0) =	vadd.scan.msk.s32 $0xffff, v18  }
0x2f3: {  	v10 =	vadd.s32 v11, v10;
	v11 =	vld [tilespmem:s21+$0x147F0];
	(xrf0) =	vadd.scan.msk.s32 $0xffff, v9  }
0x2f4: {  	v10 =	vadd.s32 v13, v10;
	v13 =	vld [tilespmem:s21+$0x14FF0]  }
0x2f5: {  	v14 =	vld [tilespmem:s21+$0x157F0];
	v10 =	vadd.s32 v15, v10  }
0x2f6: {  	v15 =	vld [tilespmem:s21+$0x15FF0];
	v10 =	vadd.s32 v16, v10;
	v16, _, _ =	vpop (xrf0)  }
0x2f7: {  	v12 =	vadd.s32 v12, v10;
	v10 =	vld [tilespmem:s21+$0x167F0];
	v17, _, _ =	vpop (xrf0);
	(v2sf) =	vpush v16, $0xF  }
0x2f8: {  	v11 =	vadd.s32 v11, v12;
	v12 =	vld [tilespmem:s21+$0x16FF0];
	v18, _, _ =	vpop (xrf0);
	(v2sf) =	vpush v17, $0xF  }
0x2f9: {  	v11 =	vadd.s32 v13, v11;
	v13 =	vld [tilespmem:s21+$0x177F0];
	v18 =	vperm.xlane v18, v4;
	s31 =	spop (v2sf);
	v16, _, _ =	vpop (xrf0)  }
0x2fa: {  	s20 =	simm.s32 $0xFFFFFFD0;
	v17 =	vadd.s32 v14, v11;
	v14 =	vld [tilespmem:s21+$0x17FF0];
	s21 =	sadd.s32 $0x0, s31;
	(v2sf) =	vpush v16, $0xF  }
0x2fb: {  	s22 =	simm.s32 $0xFFFFFF00;
	s18 =	simm.s32 $0xFFFFFFFF;
	v11 =	vld [tilespmem:s20+$0x107F0];
	v16 =	vadd.s32 v15, v17;
	v15 =	vadd.s32 s21, v18  }
.LBB2_37:
0x2fc: {  	p0 =	seq.s32 s22, $0xFFFFE040;
	v17 =	vld [tilespmem:s20+$0x10FF0];
	v10 =	vadd.s32 v10, v16;
	v9 =	vsub.s32 v15, v9  }
0x2fd: {  	vm1 =	vge.s32 v15, v8;
	s19 =	sadd.s32 $0xFFFFFFF0, s19;
	v16 =	vld [tilespmem:s20+$0x117F0];
	v10 =	vadd.s32 v12, v10;
	vm0 =	vlt.s32 v9, v8  }
0x2fe: {  	v12 =	vld [tilespmem:s20+$0x11FF0];
	v9 =	vadd.s32 v13, v10;
	vm0 =	vmand vm1, vm0;
	v10 =	vor.u32 s19, v5  }
0x2ff: {  	v13 =	vld [tilespmem:s20+$0x127F0];
	v9 =	vadd.s32 v14, v9;
	v14 =	vsel vm0, $0x1, v1;
	v10 =	vnsel vm0, $0x7FFFFFFF, v10  }
0x300: {  	v15 =	vld [tilespmem:s20+$0x12FF0];
	v18 =	vperm.xlane v9, v4;
	v14 =	vor.u32 $0x80000000, v14;
	(xrf0) =	vmax.scan.msk.u32 $0xffff, v10  }
0x301: {  	v10 =	vadd.s32 v11, v17;
	v11 =	vld [tilespmem:s20+$0x137F0];
	(xrf0) =	vmax.scan.msk.u32 $0xffff, v14  }
0x302: {  	v10 =	vadd.s32 v16, v10;
	v14 =	vld [tilespmem:s20+$0x13FF0];
	(xrf0) =	vadd.scan.msk.s32 $0xffff, v18  }
0x303: {  	v10 =	vadd.s32 v12, v10;
	v12 =	vld [tilespmem:s20+$0x147F0];
	(xrf0) =	vadd.scan.msk.s32 $0xffff, v9  }
0x304: {  	v10 =	vadd.s32 v13, v10;
	v13 =	vld [tilespmem:s20+$0x14FF0]  }
0x305: {  	v10 =	vadd.s32 v15, v10;
	v15 =	vld [tilespmem:s20+$0x157F0]  }
0x306: {  	v10 =	vadd.s32 v11, v10;
	v16 =	vld [tilespmem:s20+$0x15FF0];
	v11, _, _ =	vpop (xrf0);
	s0 =	spop (v2sf)  }
.Ltmp18:
0x307: {  	v19 =	vadd.s32 v14, v10;
	v10 =	vld [tilespmem:s20+$0x167F0];
	v17, _, _ =	vpop (xrf0);
	(v2sf) =	vpush v11, $0xF;
	s23 =	spop (v2sf);
	(pc) =	sbr.rel @!p0 .LBB2_37-.Ltmp18, $4  }
0x308: {  	s0 =	sxor.u32 $0x80000000, s0;
	v11 =	vadd.s32 v12, v19;
	v12 =	vld [tilespmem:s20+$0x16FF0];
	v14, _, _ =	vpop (xrf0);
	(v2sf) =	vpush v17, $0xF;
	p1 =	sgt.u32 s23, $0x80000000  }
0x309: {  	v11 =	vadd.s32 v13, v11;
	v13 =	vld [tilespmem:s20+$0x177F0];
	v17 =	vperm.xlane v14, v4;
	v18, _, _ =	vpop (xrf0);
	s23 =	spop (v2sf);
	s18 =	smov.u32 @p1 s0  }
0x30a: {  	v15 =	vadd.s32 v15, v11;
	v14 =	vld [tilespmem:s20+$0x17FF0];
	s20 =	sshra.s32 s22, $0x2;
	(v2sf) =	vpush v18, $0xF;
	s21 =	sadd.s32 s21, s23  }
0x30b: {  	s22 =	sadd.s32 $0xFFFFFFC0, s22;
	v11 =	vld [tilespmem:s20+$0x107F0];
	v16 =	vadd.s32 v16, v15;
	v15 =	vadd.s32 s21, v17  }
0x30c: {  	v17 =	vld [tilespmem:s20+$0x10FF0];
	v10 =	vadd.s32 v10, v16;
	v9 =	vsub.s32 v15, v9  }
0x30d: {  	v38 =	vld [tilespmem:s20+$0x117F0];
	vm1 =	vge.s32 v15, v8;
	s0 =	sadd.s32 $0xFFFFFFF0, s19;
	v10 =	vadd.s32 v12, v10;
	vm0 =	vlt.s32 v9, v8  }
0x30e: {  	v39 =	vld [tilespmem:s20+$0x11FF0];
	v40 =	vor.u32 s0, v5;
	v10 =	vadd.s32 v13, v10;
	vm0 =	vmand vm1, vm0  }
0x30f: {  	v41 =	vld [tilespmem:s20+$0x127F0];
	v10 =	vadd.s32 v14, v10;
	v42 =	vsel vm0, $0x1, v1;
	v12 =	vnsel vm0, $0x7FFFFFFF, v40  }
0x310: {  	v43 =	vld [tilespmem:s20+$0x12FF0];
	v18 =	vperm.xlane v10, v4;
	v14 =	vor.u32 $0x80000000, v42;
	(xrf0) =	vmax.scan.msk.u32 $0xffff, v12  }
0x311: {  	v44 =	vld [tilespmem:s20+$0x137F0];
	v11 =	vadd.s32 v11, v17;
	(xrf0) =	vmax.scan.msk.u32 $0xffff, v14  }
0x312: {  	v45 =	vld [tilespmem:s20+$0x13FF0];
	v11 =	vadd.s32 v38, v11;
	(xrf0) =	vadd.scan.msk.s32 $0xffff, v18  }
0x313: {  	v46 =	vld [tilespmem:s20+$0x147F0];
	v9 =	vadd.s32 v39, v11;
	(xrf0) =	vadd.scan.msk.s32 $0xffff, v10  }
0x314: {  	v47 =	vld [tilespmem:s20+$0x14FF0];
	v9 =	vadd.s32 v41, v9  }
0x315: {  	v48 =	vld [tilespmem:s20+$0x157F0];
	v9 =	vadd.s32 v43, v9  }
0x316: {  	v49 =	vld [tilespmem:s20+$0x15FF0];
	v9 =	vadd.s32 v44, v9;
	v50, _, _ =	vpop (xrf0)  }
0x317: {  	v51 =	vld [tilespmem:s20+$0x167F0];
	s31 =	spop (v2sf);
	v9 =	vadd.s32 v45, v9;
	v52, _, _ =	vpop (xrf0)  }
0x318: {  	v53 =	vld [tilespmem:s20+$0x16FF0];
	(v2sf) =	vpush v50, $0xF;
	s22 =	spop (v2sf);
	v9 =	vadd.s32 v46, v9;
	v54, _, _ =	vpop (xrf0)  }
0x319: {  	v55 =	vld [tilespmem:s20+$0x177F0];
	(v2sf) =	vpush v52, $0xF;
	v9 =	vadd.s32 v47, v9;
	v16 =	vperm.xlane v54, v4;
	v56, _, _ =	vpop (xrf0);
	s23 =	spop (v2sf)  }
0x31a: {  	v57 =	vld [tilespmem:s20+$0x17FF0];
	v9 =	vadd.s32 v48, v9;
	(v2sf) =	vpush v56, $0xF;
	s21 =	sadd.s32 s21, s23  }
0x31b: {  	v9 =	vadd.s32 v49, v9;
	v58 =	vadd.s32 s21, v16  }
0x31c: {  	v9 =	vadd.s32 v51, v9;
	v10 =	vsub.s32 v58, v10  }
0x31d: {  	s0 =	sadd.s32 $0xFFFFFFF0, s0;
	vm13 =	vge.s32 v58, v8;
	v9 =	vadd.s32 v53, v9;
	vm12 =	vlt.s32 v10, v8  }
0x31e: {  	v59 =	vor.u32 s0, v5;
	v9 =	vadd.s32 v55, v9;
	vm0 =	vmand vm13, vm12  }
0x31f: {  	v9 =	vadd.s32 v57, v9;
	v60 =	vsel vm0, $0x1, v1;
	v10 =	vnsel vm0, $0x7FFFFFFF, v59  }
0x320: {  	v61 =	vperm.xlane v9, v4;
	v11 =	vor.u32 $0x80000000, v60;
	(xrf0) =	vmax.scan.msk.u32 $0xffff, v10  }
0x321: {  	(xrf0) =	vmax.scan.msk.u32 $0xffff, v11  }
0x322: {  	(xrf0) =	vadd.scan.msk.s32 $0xffff, v61;
	_ =	sdelay $0x3  }
0x323: {  	v10, _, _ =	vpop (xrf0)  }
0x324: {  	s23 =	spop (v2sf);
	v11, _, _ =	vpop (xrf0)  }
0x325: {  	s25 =	spop (v2sf);
	v12, _, _ =	vpop (xrf0)  }
0x326: {  	v12 =	vperm.xlane v12, v4;
	s24 =	spop (v2sf)  }
0x327: {  	s20 =	sadd.s32 s21, s24  }
0x328: {  	v12 =	vadd.s32 s20, v12  }
0x329: {  	v62 =	vsub.s32 v12, v9  }
0x32a: {  	s0 =	sadd.s32 $0xFFFFFFF0, s0;
	vm15 =	vge.s32 v12, v8;
	vm14 =	vlt.s32 v62, v8  }
0x32b: {  	v8 =	vor.u32 s0, v5;
	vm0 =	vmand vm15, vm14  }
0x32c: {  	(xrf0) =	vadd.scan.msk.s32 $0xffff, v9;
	v63 =	vsel vm0, $0x1, v1;
	v8 =	vnsel vm0, $0x7FFFFFFF, v8  }
0x32d: {  	v9 =	vor.u32 $0x80000000, v63;
	(xrf0) =	vmax.scan.msk.u32 $0xffff, v8  }
0x32e: {  	(xrf0) =	vmax.scan.msk.u32 $0xffff, v9;
	_ =	sdelay $0x2  }
0x32f: {  	(v2sf) =	vpush v10, $0xF  }
0x330: {  	(v2sf) =	vpush v11, $0xF;
	v8, _, _ =	vpop (xrf0)  }
0x331: {  	(v2sf) =	vpush v8, $0xF;
	v8, _, _ =	vpop (xrf0)  }
0x332: {  	v9, _, _ =	vpop (xrf0);
	(v2sf) =	vpush v8, $0xF  }
0x333: {  	(v2sf) =	vpush v9, $0xF;
	_ =	sdelay $0xa  }
0x334: {  	s19 =	sxor.u32 $0x80000000, s31;
	p0 =	sgt.u32 s22, $0x80000000;
	s26 =	spop (v2sf)  }
0x335: {  	s18 =	smov.u32 @p0 s19;
	s28 =	spop (v2sf)  }
0x336: {  	s19 =	sxor.u32 $0x80000000, s23;
	p0 =	sgt.u32 s25, $0x80000000;
	s29 =	spop (v2sf)  }
0x337: {  	s18 =	smov.u32 @p0 s19;
	s30 =	spop (v2sf)  }
0x338: {  	s0 =	sxor.u32 $0x80000000, s26;
	p0 =	sgt.u32 s28, $0x80000000;
	s31 =	spop (v2sf)  }
0x339: {  	s18 =	smov.u32 @p0 s0;
	s0 =	sxor.u32 $0x80000000, s30;
	p0 =	sgt.u32 s31, $0x80000000  }
0x33a: {  	s19 =	simm.s32 $0x40;
	s20 =	simm.s32 $0x0;
	s18 =	smov.u32 @p0 s0  }
.LBB2_39:
0x33b: {  	p0 =	seq.s32 s19, $0x1000;
	[tilespmem:s20+$0x18000] =	vst v6;
	s0 =	smov.u32 s19;
	s19 =	sadd.s32 $0x40, s19  }
.Ltmp19:
0x33c: {  	[tilespmem:s20+$0x18480] =	vst v7;
	(pc) =	sbr.rel @!p0 .LBB2_39-.Ltmp19, $2  }
0x33d: {  	_ =	sdelay $0x2  }
0x33e: {  	s20 =	sshra.s32 s0, $0x2  }
0x33f: {  	[tilespmem:s20+$0x18000] =	vst v6  }
0x340: {  	[tilespmem:s20+$0x18480] =	vst v7;
	s28 =	simm.s32 $0x8020  }
0x341: {  	v9 =	vld [tilespmem:s28+$0xFFFFFFE0];
	_ =	sdelay $0x1  }
0x342: {  	s0 =	sshll.u32 s17, $0xB  }
0x343: {  	s0 =	sadd.s32 $0xFFE00000, s0  }
0x344: {  	s0 =	sor.u32 s0, s18  }
0x345: {  	p0 =	por $0x0, $0x0;
	v8 =	vmov s0;
	v10 =	vshra.s32 v9, $0xA  }
0x346: {  	s18 =	simm.s32 $0x0;
	vm0 =	vge.s32 v10, v8;
	vm1 =	vge.s32 @!p0 v10, v8;
	v10 =	vlaneseq.u32 @!p0  }
0x347: {  	v11 =	vsel vm0, $0x1, v1;
	[tilespmem:s18+$0x18000] =	vst.msk @!p0 vm1, v9;
	v9 =	vor.u32 @!p0 s18, v10  }
0x348: {  	[tilespmem:s18+$0x18480] =	vst.msk @!p0 vm1, v9;
	(xrf0) =	vadd.scan.msk.s32 $0xffff, v11  }
0x349: {  	v9 =	vld [tilespmem:s28+$0xFFFFFFF0];
	_ =	sdelay $0x4  }
0x34a: {  	v10 =	vshra.s32 v9, $0xA;
	v11, _, _ =	vpop (xrf0)  }
0x34b: {  	vm13 =	vge.s32 v10, v8;
	(v2sf) =	vpush v11, $0xF  }
0x34c: {  	v11 =	vsel vm13, $0x1, v1  }
0x34d: {  	(xrf0) =	vadd.scan.msk.s32 $0xffff, v11;
	_ =	sdelay $0x5  }
0x34e: {  	v11, _, _ =	vpop (xrf0)  }
0x34f: {  	(v2sf) =	vpush v11, $0xF;
	_ =	sdelay $0x5  }
0x350: {  	s29 =	spop (v2sf)  }
0x351: {  	s0 =	sadd.s32 $0x0, s29  }
0x352: {  	p0 =	sgt.s32 s0, $0x3FF  }
0x353: {  	s18 =	simm.s32 $0x10;
	vm0 =	vge.s32 @!p0 v10, v8;
	v10 =	vlaneseq.u32 @!p0  }
0x354: {  	[tilespmem:s0+$0x18000] =	vst.msk @!p0 vm0, v9;
	v9 =	vor.u32 @!p0 s18, v10  }
0x355: {  	[tilespmem:s0+$0x18480] =	vst.msk @!p0 vm0, v9  }
0x356: {  	v9 =	vld [tilespmem:s28+$0x0];
	_ =	sdelay $0x2  }
0x357: {  	s30 =	spop (v2sf)  }
0x358: {  	s0 =	sadd.s32 s0, s30  }
0x359: {  	v10 =	vshra.s32 v9, $0xA;
	p0 =	sgt.s32 s0, $0x3FF  }
0x35a: {  	s18 =	simm.s32 $0x20;
	vm0 =	vge.s32 @!p0 v10, v8;
	v11 =	vlaneseq.u32 @!p0;
	vm14 =	vge.s32 v10, v8  }
0x35b: {  	[tilespmem:s0+$0x18000] =	vst.msk @!p0 vm0, v9;
	v9 =	vor.u32 @!p0 s18, v11;
	v10 =	vsel vm14, $0x1, v1  }
0x35c: {  	[tilespmem:s0+$0x18480] =	vst.msk @!p0 vm0, v9;
	(xrf0) =	vadd.scan.msk.s32 $0xffff, v10  }
0x35d: {  	v9 =	vld [tilespmem:s28+$0x10];
	_ =	sdelay $0x4  }
0x35e: {  	v10 =	vshra.s32 v9, $0xA;
	v12, _, _ =	vpop (xrf0)  }
0x35f: {  	vm15 =	vge.s32 v10, v8;
	(v2sf) =	vpush v12, $0xF  }
0x360: {  	v11 =	vsel vm15, $0x1, v1  }
0x361: {  	(xrf0) =	vadd.scan.msk.s32 $0xffff, v11;
	_ =	sdelay $0x5  }
0x362: {  	v11, _, _ =	vpop (xrf0)  }
0x363: {  	(v2sf) =	vpush v11, $0xF;
	_ =	sdelay $0x5  }
0x364: {  	s31 =	spop (v2sf)  }
0x365: {  	s21 =	sadd.s32 s0, s31  }
0x366: {  	p0 =	sgt.s32 s21, $0x3FF  }
0x367: {  	s0 =	simm.s32 $0x30;
	vm0 =	vge.s32 @!p0 v10, v8;
	v10 =	vlaneseq.u32 @!p0  }
0x368: {  	[tilespmem:s21+$0x18000] =	vst.msk @!p0 vm0, v9;
	v9 =	vor.u32 @!p0 s0, v10  }
0x369: {  	s18 =	simm.s32 $0x8060;
	[tilespmem:s21+$0x18480] =	vst.msk @!p0 vm0, v9  }
0x36a: {  	v9 =	vld [tilespmem:s18+$0xFFFFFFE0];
	_ =	sdelay $0x2  }
0x36b: {  	s17 =	simm.s32 $0x40;
	s19 =	simm.s32 $0x80;
	s20 =	spop (v2sf)  }
.LBB2_41:
0x36c: {  	s0 =	sadd.s32 s21, s20;
	s20 =	smov.u32 s19;
	s19 =	sadd.s32 $0x40, s19  }
0x36d: {  	p0 =	sne.s32 s19, $0x8000;
	v10 =	vshra.s32 v9, $0xA;
	p1 =	sgt.s32 s0, $0x3FF  }
0x36e: {  	vm0 =	vge.s32 v10, v8;
	vm1 =	vge.s32 @!p1 v10, v8;
	v10 =	vlaneseq.u32 @!p1  }
0x36f: {  	v11 =	vsel vm0, $0x1, v1;
	[tilespmem:s0+$0x18000] =	vst.msk @!p1 vm1, v9;
	v9 =	vor.u32 @!p1 s17, v10  }
0x370: {  	[tilespmem:s0+$0x18480] =	vst.msk @!p1 vm1, v9;
	(xrf0) =	vadd.scan.msk.s32 $0xffff, v11  }
0x371: {  	v9 =	vld [tilespmem:s18+$0xFFFFFFF0];
	_ =	sdelay $0x4  }
0x372: {  	v10 =	vshra.s32 v9, $0xA;
	v11, _, _ =	vpop (xrf0)  }
0x373: {  	vm0 =	vge.s32 v10, v8;
	(v2sf) =	vpush v11, $0xF  }
0x374: {  	v11 =	vsel vm0, $0x1, v1  }
0x375: {  	(xrf0) =	vadd.scan.msk.s32 $0xffff, v11;
	_ =	sdelay $0x5  }
0x376: {  	v11, _, _ =	vpop (xrf0)  }
0x377: {  	(v2sf) =	vpush v11, $0xF;
	_ =	sdelay $0x5  }
0x378: {  	s21 =	spop (v2sf)  }
0x379: {  	s0 =	sadd.s32 s0, s21  }
0x37a: {  	p1 =	sgt.s32 s0, $0x3FF  }
0x37b: {  	s21 =	sadd.s32 $0x10, s17;
	vm0 =	vge.s32 @!p1 v10, v8;
	v10 =	vlaneseq.u32 @!p1  }
0x37c: {  	[tilespmem:s0+$0x18000] =	vst.msk @!p1 vm0, v9;
	v9 =	vor.u32 @!p1 s21, v10  }
0x37d: {  	[tilespmem:s0+$0x18480] =	vst.msk @!p1 vm0, v9  }
0x37e: {  	v9 =	vld [tilespmem:s18+$0x0];
	_ =	sdelay $0x2  }
0x37f: {  	s21 =	spop (v2sf)  }
0x380: {  	s0 =	sadd.s32 s0, s21  }
0x381: {  	v10 =	vshra.s32 v9, $0xA;
	p1 =	sgt.s32 s0, $0x3FF  }
0x382: {  	s21 =	sadd.s32 $0x20, s17;
	vm0 =	vge.s32 v10, v8;
	vm1 =	vge.s32 @!p1 v10, v8;
	v10 =	vlaneseq.u32 @!p1  }
0x383: {  	v11 =	vsel vm0, $0x1, v1;
	[tilespmem:s0+$0x18000] =	vst.msk @!p1 vm1, v9;
	v9 =	vor.u32 @!p1 s21, v10  }
0x384: {  	[tilespmem:s0+$0x18480] =	vst.msk @!p1 vm1, v9;
	(xrf0) =	vadd.scan.msk.s32 $0xffff, v11  }
0x385: {  	v9 =	vld [tilespmem:s18+$0x10];
	_ =	sdelay $0x4  }
0x386: {  	v10 =	vshra.s32 v9, $0xA;
	v11, _, _ =	vpop (xrf0)  }
0x387: {  	vm0 =	vge.s32 v10, v8;
	(v2sf) =	vpush v11, $0xF  }
0x388: {  	v11 =	vsel vm0, $0x1, v1  }
0x389: {  	(xrf0) =	vadd.scan.msk.s32 $0xffff, v11;
	_ =	sdelay $0x5  }
0x38a: {  	v11, _, _ =	vpop (xrf0)  }
0x38b: {  	(v2sf) =	vpush v11, $0xF;
	_ =	sdelay $0x5  }
0x38c: {  	s21 =	spop (v2sf)  }
0x38d: {  	s21 =	sadd.s32 s0, s21  }
0x38e: {  	p1 =	sgt.s32 s21, $0x3FF  }
0x38f: {  	s0 =	sadd.s32 $0x30, s17;
	s17 =	smov.u32 s20;
	vm0 =	vge.s32 @!p1 v10, v8;
	v10 =	vlaneseq.u32 @!p1  }
0x390: {  	[tilespmem:s21+$0x18000] =	vst.msk @!p1 vm0, v9;
	v9 =	vor.u32 @!p1 s0, v10  }
.Ltmp20:
0x391: {  	s18 =	sadd.s32 $0x40, s18;
	[tilespmem:s21+$0x18480] =	vst.msk @!p1 vm0, v9;
	(pc) =	sbr.rel @p0 .LBB2_41-.Ltmp20, $2  }
0x392: {  	v9 =	vld [tilespmem:s18+$0xFFFFFFE0];
	_ =	sdelay $0x2  }
0x393: {  	s20 =	spop (v2sf)  }
0x394: {  	s0 =	sadd.s32 s21, s20  }
0x395: {  	v10 =	vshra.s32 v9, $0xA;
	p0 =	sgt.s32 s0, $0x3FF  }
0x396: {  	vm0 =	vge.s32 v10, v8;
	vm1 =	vge.s32 @!p0 v10, v8;
	v10 =	vlaneseq.u32 @!p0  }
0x397: {  	v11 =	vsel vm0, $0x1, v1;
	[tilespmem:s0+$0x18000] =	vst.msk @!p0 vm1, v9;
	v9 =	vor.u32 @!p0 s17, v10  }
0x398: {  	[tilespmem:s0+$0x18480] =	vst.msk @!p0 vm1, v9;
	(xrf0) =	vadd.scan.msk.s32 $0xffff, v11  }
0x399: {  	v9 =	vld [tilespmem:s18+$0xFFFFFFF0];
	_ =	sdelay $0x4  }
0x39a: {  	v10 =	vshra.s32 v9, $0xA;
	v11, _, _ =	vpop (xrf0)  }
0x39b: {  	vm13 =	vge.s32 v10, v8;
	(v2sf) =	vpush v11, $0xF  }
0x39c: {  	v60 =	vsel vm13, $0x1, v1  }
0x39d: {  	(xrf0) =	vadd.scan.msk.s32 $0xffff, v60;
	_ =	sdelay $0x5  }
0x39e: {  	v11, _, _ =	vpop (xrf0)  }
0x39f: {  	(v2sf) =	vpush v11, $0xF;
	_ =	sdelay $0x5  }
0x3a0: {  	s19 =	spop (v2sf)  }
0x3a1: {  	s0 =	sadd.s32 s0, s19  }
0x3a2: {  	p0 =	sgt.s32 s0, $0x3FF  }
0x3a3: {  	s19 =	sadd.s32 $0x10, s17;
	vm0 =	vge.s32 @!p0 v10, v8;
	v10 =	vlaneseq.u32 @!p0  }
0x3a4: {  	[tilespmem:s0+$0x18000] =	vst.msk @!p0 vm0, v9;
	v9 =	vor.u32 @!p0 s19, v10  }
0x3a5: {  	[tilespmem:s0+$0x18480] =	vst.msk @!p0 vm0, v9  }
0x3a6: {  	v9 =	vld [tilespmem:s18+$0x0];
	_ =	sdelay $0x2  }
0x3a7: {  	s29 =	spop (v2sf)  }
0x3a8: {  	s0 =	sadd.s32 s0, s29  }
0x3a9: {  	v10 =	vshra.s32 v9, $0xA;
	p0 =	sgt.s32 s0, $0x3FF  }
0x3aa: {  	s19 =	sadd.s32 $0x20, s17;
	vm0 =	vge.s32 @!p0 v10, v8;
	v11 =	vlaneseq.u32 @!p0  }
0x3ab: {  	[tilespmem:s0+$0x18000] =	vst.msk @!p0 vm0, v9;
	v9 =	vor.u32 @!p0 s19, v11  }
0x3ac: {  	vm14 =	vge.s32 v10, v8;
	[tilespmem:s0+$0x18480] =	vst.msk @!p0 vm0, v9  }
0x3ad: {  	v10 =	vsel vm14, $0x1, v1;
	v9 =	vld [tilespmem:s18+$0x10]  }
0x3ae: {  	(xrf0) =	vadd.scan.msk.s32 $0xffff, v10;
	_ =	sdelay $0x3  }
0x3af: {  	v10 =	vshra.s32 v9, $0xA  }
0x3b0: {  	vm15 =	vge.s32 v10, v8  }
0x3b1: {  	v62, _, _ =	vpop (xrf0);
	v61 =	vsel vm15, $0x1, v1  }
0x3b2: {  	(v2sf) =	vpush v62, $0xF;
	(xrf0) =	vadd.scan.msk.s32 $0xffff, v61;
	_ =	sdelay $0x5  }
0x3b3: {  	v63, _, _ =	vpop (xrf0)  }
0x3b4: {  	(v2sf) =	vpush v63, $0xF;
	_ =	sdelay $0x7  }
0x3b5: {  	s30 =	spop (v2sf)  }
0x3b6: {  	s0 =	sadd.s32 s0, s30  }
0x3b7: {  	p0 =	sgt.s32 s0, $0x3FF  }
0x3b8: {  	s17 =	sadd.s32 $0x30, s17;
	vm0 =	vge.s32 @!p0 v10, v8;
	v8 =	vlaneseq.u32 @!p0  }
0x3b9: {  	[tilespmem:s0+$0x18000] =	vst.msk @!p0 vm0, v9;
	v8 =	vor.u32 @!p0 s17, v8  }
0x3ba: {  	[tilespmem:s0+$0x18480] =	vst.msk @!p0 vm0, v8  }
0x3bb: {  	[hbm4b:s7+s10] =	stream.strided.scatter [tilespmem:s14], [sflag:$0x1], $0x480, s11, s10, $0x38;
	[tilespmem:$0x18900] =	vst v63  }
0x3bc: {  	s31 =	spop (v2sf)  }
0x3bd: {  	_ =	swait.ge [sflag:s12], $0x480  }
0x3be: {  	s16 =	sadd.s32 $0x1, s16;
	[sflag:s12] =	ssyncset.done $0x0  }
0x3bf: {  	p0 =	sne.s32 s16, s9;
	[sflag:s12] =	ssyncadd.s32 $0xFFFFFB80  }
0x3c0: {  	[hbm4b:s8+s10] =	stream.strided.scatter [tilespmem:s15], [sflag:$0x1], $0x480, s11, s10, $0x38;
	[tilespmem:$0x18900] =	vst v63  }
.Ltmp21:
0x3c1: {  	_ = 	snop;
	(pc) =	sbr.rel @p0 .LBB2_1-.Ltmp21, $4  }
.Ltmp22:
0x3c2: {  	_ = 	snop;
	(pc) =	sbr.rel @!p0 .LBB2_43-.Ltmp22, $4  }
0x3c3: {  	_ =	swait.ge [sflag:s12], $0x480  }
0x3c4: {  	[sflag:s12] =	ssyncset.done $0x0  }
0x3c5: {  	[sflag:s12] =	ssyncadd.s32 $0xFFFFFB80  }
0x3c6: {  	_ = 	snop  }
.LBB2_6:
.Ltmp23:
0x3c7: {  	(pc) =	sbr.rel .LBB2_16-.Ltmp23, $3  }
0x3c8: {  	_ =	sdelay $0x1  }
0x3c9: {  	s25 =	simm.s32 $0x7F0;
	s23 =	simm.s32 $0xFFFFFFFF  }
0x3ca: {  	s22 =	simm.s32 $0x0;
	s24 =	simm.s32 $0x0;
	s21 =	simm.s32 $0x7F0  }
.LBB2_8:
.Ltmp24:
0x3cb: {  	(pc) =	sbr.rel .LBB2_16-.Ltmp24, $3  }
0x3cc: {  	_ =	sdelay $0x1  }
0x3cd: {  	s20 =	simm.s32 $0xFFFFFFF0;
	s25 =	simm.s32 $0x7F0;
	s23 =	simm.s32 $0xFFFFFFFF  }
0x3ce: {  	s22 =	simm.s32 $0x0;
	s24 =	simm.s32 $0x0;
	s21 =	simm.s32 $0x7F0  }
.LBB2_10:
.Ltmp25:
0x3cf: {  	(pc) =	sbr.rel .LBB2_16-.Ltmp25, $3  }
0x3d0: {  	_ =	sdelay $0x1  }
0x3d1: {  	s25 =	simm.s32 $0x7F0;
	s23 =	simm.s32 $0xFFFFFFFF  }
0x3d2: {  	s22 =	simm.s32 $0x0;
	s24 =	simm.s32 $0x0;
	s21 =	simm.s32 $0x7F0  }
.LBB2_12:
.Ltmp26:
0x3d3: {  	(pc) =	sbr.rel .LBB2_16-.Ltmp26, $3  }
0x3d4: {  	_ =	sdelay $0x1  }
0x3d5: {  	s20 =	simm.s32 $0xFFFFFFD0  }
0x3d6: {  	v17 =	vmov v9;
	v10 =	vmov v8;
	s25 =	simm.s32 $0x7E0;
	s23 =	simm.s32 $0xFFFFFFFF;
	s22 =	simm.s32 $0x0  }
.LBB2_14:
.Ltmp27:
0x3d7: {  	(pc) =	sbr.rel .LBB2_16-.Ltmp27, $2  }
0x3d8: {  	_ =	sdelay $0x2  }
0x3d9: {  	s23 =	simm.s32 $0xFFFFFFFF  }
.LBB2_43:
0x3da: {  	_ =	sfence.sel $0x180000  }
0x3db: {  	[bflag:$0x0] =	sbarrier.arrive $0xFFFF  }
0x3dc: {  	_ =	strace $0x90000047  }
0x3dd: {  	[bflag:$0x2] =	sbarrier.arrive $0xFFFF  }
0x3de: {  	p0 =	sne.s32 s1, $0x0;
	s0 =	rddreg [dreg:$0x2]  }
0x3df: {  	s0 =	sadd.s32 @!p0 $0x100000, s0  }
0x3e0: {  	[sflag:s0] =	ssyncadd.tile.s32 @!p0 $0x1;
	_ =	shalt  }
.Lfunc_end2:
_tile_overlayer_lowered:
.L_overlay_start_2:
0x3e1: {  	(tag) =	ssettag $0x2  }
0x3e2: {  	s0 =	rddreg [dreg:$0x0];
	s2 =	stileid.u32  }
0x3e3: {  	s1 =	rddreg [dreg:$0x1];
	p0 =	sne.s32 s2, $0x0  }
0x3e4: {  	s3 =	rddreg [dreg:$0x2];
	[bflag:$0x3] =	sbarrier.arrive $0xFFFF;
	s2 =	simm.s32 @!p0 $0x1C01  }
0x3e5: {  	[timem:s3], [sflag:s2] =	dma.local @!p0 [hbm:s0], s1  }
0x3e6: {  	s0 =	simm.s32 @!p0 $0x1  }
0x3e7: {  	_ =	swait.ge @!p0 [sflag:s0], s1  }
0x3e8: {  	s1 =	ssub.s32 @!p0 $0x0, s1;
	[sflag:s0] =	ssyncset.done @!p0 $0x0  }
0x3e9: {  	[sflag:s0] =	ssyncadd.s32 @!p0 s1  }
0x3ea: {  	[bflag:$0x3] =	sbarrier.arrive $0xFFFF  }
0x3eb: {  	_ =	shalt  }

</sc_bundles>
